<compile_context>
chip_gen: v7x
topology: tpu7x:2x2x1
jax: 0.10.2.dev20260603
libtpu: 0.0.44.dev20260713+nightly
codegen_flags: <defaults>
</compile_context>

<pallas_src>
import functools
import math

import jax
import jax.numpy as jnp
from jax import lax
from jax.experimental import pallas as pl
from jax.experimental.pallas import tpu as pltpu
from jax.experimental.pallas import tpu_sc as plsc

N = 10000
E = 320000
D = 128

NC = 2
NS = 16
NW = NC * NS
EPW = E // NW
H = 2
EPWH = EPW // H
GC = 40
NGC = EPWH // GC
SCK = 40
NSC = EPWH // SCK
NB = 2000
NNB = N // NB

_mesh = plsc.VectorSubcoreMesh(core_axis_name="c", subcore_axis_name="s")
_f32 = jnp.float32
_sc_params = pltpu.CompilerParams(needs_layout_passes=False)


_NBUF = 5


@functools.partial(
    pl.kernel,
    out_type=(
        jax.ShapeDtypeStruct((NW, EPWH, D), _f32),
        jax.ShapeDtypeStruct((NW, EPWH, D), _f32),
    ),
    mesh=_mesh,
    scratch_types=[
        pltpu.VMEM((NGC, GC), jnp.int32),
        [pltpu.VMEM((GC, D), _f32)] * _NBUF,
        [pltpu.SemaphoreType.DMA] * _NBUF,
        [pltpu.SemaphoreType.DMA] * _NBUF,
    ],
)
def _gather_rows(node_hbm, src3_hbm, dst3_hbm, sr_hbm, dr_hbm,
                 idx_v, bufs, gsems, wsems):
    cid = lax.axis_index("c")
    sid = lax.axis_index("s")
    wid = sid * NC + cid

    def run(idx3_hbm, out_hbm):
        pltpu.sync_copy(idx3_hbm.at[wid], idx_v)

        def gath(j, b):
            return pltpu.make_async_copy(
                node_hbm.at[idx_v.at[j]], bufs[b], gsems[b])

        def wrb(j, b):
            return pltpu.make_async_copy(
                bufs[b], out_hbm.at[wid, pl.ds(j * GC, GC)], wsems[b])

        for b in range(_NBUF):
            gath(b, b).start()

        def body(t, carry):
            j0 = _NBUF * t
            for b in range(_NBUF):
                gath(j0 + b, b).wait()
                wrb(j0 + b, b).start()
            for b in range(_NBUF):
                wrb(j0 + b, b).wait()

                @pl.when(j0 + b + _NBUF < NGC)
                def _():
                    gath(j0 + b + _NBUF, b).start()

            return carry

        lax.fori_loop(0, NGC // _NBUF, body, 0)

    run(src3_hbm, sr_hbm)
    run(dst3_hbm, dr_hbm)


def _edge_body(sr, dr, er, ws3, wd2, w1e, b1, w2t, b2, *rest):
    e_ref, ev_ref, t_ref = rest[-3:]
    s = sr[0]
    d = dr[0]
    ed = er[0, 0]
    s3 = jnp.dot(s, ws3[...], preferred_element_type=_f32)
    d2 = jnp.dot(d, wd2[...], preferred_element_type=_f32)
    k = s3[:, :D] + ed
    v = s3[:, D:2 * D] + ed
    q = d2[:, :D]
    ones_s = jnp.full((D, D), 1.0 / math.sqrt(D), _f32)
    e2d = jnp.exp(jnp.dot(q * k, ones_s, preferred_element_type=_f32))
    e_ref[0, 0, :] = e2d[:, 0]
    ev_ref[0] = v * e2d
    h = s3[:, 2 * D:] + jnp.dot(ed, w1e[...], preferred_element_type=_f32)
    h = jnp.maximum(h + d2[:, D:] + b1[...], 0.0)
    t_ref[0, 0] = jnp.dot(h, w2t[...], preferred_element_type=_f32) + b2[...]


def _edge_pass(h, srb, drb, er4, ws3, wd2, w1e, b1, w2t, b2, trip_in):
    eb3 = pl.BlockSpec((1, EPWH, D), lambda w: (w, 0, 0))
    eb4 = pl.BlockSpec((1, 1, EPWH, D), lambda w: (w, h, 0, 0))
    b_spec = pl.BlockSpec((1, D), lambda w: (0, 0))
    in_specs = [eb3, eb3, eb4,
                pl.BlockSpec((D, 3 * D), lambda w: (0, 0)),
                pl.BlockSpec((D, 2 * D), lambda w: (0, 0)),
                pl.BlockSpec((D, D), lambda w: (0, 0)),
                b_spec,
                pl.BlockSpec((D, D), lambda w: (0, 0)),
                b_spec]
    inputs = [srb, drb, er4, ws3, wd2, w1e, b1, w2t, b2]
    kwargs = {}
    if trip_in is not None:
        in_specs.append(pl.BlockSpec(memory_space=pl.ANY))
        inputs.append(trip_in)
        kwargs["input_output_aliases"] = {9: 2}
    return pl.pallas_call(
        _edge_body,
        grid=(NW,),
        in_specs=in_specs,
        out_specs=[
            pl.BlockSpec((1, 1, EPWH), lambda w: (w, 0, 0)),
            eb3,
            eb4,
        ],
        out_shape=[
            jax.ShapeDtypeStruct((NW, 1, EPWH), _f32),
            jax.ShapeDtypeStruct((NW, EPWH, D), _f32),
            jax.ShapeDtypeStruct((NW, H, EPWH, D), _f32),
        ],
        **kwargs,
    )(*inputs)


@functools.partial(
    pl.kernel,
    out_type=(
        jax.ShapeDtypeStruct((NC, N), _f32),
        jax.ShapeDtypeStruct((NC, N, D), _f32),
    ),
    mesh=_mesh,
    scratch_types=[
        pltpu.VMEM((NSC, SCK), jnp.int32),
        pltpu.VMEM((NSC, SCK), _f32),
        pltpu.VMEM((SCK, D), _f32),
        pltpu.VMEM((SCK, D), _f32),
        pltpu.VMEM_SHARED((N,), _f32),
        pltpu.VMEM_SHARED((N, D), _f32),
        pltpu.SemaphoreType.DMA,
        pltpu.SemaphoreType.DMA,
    ],
    compiler_params=_sc_params,
)
def _seg_scatter(d3_hbm, e3_hbm, ev_hbm, dprev_hbm, aprev_hbm,
                 dpart_hbm, agg_hbm,
                 dbuf, ebuf, buf_a, buf_b, den_sh, agg_sh, sem_a, sem_b):
    cid = lax.axis_index("c")
    sid = lax.axis_index("s")
    wid = sid * NC + cid

    @pl.when(sid == 0)
    def _():
        pltpu.sync_copy(dprev_hbm.at[cid], den_sh)
        pltpu.sync_copy(aprev_hbm.at[cid], agg_sh)

    pltpu.sync_copy(d3_hbm.at[wid], dbuf)
    pltpu.sync_copy(e3_hbm.at[wid], ebuf)
    plsc.subcore_barrier()

    def load(j, buf, sem):
        return pltpu.make_async_copy(
            ev_hbm.at[wid, pl.ds(j * SCK, SCK)], buf, sem)

    load(0, buf_a, sem_a).start()
    load(1, buf_b, sem_b).start()

    def step(j, buf, sem):
        load(j, buf, sem).wait()
        pltpu.sync_copy(buf, agg_sh.at[dbuf.at[j]], add=True)
        pltpu.sync_copy(ebuf.at[j], den_sh.at[dbuf.at[j]], add=True)

        @pl.when(j + 2 < NSC)
        def _():
            load(j + 2, buf, sem).start()

    def body(t, carry):
        j0 = 2 * t
        step(j0, buf_a, sem_a)
        step(j0 + 1, buf_b, sem_b)
        return carry

    lax.fori_loop(0, NSC // 2, body, 0)
    load(NSC - 1, buf_a, sem_a).wait()
    pltpu.sync_copy(buf_a, agg_sh.at[dbuf.at[NSC - 1]], add=True)
    pltpu.sync_copy(ebuf.at[NSC - 1], den_sh.at[dbuf.at[NSC - 1]], add=True)

    plsc.subcore_barrier()

    @pl.when(sid == 0)
    def _():
        pltpu.sync_copy(den_sh, dpart_hbm.at[cid])
        pltpu.sync_copy(agg_sh, agg_hbm.at[cid])


def _final_body(node, aggp, dp, wot, lns, lnb, out):
    den = dp[0, 0, 0, :] + dp[1, 0, 0, :]
    rden = 1.0 / jnp.maximum(den, 1e-30)
    agg = (aggp[0] + aggp[1]) * rden[:, None]
    pre = node[...] + jnp.dot(agg, wot[...], preferred_element_type=_f32)
    mu = jnp.mean(pre, axis=1, keepdims=True)
    ctr = pre - mu
    var = jnp.mean(ctr * ctr, axis=1, keepdims=True)
    out[...] = ctr * lax.rsqrt(var + 1e-5) * lns[...] + lnb[...]


def _final_pass(node_reps, aggp, dp, wot, lns, lnb):
    return pl.pallas_call(
        _final_body,
        grid=(NNB,),
        in_specs=[
            pl.BlockSpec((NB, D), lambda i: (i, 0)),
            pl.BlockSpec((NC, NB, D), lambda i: (0, i, 0)),
            pl.BlockSpec((NC, 1, 1, NB), lambda i: (0, i, 0, 0)),
            pl.BlockSpec((D, D), lambda i: (0, 0)),
            pl.BlockSpec((1, D), lambda i: (0, 0)),
            pl.BlockSpec((1, D), lambda i: (0, 0)),
        ],
        out_specs=pl.BlockSpec((NB, D), lambda i: (i, 0)),
        out_shape=jax.ShapeDtypeStruct((N, D), _f32),
    )(node_reps, aggp, dp, wot, lns, lnb)


def kernel(node_reps, edge_reps, adjacency_list, Wq, Wk, Wv, Wo,
           ln_scale, ln_bias, W1, b1, W2, b2):
    src = adjacency_list[0]
    dst = adjacency_list[1]
    src4 = src.reshape(NW, H, NGC, GC)
    dst4 = dst.reshape(NW, H, NGC, GC)
    er4 = edge_reps.reshape(NW, H, EPWH, D)

    w1t = W1.T
    ws3 = jnp.concatenate([Wk.T, Wv.T, w1t[:D]], axis=1)
    wd2 = jnp.concatenate([Wq.T, w1t[2 * D:]], axis=1)
    w1e = w1t[D:2 * D]
    b1r = b1.reshape(1, D)
    w2t = W2.T
    b2r = b2.reshape(1, D)

    trip = None
    dpart = jnp.zeros((NC, N), _f32)
    aggp = jnp.zeros((NC, N, D), _f32)
    for h in range(H):
        srb, drb = _gather_rows(node_reps, src4[:, h], dst4[:, h])
        e3, ev3, trip = _edge_pass(h, srb, drb, er4, ws3, wd2, w1e,
                                   b1r, w2t, b2r, trip)
        d3 = dst4[:, h]
        dpart, aggp = _seg_scatter(d3, e3.reshape(NW, NSC, SCK), ev3,
                                   dpart, aggp)

    dp = dpart.reshape(NC, NNB, 1, NB)
    updated = _final_pass(node_reps, aggp, dp, Wo.T,
                          ln_scale.reshape(1, D), ln_bias.reshape(1, D))
    return (updated, trip.reshape(E, D))

# --- scband reference (transcript-rebuilt; emitter-appended) ---
"""Pipeline reference for scband-kgadapter-layer-29506425323958 (READ-ONLY COPY).

The authoritative reference and input builder live on the scoring server;
editing this copy changes nothing except your own understanding.
"""

import jax, jax.numpy as jnp
import numpy as np

N_NODES = 10000
N_EDGES = 320000
D = 128

def setup_inputs(seed: int = 0) -> dict:
    key = jax.random.key(seed)
    ks = jax.random.split(key, 10)
    node_reps = jax.random.normal(ks[0], (N_NODES, D), dtype=jnp.float32)
    edge_reps = jax.random.normal(ks[1], (N_EDGES, D), dtype=jnp.float32)
    adjacency_list = jax.random.randint(ks[2], (2, N_EDGES), 0, N_NODES, dtype=jnp.int32)
    Wq = jax.random.normal(ks[3], (D, D), dtype=jnp.float32) * 0.05
    Wk = jax.random.normal(ks[4], (D, D), dtype=jnp.float32) * 0.05
    Wv = jax.random.normal(ks[5], (D, D), dtype=jnp.float32) * 0.05
    Wo = jax.random.normal(ks[6], (D, D), dtype=jnp.float32) * 0.05
    ln_scale = jnp.ones((D,), dtype=jnp.float32)
    ln_bias = jnp.zeros((D,), dtype=jnp.float32)
    W1 = jax.random.normal(ks[7], (D, 3 * D), dtype=jnp.float32) * 0.05
    b1 = jnp.zeros((D,), dtype=jnp.float32)
    W2 = jax.random.normal(ks[8], (D, D), dtype=jnp.float32) * 0.05
    b2 = jnp.zeros((D,), dtype=jnp.float32)
    return {"node_reps": node_reps, "edge_reps": edge_reps, "adjacency_list": adjacency_list,
            "Wq": Wq, "Wk": Wk, "Wv": Wv, "Wo": Wo,
            "ln_scale": ln_scale, "ln_bias": ln_bias,
            "W1": W1, "b1": b1, "W2": W2, "b2": b2}

def reference(node_reps, edge_reps, adjacency_list, Wq, Wk, Wv, Wo, ln_scale, ln_bias, W1, b1, W2, b2):
    src = adjacency_list[0]
    dst = adjacency_list[1]
    N, d = node_reps.shape
    # per-node query: Wq(node_reps[i])
    q = node_reps @ Wq.T
    # per-edge key: Wk(neighbor_node) + edge_rep
    k = jnp.take(node_reps, src, axis=0) @ Wk.T + edge_reps
    scores = jnp.sum(jnp.take(q, dst, axis=0) * k, axis=-1) / jnp.sqrt(jnp.float32(d))
    # softmax over each dst node's neighbors (segment softmax)
    m = jax.ops.segment_max(scores, dst, num_segments=N)
    m = jnp.where(jnp.isfinite(m), m, 0.0)
    e = jnp.exp(scores - jnp.take(m, dst, axis=0))
    denom = jax.ops.segment_sum(e, dst, num_segments=N)
    alpha = e / jnp.take(denom, dst, axis=0)
    # per-edge value: Wv(neighbor_node) + edge_rep
    v = jnp.take(node_reps, src, axis=0) @ Wv.T + edge_reps
    agg = jax.ops.segment_sum(alpha[:, None] * v, dst, num_segments=N)
    pre = node_reps + agg @ Wo.T
    mu = jnp.mean(pre, axis=-1, keepdims=True)
    var = jnp.var(pre, axis=-1, keepdims=True)
    updated_node_reps = (pre - mu) / jnp.sqrt(var + 1e-5) * ln_scale + ln_bias
    # triple reps: MLP_trip(cat([h_i, h_edge, h_j]))
    h_trip = jnp.concatenate([jnp.take(node_reps, src, axis=0), edge_reps, jnp.take(node_reps, dst, axis=0)], axis=-1)
    triple_reps = jax.nn.relu(h_trip @ W1.T + b1) @ W2.T + b2
    return (updated_node_reps, triple_reps)

if __name__ == "__main__":
    import jax
    _d = setup_inputs()
    print(jax.jit(kernel)(*tuple(_d.values())))

</pallas_src>

<mosaic_0001>
#map = affine_map<(d0, d1) -> (0, 0)>
#map1 = affine_map<(d0, d1) -> (0, 0, 0)>
module attributes {stable_mosaic.version = 14 : i64} {
  func.func @_gather_rows(%arg0: i32, %arg1: i32, %arg2: memref<10000x128xf32, #tpu.memory_space<hbm>>, %arg3: memref<32x125x40xi32, #tpu.memory_space<hbm>>, %arg4: memref<32x125x40xi32, #tpu.memory_space<hbm>>, %arg5: memref<32x5000x128xf32, #tpu.memory_space<hbm>>, %arg6: memref<32x5000x128xf32, #tpu.memory_space<hbm>>, %arg7: memref<125x40xi32, #tpu.memory_space<vmem>>, %arg8: memref<40x128xf32, #tpu.memory_space<vmem>>, %arg9: memref<40x128xf32, #tpu.memory_space<vmem>>, %arg10: memref<40x128xf32, #tpu.memory_space<vmem>>, %arg11: memref<40x128xf32, #tpu.memory_space<vmem>>, %arg12: memref<40x128xf32, #tpu.memory_space<vmem>>, %arg13: memref<!tpu.dma_semaphore, #tpu.memory_space<semaphore_mem>>, %arg14: memref<!tpu.dma_semaphore, #tpu.memory_space<semaphore_mem>>, %arg15: memref<!tpu.dma_semaphore, #tpu.memory_space<semaphore_mem>>, %arg16: memref<!tpu.dma_semaphore, #tpu.memory_space<semaphore_mem>>, %arg17: memref<!tpu.dma_semaphore, #tpu.memory_space<semaphore_mem>>, %arg18: memref<!tpu.dma_semaphore, #tpu.memory_space<semaphore_mem>>, %arg19: memref<!tpu.dma_semaphore, #tpu.memory_space<semaphore_mem>>, %arg20: memref<!tpu.dma_semaphore, #tpu.memory_space<semaphore_mem>>, %arg21: memref<!tpu.dma_semaphore, #tpu.memory_space<semaphore_mem>>, %arg22: memref<!tpu.dma_semaphore, #tpu.memory_space<semaphore_mem>>) attributes {dimension_semantics = [#tpu.dimension_semantics<core_parallel>, #tpu.dimension_semantics<subcore_parallel>], iteration_bounds = array<i64: 2, 16>, scalar_prefetch = 0 : i64, scratch_operands = 16 : i64, tpu.core_type = #tpu.core_type<sc_vector_subcore>, window_params = [{transform_indices = #map}, {transform_indices = #map1}, {transform_indices = #map1}, {transform_indices = #map1}, {transform_indices = #map1}]} {
    %mul3A = arith.constant 2 : i32
    %mul3A_0 = arith.muli %arg1, %mul3A : i32
    %add3A = arith.addi %mul3A_0, %arg0 : i32
    "tpu.region"() ({
      %run_scoped3A = tpu.sem_alloc : memref<!tpu.dma_semaphore, #tpu.memory_space<semaphore_mem>>
      %dma_start3A_81 = arith.constant 0 : i32
      %dma_start3A_82 = arith.constant 0 : i32
      %dma_start3A_83 = tpu.memref_slice %arg3[%add3A, %dma_start3A_81, %dma_start3A_82] : memref<32x125x40xi32, #tpu.memory_space<hbm>> -> memref<1x125x40xi32, #tpu.memory_space<hbm>>
      %dma_start3A_84 = tpu.memref_squeeze %dma_start3A_83 : memref<1x125x40xi32, #tpu.memory_space<hbm>> -> memref<125x40xi32, #tpu.memory_space<hbm>>
      %dma_start3A_85 = arith.constant 0 : i32
      %dma_start3A_86 = arith.constant 0 : i32
      %dma_start3A_87 = tpu.memref_slice %arg3[%add3A, %dma_start3A_85, %dma_start3A_86] : memref<32x125x40xi32, #tpu.memory_space<hbm>> -> memref<1x125x40xi32, #tpu.memory_space<hbm>>
      %dma_start3A_88 = tpu.memref_squeeze %dma_start3A_87 : memref<1x125x40xi32, #tpu.memory_space<hbm>> -> memref<125x40xi32, #tpu.memory_space<hbm>>
      tpu.enqueue_dma source(%dma_start3A_88 : memref<125x40xi32, #tpu.memory_space<hbm>>) target(%arg7 : memref<125x40xi32, #tpu.memory_space<vmem>>) target_semaphore(%run_scoped3A : memref<!tpu.dma_semaphore, #tpu.memory_space<semaphore_mem>>)
      %dma_wait3A = arith.constant 0 : i32
      %dma_wait3A_89 = arith.constant 0 : i32
      %dma_wait3A_90 = tpu.memref_slice %arg3[%add3A, %dma_wait3A, %dma_wait3A_89] : memref<32x125x40xi32, #tpu.memory_space<hbm>> -> memref<1x125x40xi32, #tpu.memory_space<hbm>>
      %dma_wait3A_91 = tpu.memref_squeeze %dma_wait3A_90 : memref<1x125x40xi32, #tpu.memory_space<hbm>> -> memref<125x40xi32, #tpu.memory_space<hbm>>
      %dma_wait3A_92 = arith.constant 0 : i32
      %dma_wait3A_93 = arith.constant 0 : i32
      %dma_wait3A_94 = tpu.memref_slice %arg3[%add3A, %dma_wait3A_92, %dma_wait3A_93] : memref<32x125x40xi32, #tpu.memory_space<hbm>> -> memref<1x125x40xi32, #tpu.memory_space<hbm>>
      %dma_wait3A_95 = tpu.memref_squeeze %dma_wait3A_94 : memref<1x125x40xi32, #tpu.memory_space<hbm>> -> memref<125x40xi32, #tpu.memory_space<hbm>>
      tpu.wait_dma2 semaphore(%run_scoped3A : memref<!tpu.dma_semaphore, #tpu.memory_space<semaphore_mem>>) src(%dma_wait3A_95 : memref<125x40xi32, #tpu.memory_space<hbm>>) dst(%arg7 : memref<125x40xi32, #tpu.memory_space<vmem>>)
      tpu.yield
    }) : () -> ()
    %dma_start3A = arith.constant 0 : i32
    %dma_start3A_1 = arith.constant 0 : i32
    %dma_start3A_2 = tpu.memref_slice %arg7[%dma_start3A, %dma_start3A_1] : memref<125x40xi32, #tpu.memory_space<vmem>> -> memref<1x40xi32, #tpu.memory_space<vmem>>
    %dma_start3A_3 = tpu.memref_squeeze %dma_start3A_2 : memref<1x40xi32, #tpu.memory_space<vmem>> -> memref<40xi32, #tpu.memory_space<vmem>>
    %dma_start3A_4 = arith.constant 0 : i32
    %dma_start3A_5 = arith.constant 0 : i32
    %dma_start3A_6 = tpu.memref_slice %arg2[%dma_start3A_4, %dma_start3A_5] : memref<10000x128xf32, #tpu.memory_space<hbm>> -> memref<10000x128xf32, #tpu.memory_space<hbm>>
    tpu.enqueue_indirect_dma source(%dma_start3A_6 : memref<10000x128xf32, #tpu.memory_space<hbm>>) target(%arg8 : memref<40x128xf32, #tpu.memory_space<vmem>>) offsets(%dma_start3A_3 : memref<40xi32, #tpu.memory_space<vmem>>) semaphore(%arg13 : memref<!tpu.dma_semaphore, #tpu.memory_space<semaphore_mem>>)
    %dma_start3A_7 = arith.constant 1 : i32
    %dma_start3A_8 = arith.constant 0 : i32
    %dma_start3A_9 = tpu.memref_slice %arg7[%dma_start3A_7, %dma_start3A_8] : memref<125x40xi32, #tpu.memory_space<vmem>> -> memref<1x40xi32, #tpu.memory_space<vmem>>
    %dma_start3A_10 = tpu.memref_squeeze %dma_start3A_9 : memref<1x40xi32, #tpu.memory_space<vmem>> -> memref<40xi32, #tpu.memory_space<vmem>>
    %dma_start3A_11 = arith.constant 0 : i32
    %dma_start3A_12 = arith.constant 0 : i32
    %dma_start3A_13 = tpu.memref_slice %arg2[%dma_start3A_11, %dma_start3A_12] : memref<10000x128xf32, #tpu.memory_space<hbm>> -> memref<10000x128xf32, #tpu.memory_space<hbm>>
    tpu.enqueue_indirect_dma source(%dma_start3A_13 : memref<10000x128xf32, #tpu.memory_space<hbm>>) target(%arg9 : memref<40x128xf32, #tpu.memory_space<vmem>>) offsets(%dma_start3A_10 : memref<40xi32, #tpu.memory_space<vmem>>) semaphore(%arg14 : memref<!tpu.dma_semaphore, #tpu.memory_space<semaphore_mem>>)
    %dma_start3A_14 = arith.constant 2 : i32
    %dma_start3A_15 = arith.constant 0 : i32
    %dma_start3A_16 = tpu.memref_slice %arg7[%dma_start3A_14, %dma_start3A_15] : memref<125x40xi32, #tpu.memory_space<vmem>> -> memref<1x40xi32, #tpu.memory_space<vmem>>
    %dma_start3A_17 = tpu.memref_squeeze %dma_start3A_16 : memref<1x40xi32, #tpu.memory_space<vmem>> -> memref<40xi32, #tpu.memory_space<vmem>>
    %dma_start3A_18 = arith.constant 0 : i32
    %dma_start3A_19 = arith.constant 0 : i32
    %dma_start3A_20 = tpu.memref_slice %arg2[%dma_start3A_18, %dma_start3A_19] : memref<10000x128xf32, #tpu.memory_space<hbm>> -> memref<10000x128xf32, #tpu.memory_space<hbm>>
    tpu.enqueue_indirect_dma source(%dma_start3A_20 : memref<10000x128xf32, #tpu.memory_space<hbm>>) target(%arg10 : memref<40x128xf32, #tpu.memory_space<vmem>>) offsets(%dma_start3A_17 : memref<40xi32, #tpu.memory_space<vmem>>) semaphore(%arg15 : memref<!tpu.dma_semaphore, #tpu.memory_space<semaphore_mem>>)
    %dma_start3A_21 = arith.constant 3 : i32
    %dma_start3A_22 = arith.constant 0 : i32
    %dma_start3A_23 = tpu.memref_slice %arg7[%dma_start3A_21, %dma_start3A_22] : memref<125x40xi32, #tpu.memory_space<vmem>> -> memref<1x40xi32, #tpu.memory_space<vmem>>
    %dma_start3A_24 = tpu.memref_squeeze %dma_start3A_23 : memref<1x40xi32, #tpu.memory_space<vmem>> -> memref<40xi32, #tpu.memory_space<vmem>>
    %dma_start3A_25 = arith.constant 0 : i32
    %dma_start3A_26 = arith.constant 0 : i32
    %dma_start3A_27 = tpu.memref_slice %arg2[%dma_start3A_25, %dma_start3A_26] : memref<10000x128xf32, #tpu.memory_space<hbm>> -> memref<10000x128xf32, #tpu.memory_space<hbm>>
    tpu.enqueue_indirect_dma source(%dma_start3A_27 : memref<10000x128xf32, #tpu.memory_space<hbm>>) target(%arg11 : memref<40x128xf32, #tpu.memory_space<vmem>>) offsets(%dma_start3A_24 : memref<40xi32, #tpu.memory_space<vmem>>) semaphore(%arg16 : memref<!tpu.dma_semaphore, #tpu.memory_space<semaphore_mem>>)
    %dma_start3A_28 = arith.constant 4 : i32
    %dma_start3A_29 = arith.constant 0 : i32
    %dma_start3A_30 = tpu.memref_slice %arg7[%dma_start3A_28, %dma_start3A_29] : memref<125x40xi32, #tpu.memory_space<vmem>> -> memref<1x40xi32, #tpu.memory_space<vmem>>
    %dma_start3A_31 = tpu.memref_squeeze %dma_start3A_30 : memref<1x40xi32, #tpu.memory_space<vmem>> -> memref<40xi32, #tpu.memory_space<vmem>>
    %dma_start3A_32 = arith.constant 0 : i32
    %dma_start3A_33 = arith.constant 0 : i32
    %dma_start3A_34 = tpu.memref_slice %arg2[%dma_start3A_32, %dma_start3A_33] : memref<10000x128xf32, #tpu.memory_space<hbm>> -> memref<10000x128xf32, #tpu.memory_space<hbm>>
    tpu.enqueue_indirect_dma source(%dma_start3A_34 : memref<10000x128xf32, #tpu.memory_space<hbm>>) target(%arg12 : memref<40x128xf32, #tpu.memory_space<vmem>>) offsets(%dma_start3A_31 : memref<40xi32, #tpu.memory_space<vmem>>) semaphore(%arg17 : memref<!tpu.dma_semaphore, #tpu.memory_space<semaphore_mem>>)
    %scan3A = arith.constant 0 : i32
    %scan3A_35 = arith.constant 0 : i32
    %scan3A_36 = arith.constant 25 : i32
    %scan3A_37 = arith.addi %scan3A_35, %scan3A_36 : i32
    %scan3A_38 = arith.constant 1 : i32
    scf.for %scan3A_81 = %scan3A_35 to %scan3A_37 step %scan3A_38  : i32 {
      %mul3A_82 = arith.constant 5 : i32
      %mul3A_83 = arith.muli %mul3A_82, %scan3A_81 : i32
      %add3A_84 = arith.constant 0 : i32
      %add3A_85 = arith.addi %mul3A_83, %add3A_84 : i32
      %dma_wait3A = arith.constant 0 : i32
      %dma_wait3A_86 = tpu.memref_slice %arg7[%add3A_85, %dma_wait3A] : memref<125x40xi32, #tpu.memory_space<vmem>> -> memref<1x40xi32, #tpu.memory_space<vmem>>
      %dma_wait3A_87 = tpu.memref_squeeze %dma_wait3A_86 : memref<1x40xi32, #tpu.memory_space<vmem>> -> memref<40xi32, #tpu.memory_space<vmem>>
      %dma_wait3A_88 = arith.constant 0 : i32
      %dma_wait3A_89 = arith.constant 0 : i32
      %dma_wait3A_90 = tpu.memref_slice %arg2[%dma_wait3A_88, %dma_wait3A_89] : memref<10000x128xf32, #tpu.memory_space<hbm>> -> memref<10000x128xf32, #tpu.memory_space<hbm>>
      tpu.wait_indirect_dma semaphore(%arg13 : memref<!tpu.dma_semaphore, #tpu.memory_space<semaphore_mem>>) src(%dma_wait3A_90 : memref<10000x128xf32, #tpu.memory_space<hbm>>) dst(%arg8 : memref<40x128xf32, #tpu.memory_space<vmem>>)
      %add3A_91 = arith.constant 0 : i32
      %add3A_92 = arith.addi %mul3A_83, %add3A_91 : i32
      %mul3A_93 = arith.constant 40 : i32
      %mul3A_94 = arith.muli %add3A_92, %mul3A_93 : i32
      %dma_start3A_95 = arith.constant 0 : i32
      %dma_start3A_96 = tpu.memref_slice %arg5[%add3A, %mul3A_94, %dma_start3A_95] : memref<32x5000x128xf32, #tpu.memory_space<hbm>> -> memref<1x40x128xf32, #tpu.memory_space<hbm>>
      %dma_start3A_97 = tpu.memref_squeeze %dma_start3A_96 : memref<1x40x128xf32, #tpu.memory_space<hbm>> -> memref<40x128xf32, #tpu.memory_space<hbm>>
      %dma_start3A_98 = arith.constant 0 : i32
      %dma_start3A_99 = tpu.memref_slice %arg5[%add3A, %mul3A_94, %dma_start3A_98] : memref<32x5000x128xf32, #tpu.memory_space<hbm>> -> memref<1x40x128xf32, #tpu.memory_space<hbm>>
      %dma_start3A_100 = tpu.memref_squeeze %dma_start3A_99 : memref<1x40x128xf32, #tpu.memory_space<hbm>> -> memref<40x128xf32, #tpu.memory_space<hbm>>
      tpu.enqueue_dma source(%arg8 : memref<40x128xf32, #tpu.memory_space<vmem>>) target(%dma_start3A_100 : memref<40x128xf32, #tpu.memory_space<hbm>>) target_semaphore(%arg18 : memref<!tpu.dma_semaphore, #tpu.memory_space<semaphore_mem>>)
      %add3A_101 = arith.constant 1 : i32
      %add3A_102 = arith.addi %mul3A_83, %add3A_101 : i32
      %dma_wait3A_103 = arith.constant 0 : i32
      %dma_wait3A_104 = tpu.memref_slice %arg7[%add3A_102, %dma_wait3A_103] : memref<125x40xi32, #tpu.memory_space<vmem>> -> memref<1x40xi32, #tpu.memory_space<vmem>>
      %dma_wait3A_105 = tpu.memref_squeeze %dma_wait3A_104 : memref<1x40xi32, #tpu.memory_space<vmem>> -> memref<40xi32, #tpu.memory_space<vmem>>
      %dma_wait3A_106 = arith.constant 0 : i32
      %dma_wait3A_107 = arith.constant 0 : i32
      %dma_wait3A_108 = tpu.memref_slice %arg2[%dma_wait3A_106, %dma_wait3A_107] : memref<10000x128xf32, #tpu.memory_space<hbm>> -> memref<10000x128xf32, #tpu.memory_space<hbm>>
      tpu.wait_indirect_dma semaphore(%arg14 : memref<!tpu.dma_semaphore, #tpu.memory_space<semaphore_mem>>) src(%dma_wait3A_108 : memref<10000x128xf32, #tpu.memory_space<hbm>>) dst(%arg9 : memref<40x128xf32, #tpu.memory_space<vmem>>)
      %add3A_109 = arith.constant 1 : i32
      %add3A_110 = arith.addi %mul3A_83, %add3A_109 : i32
      %mul3A_111 = arith.constant 40 : i32
      %mul3A_112 = arith.muli %add3A_110, %mul3A_111 : i32
      %dma_start3A_113 = arith.constant 0 : i32
      %dma_start3A_114 = tpu.memref_slice %arg5[%add3A, %mul3A_112, %dma_start3A_113] : memref<32x5000x128xf32, #tpu.memory_space<hbm>> -> memref<1x40x128xf32, #tpu.memory_space<hbm>>
      %dma_start3A_115 = tpu.memref_squeeze %dma_start3A_114 : memref<1x40x128xf32, #tpu.memory_space<hbm>> -> memref<40x128xf32, #tpu.memory_space<hbm>>
      %dma_start3A_116 = arith.constant 0 : i32
      %dma_start3A_117 = tpu.memref_slice %arg5[%add3A, %mul3A_112, %dma_start3A_116] : memref<32x5000x128xf32, #tpu.memory_space<hbm>> -> memref<1x40x128xf32, #tpu.memory_space<hbm>>
      %dma_start3A_118 = tpu.memref_squeeze %dma_start3A_117 : memref<1x40x128xf32, #tpu.memory_space<hbm>> -> memref<40x128xf32, #tpu.memory_space<hbm>>
      tpu.enqueue_dma source(%arg9 : memref<40x128xf32, #tpu.memory_space<vmem>>) target(%dma_start3A_118 : memref<40x128xf32, #tpu.memory_space<hbm>>) target_semaphore(%arg19 : memref<!tpu.dma_semaphore, #tpu.memory_space<semaphore_mem>>)
      %add3A_119 = arith.constant 2 : i32
      %add3A_120 = arith.addi %mul3A_83, %add3A_119 : i32
      %dma_wait3A_121 = arith.constant 0 : i32
      %dma_wait3A_122 = tpu.memref_slice %arg7[%add3A_120, %dma_wait3A_121] : memref<125x40xi32, #tpu.memory_space<vmem>> -> memref<1x40xi32, #tpu.memory_space<vmem>>
      %dma_wait3A_123 = tpu.memref_squeeze %dma_wait3A_122 : memref<1x40xi32, #tpu.memory_space<vmem>> -> memref<40xi32, #tpu.memory_space<vmem>>
      %dma_wait3A_124 = arith.constant 0 : i32
      %dma_wait3A_125 = arith.constant 0 : i32
      %dma_wait3A_126 = tpu.memref_slice %arg2[%dma_wait3A_124, %dma_wait3A_125] : memref<10000x128xf32, #tpu.memory_space<hbm>> -> memref<10000x128xf32, #tpu.memory_space<hbm>>
      tpu.wait_indirect_dma semaphore(%arg15 : memref<!tpu.dma_semaphore, #tpu.memory_space<semaphore_mem>>) src(%dma_wait3A_126 : memref<10000x128xf32, #tpu.memory_space<hbm>>) dst(%arg10 : memref<40x128xf32, #tpu.memory_space<vmem>>)
      %add3A_127 = arith.constant 2 : i32
      %add3A_128 = arith.addi %mul3A_83, %add3A_127 : i32
      %mul3A_129 = arith.constant 40 : i32
      %mul3A_130 = arith.muli %add3A_128, %mul3A_129 : i32
      %dma_start3A_131 = arith.constant 0 : i32
      %dma_start3A_132 = tpu.memref_slice %arg5[%add3A, %mul3A_130, %dma_start3A_131] : memref<32x5000x128xf32, #tpu.memory_space<hbm>> -> memref<1x40x128xf32, #tpu.memory_space<hbm>>
      %dma_start3A_133 = tpu.memref_squeeze %dma_start3A_132 : memref<1x40x128xf32, #tpu.memory_space<hbm>> -> memref<40x128xf32, #tpu.memory_space<hbm>>
      %dma_start3A_134 = arith.constant 0 : i32
      %dma_start3A_135 = tpu.memref_slice %arg5[%add3A, %mul3A_130, %dma_start3A_134] : memref<32x5000x128xf32, #tpu.memory_space<hbm>> -> memref<1x40x128xf32, #tpu.memory_space<hbm>>
      %dma_start3A_136 = tpu.memref_squeeze %dma_start3A_135 : memref<1x40x128xf32, #tpu.memory_space<hbm>> -> memref<40x128xf32, #tpu.memory_space<hbm>>
      tpu.enqueue_dma source(%arg10 : memref<40x128xf32, #tpu.memory_space<vmem>>) target(%dma_start3A_136 : memref<40x128xf32, #tpu.memory_space<hbm>>) target_semaphore(%arg20 : memref<!tpu.dma_semaphore, #tpu.memory_space<semaphore_mem>>)
      %add3A_137 = arith.constant 3 : i32
      %add3A_138 = arith.addi %mul3A_83, %add3A_137 : i32
      %dma_wait3A_139 = arith.constant 0 : i32
      %dma_wait3A_140 = tpu.memref_slice %arg7[%add3A_138, %dma_wait3A_139] : memref<125x40xi32, #tpu.memory_space<vmem>> -> memref<1x40xi32, #tpu.memory_space<vmem>>
      %dma_wait3A_141 = tpu.memref_squeeze %dma_wait3A_140 : memref<1x40xi32, #tpu.memory_space<vmem>> -> memref<40xi32, #tpu.memory_space<vmem>>
      %dma_wait3A_142 = arith.constant 0 : i32
      %dma_wait3A_143 = arith.constant 0 : i32
      %dma_wait3A_144 = tpu.memref_slice %arg2[%dma_wait3A_142, %dma_wait3A_143] : memref<10000x128xf32, #tpu.memory_space<hbm>> -> memref<10000x128xf32, #tpu.memory_space<hbm>>
      tpu.wait_indirect_dma semaphore(%arg16 : memref<!tpu.dma_semaphore, #tpu.memory_space<semaphore_mem>>) src(%dma_wait3A_144 : memref<10000x128xf32, #tpu.memory_space<hbm>>) dst(%arg11 : memref<40x128xf32, #tpu.memory_space<vmem>>)
      %add3A_145 = arith.constant 3 : i32
      %add3A_146 = arith.addi %mul3A_83, %add3A_145 : i32
      %mul3A_147 = arith.constant 40 : i32
      %mul3A_148 = arith.muli %add3A_146, %mul3A_147 : i32
      %dma_start3A_149 = arith.constant 0 : i32
      %dma_start3A_150 = tpu.memref_slice %arg5[%add3A, %mul3A_148, %dma_start3A_149] : memref<32x5000x128xf32, #tpu.memory_space<hbm>> -> memref<1x40x128xf32, #tpu.memory_space<hbm>>
      %dma_start3A_151 = tpu.memref_squeeze %dma_start3A_150 : memref<1x40x128xf32, #tpu.memory_space<hbm>> -> memref<40x128xf32, #tpu.memory_space<hbm>>
      %dma_start3A_152 = arith.constant 0 : i32
      %dma_start3A_153 = tpu.memref_slice %arg5[%add3A, %mul3A_148, %dma_start3A_152] : memref<32x5000x128xf32, #tpu.memory_space<hbm>> -> memref<1x40x128xf32, #tpu.memory_space<hbm>>
      %dma_start3A_154 = tpu.memref_squeeze %dma_start3A_153 : memref<1x40x128xf32, #tpu.memory_space<hbm>> -> memref<40x128xf32, #tpu.memory_space<hbm>>
      tpu.enqueue_dma source(%arg11 : memref<40x128xf32, #tpu.memory_space<vmem>>) target(%dma_start3A_154 : memref<40x128xf32, #tpu.memory_space<hbm>>) target_semaphore(%arg21 : memref<!tpu.dma_semaphore, #tpu.memory_space<semaphore_mem>>)
      %add3A_155 = arith.constant 4 : i32
      %add3A_156 = arith.addi %mul3A_83, %add3A_155 : i32
      %dma_wait3A_157 = arith.constant 0 : i32
      %dma_wait3A_158 = tpu.memref_slice %arg7[%add3A_156, %dma_wait3A_157] : memref<125x40xi32, #tpu.memory_space<vmem>> -> memref<1x40xi32, #tpu.memory_space<vmem>>
      %dma_wait3A_159 = tpu.memref_squeeze %dma_wait3A_158 : memref<1x40xi32, #tpu.memory_space<vmem>> -> memref<40xi32, #tpu.memory_space<vmem>>
      %dma_wait3A_160 = arith.constant 0 : i32
      %dma_wait3A_161 = arith.constant 0 : i32
      %dma_wait3A_162 = tpu.memref_slice %arg2[%dma_wait3A_160, %dma_wait3A_161] : memref<10000x128xf32, #tpu.memory_space<hbm>> -> memref<10000x128xf32, #tpu.memory_space<hbm>>
      tpu.wait_indirect_dma semaphore(%arg17 : memref<!tpu.dma_semaphore, #tpu.memory_space<semaphore_mem>>) src(%dma_wait3A_162 : memref<10000x128xf32, #tpu.memory_space<hbm>>) dst(%arg12 : memref<40x128xf32, #tpu.memory_space<vmem>>)
      %add3A_163 = arith.constant 4 : i32
      %add3A_164 = arith.addi %mul3A_83, %add3A_163 : i32
      %mul3A_165 = arith.constant 40 : i32
      %mul3A_166 = arith.muli %add3A_164, %mul3A_165 : i32
      %dma_start3A_167 = arith.constant 0 : i32
      %dma_start3A_168 = tpu.memref_slice %arg5[%add3A, %mul3A_166, %dma_start3A_167] : memref<32x5000x128xf32, #tpu.memory_space<hbm>> -> memref<1x40x128xf32, #tpu.memory_space<hbm>>
      %dma_start3A_169 = tpu.memref_squeeze %dma_start3A_168 : memref<1x40x128xf32, #tpu.memory_space<hbm>> -> memref<40x128xf32, #tpu.memory_space<hbm>>
      %dma_start3A_170 = arith.constant 0 : i32
      %dma_start3A_171 = tpu.memref_slice %arg5[%add3A, %mul3A_166, %dma_start3A_170] : memref<32x5000x128xf32, #tpu.memory_space<hbm>> -> memref<1x40x128xf32, #tpu.memory_space<hbm>>
      %dma_start3A_172 = tpu.memref_squeeze %dma_start3A_171 : memref<1x40x128xf32, #tpu.memory_space<hbm>> -> memref<40x128xf32, #tpu.memory_space<hbm>>
      tpu.enqueue_dma source(%arg12 : memref<40x128xf32, #tpu.memory_space<vmem>>) target(%dma_start3A_172 : memref<40x128xf32, #tpu.memory_space<hbm>>) target_semaphore(%arg22 : memref<!tpu.dma_semaphore, #tpu.memory_space<semaphore_mem>>)
      %add3A_173 = arith.constant 0 : i32
      %add3A_174 = arith.addi %mul3A_83, %add3A_173 : i32
      %mul3A_175 = arith.constant 40 : i32
      %mul3A_176 = arith.muli %add3A_174, %mul3A_175 : i32
      %dma_wait3A_177 = arith.constant 0 : i32
      %dma_wait3A_178 = tpu.memref_slice %arg5[%add3A, %mul3A_176, %dma_wait3A_177] : memref<32x5000x128xf32, #tpu.memory_space<hbm>> -> memref<1x40x128xf32, #tpu.memory_space<hbm>>
      %dma_wait3A_179 = tpu.memref_squeeze %dma_wait3A_178 : memref<1x40x128xf32, #tpu.memory_space<hbm>> -> memref<40x128xf32, #tpu.memory_space<hbm>>
      %dma_wait3A_180 = arith.constant 0 : i32
      %dma_wait3A_181 = tpu.memref_slice %arg5[%add3A, %mul3A_176, %dma_wait3A_180] : memref<32x5000x128xf32, #tpu.memory_space<hbm>> -> memref<1x40x128xf32, #tpu.memory_space<hbm>>
      %dma_wait3A_182 = tpu.memref_squeeze %dma_wait3A_181 : memref<1x40x128xf32, #tpu.memory_space<hbm>> -> memref<40x128xf32, #tpu.memory_space<hbm>>
      tpu.wait_dma2 semaphore(%arg18 : memref<!tpu.dma_semaphore, #tpu.memory_space<semaphore_mem>>) src(%arg8 : memref<40x128xf32, #tpu.memory_space<vmem>>) dst(%dma_wait3A_182 : memref<40x128xf32, #tpu.memory_space<hbm>>)
      %add3A_183 = arith.constant 0 : i32
      %add3A_184 = arith.addi %mul3A_83, %add3A_183 : i32
      %add3A_185 = arith.constant 5 : i32
      %add3A_186 = arith.addi %add3A_184, %add3A_185 : i32
      %lt3A = arith.constant 125 : i32
      %lt3A_187 = arith.cmpi slt, %add3A_186, %lt3A : i32
      %convert_element_type3A = arith.extui %lt3A_187 : i1 to i32
      %cond3A = arith.constant 0 : i32
      %cond3A_188 = arith.cmpi ne, %convert_element_type3A, %cond3A : i32
      scf.if %cond3A_188 {
        %add3A_265 = arith.constant 0 : i32
        %add3A_266 = arith.addi %mul3A_83, %add3A_265 : i32
        %add3A_267 = arith.constant 5 : i32
        %add3A_268 = arith.addi %add3A_266, %add3A_267 : i32
        %dma_start3A_269 = arith.constant 0 : i32
        %dma_start3A_270 = tpu.memref_slice %arg7[%add3A_268, %dma_start3A_269] : memref<125x40xi32, #tpu.memory_space<vmem>> -> memref<1x40xi32, #tpu.memory_space<vmem>>
        %dma_start3A_271 = tpu.memref_squeeze %dma_start3A_270 : memref<1x40xi32, #tpu.memory_space<vmem>> -> memref<40xi32, #tpu.memory_space<vmem>>
        %dma_start3A_272 = arith.constant 0 : i32
        %dma_start3A_273 = arith.constant 0 : i32
        %dma_start3A_274 = tpu.memref_slice %arg2[%dma_start3A_272, %dma_start3A_273] : memref<10000x128xf32, #tpu.memory_space<hbm>> -> memref<10000x128xf32, #tpu.memory_space<hbm>>
        tpu.enqueue_indirect_dma source(%dma_start3A_274 : memref<10000x128xf32, #tpu.memory_space<hbm>>) target(%arg8 : memref<40x128xf32, #tpu.memory_space<vmem>>) offsets(%dma_start3A_271 : memref<40xi32, #tpu.memory_space<vmem>>) semaphore(%arg13 : memref<!tpu.dma_semaphore, #tpu.memory_space<semaphore_mem>>)
      } else {
      }
      %add3A_189 = arith.constant 1 : i32
      %add3A_190 = arith.addi %mul3A_83, %add3A_189 : i32
      %mul3A_191 = arith.constant 40 : i32
      %mul3A_192 = arith.muli %add3A_190, %mul3A_191 : i32
      %dma_wait3A_193 = arith.constant 0 : i32
      %dma_wait3A_194 = tpu.memref_slice %arg5[%add3A, %mul3A_192, %dma_wait3A_193] : memref<32x5000x128xf32, #tpu.memory_space<hbm>> -> memref<1x40x128xf32, #tpu.memory_space<hbm>>
      %dma_wait3A_195 = tpu.memref_squeeze %dma_wait3A_194 : memref<1x40x128xf32, #tpu.memory_space<hbm>> -> memref<40x128xf32, #tpu.memory_space<hbm>>
      %dma_wait3A_196 = arith.constant 0 : i32
      %dma_wait3A_197 = tpu.memref_slice %arg5[%add3A, %mul3A_192, %dma_wait3A_196] : memref<32x5000x128xf32, #tpu.memory_space<hbm>> -> memref<1x40x128xf32, #tpu.memory_space<hbm>>
      %dma_wait3A_198 = tpu.memref_squeeze %dma_wait3A_197 : memref<1x40x128xf32, #tpu.memory_space<hbm>> -> memref<40x128xf32, #tpu.memory_space<hbm>>
      tpu.wait_dma2 semaphore(%arg19 : memref<!tpu.dma_semaphore, #tpu.memory_space<semaphore_mem>>) src(%arg9 : memref<40x128xf32, #tpu.memory_space<vmem>>) dst(%dma_wait3A_198 : memref<40x128xf32, #tpu.memory_space<hbm>>)
      %add3A_199 = arith.constant 1 : i32
      %add3A_200 = arith.addi %mul3A_83, %add3A_199 : i32
      %add3A_201 = arith.constant 5 : i32
      %add3A_202 = arith.addi %add3A_200, %add3A_201 : i32
      %lt3A_203 = arith.constant 125 : i32
      %lt3A_204 = arith.cmpi slt, %add3A_202, %lt3A_203 : i32
      %convert_element_type3A_205 = arith.extui %lt3A_204 : i1 to i32
      %cond3A_206 = arith.constant 0 : i32
      %cond3A_207 = arith.cmpi ne, %convert_element_type3A_205, %cond3A_206 : i32
      scf.if %cond3A_207 {
        %add3A_265 = arith.constant 1 : i32
        %add3A_266 = arith.addi %mul3A_83, %add3A_265 : i32
        %add3A_267 = arith.constant 5 : i32
        %add3A_268 = arith.addi %add3A_266, %add3A_267 : i32
        %dma_start3A_269 = arith.constant 0 : i32
        %dma_start3A_270 = tpu.memref_slice %arg7[%add3A_268, %dma_start3A_269] : memref<125x40xi32, #tpu.memory_space<vmem>> -> memref<1x40xi32, #tpu.memory_space<vmem>>
        %dma_start3A_271 = tpu.memref_squeeze %dma_start3A_270 : memref<1x40xi32, #tpu.memory_space<vmem>> -> memref<40xi32, #tpu.memory_space<vmem>>
        %dma_start3A_272 = arith.constant 0 : i32
        %dma_start3A_273 = arith.constant 0 : i32
        %dma_start3A_274 = tpu.memref_slice %arg2[%dma_start3A_272, %dma_start3A_273] : memref<10000x128xf32, #tpu.memory_space<hbm>> -> memref<10000x128xf32, #tpu.memory_space<hbm>>
        tpu.enqueue_indirect_dma source(%dma_start3A_274 : memref<10000x128xf32, #tpu.memory_space<hbm>>) target(%arg9 : memref<40x128xf32, #tpu.memory_space<vmem>>) offsets(%dma_start3A_271 : memref<40xi32, #tpu.memory_space<vmem>>) semaphore(%arg14 : memref<!tpu.dma_semaphore, #tpu.memory_space<semaphore_mem>>)
      } else {
      }
      %add3A_208 = arith.constant 2 : i32
      %add3A_209 = arith.addi %mul3A_83, %add3A_208 : i32
      %mul3A_210 = arith.constant 40 : i32
      %mul3A_211 = arith.muli %add3A_209, %mul3A_210 : i32
      %dma_wait3A_212 = arith.constant 0 : i32
      %dma_wait3A_213 = tpu.memref_slice %arg5[%add3A, %mul3A_211, %dma_wait3A_212] : memref<32x5000x128xf32, #tpu.memory_space<hbm>> -> memref<1x40x128xf32, #tpu.memory_space<hbm>>
      %dma_wait3A_214 = tpu.memref_squeeze %dma_wait3A_213 : memref<1x40x128xf32, #tpu.memory_space<hbm>> -> memref<40x128xf32, #tpu.memory_space<hbm>>
      %dma_wait3A_215 = arith.constant 0 : i32
      %dma_wait3A_216 = tpu.memref_slice %arg5[%add3A, %mul3A_211, %dma_wait3A_215] : memref<32x5000x128xf32, #tpu.memory_space<hbm>> -> memref<1x40x128xf32, #tpu.memory_space<hbm>>
      %dma_wait3A_217 = tpu.memref_squeeze %dma_wait3A_216 : memref<1x40x128xf32, #tpu.memory_space<hbm>> -> memref<40x128xf32, #tpu.memory_space<hbm>>
      tpu.wait_dma2 semaphore(%arg20 : memref<!tpu.dma_semaphore, #tpu.memory_space<semaphore_mem>>) src(%arg10 : memref<40x128xf32, #tpu.memory_space<vmem>>) dst(%dma_wait3A_217 : memref<40x128xf32, #tpu.memory_space<hbm>>)
      %add3A_218 = arith.constant 2 : i32
      %add3A_219 = arith.addi %mul3A_83, %add3A_218 : i32
      %add3A_220 = arith.constant 5 : i32
      %add3A_221 = arith.addi %add3A_219, %add3A_220 : i32
      %lt3A_222 = arith.constant 125 : i32
      %lt3A_223 = arith.cmpi slt, %add3A_221, %lt3A_222 : i32
      %convert_element_type3A_224 = arith.extui %lt3A_223 : i1 to i32
      %cond3A_225 = arith.constant 0 : i32
      %cond3A_226 = arith.cmpi ne, %convert_element_type3A_224, %cond3A_225 : i32
      scf.if %cond3A_226 {
        %add3A_265 = arith.constant 2 : i32
        %add3A_266 = arith.addi %mul3A_83, %add3A_265 : i32
        %add3A_267 = arith.constant 5 : i32
        %add3A_268 = arith.addi %add3A_266, %add3A_267 : i32
        %dma_start3A_269 = arith.constant 0 : i32
        %dma_start3A_270 = tpu.memref_slice %arg7[%add3A_268, %dma_start3A_269] : memref<125x40xi32, #tpu.memory_space<vmem>> -> memref<1x40xi32, #tpu.memory_space<vmem>>
        %dma_start3A_271 = tpu.memref_squeeze %dma_start3A_270 : memref<1x40xi32, #tpu.memory_space<vmem>> -> memref<40xi32, #tpu.memory_space<vmem>>
        %dma_start3A_272 = arith.constant 0 : i32
        %dma_start3A_273 = arith.constant 0 : i32
        %dma_start3A_274 = tpu.memref_slice %arg2[%dma_start3A_272, %dma_start3A_273] : memref<10000x128xf32, #tpu.memory_space<hbm>> -> memref<10000x128xf32, #tpu.memory_space<hbm>>
        tpu.enqueue_indirect_dma source(%dma_start3A_274 : memref<10000x128xf32, #tpu.memory_space<hbm>>) target(%arg10 : memref<40x128xf32, #tpu.memory_space<vmem>>) offsets(%dma_start3A_271 : memref<40xi32, #tpu.memory_space<vmem>>) semaphore(%arg15 : memref<!tpu.dma_semaphore, #tpu.memory_space<semaphore_mem>>)
      } else {
      }
      %add3A_227 = arith.constant 3 : i32
      %add3A_228 = arith.addi %mul3A_83, %add3A_227 : i32
      %mul3A_229 = arith.constant 40 : i32
      %mul3A_230 = arith.muli %add3A_228, %mul3A_229 : i32
      %dma_wait3A_231 = arith.constant 0 : i32
      %dma_wait3A_232 = tpu.memref_slice %arg5[%add3A, %mul3A_230, %dma_wait3A_231] : memref<32x5000x128xf32, #tpu.memory_space<hbm>> -> memref<1x40x128xf32, #tpu.memory_space<hbm>>
      %dma_wait3A_233 = tpu.memref_squeeze %dma_wait3A_232 : memref<1x40x128xf32, #tpu.memory_space<hbm>> -> memref<40x128xf32, #tpu.memory_space<hbm>>
      %dma_wait3A_234 = arith.constant 0 : i32
      %dma_wait3A_235 = tpu.memref_slice %arg5[%add3A, %mul3A_230, %dma_wait3A_234] : memref<32x5000x128xf32, #tpu.memory_space<hbm>> -> memref<1x40x128xf32, #tpu.memory_space<hbm>>
      %dma_wait3A_236 = tpu.memref_squeeze %dma_wait3A_235 : memref<1x40x128xf32, #tpu.memory_space<hbm>> -> memref<40x128xf32, #tpu.memory_space<hbm>>
      tpu.wait_dma2 semaphore(%arg21 : memref<!tpu.dma_semaphore, #tpu.memory_space<semaphore_mem>>) src(%arg11 : memref<40x128xf32, #tpu.memory_space<vmem>>) dst(%dma_wait3A_236 : memref<40x128xf32, #tpu.memory_space<hbm>>)
      %add3A_237 = arith.constant 3 : i32
      %add3A_238 = arith.addi %mul3A_83, %add3A_237 : i32
      %add3A_239 = arith.constant 5 : i32
      %add3A_240 = arith.addi %add3A_238, %add3A_239 : i32
      %lt3A_241 = arith.constant 125 : i32
      %lt3A_242 = arith.cmpi slt, %add3A_240, %lt3A_241 : i32
      %convert_element_type3A_243 = arith.extui %lt3A_242 : i1 to i32
      %cond3A_244 = arith.constant 0 : i32
      %cond3A_245 = arith.cmpi ne, %convert_element_type3A_243, %cond3A_244 : i32
      scf.if %cond3A_245 {
        %add3A_265 = arith.constant 3 : i32
        %add3A_266 = arith.addi %mul3A_83, %add3A_265 : i32
        %add3A_267 = arith.constant 5 : i32
        %add3A_268 = arith.addi %add3A_266, %add3A_267 : i32
        %dma_start3A_269 = arith.constant 0 : i32
        %dma_start3A_270 = tpu.memref_slice %arg7[%add3A_268, %dma_start3A_269] : memref<125x40xi32, #tpu.memory_space<vmem>> -> memref<1x40xi32, #tpu.memory_space<vmem>>
        %dma_start3A_271 = tpu.memref_squeeze %dma_start3A_270 : memref<1x40xi32, #tpu.memory_space<vmem>> -> memref<40xi32, #tpu.memory_space<vmem>>
        %dma_start3A_272 = arith.constant 0 : i32
        %dma_start3A_273 = arith.constant 0 : i32
        %dma_start3A_274 = tpu.memref_slice %arg2[%dma_start3A_272, %dma_start3A_273] : memref<10000x128xf32, #tpu.memory_space<hbm>> -> memref<10000x128xf32, #tpu.memory_space<hbm>>
        tpu.enqueue_indirect_dma source(%dma_start3A_274 : memref<10000x128xf32, #tpu.memory_space<hbm>>) target(%arg11 : memref<40x128xf32, #tpu.memory_space<vmem>>) offsets(%dma_start3A_271 : memref<40xi32, #tpu.memory_space<vmem>>) semaphore(%arg16 : memref<!tpu.dma_semaphore, #tpu.memory_space<semaphore_mem>>)
      } else {
      }
      %add3A_246 = arith.constant 4 : i32
      %add3A_247 = arith.addi %mul3A_83, %add3A_246 : i32
      %mul3A_248 = arith.constant 40 : i32
      %mul3A_249 = arith.muli %add3A_247, %mul3A_248 : i32
      %dma_wait3A_250 = arith.constant 0 : i32
      %dma_wait3A_251 = tpu.memref_slice %arg5[%add3A, %mul3A_249, %dma_wait3A_250] : memref<32x5000x128xf32, #tpu.memory_space<hbm>> -> memref<1x40x128xf32, #tpu.memory_space<hbm>>
      %dma_wait3A_252 = tpu.memref_squeeze %dma_wait3A_251 : memref<1x40x128xf32, #tpu.memory_space<hbm>> -> memref<40x128xf32, #tpu.memory_space<hbm>>
      %dma_wait3A_253 = arith.constant 0 : i32
      %dma_wait3A_254 = tpu.memref_slice %arg5[%add3A, %mul3A_249, %dma_wait3A_253] : memref<32x5000x128xf32, #tpu.memory_space<hbm>> -> memref<1x40x128xf32, #tpu.memory_space<hbm>>
      %dma_wait3A_255 = tpu.memref_squeeze %dma_wait3A_254 : memref<1x40x128xf32, #tpu.memory_space<hbm>> -> memref<40x128xf32, #tpu.memory_space<hbm>>
      tpu.wait_dma2 semaphore(%arg22 : memref<!tpu.dma_semaphore, #tpu.memory_space<semaphore_mem>>) src(%arg12 : memref<40x128xf32, #tpu.memory_space<vmem>>) dst(%dma_wait3A_255 : memref<40x128xf32, #tpu.memory_space<hbm>>)
      %add3A_256 = arith.constant 4 : i32
      %add3A_257 = arith.addi %mul3A_83, %add3A_256 : i32
      %add3A_258 = arith.constant 5 : i32
      %add3A_259 = arith.addi %add3A_257, %add3A_258 : i32
      %lt3A_260 = arith.constant 125 : i32
      %lt3A_261 = arith.cmpi slt, %add3A_259, %lt3A_260 : i32
      %convert_element_type3A_262 = arith.extui %lt3A_261 : i1 to i32
      %cond3A_263 = arith.constant 0 : i32
      %cond3A_264 = arith.cmpi ne, %convert_element_type3A_262, %cond3A_263 : i32
      scf.if %cond3A_264 {
        %add3A_265 = arith.constant 4 : i32
        %add3A_266 = arith.addi %mul3A_83, %add3A_265 : i32
        %add3A_267 = arith.constant 5 : i32
        %add3A_268 = arith.addi %add3A_266, %add3A_267 : i32
        %dma_start3A_269 = arith.constant 0 : i32
        %dma_start3A_270 = tpu.memref_slice %arg7[%add3A_268, %dma_start3A_269] : memref<125x40xi32, #tpu.memory_space<vmem>> -> memref<1x40xi32, #tpu.memory_space<vmem>>
        %dma_start3A_271 = tpu.memref_squeeze %dma_start3A_270 : memref<1x40xi32, #tpu.memory_space<vmem>> -> memref<40xi32, #tpu.memory_space<vmem>>
        %dma_start3A_272 = arith.constant 0 : i32
        %dma_start3A_273 = arith.constant 0 : i32
        %dma_start3A_274 = tpu.memref_slice %arg2[%dma_start3A_272, %dma_start3A_273] : memref<10000x128xf32, #tpu.memory_space<hbm>> -> memref<10000x128xf32, #tpu.memory_space<hbm>>
        tpu.enqueue_indirect_dma source(%dma_start3A_274 : memref<10000x128xf32, #tpu.memory_space<hbm>>) target(%arg12 : memref<40x128xf32, #tpu.memory_space<vmem>>) offsets(%dma_start3A_271 : memref<40xi32, #tpu.memory_space<vmem>>) semaphore(%arg17 : memref<!tpu.dma_semaphore, #tpu.memory_space<semaphore_mem>>)
      } else {
      }
    }
    %scan3A_39 = arith.constant 25 : i32
    "tpu.region"() ({
      %run_scoped3A = tpu.sem_alloc : memref<!tpu.dma_semaphore, #tpu.memory_space<semaphore_mem>>
      %dma_start3A_81 = arith.constant 0 : i32
      %dma_start3A_82 = arith.constant 0 : i32
      %dma_start3A_83 = tpu.memref_slice %arg4[%add3A, %dma_start3A_81, %dma_start3A_82] : memref<32x125x40xi32, #tpu.memory_space<hbm>> -> memref<1x125x40xi32, #tpu.memory_space<hbm>>
      %dma_start3A_84 = tpu.memref_squeeze %dma_start3A_83 : memref<1x125x40xi32, #tpu.memory_space<hbm>> -> memref<125x40xi32, #tpu.memory_space<hbm>>
      %dma_start3A_85 = arith.constant 0 : i32
      %dma_start3A_86 = arith.constant 0 : i32
      %dma_start3A_87 = tpu.memref_slice %arg4[%add3A, %dma_start3A_85, %dma_start3A_86] : memref<32x125x40xi32, #tpu.memory_space<hbm>> -> memref<1x125x40xi32, #tpu.memory_space<hbm>>
      %dma_start3A_88 = tpu.memref_squeeze %dma_start3A_87 : memref<1x125x40xi32, #tpu.memory_space<hbm>> -> memref<125x40xi32, #tpu.memory_space<hbm>>
      tpu.enqueue_dma source(%dma_start3A_88 : memref<125x40xi32, #tpu.memory_space<hbm>>) target(%arg7 : memref<125x40xi32, #tpu.memory_space<vmem>>) target_semaphore(%run_scoped3A : memref<!tpu.dma_semaphore, #tpu.memory_space<semaphore_mem>>)
      %dma_wait3A = arith.constant 0 : i32
      %dma_wait3A_89 = arith.constant 0 : i32
      %dma_wait3A_90 = tpu.memref_slice %arg4[%add3A, %dma_wait3A, %dma_wait3A_89] : memref<32x125x40xi32, #tpu.memory_space<hbm>> -> memref<1x125x40xi32, #tpu.memory_space<hbm>>
      %dma_wait3A_91 = tpu.memref_squeeze %dma_wait3A_90 : memref<1x125x40xi32, #tpu.memory_space<hbm>> -> memref<125x40xi32, #tpu.memory_space<hbm>>
      %dma_wait3A_92 = arith.constant 0 : i32
      %dma_wait3A_93 = arith.constant 0 : i32
      %dma_wait3A_94 = tpu.memref_slice %arg4[%add3A, %dma_wait3A_92, %dma_wait3A_93] : memref<32x125x40xi32, #tpu.memory_space<hbm>> -> memref<1x125x40xi32, #tpu.memory_space<hbm>>
      %dma_wait3A_95 = tpu.memref_squeeze %dma_wait3A_94 : memref<1x125x40xi32, #tpu.memory_space<hbm>> -> memref<125x40xi32, #tpu.memory_space<hbm>>
      tpu.wait_dma2 semaphore(%run_scoped3A : memref<!tpu.dma_semaphore, #tpu.memory_space<semaphore_mem>>) src(%dma_wait3A_95 : memref<125x40xi32, #tpu.memory_space<hbm>>) dst(%arg7 : memref<125x40xi32, #tpu.memory_space<vmem>>)
      tpu.yield
    }) : () -> ()
    %dma_start3A_40 = arith.constant 0 : i32
    %dma_start3A_41 = arith.constant 0 : i32
    %dma_start3A_42 = tpu.memref_slice %arg7[%dma_start3A_40, %dma_start3A_41] : memref<125x40xi32, #tpu.memory_space<vmem>> -> memref<1x40xi32, #tpu.memory_space<vmem>>
    %dma_start3A_43 = tpu.memref_squeeze %dma_start3A_42 : memref<1x40xi32, #tpu.memory_space<vmem>> -> memref<40xi32, #tpu.memory_space<vmem>>
    %dma_start3A_44 = arith.constant 0 : i32
    %dma_start3A_45 = arith.constant 0 : i32
    %dma_start3A_46 = tpu.memref_slice %arg2[%dma_start3A_44, %dma_start3A_45] : memref<10000x128xf32, #tpu.memory_space<hbm>> -> memref<10000x128xf32, #tpu.memory_space<hbm>>
    tpu.enqueue_indirect_dma source(%dma_start3A_46 : memref<10000x128xf32, #tpu.memory_space<hbm>>) target(%arg8 : memref<40x128xf32, #tpu.memory_space<vmem>>) offsets(%dma_start3A_43 : memref<40xi32, #tpu.memory_space<vmem>>) semaphore(%arg13 : memref<!tpu.dma_semaphore, #tpu.memory_space<semaphore_mem>>)
    %dma_start3A_47 = arith.constant 1 : i32
    %dma_start3A_48 = arith.constant 0 : i32
    %dma_start3A_49 = tpu.memref_slice %arg7[%dma_start3A_47, %dma_start3A_48] : memref<125x40xi32, #tpu.memory_space<vmem>> -> memref<1x40xi32, #tpu.memory_space<vmem>>
    %dma_start3A_50 = tpu.memref_squeeze %dma_start3A_49 : memref<1x40xi32, #tpu.memory_space<vmem>> -> memref<40xi32, #tpu.memory_space<vmem>>
    %dma_start3A_51 = arith.constant 0 : i32
    %dma_start3A_52 = arith.constant 0 : i32
    %dma_start3A_53 = tpu.memref_slice %arg2[%dma_start3A_51, %dma_start3A_52] : memref<10000x128xf32, #tpu.memory_space<hbm>> -> memref<10000x128xf32, #tpu.memory_space<hbm>>
    tpu.enqueue_indirect_dma source(%dma_start3A_53 : memref<10000x128xf32, #tpu.memory_space<hbm>>) target(%arg9 : memref<40x128xf32, #tpu.memory_space<vmem>>) offsets(%dma_start3A_50 : memref<40xi32, #tpu.memory_space<vmem>>) semaphore(%arg14 : memref<!tpu.dma_semaphore, #tpu.memory_space<semaphore_mem>>)
    %dma_start3A_54 = arith.constant 2 : i32
    %dma_start3A_55 = arith.constant 0 : i32
    %dma_start3A_56 = tpu.memref_slice %arg7[%dma_start3A_54, %dma_start3A_55] : memref<125x40xi32, #tpu.memory_space<vmem>> -> memref<1x40xi32, #tpu.memory_space<vmem>>
    %dma_start3A_57 = tpu.memref_squeeze %dma_start3A_56 : memref<1x40xi32, #tpu.memory_space<vmem>> -> memref<40xi32, #tpu.memory_space<vmem>>
    %dma_start3A_58 = arith.constant 0 : i32
    %dma_start3A_59 = arith.constant 0 : i32
    %dma_start3A_60 = tpu.memref_slice %arg2[%dma_start3A_58, %dma_start3A_59] : memref<10000x128xf32, #tpu.memory_space<hbm>> -> memref<10000x128xf32, #tpu.memory_space<hbm>>
    tpu.enqueue_indirect_dma source(%dma_start3A_60 : memref<10000x128xf32, #tpu.memory_space<hbm>>) target(%arg10 : memref<40x128xf32, #tpu.memory_space<vmem>>) offsets(%dma_start3A_57 : memref<40xi32, #tpu.memory_space<vmem>>) semaphore(%arg15 : memref<!tpu.dma_semaphore, #tpu.memory_space<semaphore_mem>>)
    %dma_start3A_61 = arith.constant 3 : i32
    %dma_start3A_62 = arith.constant 0 : i32
    %dma_start3A_63 = tpu.memref_slice %arg7[%dma_start3A_61, %dma_start3A_62] : memref<125x40xi32, #tpu.memory_space<vmem>> -> memref<1x40xi32, #tpu.memory_space<vmem>>
    %dma_start3A_64 = tpu.memref_squeeze %dma_start3A_63 : memref<1x40xi32, #tpu.memory_space<vmem>> -> memref<40xi32, #tpu.memory_space<vmem>>
    %dma_start3A_65 = arith.constant 0 : i32
    %dma_start3A_66 = arith.constant 0 : i32
    %dma_start3A_67 = tpu.memref_slice %arg2[%dma_start3A_65, %dma_start3A_66] : memref<10000x128xf32, #tpu.memory_space<hbm>> -> memref<10000x128xf32, #tpu.memory_space<hbm>>
    tpu.enqueue_indirect_dma source(%dma_start3A_67 : memref<10000x128xf32, #tpu.memory_space<hbm>>) target(%arg11 : memref<40x128xf32, #tpu.memory_space<vmem>>) offsets(%dma_start3A_64 : memref<40xi32, #tpu.memory_space<vmem>>) semaphore(%arg16 : memref<!tpu.dma_semaphore, #tpu.memory_space<semaphore_mem>>)
    %dma_start3A_68 = arith.constant 4 : i32
    %dma_start3A_69 = arith.constant 0 : i32
    %dma_start3A_70 = tpu.memref_slice %arg7[%dma_start3A_68, %dma_start3A_69] : memref<125x40xi32, #tpu.memory_space<vmem>> -> memref<1x40xi32, #tpu.memory_space<vmem>>
    %dma_start3A_71 = tpu.memref_squeeze %dma_start3A_70 : memref<1x40xi32, #tpu.memory_space<vmem>> -> memref<40xi32, #tpu.memory_space<vmem>>
    %dma_start3A_72 = arith.constant 0 : i32
    %dma_start3A_73 = arith.constant 0 : i32
    %dma_start3A_74 = tpu.memref_slice %arg2[%dma_start3A_72, %dma_start3A_73] : memref<10000x128xf32, #tpu.memory_space<hbm>> -> memref<10000x128xf32, #tpu.memory_space<hbm>>
    tpu.enqueue_indirect_dma source(%dma_start3A_74 : memref<10000x128xf32, #tpu.memory_space<hbm>>) target(%arg12 : memref<40x128xf32, #tpu.memory_space<vmem>>) offsets(%dma_start3A_71 : memref<40xi32, #tpu.memory_space<vmem>>) semaphore(%arg17 : memref<!tpu.dma_semaphore, #tpu.memory_space<semaphore_mem>>)
    %scan3A_75 = arith.constant 0 : i32
    %scan3A_76 = arith.constant 0 : i32
    %scan3A_77 = arith.constant 25 : i32
    %scan3A_78 = arith.addi %scan3A_76, %scan3A_77 : i32
    %scan3A_79 = arith.constant 1 : i32
    scf.for %scan3A_81 = %scan3A_76 to %scan3A_78 step %scan3A_79  : i32 {
      %mul3A_82 = arith.constant 5 : i32
      %mul3A_83 = arith.muli %mul3A_82, %scan3A_81 : i32
      %add3A_84 = arith.constant 0 : i32
      %add3A_85 = arith.addi %mul3A_83, %add3A_84 : i32
      %dma_wait3A = arith.constant 0 : i32
      %dma_wait3A_86 = tpu.memref_slice %arg7[%add3A_85, %dma_wait3A] : memref<125x40xi32, #tpu.memory_space<vmem>> -> memref<1x40xi32, #tpu.memory_space<vmem>>
      %dma_wait3A_87 = tpu.memref_squeeze %dma_wait3A_86 : memref<1x40xi32, #tpu.memory_space<vmem>> -> memref<40xi32, #tpu.memory_space<vmem>>
      %dma_wait3A_88 = arith.constant 0 : i32
      %dma_wait3A_89 = arith.constant 0 : i32
      %dma_wait3A_90 = tpu.memref_slice %arg2[%dma_wait3A_88, %dma_wait3A_89] : memref<10000x128xf32, #tpu.memory_space<hbm>> -> memref<10000x128xf32, #tpu.memory_space<hbm>>
      tpu.wait_indirect_dma semaphore(%arg13 : memref<!tpu.dma_semaphore, #tpu.memory_space<semaphore_mem>>) src(%dma_wait3A_90 : memref<10000x128xf32, #tpu.memory_space<hbm>>) dst(%arg8 : memref<40x128xf32, #tpu.memory_space<vmem>>)
      %add3A_91 = arith.constant 0 : i32
      %add3A_92 = arith.addi %mul3A_83, %add3A_91 : i32
      %mul3A_93 = arith.constant 40 : i32
      %mul3A_94 = arith.muli %add3A_92, %mul3A_93 : i32
      %dma_start3A_95 = arith.constant 0 : i32
      %dma_start3A_96 = tpu.memref_slice %arg6[%add3A, %mul3A_94, %dma_start3A_95] : memref<32x5000x128xf32, #tpu.memory_space<hbm>> -> memref<1x40x128xf32, #tpu.memory_space<hbm>>
      %dma_start3A_97 = tpu.memref_squeeze %dma_start3A_96 : memref<1x40x128xf32, #tpu.memory_space<hbm>> -> memref<40x128xf32, #tpu.memory_space<hbm>>
      %dma_start3A_98 = arith.constant 0 : i32
      %dma_start3A_99 = tpu.memref_slice %arg6[%add3A, %mul3A_94, %dma_start3A_98] : memref<32x5000x128xf32, #tpu.memory_space<hbm>> -> memref<1x40x128xf32, #tpu.memory_space<hbm>>
      %dma_start3A_100 = tpu.memref_squeeze %dma_start3A_99 : memref<1x40x128xf32, #tpu.memory_space<hbm>> -> memref<40x128xf32, #tpu.memory_space<hbm>>
      tpu.enqueue_dma source(%arg8 : memref<40x128xf32, #tpu.memory_space<vmem>>) target(%dma_start3A_100 : memref<40x128xf32, #tpu.memory_space<hbm>>) target_semaphore(%arg18 : memref<!tpu.dma_semaphore, #tpu.memory_space<semaphore_mem>>)
      %add3A_101 = arith.constant 1 : i32
      %add3A_102 = arith.addi %mul3A_83, %add3A_101 : i32
      %dma_wait3A_103 = arith.constant 0 : i32
      %dma_wait3A_104 = tpu.memref_slice %arg7[%add3A_102, %dma_wait3A_103] : memref<125x40xi32, #tpu.memory_space<vmem>> -> memref<1x40xi32, #tpu.memory_space<vmem>>
      %dma_wait3A_105 = tpu.memref_squeeze %dma_wait3A_104 : memref<1x40xi32, #tpu.memory_space<vmem>> -> memref<40xi32, #tpu.memory_space<vmem>>
      %dma_wait3A_106 = arith.constant 0 : i32
      %dma_wait3A_107 = arith.constant 0 : i32
      %dma_wait3A_108 = tpu.memref_slice %arg2[%dma_wait3A_106, %dma_wait3A_107] : memref<10000x128xf32, #tpu.memory_space<hbm>> -> memref<10000x128xf32, #tpu.memory_space<hbm>>
      tpu.wait_indirect_dma semaphore(%arg14 : memref<!tpu.dma_semaphore, #tpu.memory_space<semaphore_mem>>) src(%dma_wait3A_108 : memref<10000x128xf32, #tpu.memory_space<hbm>>) dst(%arg9 : memref<40x128xf32, #tpu.memory_space<vmem>>)
      %add3A_109 = arith.constant 1 : i32
      %add3A_110 = arith.addi %mul3A_83, %add3A_109 : i32
      %mul3A_111 = arith.constant 40 : i32
      %mul3A_112 = arith.muli %add3A_110, %mul3A_111 : i32
      %dma_start3A_113 = arith.constant 0 : i32
      %dma_start3A_114 = tpu.memref_slice %arg6[%add3A, %mul3A_112, %dma_start3A_113] : memref<32x5000x128xf32, #tpu.memory_space<hbm>> -> memref<1x40x128xf32, #tpu.memory_space<hbm>>
      %dma_start3A_115 = tpu.memref_squeeze %dma_start3A_114 : memref<1x40x128xf32, #tpu.memory_space<hbm>> -> memref<40x128xf32, #tpu.memory_space<hbm>>
      %dma_start3A_116 = arith.constant 0 : i32
      %dma_start3A_117 = tpu.memref_slice %arg6[%add3A, %mul3A_112, %dma_start3A_116] : memref<32x5000x128xf32, #tpu.memory_space<hbm>> -> memref<1x40x128xf32, #tpu.memory_space<hbm>>
      %dma_start3A_118 = tpu.memref_squeeze %dma_start3A_117 : memref<1x40x128xf32, #tpu.memory_space<hbm>> -> memref<40x128xf32, #tpu.memory_space<hbm>>
      tpu.enqueue_dma source(%arg9 : memref<40x128xf32, #tpu.memory_space<vmem>>) target(%dma_start3A_118 : memref<40x128xf32, #tpu.memory_space<hbm>>) target_semaphore(%arg19 : memref<!tpu.dma_semaphore, #tpu.memory_space<semaphore_mem>>)
      %add3A_119 = arith.constant 2 : i32
      %add3A_120 = arith.addi %mul3A_83, %add3A_119 : i32
      %dma_wait3A_121 = arith.constant 0 : i32
      %dma_wait3A_122 = tpu.memref_slice %arg7[%add3A_120, %dma_wait3A_121] : memref<125x40xi32, #tpu.memory_space<vmem>> -> memref<1x40xi32, #tpu.memory_space<vmem>>
      %dma_wait3A_123 = tpu.memref_squeeze %dma_wait3A_122 : memref<1x40xi32, #tpu.memory_space<vmem>> -> memref<40xi32, #tpu.memory_space<vmem>>
      %dma_wait3A_124 = arith.constant 0 : i32
      %dma_wait3A_125 = arith.constant 0 : i32
      %dma_wait3A_126 = tpu.memref_slice %arg2[%dma_wait3A_124, %dma_wait3A_125] : memref<10000x128xf32, #tpu.memory_space<hbm>> -> memref<10000x128xf32, #tpu.memory_space<hbm>>
      tpu.wait_indirect_dma semaphore(%arg15 : memref<!tpu.dma_semaphore, #tpu.memory_space<semaphore_mem>>) src(%dma_wait3A_126 : memref<10000x128xf32, #tpu.memory_space<hbm>>) dst(%arg10 : memref<40x128xf32, #tpu.memory_space<vmem>>)
      %add3A_127 = arith.constant 2 : i32
      %add3A_128 = arith.addi %mul3A_83, %add3A_127 : i32
      %mul3A_129 = arith.constant 40 : i32
      %mul3A_130 = arith.muli %add3A_128, %mul3A_129 : i32
      %dma_start3A_131 = arith.constant 0 : i32
      %dma_start3A_132 = tpu.memref_slice %arg6[%add3A, %mul3A_130, %dma_start3A_131] : memref<32x5000x128xf32, #tpu.memory_space<hbm>> -> memref<1x40x128xf32, #tpu.memory_space<hbm>>
      %dma_start3A_133 = tpu.memref_squeeze %dma_start3A_132 : memref<1x40x128xf32, #tpu.memory_space<hbm>> -> memref<40x128xf32, #tpu.memory_space<hbm>>
      %dma_start3A_134 = arith.constant 0 : i32
      %dma_start3A_135 = tpu.memref_slice %arg6[%add3A, %mul3A_130, %dma_start3A_134] : memref<32x5000x128xf32, #tpu.memory_space<hbm>> -> memref<1x40x128xf32, #tpu.memory_space<hbm>>
      %dma_start3A_136 = tpu.memref_squeeze %dma_start3A_135 : memref<1x40x128xf32, #tpu.memory_space<hbm>> -> memref<40x128xf32, #tpu.memory_space<hbm>>
      tpu.enqueue_dma source(%arg10 : memref<40x128xf32, #tpu.memory_space<vmem>>) target(%dma_start3A_136 : memref<40x128xf32, #tpu.memory_space<hbm>>) target_semaphore(%arg20 : memref<!tpu.dma_semaphore, #tpu.memory_space<semaphore_mem>>)
      %add3A_137 = arith.constant 3 : i32
      %add3A_138 = arith.addi %mul3A_83, %add3A_137 : i32
      %dma_wait3A_139 = arith.constant 0 : i32
      %dma_wait3A_140 = tpu.memref_slice %arg7[%add3A_138, %dma_wait3A_139] : memref<125x40xi32, #tpu.memory_space<vmem>> -> memref<1x40xi32, #tpu.memory_space<vmem>>
      %dma_wait3A_141 = tpu.memref_squeeze %dma_wait3A_140 : memref<1x40xi32, #tpu.memory_space<vmem>> -> memref<40xi32, #tpu.memory_space<vmem>>
      %dma_wait3A_142 = arith.constant 0 : i32
      %dma_wait3A_143 = arith.constant 0 : i32
      %dma_wait3A_144 = tpu.memref_slice %arg2[%dma_wait3A_142, %dma_wait3A_143] : memref<10000x128xf32, #tpu.memory_space<hbm>> -> memref<10000x128xf32, #tpu.memory_space<hbm>>
      tpu.wait_indirect_dma semaphore(%arg16 : memref<!tpu.dma_semaphore, #tpu.memory_space<semaphore_mem>>) src(%dma_wait3A_144 : memref<10000x128xf32, #tpu.memory_space<hbm>>) dst(%arg11 : memref<40x128xf32, #tpu.memory_space<vmem>>)
      %add3A_145 = arith.constant 3 : i32
      %add3A_146 = arith.addi %mul3A_83, %add3A_145 : i32
      %mul3A_147 = arith.constant 40 : i32
      %mul3A_148 = arith.muli %add3A_146, %mul3A_147 : i32
      %dma_start3A_149 = arith.constant 0 : i32
      %dma_start3A_150 = tpu.memref_slice %arg6[%add3A, %mul3A_148, %dma_start3A_149] : memref<32x5000x128xf32, #tpu.memory_space<hbm>> -> memref<1x40x128xf32, #tpu.memory_space<hbm>>
      %dma_start3A_151 = tpu.memref_squeeze %dma_start3A_150 : memref<1x40x128xf32, #tpu.memory_space<hbm>> -> memref<40x128xf32, #tpu.memory_space<hbm>>
      %dma_start3A_152 = arith.constant 0 : i32
      %dma_start3A_153 = tpu.memref_slice %arg6[%add3A, %mul3A_148, %dma_start3A_152] : memref<32x5000x128xf32, #tpu.memory_space<hbm>> -> memref<1x40x128xf32, #tpu.memory_space<hbm>>
      %dma_start3A_154 = tpu.memref_squeeze %dma_start3A_153 : memref<1x40x128xf32, #tpu.memory_space<hbm>> -> memref<40x128xf32, #tpu.memory_space<hbm>>
      tpu.enqueue_dma source(%arg11 : memref<40x128xf32, #tpu.memory_space<vmem>>) target(%dma_start3A_154 : memref<40x128xf32, #tpu.memory_space<hbm>>) target_semaphore(%arg21 : memref<!tpu.dma_semaphore, #tpu.memory_space<semaphore_mem>>)
      %add3A_155 = arith.constant 4 : i32
      %add3A_156 = arith.addi %mul3A_83, %add3A_155 : i32
      %dma_wait3A_157 = arith.constant 0 : i32
      %dma_wait3A_158 = tpu.memref_slice %arg7[%add3A_156, %dma_wait3A_157] : memref<125x40xi32, #tpu.memory_space<vmem>> -> memref<1x40xi32, #tpu.memory_space<vmem>>
      %dma_wait3A_159 = tpu.memref_squeeze %dma_wait3A_158 : memref<1x40xi32, #tpu.memory_space<vmem>> -> memref<40xi32, #tpu.memory_space<vmem>>
      %dma_wait3A_160 = arith.constant 0 : i32
      %dma_wait3A_161 = arith.constant 0 : i32
      %dma_wait3A_162 = tpu.memref_slice %arg2[%dma_wait3A_160, %dma_wait3A_161] : memref<10000x128xf32, #tpu.memory_space<hbm>> -> memref<10000x128xf32, #tpu.memory_space<hbm>>
      tpu.wait_indirect_dma semaphore(%arg17 : memref<!tpu.dma_semaphore, #tpu.memory_space<semaphore_mem>>) src(%dma_wait3A_162 : memref<10000x128xf32, #tpu.memory_space<hbm>>) dst(%arg12 : memref<40x128xf32, #tpu.memory_space<vmem>>)
      %add3A_163 = arith.constant 4 : i32
      %add3A_164 = arith.addi %mul3A_83, %add3A_163 : i32
      %mul3A_165 = arith.constant 40 : i32
      %mul3A_166 = arith.muli %add3A_164, %mul3A_165 : i32
      %dma_start3A_167 = arith.constant 0 : i32
      %dma_start3A_168 = tpu.memref_slice %arg6[%add3A, %mul3A_166, %dma_start3A_167] : memref<32x5000x128xf32, #tpu.memory_space<hbm>> -> memref<1x40x128xf32, #tpu.memory_space<hbm>>
      %dma_start3A_169 = tpu.memref_squeeze %dma_start3A_168 : memref<1x40x128xf32, #tpu.memory_space<hbm>> -> memref<40x128xf32, #tpu.memory_space<hbm>>
      %dma_start3A_170 = arith.constant 0 : i32
      %dma_start3A_171 = tpu.memref_slice %arg6[%add3A, %mul3A_166, %dma_start3A_170] : memref<32x5000x128xf32, #tpu.memory_space<hbm>> -> memref<1x40x128xf32, #tpu.memory_space<hbm>>
      %dma_start3A_172 = tpu.memref_squeeze %dma_start3A_171 : memref<1x40x128xf32, #tpu.memory_space<hbm>> -> memref<40x128xf32, #tpu.memory_space<hbm>>
      tpu.enqueue_dma source(%arg12 : memref<40x128xf32, #tpu.memory_space<vmem>>) target(%dma_start3A_172 : memref<40x128xf32, #tpu.memory_space<hbm>>) target_semaphore(%arg22 : memref<!tpu.dma_semaphore, #tpu.memory_space<semaphore_mem>>)
      %add3A_173 = arith.constant 0 : i32
      %add3A_174 = arith.addi %mul3A_83, %add3A_173 : i32
      %mul3A_175 = arith.constant 40 : i32
      %mul3A_176 = arith.muli %add3A_174, %mul3A_175 : i32
      %dma_wait3A_177 = arith.constant 0 : i32
      %dma_wait3A_178 = tpu.memref_slice %arg6[%add3A, %mul3A_176, %dma_wait3A_177] : memref<32x5000x128xf32, #tpu.memory_space<hbm>> -> memref<1x40x128xf32, #tpu.memory_space<hbm>>
      %dma_wait3A_179 = tpu.memref_squeeze %dma_wait3A_178 : memref<1x40x128xf32, #tpu.memory_space<hbm>> -> memref<40x128xf32, #tpu.memory_space<hbm>>
      %dma_wait3A_180 = arith.constant 0 : i32
      %dma_wait3A_181 = tpu.memref_slice %arg6[%add3A, %mul3A_176, %dma_wait3A_180] : memref<32x5000x128xf32, #tpu.memory_space<hbm>> -> memref<1x40x128xf32, #tpu.memory_space<hbm>>
      %dma_wait3A_182 = tpu.memref_squeeze %dma_wait3A_181 : memref<1x40x128xf32, #tpu.memory_space<hbm>> -> memref<40x128xf32, #tpu.memory_space<hbm>>
      tpu.wait_dma2 semaphore(%arg18 : memref<!tpu.dma_semaphore, #tpu.memory_space<semaphore_mem>>) src(%arg8 : memref<40x128xf32, #tpu.memory_space<vmem>>) dst(%dma_wait3A_182 : memref<40x128xf32, #tpu.memory_space<hbm>>)
      %add3A_183 = arith.constant 0 : i32
      %add3A_184 = arith.addi %mul3A_83, %add3A_183 : i32
      %add3A_185 = arith.constant 5 : i32
      %add3A_186 = arith.addi %add3A_184, %add3A_185 : i32
      %lt3A = arith.constant 125 : i32
      %lt3A_187 = arith.cmpi slt, %add3A_186, %lt3A : i32
      %convert_element_type3A = arith.extui %lt3A_187 : i1 to i32
      %cond3A = arith.constant 0 : i32
      %cond3A_188 = arith.cmpi ne, %convert_element_type3A, %cond3A : i32
      scf.if %cond3A_188 {
        %add3A_265 = arith.constant 0 : i32
        %add3A_266 = arith.addi %mul3A_83, %add3A_265 : i32
        %add3A_267 = arith.constant 5 : i32
        %add3A_268 = arith.addi %add3A_266, %add3A_267 : i32
        %dma_start3A_269 = arith.constant 0 : i32
        %dma_start3A_270 = tpu.memref_slice %arg7[%add3A_268, %dma_start3A_269] : memref<125x40xi32, #tpu.memory_space<vmem>> -> memref<1x40xi32, #tpu.memory_space<vmem>>
        %dma_start3A_271 = tpu.memref_squeeze %dma_start3A_270 : memref<1x40xi32, #tpu.memory_space<vmem>> -> memref<40xi32, #tpu.memory_space<vmem>>
        %dma_start3A_272 = arith.constant 0 : i32
        %dma_start3A_273 = arith.constant 0 : i32
        %dma_start3A_274 = tpu.memref_slice %arg2[%dma_start3A_272, %dma_start3A_273] : memref<10000x128xf32, #tpu.memory_space<hbm>> -> memref<10000x128xf32, #tpu.memory_space<hbm>>
        tpu.enqueue_indirect_dma source(%dma_start3A_274 : memref<10000x128xf32, #tpu.memory_space<hbm>>) target(%arg8 : memref<40x128xf32, #tpu.memory_space<vmem>>) offsets(%dma_start3A_271 : memref<40xi32, #tpu.memory_space<vmem>>) semaphore(%arg13 : memref<!tpu.dma_semaphore, #tpu.memory_space<semaphore_mem>>)
      } else {
      }
      %add3A_189 = arith.constant 1 : i32
      %add3A_190 = arith.addi %mul3A_83, %add3A_189 : i32
      %mul3A_191 = arith.constant 40 : i32
      %mul3A_192 = arith.muli %add3A_190, %mul3A_191 : i32
      %dma_wait3A_193 = arith.constant 0 : i32
      %dma_wait3A_194 = tpu.memref_slice %arg6[%add3A, %mul3A_192, %dma_wait3A_193] : memref<32x5000x128xf32, #tpu.memory_space<hbm>> -> memref<1x40x128xf32, #tpu.memory_space<hbm>>
      %dma_wait3A_195 = tpu.memref_squeeze %dma_wait3A_194 : memref<1x40x128xf32, #tpu.memory_space<hbm>> -> memref<40x128xf32, #tpu.memory_space<hbm>>
      %dma_wait3A_196 = arith.constant 0 : i32
      %dma_wait3A_197 = tpu.memref_slice %arg6[%add3A, %mul3A_192, %dma_wait3A_196] : memref<32x5000x128xf32, #tpu.memory_space<hbm>> -> memref<1x40x128xf32, #tpu.memory_space<hbm>>
      %dma_wait3A_198 = tpu.memref_squeeze %dma_wait3A_197 : memref<1x40x128xf32, #tpu.memory_space<hbm>> -> memref<40x128xf32, #tpu.memory_space<hbm>>
      tpu.wait_dma2 semaphore(%arg19 : memref<!tpu.dma_semaphore, #tpu.memory_space<semaphore_mem>>) src(%arg9 : memref<40x128xf32, #tpu.memory_space<vmem>>) dst(%dma_wait3A_198 : memref<40x128xf32, #tpu.memory_space<hbm>>)
      %add3A_199 = arith.constant 1 : i32
      %add3A_200 = arith.addi %mul3A_83, %add3A_199 : i32
      %add3A_201 = arith.constant 5 : i32
      %add3A_202 = arith.addi %add3A_200, %add3A_201 : i32
      %lt3A_203 = arith.constant 125 : i32
      %lt3A_204 = arith.cmpi slt, %add3A_202, %lt3A_203 : i32
      %convert_element_type3A_205 = arith.extui %lt3A_204 : i1 to i32
      %cond3A_206 = arith.constant 0 : i32
      %cond3A_207 = arith.cmpi ne, %convert_element_type3A_205, %cond3A_206 : i32
      scf.if %cond3A_207 {
        %add3A_265 = arith.constant 1 : i32
        %add3A_266 = arith.addi %mul3A_83, %add3A_265 : i32
        %add3A_267 = arith.constant 5 : i32
        %add3A_268 = arith.addi %add3A_266, %add3A_267 : i32
        %dma_start3A_269 = arith.constant 0 : i32
        %dma_start3A_270 = tpu.memref_slice %arg7[%add3A_268, %dma_start3A_269] : memref<125x40xi32, #tpu.memory_space<vmem>> -> memref<1x40xi32, #tpu.memory_space<vmem>>
        %dma_start3A_271 = tpu.memref_squeeze %dma_start3A_270 : memref<1x40xi32, #tpu.memory_space<vmem>> -> memref<40xi32, #tpu.memory_space<vmem>>
        %dma_start3A_272 = arith.constant 0 : i32
        %dma_start3A_273 = arith.constant 0 : i32
        %dma_start3A_274 = tpu.memref_slice %arg2[%dma_start3A_272, %dma_start3A_273] : memref<10000x128xf32, #tpu.memory_space<hbm>> -> memref<10000x128xf32, #tpu.memory_space<hbm>>
        tpu.enqueue_indirect_dma source(%dma_start3A_274 : memref<10000x128xf32, #tpu.memory_space<hbm>>) target(%arg9 : memref<40x128xf32, #tpu.memory_space<vmem>>) offsets(%dma_start3A_271 : memref<40xi32, #tpu.memory_space<vmem>>) semaphore(%arg14 : memref<!tpu.dma_semaphore, #tpu.memory_space<semaphore_mem>>)
      } else {
      }
      %add3A_208 = arith.constant 2 : i32
      %add3A_209 = arith.addi %mul3A_83, %add3A_208 : i32
      %mul3A_210 = arith.constant 40 : i32
      %mul3A_211 = arith.muli %add3A_209, %mul3A_210 : i32
      %dma_wait3A_212 = arith.constant 0 : i32
      %dma_wait3A_213 = tpu.memref_slice %arg6[%add3A, %mul3A_211, %dma_wait3A_212] : memref<32x5000x128xf32, #tpu.memory_space<hbm>> -> memref<1x40x128xf32, #tpu.memory_space<hbm>>
      %dma_wait3A_214 = tpu.memref_squeeze %dma_wait3A_213 : memref<1x40x128xf32, #tpu.memory_space<hbm>> -> memref<40x128xf32, #tpu.memory_space<hbm>>
      %dma_wait3A_215 = arith.constant 0 : i32
      %dma_wait3A_216 = tpu.memref_slice %arg6[%add3A, %mul3A_211, %dma_wait3A_215] : memref<32x5000x128xf32, #tpu.memory_space<hbm>> -> memref<1x40x128xf32, #tpu.memory_space<hbm>>
      %dma_wait3A_217 = tpu.memref_squeeze %dma_wait3A_216 : memref<1x40x128xf32, #tpu.memory_space<hbm>> -> memref<40x128xf32, #tpu.memory_space<hbm>>
      tpu.wait_dma2 semaphore(%arg20 : memref<!tpu.dma_semaphore, #tpu.memory_space<semaphore_mem>>) src(%arg10 : memref<40x128xf32, #tpu.memory_space<vmem>>) dst(%dma_wait3A_217 : memref<40x128xf32, #tpu.memory_space<hbm>>)
      %add3A_218 = arith.constant 2 : i32
      %add3A_219 = arith.addi %mul3A_83, %add3A_218 : i32
      %add3A_220 = arith.constant 5 : i32
      %add3A_221 = arith.addi %add3A_219, %add3A_220 : i32
      %lt3A_222 = arith.constant 125 : i32
      %lt3A_223 = arith.cmpi slt, %add3A_221, %lt3A_222 : i32
      %convert_element_type3A_224 = arith.extui %lt3A_223 : i1 to i32
      %cond3A_225 = arith.constant 0 : i32
      %cond3A_226 = arith.cmpi ne, %convert_element_type3A_224, %cond3A_225 : i32
      scf.if %cond3A_226 {
        %add3A_265 = arith.constant 2 : i32
        %add3A_266 = arith.addi %mul3A_83, %add3A_265 : i32
        %add3A_267 = arith.constant 5 : i32
        %add3A_268 = arith.addi %add3A_266, %add3A_267 : i32
        %dma_start3A_269 = arith.constant 0 : i32
        %dma_start3A_270 = tpu.memref_slice %arg7[%add3A_268, %dma_start3A_269] : memref<125x40xi32, #tpu.memory_space<vmem>> -> memref<1x40xi32, #tpu.memory_space<vmem>>
        %dma_start3A_271 = tpu.memref_squeeze %dma_start3A_270 : memref<1x40xi32, #tpu.memory_space<vmem>> -> memref<40xi32, #tpu.memory_space<vmem>>
        %dma_start3A_272 = arith.constant 0 : i32
        %dma_start3A_273 = arith.constant 0 : i32
        %dma_start3A_274 = tpu.memref_slice %arg2[%dma_start3A_272, %dma_start3A_273] : memref<10000x128xf32, #tpu.memory_space<hbm>> -> memref<10000x128xf32, #tpu.memory_space<hbm>>
        tpu.enqueue_indirect_dma source(%dma_start3A_274 : memref<10000x128xf32, #tpu.memory_space<hbm>>) target(%arg10 : memref<40x128xf32, #tpu.memory_space<vmem>>) offsets(%dma_start3A_271 : memref<40xi32, #tpu.memory_space<vmem>>) semaphore(%arg15 : memref<!tpu.dma_semaphore, #tpu.memory_space<semaphore_mem>>)
      } else {
      }
      %add3A_227 = arith.constant 3 : i32
      %add3A_228 = arith.addi %mul3A_83, %add3A_227 : i32
      %mul3A_229 = arith.constant 40 : i32
      %mul3A_230 = arith.muli %add3A_228, %mul3A_229 : i32
      %dma_wait3A_231 = arith.constant 0 : i32
      %dma_wait3A_232 = tpu.memref_slice %arg6[%add3A, %mul3A_230, %dma_wait3A_231] : memref<32x5000x128xf32, #tpu.memory_space<hbm>> -> memref<1x40x128xf32, #tpu.memory_space<hbm>>
      %dma_wait3A_233 = tpu.memref_squeeze %dma_wait3A_232 : memref<1x40x128xf32, #tpu.memory_space<hbm>> -> memref<40x128xf32, #tpu.memory_space<hbm>>
      %dma_wait3A_234 = arith.constant 0 : i32
      %dma_wait3A_235 = tpu.memref_slice %arg6[%add3A, %mul3A_230, %dma_wait3A_234] : memref<32x5000x128xf32, #tpu.memory_space<hbm>> -> memref<1x40x128xf32, #tpu.memory_space<hbm>>
      %dma_wait3A_236 = tpu.memref_squeeze %dma_wait3A_235 : memref<1x40x128xf32, #tpu.memory_space<hbm>> -> memref<40x128xf32, #tpu.memory_space<hbm>>
      tpu.wait_dma2 semaphore(%arg21 : memref<!tpu.dma_semaphore, #tpu.memory_space<semaphore_mem>>) src(%arg11 : memref<40x128xf32, #tpu.memory_space<vmem>>) dst(%dma_wait3A_236 : memref<40x128xf32, #tpu.memory_space<hbm>>)
      %add3A_237 = arith.constant 3 : i32
      %add3A_238 = arith.addi %mul3A_83, %add3A_237 : i32
      %add3A_239 = arith.constant 5 : i32
      %add3A_240 = arith.addi %add3A_238, %add3A_239 : i32
      %lt3A_241 = arith.constant 125 : i32
      %lt3A_242 = arith.cmpi slt, %add3A_240, %lt3A_241 : i32
      %convert_element_type3A_243 = arith.extui %lt3A_242 : i1 to i32
      %cond3A_244 = arith.constant 0 : i32
      %cond3A_245 = arith.cmpi ne, %convert_element_type3A_243, %cond3A_244 : i32
      scf.if %cond3A_245 {
        %add3A_265 = arith.constant 3 : i32
        %add3A_266 = arith.addi %mul3A_83, %add3A_265 : i32
        %add3A_267 = arith.constant 5 : i32
        %add3A_268 = arith.addi %add3A_266, %add3A_267 : i32
        %dma_start3A_269 = arith.constant 0 : i32
        %dma_start3A_270 = tpu.memref_slice %arg7[%add3A_268, %dma_start3A_269] : memref<125x40xi32, #tpu.memory_space<vmem>> -> memref<1x40xi32, #tpu.memory_space<vmem>>
        %dma_start3A_271 = tpu.memref_squeeze %dma_start3A_270 : memref<1x40xi32, #tpu.memory_space<vmem>> -> memref<40xi32, #tpu.memory_space<vmem>>
        %dma_start3A_272 = arith.constant 0 : i32
        %dma_start3A_273 = arith.constant 0 : i32
        %dma_start3A_274 = tpu.memref_slice %arg2[%dma_start3A_272, %dma_start3A_273] : memref<10000x128xf32, #tpu.memory_space<hbm>> -> memref<10000x128xf32, #tpu.memory_space<hbm>>
        tpu.enqueue_indirect_dma source(%dma_start3A_274 : memref<10000x128xf32, #tpu.memory_space<hbm>>) target(%arg11 : memref<40x128xf32, #tpu.memory_space<vmem>>) offsets(%dma_start3A_271 : memref<40xi32, #tpu.memory_space<vmem>>) semaphore(%arg16 : memref<!tpu.dma_semaphore, #tpu.memory_space<semaphore_mem>>)
      } else {
      }
      %add3A_246 = arith.constant 4 : i32
      %add3A_247 = arith.addi %mul3A_83, %add3A_246 : i32
      %mul3A_248 = arith.constant 40 : i32
      %mul3A_249 = arith.muli %add3A_247, %mul3A_248 : i32
      %dma_wait3A_250 = arith.constant 0 : i32
      %dma_wait3A_251 = tpu.memref_slice %arg6[%add3A, %mul3A_249, %dma_wait3A_250] : memref<32x5000x128xf32, #tpu.memory_space<hbm>> -> memref<1x40x128xf32, #tpu.memory_space<hbm>>
      %dma_wait3A_252 = tpu.memref_squeeze %dma_wait3A_251 : memref<1x40x128xf32, #tpu.memory_space<hbm>> -> memref<40x128xf32, #tpu.memory_space<hbm>>
      %dma_wait3A_253 = arith.constant 0 : i32
      %dma_wait3A_254 = tpu.memref_slice %arg6[%add3A, %mul3A_249, %dma_wait3A_253] : memref<32x5000x128xf32, #tpu.memory_space<hbm>> -> memref<1x40x128xf32, #tpu.memory_space<hbm>>
      %dma_wait3A_255 = tpu.memref_squeeze %dma_wait3A_254 : memref<1x40x128xf32, #tpu.memory_space<hbm>> -> memref<40x128xf32, #tpu.memory_space<hbm>>
      tpu.wait_dma2 semaphore(%arg22 : memref<!tpu.dma_semaphore, #tpu.memory_space<semaphore_mem>>) src(%arg12 : memref<40x128xf32, #tpu.memory_space<vmem>>) dst(%dma_wait3A_255 : memref<40x128xf32, #tpu.memory_space<hbm>>)
      %add3A_256 = arith.constant 4 : i32
      %add3A_257 = arith.addi %mul3A_83, %add3A_256 : i32
      %add3A_258 = arith.constant 5 : i32
      %add3A_259 = arith.addi %add3A_257, %add3A_258 : i32
      %lt3A_260 = arith.constant 125 : i32
      %lt3A_261 = arith.cmpi slt, %add3A_259, %lt3A_260 : i32
      %convert_element_type3A_262 = arith.extui %lt3A_261 : i1 to i32
      %cond3A_263 = arith.constant 0 : i32
      %cond3A_264 = arith.cmpi ne, %convert_element_type3A_262, %cond3A_263 : i32
      scf.if %cond3A_264 {
        %add3A_265 = arith.constant 4 : i32
        %add3A_266 = arith.addi %mul3A_83, %add3A_265 : i32
        %add3A_267 = arith.constant 5 : i32
        %add3A_268 = arith.addi %add3A_266, %add3A_267 : i32
        %dma_start3A_269 = arith.constant 0 : i32
        %dma_start3A_270 = tpu.memref_slice %arg7[%add3A_268, %dma_start3A_269] : memref<125x40xi32, #tpu.memory_space<vmem>> -> memref<1x40xi32, #tpu.memory_space<vmem>>
        %dma_start3A_271 = tpu.memref_squeeze %dma_start3A_270 : memref<1x40xi32, #tpu.memory_space<vmem>> -> memref<40xi32, #tpu.memory_space<vmem>>
        %dma_start3A_272 = arith.constant 0 : i32
        %dma_start3A_273 = arith.constant 0 : i32
        %dma_start3A_274 = tpu.memref_slice %arg2[%dma_start3A_272, %dma_start3A_273] : memref<10000x128xf32, #tpu.memory_space<hbm>> -> memref<10000x128xf32, #tpu.memory_space<hbm>>
        tpu.enqueue_indirect_dma source(%dma_start3A_274 : memref<10000x128xf32, #tpu.memory_space<hbm>>) target(%arg12 : memref<40x128xf32, #tpu.memory_space<vmem>>) offsets(%dma_start3A_271 : memref<40xi32, #tpu.memory_space<vmem>>) semaphore(%arg17 : memref<!tpu.dma_semaphore, #tpu.memory_space<semaphore_mem>>)
      } else {
      }
    }
    %scan3A_80 = arith.constant 25 : i32
    return
  }
}

#map = affine_map<(d0, d1) -> (0, 0, 0)>
#map1 = affine_map<(d0, d1) -> (0, 0)>
module attributes {stable_mosaic.version = 14 : i64} {
  func.func @_seg_scatter(%arg0: i32, %arg1: i32, %arg2: memref<32x125x40xi32, #tpu.memory_space<hbm>>, %arg3: memref<32x125x40xf32, #tpu.memory_space<hbm>>, %arg4: memref<32x5000x128xf32, #tpu.memory_space<hbm>>, %arg5: memref<2x10000xf32, #tpu.memory_space<hbm>>, %arg6: memref<2x10000x128xf32, #tpu.memory_space<hbm>>, %arg7: memref<2x10000xf32, #tpu.memory_space<hbm>>, %arg8: memref<2x10000x128xf32, #tpu.memory_space<hbm>>, %arg9: memref<125x40xi32, #tpu.memory_space<vmem>>, %arg10: memref<125x40xf32, #tpu.memory_space<vmem>>, %arg11: memref<40x128xf32, #tpu.memory_space<vmem>>, %arg12: memref<40x128xf32, #tpu.memory_space<vmem>>, %arg13: memref<10000xf32, #tpu.memory_space<vmem_shared>>, %arg14: memref<10000x128xf32, #tpu.memory_space<vmem_shared>>, %arg15: memref<!tpu.dma_semaphore, #tpu.memory_space<semaphore_mem>>, %arg16: memref<!tpu.dma_semaphore, #tpu.memory_space<semaphore_mem>>) attributes {dimension_semantics = [#tpu.dimension_semantics<core_parallel>, #tpu.dimension_semantics<subcore_parallel>], iteration_bounds = array<i64: 2, 16>, scalar_prefetch = 0 : i64, scratch_operands = 8 : i64, tpu.core_type = #tpu.core_type<sc_vector_subcore>, window_params = [{transform_indices = #map}, {transform_indices = #map}, {transform_indices = #map}, {transform_indices = #map1}, {transform_indices = #map}, {transform_indices = #map1}, {transform_indices = #map}]} {
    %mul3A = arith.constant 2 : i32
    %mul3A_0 = arith.muli %arg1, %mul3A : i32
    %add3A = arith.addi %mul3A_0, %arg0 : i32
    %eq3A = arith.constant 0 : i32
    %eq3A_1 = arith.cmpi eq, %arg1, %eq3A : i32
    %convert_element_type3A = arith.extui %eq3A_1 : i1 to i32
    %cond3A = arith.constant 0 : i32
    %cond3A_2 = arith.cmpi ne, %convert_element_type3A, %cond3A : i32
    scf.if %cond3A_2 {
      "tpu.region"() ({
        %run_scoped3A_38 = tpu.sem_alloc : memref<!tpu.dma_semaphore, #tpu.memory_space<semaphore_mem>>
        %dma_start3A_39 = arith.constant 0 : i32
        %dma_start3A_40 = tpu.memref_slice %arg5[%arg0, %dma_start3A_39] : memref<2x10000xf32, #tpu.memory_space<hbm>> -> memref<1x10000xf32, #tpu.memory_space<hbm>>
        %dma_start3A_41 = tpu.memref_squeeze %dma_start3A_40 : memref<1x10000xf32, #tpu.memory_space<hbm>> -> memref<10000xf32, #tpu.memory_space<hbm>>
        tpu.enqueue_dma source(%dma_start3A_41 : memref<10000xf32, #tpu.memory_space<hbm>>) target(%arg13 : memref<10000xf32, #tpu.memory_space<vmem_shared>>) target_semaphore(%run_scoped3A_38 : memref<!tpu.dma_semaphore, #tpu.memory_space<semaphore_mem>>)
        %dma_wait3A_42 = arith.constant 0 : i32
        %dma_wait3A_43 = tpu.memref_slice %arg5[%arg0, %dma_wait3A_42] : memref<2x10000xf32, #tpu.memory_space<hbm>> -> memref<1x10000xf32, #tpu.memory_space<hbm>>
        %dma_wait3A_44 = tpu.memref_squeeze %dma_wait3A_43 : memref<1x10000xf32, #tpu.memory_space<hbm>> -> memref<10000xf32, #tpu.memory_space<hbm>>
        tpu.wait_dma2 semaphore(%run_scoped3A_38 : memref<!tpu.dma_semaphore, #tpu.memory_space<semaphore_mem>>) src(%dma_wait3A_44 : memref<10000xf32, #tpu.memory_space<hbm>>) dst(%arg13 : memref<10000xf32, #tpu.memory_space<vmem_shared>>)
        tpu.yield
      }) : () -> ()
      "tpu.region"() ({
        %run_scoped3A_38 = tpu.sem_alloc : memref<!tpu.dma_semaphore, #tpu.memory_space<semaphore_mem>>
        %dma_start3A_39 = arith.constant 0 : i32
        %dma_start3A_40 = arith.constant 0 : i32
        %dma_start3A_41 = tpu.memref_slice %arg6[%arg0, %dma_start3A_39, %dma_start3A_40] : memref<2x10000x128xf32, #tpu.memory_space<hbm>> -> memref<1x10000x128xf32, #tpu.memory_space<hbm>>
        %dma_start3A_42 = tpu.memref_squeeze %dma_start3A_41 : memref<1x10000x128xf32, #tpu.memory_space<hbm>> -> memref<10000x128xf32, #tpu.memory_space<hbm>>
        tpu.enqueue_dma source(%dma_start3A_42 : memref<10000x128xf32, #tpu.memory_space<hbm>>) target(%arg14 : memref<10000x128xf32, #tpu.memory_space<vmem_shared>>) target_semaphore(%run_scoped3A_38 : memref<!tpu.dma_semaphore, #tpu.memory_space<semaphore_mem>>)
        %dma_wait3A_43 = arith.constant 0 : i32
        %dma_wait3A_44 = arith.constant 0 : i32
        %dma_wait3A_45 = tpu.memref_slice %arg6[%arg0, %dma_wait3A_43, %dma_wait3A_44] : memref<2x10000x128xf32, #tpu.memory_space<hbm>> -> memref<1x10000x128xf32, #tpu.memory_space<hbm>>
        %dma_wait3A_46 = tpu.memref_squeeze %dma_wait3A_45 : memref<1x10000x128xf32, #tpu.memory_space<hbm>> -> memref<10000x128xf32, #tpu.memory_space<hbm>>
        tpu.wait_dma2 semaphore(%run_scoped3A_38 : memref<!tpu.dma_semaphore, #tpu.memory_space<semaphore_mem>>) src(%dma_wait3A_46 : memref<10000x128xf32, #tpu.memory_space<hbm>>) dst(%arg14 : memref<10000x128xf32, #tpu.memory_space<vmem_shared>>)
        tpu.yield
      }) : () -> ()
    } else {
    }
    "tpu.region"() ({
      %run_scoped3A_38 = tpu.sem_alloc : memref<!tpu.dma_semaphore, #tpu.memory_space<semaphore_mem>>
      %dma_start3A_39 = arith.constant 0 : i32
      %dma_start3A_40 = arith.constant 0 : i32
      %dma_start3A_41 = tpu.memref_slice %arg2[%add3A, %dma_start3A_39, %dma_start3A_40] : memref<32x125x40xi32, #tpu.memory_space<hbm>> -> memref<1x125x40xi32, #tpu.memory_space<hbm>>
      %dma_start3A_42 = tpu.memref_squeeze %dma_start3A_41 : memref<1x125x40xi32, #tpu.memory_space<hbm>> -> memref<125x40xi32, #tpu.memory_space<hbm>>
      %dma_start3A_43 = arith.constant 0 : i32
      %dma_start3A_44 = arith.constant 0 : i32
      %dma_start3A_45 = tpu.memref_slice %arg2[%add3A, %dma_start3A_43, %dma_start3A_44] : memref<32x125x40xi32, #tpu.memory_space<hbm>> -> memref<1x125x40xi32, #tpu.memory_space<hbm>>
      %dma_start3A_46 = tpu.memref_squeeze %dma_start3A_45 : memref<1x125x40xi32, #tpu.memory_space<hbm>> -> memref<125x40xi32, #tpu.memory_space<hbm>>
      tpu.enqueue_dma source(%dma_start3A_46 : memref<125x40xi32, #tpu.memory_space<hbm>>) target(%arg9 : memref<125x40xi32, #tpu.memory_space<vmem>>) target_semaphore(%run_scoped3A_38 : memref<!tpu.dma_semaphore, #tpu.memory_space<semaphore_mem>>)
      %dma_wait3A_47 = arith.constant 0 : i32
      %dma_wait3A_48 = arith.constant 0 : i32
      %dma_wait3A_49 = tpu.memref_slice %arg2[%add3A, %dma_wait3A_47, %dma_wait3A_48] : memref<32x125x40xi32, #tpu.memory_space<hbm>> -> memref<1x125x40xi32, #tpu.memory_space<hbm>>
      %dma_wait3A_50 = tpu.memref_squeeze %dma_wait3A_49 : memref<1x125x40xi32, #tpu.memory_space<hbm>> -> memref<125x40xi32, #tpu.memory_space<hbm>>
      %dma_wait3A_51 = arith.constant 0 : i32
      %dma_wait3A_52 = arith.constant 0 : i32
      %dma_wait3A_53 = tpu.memref_slice %arg2[%add3A, %dma_wait3A_51, %dma_wait3A_52] : memref<32x125x40xi32, #tpu.memory_space<hbm>> -> memref<1x125x40xi32, #tpu.memory_space<hbm>>
      %dma_wait3A_54 = tpu.memref_squeeze %dma_wait3A_53 : memref<1x125x40xi32, #tpu.memory_space<hbm>> -> memref<125x40xi32, #tpu.memory_space<hbm>>
      tpu.wait_dma2 semaphore(%run_scoped3A_38 : memref<!tpu.dma_semaphore, #tpu.memory_space<semaphore_mem>>) src(%dma_wait3A_54 : memref<125x40xi32, #tpu.memory_space<hbm>>) dst(%arg9 : memref<125x40xi32, #tpu.memory_space<vmem>>)
      tpu.yield
    }) : () -> ()
    "tpu.region"() ({
      %run_scoped3A_38 = tpu.sem_alloc : memref<!tpu.dma_semaphore, #tpu.memory_space<semaphore_mem>>
      %dma_start3A_39 = arith.constant 0 : i32
      %dma_start3A_40 = arith.constant 0 : i32
      %dma_start3A_41 = tpu.memref_slice %arg3[%add3A, %dma_start3A_39, %dma_start3A_40] : memref<32x125x40xf32, #tpu.memory_space<hbm>> -> memref<1x125x40xf32, #tpu.memory_space<hbm>>
      %dma_start3A_42 = tpu.memref_squeeze %dma_start3A_41 : memref<1x125x40xf32, #tpu.memory_space<hbm>> -> memref<125x40xf32, #tpu.memory_space<hbm>>
      %dma_start3A_43 = arith.constant 0 : i32
      %dma_start3A_44 = arith.constant 0 : i32
      %dma_start3A_45 = tpu.memref_slice %arg3[%add3A, %dma_start3A_43, %dma_start3A_44] : memref<32x125x40xf32, #tpu.memory_space<hbm>> -> memref<1x125x40xf32, #tpu.memory_space<hbm>>
      %dma_start3A_46 = tpu.memref_squeeze %dma_start3A_45 : memref<1x125x40xf32, #tpu.memory_space<hbm>> -> memref<125x40xf32, #tpu.memory_space<hbm>>
      tpu.enqueue_dma source(%dma_start3A_46 : memref<125x40xf32, #tpu.memory_space<hbm>>) target(%arg10 : memref<125x40xf32, #tpu.memory_space<vmem>>) target_semaphore(%run_scoped3A_38 : memref<!tpu.dma_semaphore, #tpu.memory_space<semaphore_mem>>)
      %dma_wait3A_47 = arith.constant 0 : i32
      %dma_wait3A_48 = arith.constant 0 : i32
      %dma_wait3A_49 = tpu.memref_slice %arg3[%add3A, %dma_wait3A_47, %dma_wait3A_48] : memref<32x125x40xf32, #tpu.memory_space<hbm>> -> memref<1x125x40xf32, #tpu.memory_space<hbm>>
      %dma_wait3A_50 = tpu.memref_squeeze %dma_wait3A_49 : memref<1x125x40xf32, #tpu.memory_space<hbm>> -> memref<125x40xf32, #tpu.memory_space<hbm>>
      %dma_wait3A_51 = arith.constant 0 : i32
      %dma_wait3A_52 = arith.constant 0 : i32
      %dma_wait3A_53 = tpu.memref_slice %arg3[%add3A, %dma_wait3A_51, %dma_wait3A_52] : memref<32x125x40xf32, #tpu.memory_space<hbm>> -> memref<1x125x40xf32, #tpu.memory_space<hbm>>
      %dma_wait3A_54 = tpu.memref_squeeze %dma_wait3A_53 : memref<1x125x40xf32, #tpu.memory_space<hbm>> -> memref<125x40xf32, #tpu.memory_space<hbm>>
      tpu.wait_dma2 semaphore(%run_scoped3A_38 : memref<!tpu.dma_semaphore, #tpu.memory_space<semaphore_mem>>) src(%dma_wait3A_54 : memref<125x40xf32, #tpu.memory_space<hbm>>) dst(%arg10 : memref<125x40xf32, #tpu.memory_space<vmem>>)
      tpu.yield
    }) : () -> ()
    %barrier3A = arith.constant 0 : index
    tpu.barrier barrier_id(%barrier3A)
    %dma_start3A = arith.constant 0 : i32
    %dma_start3A_3 = arith.constant 0 : i32
    %dma_start3A_4 = tpu.memref_slice %arg4[%add3A, %dma_start3A, %dma_start3A_3] : memref<32x5000x128xf32, #tpu.memory_space<hbm>> -> memref<1x40x128xf32, #tpu.memory_space<hbm>>
    %dma_start3A_5 = tpu.memref_squeeze %dma_start3A_4 : memref<1x40x128xf32, #tpu.memory_space<hbm>> -> memref<40x128xf32, #tpu.memory_space<hbm>>
    %dma_start3A_6 = arith.constant 0 : i32
    %dma_start3A_7 = arith.constant 0 : i32
    %dma_start3A_8 = tpu.memref_slice %arg4[%add3A, %dma_start3A_6, %dma_start3A_7] : memref<32x5000x128xf32, #tpu.memory_space<hbm>> -> memref<1x40x128xf32, #tpu.memory_space<hbm>>
    %dma_start3A_9 = tpu.memref_squeeze %dma_start3A_8 : memref<1x40x128xf32, #tpu.memory_space<hbm>> -> memref<40x128xf32, #tpu.memory_space<hbm>>
    tpu.enqueue_dma source(%dma_start3A_9 : memref<40x128xf32, #tpu.memory_space<hbm>>) target(%arg11 : memref<40x128xf32, #tpu.memory_space<vmem>>) target_semaphore(%arg15 : memref<!tpu.dma_semaphore, #tpu.memory_space<semaphore_mem>>)
    %dma_start3A_10 = arith.constant 40 : i32
    %dma_start3A_11 = arith.constant 0 : i32
    %dma_start3A_12 = tpu.memref_slice %arg4[%add3A, %dma_start3A_10, %dma_start3A_11] : memref<32x5000x128xf32, #tpu.memory_space<hbm>> -> memref<1x40x128xf32, #tpu.memory_space<hbm>>
    %dma_start3A_13 = tpu.memref_squeeze %dma_start3A_12 : memref<1x40x128xf32, #tpu.memory_space<hbm>> -> memref<40x128xf32, #tpu.memory_space<hbm>>
    %dma_start3A_14 = arith.constant 40 : i32
    %dma_start3A_15 = arith.constant 0 : i32
    %dma_start3A_16 = tpu.memref_slice %arg4[%add3A, %dma_start3A_14, %dma_start3A_15] : memref<32x5000x128xf32, #tpu.memory_space<hbm>> -> memref<1x40x128xf32, #tpu.memory_space<hbm>>
    %dma_start3A_17 = tpu.memref_squeeze %dma_start3A_16 : memref<1x40x128xf32, #tpu.memory_space<hbm>> -> memref<40x128xf32, #tpu.memory_space<hbm>>
    tpu.enqueue_dma source(%dma_start3A_17 : memref<40x128xf32, #tpu.memory_space<hbm>>) target(%arg12 : memref<40x128xf32, #tpu.memory_space<vmem>>) target_semaphore(%arg16 : memref<!tpu.dma_semaphore, #tpu.memory_space<semaphore_mem>>)
    %scan3A = arith.constant 0 : i32
    %scan3A_18 = arith.constant 0 : i32
    %scan3A_19 = arith.constant 62 : i32
    %scan3A_20 = arith.addi %scan3A_18, %scan3A_19 : i32
    %scan3A_21 = arith.constant 1 : i32
    scf.for %scan3A_38 = %scan3A_18 to %scan3A_20 step %scan3A_21  : i32 {
      %mul3A_39 = arith.constant 2 : i32
      %mul3A_40 = arith.muli %mul3A_39, %scan3A_38 : i32
      %mul3A_41 = arith.constant 40 : i32
      %mul3A_42 = arith.muli %mul3A_40, %mul3A_41 : i32
      %dma_wait3A_43 = arith.constant 0 : i32
      %dma_wait3A_44 = tpu.memref_slice %arg4[%add3A, %mul3A_42, %dma_wait3A_43] : memref<32x5000x128xf32, #tpu.memory_space<hbm>> -> memref<1x40x128xf32, #tpu.memory_space<hbm>>
      %dma_wait3A_45 = tpu.memref_squeeze %dma_wait3A_44 : memref<1x40x128xf32, #tpu.memory_space<hbm>> -> memref<40x128xf32, #tpu.memory_space<hbm>>
      %dma_wait3A_46 = arith.constant 0 : i32
      %dma_wait3A_47 = tpu.memref_slice %arg4[%add3A, %mul3A_42, %dma_wait3A_46] : memref<32x5000x128xf32, #tpu.memory_space<hbm>> -> memref<1x40x128xf32, #tpu.memory_space<hbm>>
      %dma_wait3A_48 = tpu.memref_squeeze %dma_wait3A_47 : memref<1x40x128xf32, #tpu.memory_space<hbm>> -> memref<40x128xf32, #tpu.memory_space<hbm>>
      tpu.wait_dma2 semaphore(%arg15 : memref<!tpu.dma_semaphore, #tpu.memory_space<semaphore_mem>>) src(%dma_wait3A_48 : memref<40x128xf32, #tpu.memory_space<hbm>>) dst(%arg11 : memref<40x128xf32, #tpu.memory_space<vmem>>)
      "tpu.region"() ({
        %run_scoped3A_72 = tpu.sem_alloc : memref<!tpu.dma_semaphore, #tpu.memory_space<semaphore_mem>>
        %dma_start3A_73 = arith.constant 0 : i32
        %dma_start3A_74 = tpu.memref_slice %arg9[%mul3A_40, %dma_start3A_73] : memref<125x40xi32, #tpu.memory_space<vmem>> -> memref<1x40xi32, #tpu.memory_space<vmem>>
        %dma_start3A_75 = tpu.memref_squeeze %dma_start3A_74 : memref<1x40xi32, #tpu.memory_space<vmem>> -> memref<40xi32, #tpu.memory_space<vmem>>
        %dma_start3A_76 = arith.constant 0 : i32
        %dma_start3A_77 = arith.constant 0 : i32
        %dma_start3A_78 = tpu.memref_slice %arg14[%dma_start3A_76, %dma_start3A_77] : memref<10000x128xf32, #tpu.memory_space<vmem_shared>> -> memref<10000x128xf32, #tpu.memory_space<vmem_shared>>
        tpu.enqueue_indirect_dma source(%arg11 : memref<40x128xf32, #tpu.memory_space<vmem>>) target(%dma_start3A_78 : memref<10000x128xf32, #tpu.memory_space<vmem_shared>>) offsets(%dma_start3A_75 : memref<40xi32, #tpu.memory_space<vmem>>) semaphore(%run_scoped3A_72 : memref<!tpu.dma_semaphore, #tpu.memory_space<semaphore_mem>>) {add = true}
        %dma_wait3A_79 = arith.constant 0 : i32
        %dma_wait3A_80 = tpu.memref_slice %arg9[%mul3A_40, %dma_wait3A_79] : memref<125x40xi32, #tpu.memory_space<vmem>> -> memref<1x40xi32, #tpu.memory_space<vmem>>
        %dma_wait3A_81 = tpu.memref_squeeze %dma_wait3A_80 : memref<1x40xi32, #tpu.memory_space<vmem>> -> memref<40xi32, #tpu.memory_space<vmem>>
        %dma_wait3A_82 = arith.constant 0 : i32
        %dma_wait3A_83 = arith.constant 0 : i32
        %dma_wait3A_84 = tpu.memref_slice %arg14[%dma_wait3A_82, %dma_wait3A_83] : memref<10000x128xf32, #tpu.memory_space<vmem_shared>> -> memref<10000x128xf32, #tpu.memory_space<vmem_shared>>
        tpu.wait_indirect_dma semaphore(%run_scoped3A_72 : memref<!tpu.dma_semaphore, #tpu.memory_space<semaphore_mem>>) src(%arg11 : memref<40x128xf32, #tpu.memory_space<vmem>>) dst(%dma_wait3A_84 : memref<10000x128xf32, #tpu.memory_space<vmem_shared>>)
        tpu.yield
      }) : () -> ()
      "tpu.region"() ({
        %run_scoped3A_72 = tpu.sem_alloc : memref<!tpu.dma_semaphore, #tpu.memory_space<semaphore_mem>>
        %dma_start3A_73 = arith.constant 0 : i32
        %dma_start3A_74 = tpu.memref_slice %arg10[%mul3A_40, %dma_start3A_73] : memref<125x40xf32, #tpu.memory_space<vmem>> -> memref<1x40xf32, #tpu.memory_space<vmem>>
        %dma_start3A_75 = tpu.memref_squeeze %dma_start3A_74 : memref<1x40xf32, #tpu.memory_space<vmem>> -> memref<40xf32, #tpu.memory_space<vmem>>
        %dma_start3A_76 = arith.constant 0 : i32
        %dma_start3A_77 = tpu.memref_slice %arg9[%mul3A_40, %dma_start3A_76] : memref<125x40xi32, #tpu.memory_space<vmem>> -> memref<1x40xi32, #tpu.memory_space<vmem>>
        %dma_start3A_78 = tpu.memref_squeeze %dma_start3A_77 : memref<1x40xi32, #tpu.memory_space<vmem>> -> memref<40xi32, #tpu.memory_space<vmem>>
        %dma_start3A_79 = arith.constant 0 : i32
        %dma_start3A_80 = tpu.memref_slice %arg13[%dma_start3A_79] : memref<10000xf32, #tpu.memory_space<vmem_shared>> -> memref<10000xf32, #tpu.memory_space<vmem_shared>>
        tpu.enqueue_indirect_dma source(%dma_start3A_75 : memref<40xf32, #tpu.memory_space<vmem>>) target(%dma_start3A_80 : memref<10000xf32, #tpu.memory_space<vmem_shared>>) offsets(%dma_start3A_78 : memref<40xi32, #tpu.memory_space<vmem>>) semaphore(%run_scoped3A_72 : memref<!tpu.dma_semaphore, #tpu.memory_space<semaphore_mem>>) {add = true}
        %dma_wait3A_81 = arith.constant 0 : i32
        %dma_wait3A_82 = tpu.memref_slice %arg10[%mul3A_40, %dma_wait3A_81] : memref<125x40xf32, #tpu.memory_space<vmem>> -> memref<1x40xf32, #tpu.memory_space<vmem>>
        %dma_wait3A_83 = tpu.memref_squeeze %dma_wait3A_82 : memref<1x40xf32, #tpu.memory_space<vmem>> -> memref<40xf32, #tpu.memory_space<vmem>>
        %dma_wait3A_84 = arith.constant 0 : i32
        %dma_wait3A_85 = tpu.memref_slice %arg9[%mul3A_40, %dma_wait3A_84] : memref<125x40xi32, #tpu.memory_space<vmem>> -> memref<1x40xi32, #tpu.memory_space<vmem>>
        %dma_wait3A_86 = tpu.memref_squeeze %dma_wait3A_85 : memref<1x40xi32, #tpu.memory_space<vmem>> -> memref<40xi32, #tpu.memory_space<vmem>>
        %dma_wait3A_87 = arith.constant 0 : i32
        %dma_wait3A_88 = tpu.memref_slice %arg13[%dma_wait3A_87] : memref<10000xf32, #tpu.memory_space<vmem_shared>> -> memref<10000xf32, #tpu.memory_space<vmem_shared>>
        tpu.wait_indirect_dma semaphore(%run_scoped3A_72 : memref<!tpu.dma_semaphore, #tpu.memory_space<semaphore_mem>>) src(%dma_wait3A_83 : memref<40xf32, #tpu.memory_space<vmem>>) dst(%dma_wait3A_88 : memref<10000xf32, #tpu.memory_space<vmem_shared>>)
        tpu.yield
      }) : () -> ()
      %add3A_49 = arith.constant 2 : i32
      %add3A_50 = arith.addi %mul3A_40, %add3A_49 : i32
      %lt3A = arith.constant 125 : i32
      %lt3A_51 = arith.cmpi slt, %add3A_50, %lt3A : i32
      %convert_element_type3A_52 = arith.extui %lt3A_51 : i1 to i32
      %cond3A_53 = arith.constant 0 : i32
      %cond3A_54 = arith.cmpi ne, %convert_element_type3A_52, %cond3A_53 : i32
      scf.if %cond3A_54 {
        %add3A_72 = arith.constant 2 : i32
        %add3A_73 = arith.addi %mul3A_40, %add3A_72 : i32
        %mul3A_74 = arith.constant 40 : i32
        %mul3A_75 = arith.muli %add3A_73, %mul3A_74 : i32
        %dma_start3A_76 = arith.constant 0 : i32
        %dma_start3A_77 = tpu.memref_slice %arg4[%add3A, %mul3A_75, %dma_start3A_76] : memref<32x5000x128xf32, #tpu.memory_space<hbm>> -> memref<1x40x128xf32, #tpu.memory_space<hbm>>
        %dma_start3A_78 = tpu.memref_squeeze %dma_start3A_77 : memref<1x40x128xf32, #tpu.memory_space<hbm>> -> memref<40x128xf32, #tpu.memory_space<hbm>>
        %dma_start3A_79 = arith.constant 0 : i32
        %dma_start3A_80 = tpu.memref_slice %arg4[%add3A, %mul3A_75, %dma_start3A_79] : memref<32x5000x128xf32, #tpu.memory_space<hbm>> -> memref<1x40x128xf32, #tpu.memory_space<hbm>>
        %dma_start3A_81 = tpu.memref_squeeze %dma_start3A_80 : memref<1x40x128xf32, #tpu.memory_space<hbm>> -> memref<40x128xf32, #tpu.memory_space<hbm>>
        tpu.enqueue_dma source(%dma_start3A_81 : memref<40x128xf32, #tpu.memory_space<hbm>>) target(%arg11 : memref<40x128xf32, #tpu.memory_space<vmem>>) target_semaphore(%arg15 : memref<!tpu.dma_semaphore, #tpu.memory_space<semaphore_mem>>)
      } else {
      }
      %add3A_55 = arith.constant 1 : i32
      %add3A_56 = arith.addi %mul3A_40, %add3A_55 : i32
      %mul3A_57 = arith.constant 40 : i32
      %mul3A_58 = arith.muli %add3A_56, %mul3A_57 : i32
      %dma_wait3A_59 = arith.constant 0 : i32
      %dma_wait3A_60 = tpu.memref_slice %arg4[%add3A, %mul3A_58, %dma_wait3A_59] : memref<32x5000x128xf32, #tpu.memory_space<hbm>> -> memref<1x40x128xf32, #tpu.memory_space<hbm>>
      %dma_wait3A_61 = tpu.memref_squeeze %dma_wait3A_60 : memref<1x40x128xf32, #tpu.memory_space<hbm>> -> memref<40x128xf32, #tpu.memory_space<hbm>>
      %dma_wait3A_62 = arith.constant 0 : i32
      %dma_wait3A_63 = tpu.memref_slice %arg4[%add3A, %mul3A_58, %dma_wait3A_62] : memref<32x5000x128xf32, #tpu.memory_space<hbm>> -> memref<1x40x128xf32, #tpu.memory_space<hbm>>
      %dma_wait3A_64 = tpu.memref_squeeze %dma_wait3A_63 : memref<1x40x128xf32, #tpu.memory_space<hbm>> -> memref<40x128xf32, #tpu.memory_space<hbm>>
      tpu.wait_dma2 semaphore(%arg16 : memref<!tpu.dma_semaphore, #tpu.memory_space<semaphore_mem>>) src(%dma_wait3A_64 : memref<40x128xf32, #tpu.memory_space<hbm>>) dst(%arg12 : memref<40x128xf32, #tpu.memory_space<vmem>>)
      "tpu.region"() ({
        %run_scoped3A_72 = tpu.sem_alloc : memref<!tpu.dma_semaphore, #tpu.memory_space<semaphore_mem>>
        %dma_start3A_73 = arith.constant 0 : i32
        %dma_start3A_74 = tpu.memref_slice %arg9[%add3A_56, %dma_start3A_73] : memref<125x40xi32, #tpu.memory_space<vmem>> -> memref<1x40xi32, #tpu.memory_space<vmem>>
        %dma_start3A_75 = tpu.memref_squeeze %dma_start3A_74 : memref<1x40xi32, #tpu.memory_space<vmem>> -> memref<40xi32, #tpu.memory_space<vmem>>
        %dma_start3A_76 = arith.constant 0 : i32
        %dma_start3A_77 = arith.constant 0 : i32
        %dma_start3A_78 = tpu.memref_slice %arg14[%dma_start3A_76, %dma_start3A_77] : memref<10000x128xf32, #tpu.memory_space<vmem_shared>> -> memref<10000x128xf32, #tpu.memory_space<vmem_shared>>
        tpu.enqueue_indirect_dma source(%arg12 : memref<40x128xf32, #tpu.memory_space<vmem>>) target(%dma_start3A_78 : memref<10000x128xf32, #tpu.memory_space<vmem_shared>>) offsets(%dma_start3A_75 : memref<40xi32, #tpu.memory_space<vmem>>) semaphore(%run_scoped3A_72 : memref<!tpu.dma_semaphore, #tpu.memory_space<semaphore_mem>>) {add = true}
        %dma_wait3A_79 = arith.constant 0 : i32
        %dma_wait3A_80 = tpu.memref_slice %arg9[%add3A_56, %dma_wait3A_79] : memref<125x40xi32, #tpu.memory_space<vmem>> -> memref<1x40xi32, #tpu.memory_space<vmem>>
        %dma_wait3A_81 = tpu.memref_squeeze %dma_wait3A_80 : memref<1x40xi32, #tpu.memory_space<vmem>> -> memref<40xi32, #tpu.memory_space<vmem>>
        %dma_wait3A_82 = arith.constant 0 : i32
        %dma_wait3A_83 = arith.constant 0 : i32
        %dma_wait3A_84 = tpu.memref_slice %arg14[%dma_wait3A_82, %dma_wait3A_83] : memref<10000x128xf32, #tpu.memory_space<vmem_shared>> -> memref<10000x128xf32, #tpu.memory_space<vmem_shared>>
        tpu.wait_indirect_dma semaphore(%run_scoped3A_72 : memref<!tpu.dma_semaphore, #tpu.memory_space<semaphore_mem>>) src(%arg12 : memref<40x128xf32, #tpu.memory_space<vmem>>) dst(%dma_wait3A_84 : memref<10000x128xf32, #tpu.memory_space<vmem_shared>>)
        tpu.yield
      }) : () -> ()
      "tpu.region"() ({
        %run_scoped3A_72 = tpu.sem_alloc : memref<!tpu.dma_semaphore, #tpu.memory_space<semaphore_mem>>
        %dma_start3A_73 = arith.constant 0 : i32
        %dma_start3A_74 = tpu.memref_slice %arg10[%add3A_56, %dma_start3A_73] : memref<125x40xf32, #tpu.memory_space<vmem>> -> memref<1x40xf32, #tpu.memory_space<vmem>>
        %dma_start3A_75 = tpu.memref_squeeze %dma_start3A_74 : memref<1x40xf32, #tpu.memory_space<vmem>> -> memref<40xf32, #tpu.memory_space<vmem>>
        %dma_start3A_76 = arith.constant 0 : i32
        %dma_start3A_77 = tpu.memref_slice %arg9[%add3A_56, %dma_start3A_76] : memref<125x40xi32, #tpu.memory_space<vmem>> -> memref<1x40xi32, #tpu.memory_space<vmem>>
        %dma_start3A_78 = tpu.memref_squeeze %dma_start3A_77 : memref<1x40xi32, #tpu.memory_space<vmem>> -> memref<40xi32, #tpu.memory_space<vmem>>
        %dma_start3A_79 = arith.constant 0 : i32
        %dma_start3A_80 = tpu.memref_slice %arg13[%dma_start3A_79] : memref<10000xf32, #tpu.memory_space<vmem_shared>> -> memref<10000xf32, #tpu.memory_space<vmem_shared>>
        tpu.enqueue_indirect_dma source(%dma_start3A_75 : memref<40xf32, #tpu.memory_space<vmem>>) target(%dma_start3A_80 : memref<10000xf32, #tpu.memory_space<vmem_shared>>) offsets(%dma_start3A_78 : memref<40xi32, #tpu.memory_space<vmem>>) semaphore(%run_scoped3A_72 : memref<!tpu.dma_semaphore, #tpu.memory_space<semaphore_mem>>) {add = true}
        %dma_wait3A_81 = arith.constant 0 : i32
        %dma_wait3A_82 = tpu.memref_slice %arg10[%add3A_56, %dma_wait3A_81] : memref<125x40xf32, #tpu.memory_space<vmem>> -> memref<1x40xf32, #tpu.memory_space<vmem>>
        %dma_wait3A_83 = tpu.memref_squeeze %dma_wait3A_82 : memref<1x40xf32, #tpu.memory_space<vmem>> -> memref<40xf32, #tpu.memory_space<vmem>>
        %dma_wait3A_84 = arith.constant 0 : i32
        %dma_wait3A_85 = tpu.memref_slice %arg9[%add3A_56, %dma_wait3A_84] : memref<125x40xi32, #tpu.memory_space<vmem>> -> memref<1x40xi32, #tpu.memory_space<vmem>>
        %dma_wait3A_86 = tpu.memref_squeeze %dma_wait3A_85 : memref<1x40xi32, #tpu.memory_space<vmem>> -> memref<40xi32, #tpu.memory_space<vmem>>
        %dma_wait3A_87 = arith.constant 0 : i32
        %dma_wait3A_88 = tpu.memref_slice %arg13[%dma_wait3A_87] : memref<10000xf32, #tpu.memory_space<vmem_shared>> -> memref<10000xf32, #tpu.memory_space<vmem_shared>>
        tpu.wait_indirect_dma semaphore(%run_scoped3A_72 : memref<!tpu.dma_semaphore, #tpu.memory_space<semaphore_mem>>) src(%dma_wait3A_83 : memref<40xf32, #tpu.memory_space<vmem>>) dst(%dma_wait3A_88 : memref<10000xf32, #tpu.memory_space<vmem_shared>>)
        tpu.yield
      }) : () -> ()
      %add3A_65 = arith.constant 2 : i32
      %add3A_66 = arith.addi %add3A_56, %add3A_65 : i32
      %lt3A_67 = arith.constant 125 : i32
      %lt3A_68 = arith.cmpi slt, %add3A_66, %lt3A_67 : i32
      %convert_element_type3A_69 = arith.extui %lt3A_68 : i1 to i32
      %cond3A_70 = arith.constant 0 : i32
      %cond3A_71 = arith.cmpi ne, %convert_element_type3A_69, %cond3A_70 : i32
      scf.if %cond3A_71 {
        %add3A_72 = arith.constant 2 : i32
        %add3A_73 = arith.addi %add3A_56, %add3A_72 : i32
        %mul3A_74 = arith.constant 40 : i32
        %mul3A_75 = arith.muli %add3A_73, %mul3A_74 : i32
        %dma_start3A_76 = arith.constant 0 : i32
        %dma_start3A_77 = tpu.memref_slice %arg4[%add3A, %mul3A_75, %dma_start3A_76] : memref<32x5000x128xf32, #tpu.memory_space<hbm>> -> memref<1x40x128xf32, #tpu.memory_space<hbm>>
        %dma_start3A_78 = tpu.memref_squeeze %dma_start3A_77 : memref<1x40x128xf32, #tpu.memory_space<hbm>> -> memref<40x128xf32, #tpu.memory_space<hbm>>
        %dma_start3A_79 = arith.constant 0 : i32
        %dma_start3A_80 = tpu.memref_slice %arg4[%add3A, %mul3A_75, %dma_start3A_79] : memref<32x5000x128xf32, #tpu.memory_space<hbm>> -> memref<1x40x128xf32, #tpu.memory_space<hbm>>
        %dma_start3A_81 = tpu.memref_squeeze %dma_start3A_80 : memref<1x40x128xf32, #tpu.memory_space<hbm>> -> memref<40x128xf32, #tpu.memory_space<hbm>>
        tpu.enqueue_dma source(%dma_start3A_81 : memref<40x128xf32, #tpu.memory_space<hbm>>) target(%arg12 : memref<40x128xf32, #tpu.memory_space<vmem>>) target_semaphore(%arg16 : memref<!tpu.dma_semaphore, #tpu.memory_space<semaphore_mem>>)
      } else {
      }
    }
    %scan3A_22 = arith.constant 62 : i32
    %dma_wait3A = arith.constant 4960 : i32
    %dma_wait3A_23 = arith.constant 0 : i32
    %dma_wait3A_24 = tpu.memref_slice %arg4[%add3A, %dma_wait3A, %dma_wait3A_23] : memref<32x5000x128xf32, #tpu.memory_space<hbm>> -> memref<1x40x128xf32, #tpu.memory_space<hbm>>
    %dma_wait3A_25 = tpu.memref_squeeze %dma_wait3A_24 : memref<1x40x128xf32, #tpu.memory_space<hbm>> -> memref<40x128xf32, #tpu.memory_space<hbm>>
    %dma_wait3A_26 = arith.constant 4960 : i32
    %dma_wait3A_27 = arith.constant 0 : i32
    %dma_wait3A_28 = tpu.memref_slice %arg4[%add3A, %dma_wait3A_26, %dma_wait3A_27] : memref<32x5000x128xf32, #tpu.memory_space<hbm>> -> memref<1x40x128xf32, #tpu.memory_space<hbm>>
    %dma_wait3A_29 = tpu.memref_squeeze %dma_wait3A_28 : memref<1x40x128xf32, #tpu.memory_space<hbm>> -> memref<40x128xf32, #tpu.memory_space<hbm>>
    tpu.wait_dma2 semaphore(%arg15 : memref<!tpu.dma_semaphore, #tpu.memory_space<semaphore_mem>>) src(%dma_wait3A_29 : memref<40x128xf32, #tpu.memory_space<hbm>>) dst(%arg11 : memref<40x128xf32, #tpu.memory_space<vmem>>)
    %run_scoped3A = arith.constant 124 : i32
    "tpu.region"() ({
      %run_scoped3A_38 = tpu.sem_alloc : memref<!tpu.dma_semaphore, #tpu.memory_space<semaphore_mem>>
      %dma_start3A_39 = arith.constant 0 : i32
      %dma_start3A_40 = tpu.memref_slice %arg9[%run_scoped3A, %dma_start3A_39] : memref<125x40xi32, #tpu.memory_space<vmem>> -> memref<1x40xi32, #tpu.memory_space<vmem>>
      %dma_start3A_41 = tpu.memref_squeeze %dma_start3A_40 : memref<1x40xi32, #tpu.memory_space<vmem>> -> memref<40xi32, #tpu.memory_space<vmem>>
      %dma_start3A_42 = arith.constant 0 : i32
      %dma_start3A_43 = arith.constant 0 : i32
      %dma_start3A_44 = tpu.memref_slice %arg14[%dma_start3A_42, %dma_start3A_43] : memref<10000x128xf32, #tpu.memory_space<vmem_shared>> -> memref<10000x128xf32, #tpu.memory_space<vmem_shared>>
      tpu.enqueue_indirect_dma source(%arg11 : memref<40x128xf32, #tpu.memory_space<vmem>>) target(%dma_start3A_44 : memref<10000x128xf32, #tpu.memory_space<vmem_shared>>) offsets(%dma_start3A_41 : memref<40xi32, #tpu.memory_space<vmem>>) semaphore(%run_scoped3A_38 : memref<!tpu.dma_semaphore, #tpu.memory_space<semaphore_mem>>) {add = true}
      %dma_wait3A_45 = arith.constant 0 : i32
      %dma_wait3A_46 = tpu.memref_slice %arg9[%run_scoped3A, %dma_wait3A_45] : memref<125x40xi32, #tpu.memory_space<vmem>> -> memref<1x40xi32, #tpu.memory_space<vmem>>
      %dma_wait3A_47 = tpu.memref_squeeze %dma_wait3A_46 : memref<1x40xi32, #tpu.memory_space<vmem>> -> memref<40xi32, #tpu.memory_space<vmem>>
      %dma_wait3A_48 = arith.constant 0 : i32
      %dma_wait3A_49 = arith.constant 0 : i32
      %dma_wait3A_50 = tpu.memref_slice %arg14[%dma_wait3A_48, %dma_wait3A_49] : memref<10000x128xf32, #tpu.memory_space<vmem_shared>> -> memref<10000x128xf32, #tpu.memory_space<vmem_shared>>
      tpu.wait_indirect_dma semaphore(%run_scoped3A_38 : memref<!tpu.dma_semaphore, #tpu.memory_space<semaphore_mem>>) src(%arg11 : memref<40x128xf32, #tpu.memory_space<vmem>>) dst(%dma_wait3A_50 : memref<10000x128xf32, #tpu.memory_space<vmem_shared>>)
      tpu.yield
    }) : () -> ()
    %run_scoped3A_30 = arith.constant 124 : i32
    %run_scoped3A_31 = arith.constant 124 : i32
    "tpu.region"() ({
      %run_scoped3A_38 = tpu.sem_alloc : memref<!tpu.dma_semaphore, #tpu.memory_space<semaphore_mem>>
      %dma_start3A_39 = arith.constant 0 : i32
      %dma_start3A_40 = tpu.memref_slice %arg10[%run_scoped3A_30, %dma_start3A_39] : memref<125x40xf32, #tpu.memory_space<vmem>> -> memref<1x40xf32, #tpu.memory_space<vmem>>
      %dma_start3A_41 = tpu.memref_squeeze %dma_start3A_40 : memref<1x40xf32, #tpu.memory_space<vmem>> -> memref<40xf32, #tpu.memory_space<vmem>>
      %dma_start3A_42 = arith.constant 0 : i32
      %dma_start3A_43 = tpu.memref_slice %arg9[%run_scoped3A_31, %dma_start3A_42] : memref<125x40xi32, #tpu.memory_space<vmem>> -> memref<1x40xi32, #tpu.memory_space<vmem>>
      %dma_start3A_44 = tpu.memref_squeeze %dma_start3A_43 : memref<1x40xi32, #tpu.memory_space<vmem>> -> memref<40xi32, #tpu.memory_space<vmem>>
      %dma_start3A_45 = arith.constant 0 : i32
      %dma_start3A_46 = tpu.memref_slice %arg13[%dma_start3A_45] : memref<10000xf32, #tpu.memory_space<vmem_shared>> -> memref<10000xf32, #tpu.memory_space<vmem_shared>>
      tpu.enqueue_indirect_dma source(%dma_start3A_41 : memref<40xf32, #tpu.memory_space<vmem>>) target(%dma_start3A_46 : memref<10000xf32, #tpu.memory_space<vmem_shared>>) offsets(%dma_start3A_44 : memref<40xi32, #tpu.memory_space<vmem>>) semaphore(%run_scoped3A_38 : memref<!tpu.dma_semaphore, #tpu.memory_space<semaphore_mem>>) {add = true}
      %dma_wait3A_47 = arith.constant 0 : i32
      %dma_wait3A_48 = tpu.memref_slice %arg10[%run_scoped3A_30, %dma_wait3A_47] : memref<125x40xf32, #tpu.memory_space<vmem>> -> memref<1x40xf32, #tpu.memory_space<vmem>>
      %dma_wait3A_49 = tpu.memref_squeeze %dma_wait3A_48 : memref<1x40xf32, #tpu.memory_space<vmem>> -> memref<40xf32, #tpu.memory_space<vmem>>
      %dma_wait3A_50 = arith.constant 0 : i32
      %dma_wait3A_51 = tpu.memref_slice %arg9[%run_scoped3A_31, %dma_wait3A_50] : memref<125x40xi32, #tpu.memory_space<vmem>> -> memref<1x40xi32, #tpu.memory_space<vmem>>
      %dma_wait3A_52 = tpu.memref_squeeze %dma_wait3A_51 : memref<1x40xi32, #tpu.memory_space<vmem>> -> memref<40xi32, #tpu.memory_space<vmem>>
      %dma_wait3A_53 = arith.constant 0 : i32
      %dma_wait3A_54 = tpu.memref_slice %arg13[%dma_wait3A_53] : memref<10000xf32, #tpu.memory_space<vmem_shared>> -> memref<10000xf32, #tpu.memory_space<vmem_shared>>
      tpu.wait_indirect_dma semaphore(%run_scoped3A_38 : memref<!tpu.dma_semaphore, #tpu.memory_space<semaphore_mem>>) src(%dma_wait3A_49 : memref<40xf32, #tpu.memory_space<vmem>>) dst(%dma_wait3A_54 : memref<10000xf32, #tpu.memory_space<vmem_shared>>)
      tpu.yield
    }) : () -> ()
    %barrier3A_32 = arith.constant 0 : index
    tpu.barrier barrier_id(%barrier3A_32)
    %eq3A_33 = arith.constant 0 : i32
    %eq3A_34 = arith.cmpi eq, %arg1, %eq3A_33 : i32
    %convert_element_type3A_35 = arith.extui %eq3A_34 : i1 to i32
    %cond3A_36 = arith.constant 0 : i32
    %cond3A_37 = arith.cmpi ne, %convert_element_type3A_35, %cond3A_36 : i32
    scf.if %cond3A_37 {
      "tpu.region"() ({
        %run_scoped3A_38 = tpu.sem_alloc : memref<!tpu.dma_semaphore, #tpu.memory_space<semaphore_mem>>
        %dma_start3A_39 = arith.constant 0 : i32
        %dma_start3A_40 = tpu.memref_slice %arg7[%arg0, %dma_start3A_39] : memref<2x10000xf32, #tpu.memory_space<hbm>> -> memref<1x10000xf32, #tpu.memory_space<hbm>>
        %dma_start3A_41 = tpu.memref_squeeze %dma_start3A_40 : memref<1x10000xf32, #tpu.memory_space<hbm>> -> memref<10000xf32, #tpu.memory_space<hbm>>
        tpu.enqueue_dma source(%arg13 : memref<10000xf32, #tpu.memory_space<vmem_shared>>) target(%dma_start3A_41 : memref<10000xf32, #tpu.memory_space<hbm>>) target_semaphore(%run_scoped3A_38 : memref<!tpu.dma_semaphore, #tpu.memory_space<semaphore_mem>>)
        %dma_wait3A_42 = arith.constant 0 : i32
        %dma_wait3A_43 = tpu.memref_slice %arg7[%arg0, %dma_wait3A_42] : memref<2x10000xf32, #tpu.memory_space<hbm>> -> memref<1x10000xf32, #tpu.memory_space<hbm>>
        %dma_wait3A_44 = tpu.memref_squeeze %dma_wait3A_43 : memref<1x10000xf32, #tpu.memory_space<hbm>> -> memref<10000xf32, #tpu.memory_space<hbm>>
        tpu.wait_dma2 semaphore(%run_scoped3A_38 : memref<!tpu.dma_semaphore, #tpu.memory_space<semaphore_mem>>) src(%arg13 : memref<10000xf32, #tpu.memory_space<vmem_shared>>) dst(%dma_wait3A_44 : memref<10000xf32, #tpu.memory_space<hbm>>)
        tpu.yield
      }) : () -> ()
      "tpu.region"() ({
        %run_scoped3A_38 = tpu.sem_alloc : memref<!tpu.dma_semaphore, #tpu.memory_space<semaphore_mem>>
        %dma_start3A_39 = arith.constant 0 : i32
        %dma_start3A_40 = arith.constant 0 : i32
        %dma_start3A_41 = tpu.memref_slice %arg8[%arg0, %dma_start3A_39, %dma_start3A_40] : memref<2x10000x128xf32, #tpu.memory_space<hbm>> -> memref<1x10000x128xf32, #tpu.memory_space<hbm>>
        %dma_start3A_42 = tpu.memref_squeeze %dma_start3A_41 : memref<1x10000x128xf32, #tpu.memory_space<hbm>> -> memref<10000x128xf32, #tpu.memory_space<hbm>>
        tpu.enqueue_dma source(%arg14 : memref<10000x128xf32, #tpu.memory_space<vmem_shared>>) target(%dma_start3A_42 : memref<10000x128xf32, #tpu.memory_space<hbm>>) target_semaphore(%run_scoped3A_38 : memref<!tpu.dma_semaphore, #tpu.memory_space<semaphore_mem>>)
        %dma_wait3A_43 = arith.constant 0 : i32
        %dma_wait3A_44 = arith.constant 0 : i32
        %dma_wait3A_45 = tpu.memref_slice %arg8[%arg0, %dma_wait3A_43, %dma_wait3A_44] : memref<2x10000x128xf32, #tpu.memory_space<hbm>> -> memref<1x10000x128xf32, #tpu.memory_space<hbm>>
        %dma_wait3A_46 = tpu.memref_squeeze %dma_wait3A_45 : memref<1x10000x128xf32, #tpu.memory_space<hbm>> -> memref<10000x128xf32, #tpu.memory_space<hbm>>
        tpu.wait_dma2 semaphore(%run_scoped3A_38 : memref<!tpu.dma_semaphore, #tpu.memory_space<semaphore_mem>>) src(%arg14 : memref<10000x128xf32, #tpu.memory_space<vmem_shared>>) dst(%dma_wait3A_46 : memref<10000x128xf32, #tpu.memory_space<hbm>>)
        tpu.yield
      }) : () -> ()
    } else {
    }
    return
  }
}

#map = affine_map<(d0, d1) -> (0, 0)>
#map1 = affine_map<(d0, d1) -> (0, 0, 0)>
module attributes {stable_mosaic.version = 14 : i64} {
  func.func @_gather_rows(%arg0: i32, %arg1: i32, %arg2: memref<10000x128xf32, #tpu.memory_space<hbm>>, %arg3: memref<32x125x40xi32, #tpu.memory_space<hbm>>, %arg4: memref<32x125x40xi32, #tpu.memory_space<hbm>>, %arg5: memref<32x5000x128xf32, #tpu.memory_space<hbm>>, %arg6: memref<32x5000x128xf32, #tpu.memory_space<hbm>>, %arg7: memref<125x40xi32, #tpu.memory_space<vmem>>, %arg8: memref<40x128xf32, #tpu.memory_space<vmem>>, %arg9: memref<40x128xf32, #tpu.memory_space<vmem>>, %arg10: memref<40x128xf32, #tpu.memory_space<vmem>>, %arg11: memref<40x128xf32, #tpu.memory_space<vmem>>, %arg12: memref<40x128xf32, #tpu.memory_space<vmem>>, %arg13: memref<!tpu.dma_semaphore, #tpu.memory_space<semaphore_mem>>, %arg14: memref<!tpu.dma_semaphore, #tpu.memory_space<semaphore_mem>>, %arg15: memref<!tpu.dma_semaphore, #tpu.memory_space<semaphore_mem>>, %arg16: memref<!tpu.dma_semaphore, #tpu.memory_space<semaphore_mem>>, %arg17: memref<!tpu.dma_semaphore, #tpu.memory_space<semaphore_mem>>, %arg18: memref<!tpu.dma_semaphore, #tpu.memory_space<semaphore_mem>>, %arg19: memref<!tpu.dma_semaphore, #tpu.memory_space<semaphore_mem>>, %arg20: memref<!tpu.dma_semaphore, #tpu.memory_space<semaphore_mem>>, %arg21: memref<!tpu.dma_semaphore, #tpu.memory_space<semaphore_mem>>, %arg22: memref<!tpu.dma_semaphore, #tpu.memory_space<semaphore_mem>>) attributes {dimension_semantics = [#tpu.dimension_semantics<core_parallel>, #tpu.dimension_semantics<subcore_parallel>], iteration_bounds = array<i64: 2, 16>, scalar_prefetch = 0 : i64, scratch_operands = 16 : i64, tpu.core_type = #tpu.core_type<sc_vector_subcore>, window_params = [{transform_indices = #map}, {transform_indices = #map1}, {transform_indices = #map1}, {transform_indices = #map1}, {transform_indices = #map1}]} {
    %mul3A = arith.constant 2 : i32
    %mul3A_0 = arith.muli %arg1, %mul3A : i32
    %add3A = arith.addi %mul3A_0, %arg0 : i32
    "tpu.region"() ({
      %run_scoped3A = tpu.sem_alloc : memref<!tpu.dma_semaphore, #tpu.memory_space<semaphore_mem>>
      %dma_start3A_81 = arith.constant 0 : i32
      %dma_start3A_82 = arith.constant 0 : i32
      %dma_start3A_83 = tpu.memref_slice %arg3[%add3A, %dma_start3A_81, %dma_start3A_82] : memref<32x125x40xi32, #tpu.memory_space<hbm>> -> memref<1x125x40xi32, #tpu.memory_space<hbm>>
      %dma_start3A_84 = tpu.memref_squeeze %dma_start3A_83 : memref<1x125x40xi32, #tpu.memory_space<hbm>> -> memref<125x40xi32, #tpu.memory_space<hbm>>
      %dma_start3A_85 = arith.constant 0 : i32
      %dma_start3A_86 = arith.constant 0 : i32
      %dma_start3A_87 = tpu.memref_slice %arg3[%add3A, %dma_start3A_85, %dma_start3A_86] : memref<32x125x40xi32, #tpu.memory_space<hbm>> -> memref<1x125x40xi32, #tpu.memory_space<hbm>>
      %dma_start3A_88 = tpu.memref_squeeze %dma_start3A_87 : memref<1x125x40xi32, #tpu.memory_space<hbm>> -> memref<125x40xi32, #tpu.memory_space<hbm>>
      tpu.enqueue_dma source(%dma_start3A_88 : memref<125x40xi32, #tpu.memory_space<hbm>>) target(%arg7 : memref<125x40xi32, #tpu.memory_space<vmem>>) target_semaphore(%run_scoped3A : memref<!tpu.dma_semaphore, #tpu.memory_space<semaphore_mem>>)
      %dma_wait3A = arith.constant 0 : i32
      %dma_wait3A_89 = arith.constant 0 : i32
      %dma_wait3A_90 = tpu.memref_slice %arg3[%add3A, %dma_wait3A, %dma_wait3A_89] : memref<32x125x40xi32, #tpu.memory_space<hbm>> -> memref<1x125x40xi32, #tpu.memory_space<hbm>>
      %dma_wait3A_91 = tpu.memref_squeeze %dma_wait3A_90 : memref<1x125x40xi32, #tpu.memory_space<hbm>> -> memref<125x40xi32, #tpu.memory_space<hbm>>
      %dma_wait3A_92 = arith.constant 0 : i32
      %dma_wait3A_93 = arith.constant 0 : i32
      %dma_wait3A_94 = tpu.memref_slice %arg3[%add3A, %dma_wait3A_92, %dma_wait3A_93] : memref<32x125x40xi32, #tpu.memory_space<hbm>> -> memref<1x125x40xi32, #tpu.memory_space<hbm>>
      %dma_wait3A_95 = tpu.memref_squeeze %dma_wait3A_94 : memref<1x125x40xi32, #tpu.memory_space<hbm>> -> memref<125x40xi32, #tpu.memory_space<hbm>>
      tpu.wait_dma2 semaphore(%run_scoped3A : memref<!tpu.dma_semaphore, #tpu.memory_space<semaphore_mem>>) src(%dma_wait3A_95 : memref<125x40xi32, #tpu.memory_space<hbm>>) dst(%arg7 : memref<125x40xi32, #tpu.memory_space<vmem>>)
      tpu.yield
    }) : () -> ()
    %dma_start3A = arith.constant 0 : i32
    %dma_start3A_1 = arith.constant 0 : i32
    %dma_start3A_2 = tpu.memref_slice %arg7[%dma_start3A, %dma_start3A_1] : memref<125x40xi32, #tpu.memory_space<vmem>> -> memref<1x40xi32, #tpu.memory_space<vmem>>
    %dma_start3A_3 = tpu.memref_squeeze %dma_start3A_2 : memref<1x40xi32, #tpu.memory_space<vmem>> -> memref<40xi32, #tpu.memory_space<vmem>>
    %dma_start3A_4 = arith.constant 0 : i32
    %dma_start3A_5 = arith.constant 0 : i32
    %dma_start3A_6 = tpu.memref_slice %arg2[%dma_start3A_4, %dma_start3A_5] : memref<10000x128xf32, #tpu.memory_space<hbm>> -> memref<10000x128xf32, #tpu.memory_space<hbm>>
    tpu.enqueue_indirect_dma source(%dma_start3A_6 : memref<10000x128xf32, #tpu.memory_space<hbm>>) target(%arg8 : memref<40x128xf32, #tpu.memory_space<vmem>>) offsets(%dma_start3A_3 : memref<40xi32, #tpu.memory_space<vmem>>) semaphore(%arg13 : memref<!tpu.dma_semaphore, #tpu.memory_space<semaphore_mem>>)
    %dma_start3A_7 = arith.constant 1 : i32
    %dma_start3A_8 = arith.constant 0 : i32
    %dma_start3A_9 = tpu.memref_slice %arg7[%dma_start3A_7, %dma_start3A_8] : memref<125x40xi32, #tpu.memory_space<vmem>> -> memref<1x40xi32, #tpu.memory_space<vmem>>
    %dma_start3A_10 = tpu.memref_squeeze %dma_start3A_9 : memref<1x40xi32, #tpu.memory_space<vmem>> -> memref<40xi32, #tpu.memory_space<vmem>>
    %dma_start3A_11 = arith.constant 0 : i32
    %dma_start3A_12 = arith.constant 0 : i32
    %dma_start3A_13 = tpu.memref_slice %arg2[%dma_start3A_11, %dma_start3A_12] : memref<10000x128xf32, #tpu.memory_space<hbm>> -> memref<10000x128xf32, #tpu.memory_space<hbm>>
    tpu.enqueue_indirect_dma source(%dma_start3A_13 : memref<10000x128xf32, #tpu.memory_space<hbm>>) target(%arg9 : memref<40x128xf32, #tpu.memory_space<vmem>>) offsets(%dma_start3A_10 : memref<40xi32, #tpu.memory_space<vmem>>) semaphore(%arg14 : memref<!tpu.dma_semaphore, #tpu.memory_space<semaphore_mem>>)
    %dma_start3A_14 = arith.constant 2 : i32
    %dma_start3A_15 = arith.constant 0 : i32
    %dma_start3A_16 = tpu.memref_slice %arg7[%dma_start3A_14, %dma_start3A_15] : memref<125x40xi32, #tpu.memory_space<vmem>> -> memref<1x40xi32, #tpu.memory_space<vmem>>
    %dma_start3A_17 = tpu.memref_squeeze %dma_start3A_16 : memref<1x40xi32, #tpu.memory_space<vmem>> -> memref<40xi32, #tpu.memory_space<vmem>>
    %dma_start3A_18 = arith.constant 0 : i32
    %dma_start3A_19 = arith.constant 0 : i32
    %dma_start3A_20 = tpu.memref_slice %arg2[%dma_start3A_18, %dma_start3A_19] : memref<10000x128xf32, #tpu.memory_space<hbm>> -> memref<10000x128xf32, #tpu.memory_space<hbm>>
    tpu.enqueue_indirect_dma source(%dma_start3A_20 : memref<10000x128xf32, #tpu.memory_space<hbm>>) target(%arg10 : memref<40x128xf32, #tpu.memory_space<vmem>>) offsets(%dma_start3A_17 : memref<40xi32, #tpu.memory_space<vmem>>) semaphore(%arg15 : memref<!tpu.dma_semaphore, #tpu.memory_space<semaphore_mem>>)
    %dma_start3A_21 = arith.constant 3 : i32
    %dma_start3A_22 = arith.constant 0 : i32
    %dma_start3A_23 = tpu.memref_slice %arg7[%dma_start3A_21, %dma_start3A_22] : memref<125x40xi32, #tpu.memory_space<vmem>> -> memref<1x40xi32, #tpu.memory_space<vmem>>
    %dma_start3A_24 = tpu.memref_squeeze %dma_start3A_23 : memref<1x40xi32, #tpu.memory_space<vmem>> -> memref<40xi32, #tpu.memory_space<vmem>>
    %dma_start3A_25 = arith.constant 0 : i32
    %dma_start3A_26 = arith.constant 0 : i32
    %dma_start3A_27 = tpu.memref_slice %arg2[%dma_start3A_25, %dma_start3A_26] : memref<10000x128xf32, #tpu.memory_space<hbm>> -> memref<10000x128xf32, #tpu.memory_space<hbm>>
    tpu.enqueue_indirect_dma source(%dma_start3A_27 : memref<10000x128xf32, #tpu.memory_space<hbm>>) target(%arg11 : memref<40x128xf32, #tpu.memory_space<vmem>>) offsets(%dma_start3A_24 : memref<40xi32, #tpu.memory_space<vmem>>) semaphore(%arg16 : memref<!tpu.dma_semaphore, #tpu.memory_space<semaphore_mem>>)
    %dma_start3A_28 = arith.constant 4 : i32
    %dma_start3A_29 = arith.constant 0 : i32
    %dma_start3A_30 = tpu.memref_slice %arg7[%dma_start3A_28, %dma_start3A_29] : memref<125x40xi32, #tpu.memory_space<vmem>> -> memref<1x40xi32, #tpu.memory_space<vmem>>
    %dma_start3A_31 = tpu.memref_squeeze %dma_start3A_30 : memref<1x40xi32, #tpu.memory_space<vmem>> -> memref<40xi32, #tpu.memory_space<vmem>>
    %dma_start3A_32 = arith.constant 0 : i32
    %dma_start3A_33 = arith.constant 0 : i32
    %dma_start3A_34 = tpu.memref_slice %arg2[%dma_start3A_32, %dma_start3A_33] : memref<10000x128xf32, #tpu.memory_space<hbm>> -> memref<10000x128xf32, #tpu.memory_space<hbm>>
    tpu.enqueue_indirect_dma source(%dma_start3A_34 : memref<10000x128xf32, #tpu.memory_space<hbm>>) target(%arg12 : memref<40x128xf32, #tpu.memory_space<vmem>>) offsets(%dma_start3A_31 : memref<40xi32, #tpu.memory_space<vmem>>) semaphore(%arg17 : memref<!tpu.dma_semaphore, #tpu.memory_space<semaphore_mem>>)
    %scan3A = arith.constant 0 : i32
    %scan3A_35 = arith.constant 0 : i32
    %scan3A_36 = arith.constant 25 : i32
    %scan3A_37 = arith.addi %scan3A_35, %scan3A_36 : i32
    %scan3A_38 = arith.constant 1 : i32
    scf.for %scan3A_81 = %scan3A_35 to %scan3A_37 step %scan3A_38  : i32 {
      %mul3A_82 = arith.constant 5 : i32
      %mul3A_83 = arith.muli %mul3A_82, %scan3A_81 : i32
      %add3A_84 = arith.constant 0 : i32
      %add3A_85 = arith.addi %mul3A_83, %add3A_84 : i32
      %dma_wait3A = arith.constant 0 : i32
      %dma_wait3A_86 = tpu.memref_slice %arg7[%add3A_85, %dma_wait3A] : memref<125x40xi32, #tpu.memory_space<vmem>> -> memref<1x40xi32, #tpu.memory_space<vmem>>
      %dma_wait3A_87 = tpu.memref_squeeze %dma_wait3A_86 : memref<1x40xi32, #tpu.memory_space<vmem>> -> memref<40xi32, #tpu.memory_space<vmem>>
      %dma_wait3A_88 = arith.constant 0 : i32
      %dma_wait3A_89 = arith.constant 0 : i32
      %dma_wait3A_90 = tpu.memref_slice %arg2[%dma_wait3A_88, %dma_wait3A_89] : memref<10000x128xf32, #tpu.memory_space<hbm>> -> memref<10000x128xf32, #tpu.memory_space<hbm>>
      tpu.wait_indirect_dma semaphore(%arg13 : memref<!tpu.dma_semaphore, #tpu.memory_space<semaphore_mem>>) src(%dma_wait3A_90 : memref<10000x128xf32, #tpu.memory_space<hbm>>) dst(%arg8 : memref<40x128xf32, #tpu.memory_space<vmem>>)
      %add3A_91 = arith.constant 0 : i32
      %add3A_92 = arith.addi %mul3A_83, %add3A_91 : i32
      %mul3A_93 = arith.constant 40 : i32
      %mul3A_94 = arith.muli %add3A_92, %mul3A_93 : i32
      %dma_start3A_95 = arith.constant 0 : i32
      %dma_start3A_96 = tpu.memref_slice %arg5[%add3A, %mul3A_94, %dma_start3A_95] : memref<32x5000x128xf32, #tpu.memory_space<hbm>> -> memref<1x40x128xf32, #tpu.memory_space<hbm>>
      %dma_start3A_97 = tpu.memref_squeeze %dma_start3A_96 : memref<1x40x128xf32, #tpu.memory_space<hbm>> -> memref<40x128xf32, #tpu.memory_space<hbm>>
      %dma_start3A_98 = arith.constant 0 : i32
      %dma_start3A_99 = tpu.memref_slice %arg5[%add3A, %mul3A_94, %dma_start3A_98] : memref<32x5000x128xf32, #tpu.memory_space<hbm>> -> memref<1x40x128xf32, #tpu.memory_space<hbm>>
      %dma_start3A_100 = tpu.memref_squeeze %dma_start3A_99 : memref<1x40x128xf32, #tpu.memory_space<hbm>> -> memref<40x128xf32, #tpu.memory_space<hbm>>
      tpu.enqueue_dma source(%arg8 : memref<40x128xf32, #tpu.memory_space<vmem>>) target(%dma_start3A_100 : memref<40x128xf32, #tpu.memory_space<hbm>>) target_semaphore(%arg18 : memref<!tpu.dma_semaphore, #tpu.memory_space<semaphore_mem>>)
      %add3A_101 = arith.constant 1 : i32
      %add3A_102 = arith.addi %mul3A_83, %add3A_101 : i32
      %dma_wait3A_103 = arith.constant 0 : i32
      %dma_wait3A_104 = tpu.memref_slice %arg7[%add3A_102, %dma_wait3A_103] : memref<125x40xi32, #tpu.memory_space<vmem>> -> memref<1x40xi32, #tpu.memory_space<vmem>>
      %dma_wait3A_105 = tpu.memref_squeeze %dma_wait3A_104 : memref<1x40xi32, #tpu.memory_space<vmem>> -> memref<40xi32, #tpu.memory_space<vmem>>
      %dma_wait3A_106 = arith.constant 0 : i32
      %dma_wait3A_107 = arith.constant 0 : i32
      %dma_wait3A_108 = tpu.memref_slice %arg2[%dma_wait3A_106, %dma_wait3A_107] : memref<10000x128xf32, #tpu.memory_space<hbm>> -> memref<10000x128xf32, #tpu.memory_space<hbm>>
      tpu.wait_indirect_dma semaphore(%arg14 : memref<!tpu.dma_semaphore, #tpu.memory_space<semaphore_mem>>) src(%dma_wait3A_108 : memref<10000x128xf32, #tpu.memory_space<hbm>>) dst(%arg9 : memref<40x128xf32, #tpu.memory_space<vmem>>)
      %add3A_109 = arith.constant 1 : i32
      %add3A_110 = arith.addi %mul3A_83, %add3A_109 : i32
      %mul3A_111 = arith.constant 40 : i32
      %mul3A_112 = arith.muli %add3A_110, %mul3A_111 : i32
      %dma_start3A_113 = arith.constant 0 : i32
      %dma_start3A_114 = tpu.memref_slice %arg5[%add3A, %mul3A_112, %dma_start3A_113] : memref<32x5000x128xf32, #tpu.memory_space<hbm>> -> memref<1x40x128xf32, #tpu.memory_space<hbm>>
      %dma_start3A_115 = tpu.memref_squeeze %dma_start3A_114 : memref<1x40x128xf32, #tpu.memory_space<hbm>> -> memref<40x128xf32, #tpu.memory_space<hbm>>
      %dma_start3A_116 = arith.constant 0 : i32
      %dma_start3A_117 = tpu.memref_slice %arg5[%add3A, %mul3A_112, %dma_start3A_116] : memref<32x5000x128xf32, #tpu.memory_space<hbm>> -> memref<1x40x128xf32, #tpu.memory_space<hbm>>
      %dma_start3A_118 = tpu.memref_squeeze %dma_start3A_117 : memref<1x40x128xf32, #tpu.memory_space<hbm>> -> memref<40x128xf32, #tpu.memory_space<hbm>>
      tpu.enqueue_dma source(%arg9 : memref<40x128xf32, #tpu.memory_space<vmem>>) target(%dma_start3A_118 : memref<40x128xf32, #tpu.memory_space<hbm>>) target_semaphore(%arg19 : memref<!tpu.dma_semaphore, #tpu.memory_space<semaphore_mem>>)
      %add3A_119 = arith.constant 2 : i32
      %add3A_120 = arith.addi %mul3A_83, %add3A_119 : i32
      %dma_wait3A_121 = arith.constant 0 : i32
      %dma_wait3A_122 = tpu.memref_slice %arg7[%add3A_120, %dma_wait3A_121] : memref<125x40xi32, #tpu.memory_space<vmem>> -> memref<1x40xi32, #tpu.memory_space<vmem>>
      %dma_wait3A_123 = tpu.memref_squeeze %dma_wait3A_122 : memref<1x40xi32, #tpu.memory_space<vmem>> -> memref<40xi32, #tpu.memory_space<vmem>>
      %dma_wait3A_124 = arith.constant 0 : i32
      %dma_wait3A_125 = arith.constant 0 : i32
      %dma_wait3A_126 = tpu.memref_slice %arg2[%dma_wait3A_124, %dma_wait3A_125] : memref<10000x128xf32, #tpu.memory_space<hbm>> -> memref<10000x128xf32, #tpu.memory_space<hbm>>
      tpu.wait_indirect_dma semaphore(%arg15 : memref<!tpu.dma_semaphore, #tpu.memory_space<semaphore_mem>>) src(%dma_wait3A_126 : memref<10000x128xf32, #tpu.memory_space<hbm>>) dst(%arg10 : memref<40x128xf32, #tpu.memory_space<vmem>>)
      %add3A_127 = arith.constant 2 : i32
      %add3A_128 = arith.addi %mul3A_83, %add3A_127 : i32
      %mul3A_129 = arith.constant 40 : i32
      %mul3A_130 = arith.muli %add3A_128, %mul3A_129 : i32
      %dma_start3A_131 = arith.constant 0 : i32
      %dma_start3A_132 = tpu.memref_slice %arg5[%add3A, %mul3A_130, %dma_start3A_131] : memref<32x5000x128xf32, #tpu.memory_space<hbm>> -> memref<1x40x128xf32, #tpu.memory_space<hbm>>
      %dma_start3A_133 = tpu.memref_squeeze %dma_start3A_132 : memref<1x40x128xf32, #tpu.memory_space<hbm>> -> memref<40x128xf32, #tpu.memory_space<hbm>>
      %dma_start3A_134 = arith.constant 0 : i32
      %dma_start3A_135 = tpu.memref_slice %arg5[%add3A, %mul3A_130, %dma_start3A_134] : memref<32x5000x128xf32, #tpu.memory_space<hbm>> -> memref<1x40x128xf32, #tpu.memory_space<hbm>>
      %dma_start3A_136 = tpu.memref_squeeze %dma_start3A_135 : memref<1x40x128xf32, #tpu.memory_space<hbm>> -> memref<40x128xf32, #tpu.memory_space<hbm>>
      tpu.enqueue_dma source(%arg10 : memref<40x128xf32, #tpu.memory_space<vmem>>) target(%dma_start3A_136 : memref<40x128xf32, #tpu.memory_space<hbm>>) target_semaphore(%arg20 : memref<!tpu.dma_semaphore, #tpu.memory_space<semaphore_mem>>)
      %add3A_137 = arith.constant 3 : i32
      %add3A_138 = arith.addi %mul3A_83, %add3A_137 : i32
      %dma_wait3A_139 = arith.constant 0 : i32
      %dma_wait3A_140 = tpu.memref_slice %arg7[%add3A_138, %dma_wait3A_139] : memref<125x40xi32, #tpu.memory_space<vmem>> -> memref<1x40xi32, #tpu.memory_space<vmem>>
      %dma_wait3A_141 = tpu.memref_squeeze %dma_wait3A_140 : memref<1x40xi32, #tpu.memory_space<vmem>> -> memref<40xi32, #tpu.memory_space<vmem>>
      %dma_wait3A_142 = arith.constant 0 : i32
      %dma_wait3A_143 = arith.constant 0 : i32
      %dma_wait3A_144 = tpu.memref_slice %arg2[%dma_wait3A_142, %dma_wait3A_143] : memref<10000x128xf32, #tpu.memory_space<hbm>> -> memref<10000x128xf32, #tpu.memory_space<hbm>>
      tpu.wait_indirect_dma semaphore(%arg16 : memref<!tpu.dma_semaphore, #tpu.memory_space<semaphore_mem>>) src(%dma_wait3A_144 : memref<10000x128xf32, #tpu.memory_space<hbm>>) dst(%arg11 : memref<40x128xf32, #tpu.memory_space<vmem>>)
      %add3A_145 = arith.constant 3 : i32
      %add3A_146 = arith.addi %mul3A_83, %add3A_145 : i32
      %mul3A_147 = arith.constant 40 : i32
      %mul3A_148 = arith.muli %add3A_146, %mul3A_147 : i32
      %dma_start3A_149 = arith.constant 0 : i32
      %dma_start3A_150 = tpu.memref_slice %arg5[%add3A, %mul3A_148, %dma_start3A_149] : memref<32x5000x128xf32, #tpu.memory_space<hbm>> -> memref<1x40x128xf32, #tpu.memory_space<hbm>>
      %dma_start3A_151 = tpu.memref_squeeze %dma_start3A_150 : memref<1x40x128xf32, #tpu.memory_space<hbm>> -> memref<40x128xf32, #tpu.memory_space<hbm>>
      %dma_start3A_152 = arith.constant 0 : i32
      %dma_start3A_153 = tpu.memref_slice %arg5[%add3A, %mul3A_148, %dma_start3A_152] : memref<32x5000x128xf32, #tpu.memory_space<hbm>> -> memref<1x40x128xf32, #tpu.memory_space<hbm>>
      %dma_start3A_154 = tpu.memref_squeeze %dma_start3A_153 : memref<1x40x128xf32, #tpu.memory_space<hbm>> -> memref<40x128xf32, #tpu.memory_space<hbm>>
      tpu.enqueue_dma source(%arg11 : memref<40x128xf32, #tpu.memory_space<vmem>>) target(%dma_start3A_154 : memref<40x128xf32, #tpu.memory_space<hbm>>) target_semaphore(%arg21 : memref<!tpu.dma_semaphore, #tpu.memory_space<semaphore_mem>>)
      %add3A_155 = arith.constant 4 : i32
      %add3A_156 = arith.addi %mul3A_83, %add3A_155 : i32
      %dma_wait3A_157 = arith.constant 0 : i32
      %dma_wait3A_158 = tpu.memref_slice %arg7[%add3A_156, %dma_wait3A_157] : memref<125x40xi32, #tpu.memory_space<vmem>> -> memref<1x40xi32, #tpu.memory_space<vmem>>
      %dma_wait3A_159 = tpu.memref_squeeze %dma_wait3A_158 : memref<1x40xi32, #tpu.memory_space<vmem>> -> memref<40xi32, #tpu.memory_space<vmem>>
      %dma_wait3A_160 = arith.constant 0 : i32
      %dma_wait3A_161 = arith.constant 0 : i32
      %dma_wait3A_162 = tpu.memref_slice %arg2[%dma_wait3A_160, %dma_wait3A_161] : memref<10000x128xf32, #tpu.memory_space<hbm>> -> memref<10000x128xf32, #tpu.memory_space<hbm>>
      tpu.wait_indirect_dma semaphore(%arg17 : memref<!tpu.dma_semaphore, #tpu.memory_space<semaphore_mem>>) src(%dma_wait3A_162 : memref<10000x128xf32, #tpu.memory_space<hbm>>) dst(%arg12 : memref<40x128xf32, #tpu.memory_space<vmem>>)
      %add3A_163 = arith.constant 4 : i32
      %add3A_164 = arith.addi %mul3A_83, %add3A_163 : i32
      %mul3A_165 = arith.constant 40 : i32
      %mul3A_166 = arith.muli %add3A_164, %mul3A_165 : i32
      %dma_start3A_167 = arith.constant 0 : i32
      %dma_start3A_168 = tpu.memref_slice %arg5[%add3A, %mul3A_166, %dma_start3A_167] : memref<32x5000x128xf32, #tpu.memory_space<hbm>> -> memref<1x40x128xf32, #tpu.memory_space<hbm>>
      %dma_start3A_169 = tpu.memref_squeeze %dma_start3A_168 : memref<1x40x128xf32, #tpu.memory_space<hbm>> -> memref<40x128xf32, #tpu.memory_space<hbm>>
      %dma_start3A_170 = arith.constant 0 : i32
      %dma_start3A_171 = tpu.memref_slice %arg5[%add3A, %mul3A_166, %dma_start3A_170] : memref<32x5000x128xf32, #tpu.memory_space<hbm>> -> memref<1x40x128xf32, #tpu.memory_space<hbm>>
      %dma_start3A_172 = tpu.memref_squeeze %dma_start3A_171 : memref<1x40x128xf32, #tpu.memory_space<hbm>> -> memref<40x128xf32, #tpu.memory_space<hbm>>
      tpu.enqueue_dma source(%arg12 : memref<40x128xf32, #tpu.memory_space<vmem>>) target(%dma_start3A_172 : memref<40x128xf32, #tpu.memory_space<hbm>>) target_semaphore(%arg22 : memref<!tpu.dma_semaphore, #tpu.memory_space<semaphore_mem>>)
      %add3A_173 = arith.constant 0 : i32
      %add3A_174 = arith.addi %mul3A_83, %add3A_173 : i32
      %mul3A_175 = arith.constant 40 : i32
      %mul3A_176 = arith.muli %add3A_174, %mul3A_175 : i32
      %dma_wait3A_177 = arith.constant 0 : i32
      %dma_wait3A_178 = tpu.memref_slice %arg5[%add3A, %mul3A_176, %dma_wait3A_177] : memref<32x5000x128xf32, #tpu.memory_space<hbm>> -> memref<1x40x128xf32, #tpu.memory_space<hbm>>
      %dma_wait3A_179 = tpu.memref_squeeze %dma_wait3A_178 : memref<1x40x128xf32, #tpu.memory_space<hbm>> -> memref<40x128xf32, #tpu.memory_space<hbm>>
      %dma_wait3A_180 = arith.constant 0 : i32
      %dma_wait3A_181 = tpu.memref_slice %arg5[%add3A, %mul3A_176, %dma_wait3A_180] : memref<32x5000x128xf32, #tpu.memory_space<hbm>> -> memref<1x40x128xf32, #tpu.memory_space<hbm>>
      %dma_wait3A_182 = tpu.memref_squeeze %dma_wait3A_181 : memref<1x40x128xf32, #tpu.memory_space<hbm>> -> memref<40x128xf32, #tpu.memory_space<hbm>>
      tpu.wait_dma2 semaphore(%arg18 : memref<!tpu.dma_semaphore, #tpu.memory_space<semaphore_mem>>) src(%arg8 : memref<40x128xf32, #tpu.memory_space<vmem>>) dst(%dma_wait3A_182 : memref<40x128xf32, #tpu.memory_space<hbm>>)
      %add3A_183 = arith.constant 0 : i32
      %add3A_184 = arith.addi %mul3A_83, %add3A_183 : i32
      %add3A_185 = arith.constant 5 : i32
      %add3A_186 = arith.addi %add3A_184, %add3A_185 : i32
      %lt3A = arith.constant 125 : i32
      %lt3A_187 = arith.cmpi slt, %add3A_186, %lt3A : i32
      %convert_element_type3A = arith.extui %lt3A_187 : i1 to i32
      %cond3A = arith.constant 0 : i32
      %cond3A_188 = arith.cmpi ne, %convert_element_type3A, %cond3A : i32
      scf.if %cond3A_188 {
        %add3A_265 = arith.constant 0 : i32
        %add3A_266 = arith.addi %mul3A_83, %add3A_265 : i32
        %add3A_267 = arith.constant 5 : i32
        %add3A_268 = arith.addi %add3A_266, %add3A_267 : i32
        %dma_start3A_269 = arith.constant 0 : i32
        %dma_start3A_270 = tpu.memref_slice %arg7[%add3A_268, %dma_start3A_269] : memref<125x40xi32, #tpu.memory_space<vmem>> -> memref<1x40xi32, #tpu.memory_space<vmem>>
        %dma_start3A_271 = tpu.memref_squeeze %dma_start3A_270 : memref<1x40xi32, #tpu.memory_space<vmem>> -> memref<40xi32, #tpu.memory_space<vmem>>
        %dma_start3A_272 = arith.constant 0 : i32
        %dma_start3A_273 = arith.constant 0 : i32
        %dma_start3A_274 = tpu.memref_slice %arg2[%dma_start3A_272, %dma_start3A_273] : memref<10000x128xf32, #tpu.memory_space<hbm>> -> memref<10000x128xf32, #tpu.memory_space<hbm>>
        tpu.enqueue_indirect_dma source(%dma_start3A_274 : memref<10000x128xf32, #tpu.memory_space<hbm>>) target(%arg8 : memref<40x128xf32, #tpu.memory_space<vmem>>) offsets(%dma_start3A_271 : memref<40xi32, #tpu.memory_space<vmem>>) semaphore(%arg13 : memref<!tpu.dma_semaphore, #tpu.memory_space<semaphore_mem>>)
      } else {
      }
      %add3A_189 = arith.constant 1 : i32
      %add3A_190 = arith.addi %mul3A_83, %add3A_189 : i32
      %mul3A_191 = arith.constant 40 : i32
      %mul3A_192 = arith.muli %add3A_190, %mul3A_191 : i32
      %dma_wait3A_193 = arith.constant 0 : i32
      %dma_wait3A_194 = tpu.memref_slice %arg5[%add3A, %mul3A_192, %dma_wait3A_193] : memref<32x5000x128xf32, #tpu.memory_space<hbm>> -> memref<1x40x128xf32, #tpu.memory_space<hbm>>
      %dma_wait3A_195 = tpu.memref_squeeze %dma_wait3A_194 : memref<1x40x128xf32, #tpu.memory_space<hbm>> -> memref<40x128xf32, #tpu.memory_space<hbm>>
      %dma_wait3A_196 = arith.constant 0 : i32
      %dma_wait3A_197 = tpu.memref_slice %arg5[%add3A, %mul3A_192, %dma_wait3A_196] : memref<32x5000x128xf32, #tpu.memory_space<hbm>> -> memref<1x40x128xf32, #tpu.memory_space<hbm>>
      %dma_wait3A_198 = tpu.memref_squeeze %dma_wait3A_197 : memref<1x40x128xf32, #tpu.memory_space<hbm>> -> memref<40x128xf32, #tpu.memory_space<hbm>>
      tpu.wait_dma2 semaphore(%arg19 : memref<!tpu.dma_semaphore, #tpu.memory_space<semaphore_mem>>) src(%arg9 : memref<40x128xf32, #tpu.memory_space<vmem>>) dst(%dma_wait3A_198 : memref<40x128xf32, #tpu.memory_space<hbm>>)
      %add3A_199 = arith.constant 1 : i32
      %add3A_200 = arith.addi %mul3A_83, %add3A_199 : i32
      %add3A_201 = arith.constant 5 : i32
      %add3A_202 = arith.addi %add3A_200, %add3A_201 : i32
      %lt3A_203 = arith.constant 125 : i32
      %lt3A_204 = arith.cmpi slt, %add3A_202, %lt3A_203 : i32
      %convert_element_type3A_205 = arith.extui %lt3A_204 : i1 to i32
      %cond3A_206 = arith.constant 0 : i32
      %cond3A_207 = arith.cmpi ne, %convert_element_type3A_205, %cond3A_206 : i32
      scf.if %cond3A_207 {
        %add3A_265 = arith.constant 1 : i32
        %add3A_266 = arith.addi %mul3A_83, %add3A_265 : i32
        %add3A_267 = arith.constant 5 : i32
        %add3A_268 = arith.addi %add3A_266, %add3A_267 : i32
        %dma_start3A_269 = arith.constant 0 : i32
        %dma_start3A_270 = tpu.memref_slice %arg7[%add3A_268, %dma_start3A_269] : memref<125x40xi32, #tpu.memory_space<vmem>> -> memref<1x40xi32, #tpu.memory_space<vmem>>
        %dma_start3A_271 = tpu.memref_squeeze %dma_start3A_270 : memref<1x40xi32, #tpu.memory_space<vmem>> -> memref<40xi32, #tpu.memory_space<vmem>>
        %dma_start3A_272 = arith.constant 0 : i32
        %dma_start3A_273 = arith.constant 0 : i32
        %dma_start3A_274 = tpu.memref_slice %arg2[%dma_start3A_272, %dma_start3A_273] : memref<10000x128xf32, #tpu.memory_space<hbm>> -> memref<10000x128xf32, #tpu.memory_space<hbm>>
        tpu.enqueue_indirect_dma source(%dma_start3A_274 : memref<10000x128xf32, #tpu.memory_space<hbm>>) target(%arg9 : memref<40x128xf32, #tpu.memory_space<vmem>>) offsets(%dma_start3A_271 : memref<40xi32, #tpu.memory_space<vmem>>) semaphore(%arg14 : memref<!tpu.dma_semaphore, #tpu.memory_space<semaphore_mem>>)
      } else {
      }
      %add3A_208 = arith.constant 2 : i32
      %add3A_209 = arith.addi %mul3A_83, %add3A_208 : i32
      %mul3A_210 = arith.constant 40 : i32
      %mul3A_211 = arith.muli %add3A_209, %mul3A_210 : i32
      %dma_wait3A_212 = arith.constant 0 : i32
      %dma_wait3A_213 = tpu.memref_slice %arg5[%add3A, %mul3A_211, %dma_wait3A_212] : memref<32x5000x128xf32, #tpu.memory_space<hbm>> -> memref<1x40x128xf32, #tpu.memory_space<hbm>>
      %dma_wait3A_214 = tpu.memref_squeeze %dma_wait3A_213 : memref<1x40x128xf32, #tpu.memory_space<hbm>> -> memref<40x128xf32, #tpu.memory_space<hbm>>
      %dma_wait3A_215 = arith.constant 0 : i32
      %dma_wait3A_216 = tpu.memref_slice %arg5[%add3A, %mul3A_211, %dma_wait3A_215] : memref<32x5000x128xf32, #tpu.memory_space<hbm>> -> memref<1x40x128xf32, #tpu.memory_space<hbm>>
      %dma_wait3A_217 = tpu.memref_squeeze %dma_wait3A_216 : memref<1x40x128xf32, #tpu.memory_space<hbm>> -> memref<40x128xf32, #tpu.memory_space<hbm>>
      tpu.wait_dma2 semaphore(%arg20 : memref<!tpu.dma_semaphore, #tpu.memory_space<semaphore_mem>>) src(%arg10 : memref<40x128xf32, #tpu.memory_space<vmem>>) dst(%dma_wait3A_217 : memref<40x128xf32, #tpu.memory_space<hbm>>)
      %add3A_218 = arith.constant 2 : i32
      %add3A_219 = arith.addi %mul3A_83, %add3A_218 : i32
      %add3A_220 = arith.constant 5 : i32
      %add3A_221 = arith.addi %add3A_219, %add3A_220 : i32
      %lt3A_222 = arith.constant 125 : i32
      %lt3A_223 = arith.cmpi slt, %add3A_221, %lt3A_222 : i32
      %convert_element_type3A_224 = arith.extui %lt3A_223 : i1 to i32
      %cond3A_225 = arith.constant 0 : i32
      %cond3A_226 = arith.cmpi ne, %convert_element_type3A_224, %cond3A_225 : i32
      scf.if %cond3A_226 {
        %add3A_265 = arith.constant 2 : i32
        %add3A_266 = arith.addi %mul3A_83, %add3A_265 : i32
        %add3A_267 = arith.constant 5 : i32
        %add3A_268 = arith.addi %add3A_266, %add3A_267 : i32
        %dma_start3A_269 = arith.constant 0 : i32
        %dma_start3A_270 = tpu.memref_slice %arg7[%add3A_268, %dma_start3A_269] : memref<125x40xi32, #tpu.memory_space<vmem>> -> memref<1x40xi32, #tpu.memory_space<vmem>>
        %dma_start3A_271 = tpu.memref_squeeze %dma_start3A_270 : memref<1x40xi32, #tpu.memory_space<vmem>> -> memref<40xi32, #tpu.memory_space<vmem>>
        %dma_start3A_272 = arith.constant 0 : i32
        %dma_start3A_273 = arith.constant 0 : i32
        %dma_start3A_274 = tpu.memref_slice %arg2[%dma_start3A_272, %dma_start3A_273] : memref<10000x128xf32, #tpu.memory_space<hbm>> -> memref<10000x128xf32, #tpu.memory_space<hbm>>
        tpu.enqueue_indirect_dma source(%dma_start3A_274 : memref<10000x128xf32, #tpu.memory_space<hbm>>) target(%arg10 : memref<40x128xf32, #tpu.memory_space<vmem>>) offsets(%dma_start3A_271 : memref<40xi32, #tpu.memory_space<vmem>>) semaphore(%arg15 : memref<!tpu.dma_semaphore, #tpu.memory_space<semaphore_mem>>)
      } else {
      }
      %add3A_227 = arith.constant 3 : i32
      %add3A_228 = arith.addi %mul3A_83, %add3A_227 : i32
      %mul3A_229 = arith.constant 40 : i32
      %mul3A_230 = arith.muli %add3A_228, %mul3A_229 : i32
      %dma_wait3A_231 = arith.constant 0 : i32
      %dma_wait3A_232 = tpu.memref_slice %arg5[%add3A, %mul3A_230, %dma_wait3A_231] : memref<32x5000x128xf32, #tpu.memory_space<hbm>> -> memref<1x40x128xf32, #tpu.memory_space<hbm>>
      %dma_wait3A_233 = tpu.memref_squeeze %dma_wait3A_232 : memref<1x40x128xf32, #tpu.memory_space<hbm>> -> memref<40x128xf32, #tpu.memory_space<hbm>>
      %dma_wait3A_234 = arith.constant 0 : i32
      %dma_wait3A_235 = tpu.memref_slice %arg5[%add3A, %mul3A_230, %dma_wait3A_234] : memref<32x5000x128xf32, #tpu.memory_space<hbm>> -> memref<1x40x128xf32, #tpu.memory_space<hbm>>
      %dma_wait3A_236 = tpu.memref_squeeze %dma_wait3A_235 : memref<1x40x128xf32, #tpu.memory_space<hbm>> -> memref<40x128xf32, #tpu.memory_space<hbm>>
      tpu.wait_dma2 semaphore(%arg21 : memref<!tpu.dma_semaphore, #tpu.memory_space<semaphore_mem>>) src(%arg11 : memref<40x128xf32, #tpu.memory_space<vmem>>) dst(%dma_wait3A_236 : memref<40x128xf32, #tpu.memory_space<hbm>>)
      %add3A_237 = arith.constant 3 : i32
      %add3A_238 = arith.addi %mul3A_83, %add3A_237 : i32
      %add3A_239 = arith.constant 5 : i32
      %add3A_240 = arith.addi %add3A_238, %add3A_239 : i32
      %lt3A_241 = arith.constant 125 : i32
      %lt3A_242 = arith.cmpi slt, %add3A_240, %lt3A_241 : i32
      %convert_element_type3A_243 = arith.extui %lt3A_242 : i1 to i32
      %cond3A_244 = arith.constant 0 : i32
      %cond3A_245 = arith.cmpi ne, %convert_element_type3A_243, %cond3A_244 : i32
      scf.if %cond3A_245 {
        %add3A_265 = arith.constant 3 : i32
        %add3A_266 = arith.addi %mul3A_83, %add3A_265 : i32
        %add3A_267 = arith.constant 5 : i32
        %add3A_268 = arith.addi %add3A_266, %add3A_267 : i32
        %dma_start3A_269 = arith.constant 0 : i32
        %dma_start3A_270 = tpu.memref_slice %arg7[%add3A_268, %dma_start3A_269] : memref<125x40xi32, #tpu.memory_space<vmem>> -> memref<1x40xi32, #tpu.memory_space<vmem>>
        %dma_start3A_271 = tpu.memref_squeeze %dma_start3A_270 : memref<1x40xi32, #tpu.memory_space<vmem>> -> memref<40xi32, #tpu.memory_space<vmem>>
        %dma_start3A_272 = arith.constant 0 : i32
        %dma_start3A_273 = arith.constant 0 : i32
        %dma_start3A_274 = tpu.memref_slice %arg2[%dma_start3A_272, %dma_start3A_273] : memref<10000x128xf32, #tpu.memory_space<hbm>> -> memref<10000x128xf32, #tpu.memory_space<hbm>>
        tpu.enqueue_indirect_dma source(%dma_start3A_274 : memref<10000x128xf32, #tpu.memory_space<hbm>>) target(%arg11 : memref<40x128xf32, #tpu.memory_space<vmem>>) offsets(%dma_start3A_271 : memref<40xi32, #tpu.memory_space<vmem>>) semaphore(%arg16 : memref<!tpu.dma_semaphore, #tpu.memory_space<semaphore_mem>>)
      } else {
      }
      %add3A_246 = arith.constant 4 : i32
      %add3A_247 = arith.addi %mul3A_83, %add3A_246 : i32
      %mul3A_248 = arith.constant 40 : i32
      %mul3A_249 = arith.muli %add3A_247, %mul3A_248 : i32
      %dma_wait3A_250 = arith.constant 0 : i32
      %dma_wait3A_251 = tpu.memref_slice %arg5[%add3A, %mul3A_249, %dma_wait3A_250] : memref<32x5000x128xf32, #tpu.memory_space<hbm>> -> memref<1x40x128xf32, #tpu.memory_space<hbm>>
      %dma_wait3A_252 = tpu.memref_squeeze %dma_wait3A_251 : memref<1x40x128xf32, #tpu.memory_space<hbm>> -> memref<40x128xf32, #tpu.memory_space<hbm>>
      %dma_wait3A_253 = arith.constant 0 : i32
      %dma_wait3A_254 = tpu.memref_slice %arg5[%add3A, %mul3A_249, %dma_wait3A_253] : memref<32x5000x128xf32, #tpu.memory_space<hbm>> -> memref<1x40x128xf32, #tpu.memory_space<hbm>>
      %dma_wait3A_255 = tpu.memref_squeeze %dma_wait3A_254 : memref<1x40x128xf32, #tpu.memory_space<hbm>> -> memref<40x128xf32, #tpu.memory_space<hbm>>
      tpu.wait_dma2 semaphore(%arg22 : memref<!tpu.dma_semaphore, #tpu.memory_space<semaphore_mem>>) src(%arg12 : memref<40x128xf32, #tpu.memory_space<vmem>>) dst(%dma_wait3A_255 : memref<40x128xf32, #tpu.memory_space<hbm>>)
      %add3A_256 = arith.constant 4 : i32
      %add3A_257 = arith.addi %mul3A_83, %add3A_256 : i32
      %add3A_258 = arith.constant 5 : i32
      %add3A_259 = arith.addi %add3A_257, %add3A_258 : i32
      %lt3A_260 = arith.constant 125 : i32
      %lt3A_261 = arith.cmpi slt, %add3A_259, %lt3A_260 : i32
      %convert_element_type3A_262 = arith.extui %lt3A_261 : i1 to i32
      %cond3A_263 = arith.constant 0 : i32
      %cond3A_264 = arith.cmpi ne, %convert_element_type3A_262, %cond3A_263 : i32
      scf.if %cond3A_264 {
        %add3A_265 = arith.constant 4 : i32
        %add3A_266 = arith.addi %mul3A_83, %add3A_265 : i32
        %add3A_267 = arith.constant 5 : i32
        %add3A_268 = arith.addi %add3A_266, %add3A_267 : i32
        %dma_start3A_269 = arith.constant 0 : i32
        %dma_start3A_270 = tpu.memref_slice %arg7[%add3A_268, %dma_start3A_269] : memref<125x40xi32, #tpu.memory_space<vmem>> -> memref<1x40xi32, #tpu.memory_space<vmem>>
        %dma_start3A_271 = tpu.memref_squeeze %dma_start3A_270 : memref<1x40xi32, #tpu.memory_space<vmem>> -> memref<40xi32, #tpu.memory_space<vmem>>
        %dma_start3A_272 = arith.constant 0 : i32
        %dma_start3A_273 = arith.constant 0 : i32
        %dma_start3A_274 = tpu.memref_slice %arg2[%dma_start3A_272, %dma_start3A_273] : memref<10000x128xf32, #tpu.memory_space<hbm>> -> memref<10000x128xf32, #tpu.memory_space<hbm>>
        tpu.enqueue_indirect_dma source(%dma_start3A_274 : memref<10000x128xf32, #tpu.memory_space<hbm>>) target(%arg12 : memref<40x128xf32, #tpu.memory_space<vmem>>) offsets(%dma_start3A_271 : memref<40xi32, #tpu.memory_space<vmem>>) semaphore(%arg17 : memref<!tpu.dma_semaphore, #tpu.memory_space<semaphore_mem>>)
      } else {
      }
    }
    %scan3A_39 = arith.constant 25 : i32
    "tpu.region"() ({
      %run_scoped3A = tpu.sem_alloc : memref<!tpu.dma_semaphore, #tpu.memory_space<semaphore_mem>>
      %dma_start3A_81 = arith.constant 0 : i32
      %dma_start3A_82 = arith.constant 0 : i32
      %dma_start3A_83 = tpu.memref_slice %arg4[%add3A, %dma_start3A_81, %dma_start3A_82] : memref<32x125x40xi32, #tpu.memory_space<hbm>> -> memref<1x125x40xi32, #tpu.memory_space<hbm>>
      %dma_start3A_84 = tpu.memref_squeeze %dma_start3A_83 : memref<1x125x40xi32, #tpu.memory_space<hbm>> -> memref<125x40xi32, #tpu.memory_space<hbm>>
      %dma_start3A_85 = arith.constant 0 : i32
      %dma_start3A_86 = arith.constant 0 : i32
      %dma_start3A_87 = tpu.memref_slice %arg4[%add3A, %dma_start3A_85, %dma_start3A_86] : memref<32x125x40xi32, #tpu.memory_space<hbm>> -> memref<1x125x40xi32, #tpu.memory_space<hbm>>
      %dma_start3A_88 = tpu.memref_squeeze %dma_start3A_87 : memref<1x125x40xi32, #tpu.memory_space<hbm>> -> memref<125x40xi32, #tpu.memory_space<hbm>>
      tpu.enqueue_dma source(%dma_start3A_88 : memref<125x40xi32, #tpu.memory_space<hbm>>) target(%arg7 : memref<125x40xi32, #tpu.memory_space<vmem>>) target_semaphore(%run_scoped3A : memref<!tpu.dma_semaphore, #tpu.memory_space<semaphore_mem>>)
      %dma_wait3A = arith.constant 0 : i32
      %dma_wait3A_89 = arith.constant 0 : i32
      %dma_wait3A_90 = tpu.memref_slice %arg4[%add3A, %dma_wait3A, %dma_wait3A_89] : memref<32x125x40xi32, #tpu.memory_space<hbm>> -> memref<1x125x40xi32, #tpu.memory_space<hbm>>
      %dma_wait3A_91 = tpu.memref_squeeze %dma_wait3A_90 : memref<1x125x40xi32, #tpu.memory_space<hbm>> -> memref<125x40xi32, #tpu.memory_space<hbm>>
      %dma_wait3A_92 = arith.constant 0 : i32
      %dma_wait3A_93 = arith.constant 0 : i32
      %dma_wait3A_94 = tpu.memref_slice %arg4[%add3A, %dma_wait3A_92, %dma_wait3A_93] : memref<32x125x40xi32, #tpu.memory_space<hbm>> -> memref<1x125x40xi32, #tpu.memory_space<hbm>>
      %dma_wait3A_95 = tpu.memref_squeeze %dma_wait3A_94 : memref<1x125x40xi32, #tpu.memory_space<hbm>> -> memref<125x40xi32, #tpu.memory_space<hbm>>
      tpu.wait_dma2 semaphore(%run_scoped3A : memref<!tpu.dma_semaphore, #tpu.memory_space<semaphore_mem>>) src(%dma_wait3A_95 : memref<125x40xi32, #tpu.memory_space<hbm>>) dst(%arg7 : memref<125x40xi32, #tpu.memory_space<vmem>>)
      tpu.yield
    }) : () -> ()
    %dma_start3A_40 = arith.constant 0 : i32
    %dma_start3A_41 = arith.constant 0 : i32
    %dma_start3A_42 = tpu.memref_slice %arg7[%dma_start3A_40, %dma_start3A_41] : memref<125x40xi32, #tpu.memory_space<vmem>> -> memref<1x40xi32, #tpu.memory_space<vmem>>
    %dma_start3A_43 = tpu.memref_squeeze %dma_start3A_42 : memref<1x40xi32, #tpu.memory_space<vmem>> -> memref<40xi32, #tpu.memory_space<vmem>>
    %dma_start3A_44 = arith.constant 0 : i32
    %dma_start3A_45 = arith.constant 0 : i32
    %dma_start3A_46 = tpu.memref_slice %arg2[%dma_start3A_44, %dma_start3A_45] : memref<10000x128xf32, #tpu.memory_space<hbm>> -> memref<10000x128xf32, #tpu.memory_space<hbm>>
    tpu.enqueue_indirect_dma source(%dma_start3A_46 : memref<10000x128xf32, #tpu.memory_space<hbm>>) target(%arg8 : memref<40x128xf32, #tpu.memory_space<vmem>>) offsets(%dma_start3A_43 : memref<40xi32, #tpu.memory_space<vmem>>) semaphore(%arg13 : memref<!tpu.dma_semaphore, #tpu.memory_space<semaphore_mem>>)
    %dma_start3A_47 = arith.constant 1 : i32
    %dma_start3A_48 = arith.constant 0 : i32
    %dma_start3A_49 = tpu.memref_slice %arg7[%dma_start3A_47, %dma_start3A_48] : memref<125x40xi32, #tpu.memory_space<vmem>> -> memref<1x40xi32, #tpu.memory_space<vmem>>
    %dma_start3A_50 = tpu.memref_squeeze %dma_start3A_49 : memref<1x40xi32, #tpu.memory_space<vmem>> -> memref<40xi32, #tpu.memory_space<vmem>>
    %dma_start3A_51 = arith.constant 0 : i32
    %dma_start3A_52 = arith.constant 0 : i32
    %dma_start3A_53 = tpu.memref_slice %arg2[%dma_start3A_51, %dma_start3A_52] : memref<10000x128xf32, #tpu.memory_space<hbm>> -> memref<10000x128xf32, #tpu.memory_space<hbm>>
    tpu.enqueue_indirect_dma source(%dma_start3A_53 : memref<10000x128xf32, #tpu.memory_space<hbm>>) target(%arg9 : memref<40x128xf32, #tpu.memory_space<vmem>>) offsets(%dma_start3A_50 : memref<40xi32, #tpu.memory_space<vmem>>) semaphore(%arg14 : memref<!tpu.dma_semaphore, #tpu.memory_space<semaphore_mem>>)
    %dma_start3A_54 = arith.constant 2 : i32
    %dma_start3A_55 = arith.constant 0 : i32
    %dma_start3A_56 = tpu.memref_slice %arg7[%dma_start3A_54, %dma_start3A_55] : memref<125x40xi32, #tpu.memory_space<vmem>> -> memref<1x40xi32, #tpu.memory_space<vmem>>
    %dma_start3A_57 = tpu.memref_squeeze %dma_start3A_56 : memref<1x40xi32, #tpu.memory_space<vmem>> -> memref<40xi32, #tpu.memory_space<vmem>>
    %dma_start3A_58 = arith.constant 0 : i32
    %dma_start3A_59 = arith.constant 0 : i32
    %dma_start3A_60 = tpu.memref_slice %arg2[%dma_start3A_58, %dma_start3A_59] : memref<10000x128xf32, #tpu.memory_space<hbm>> -> memref<10000x128xf32, #tpu.memory_space<hbm>>
    tpu.enqueue_indirect_dma source(%dma_start3A_60 : memref<10000x128xf32, #tpu.memory_space<hbm>>) target(%arg10 : memref<40x128xf32, #tpu.memory_space<vmem>>) offsets(%dma_start3A_57 : memref<40xi32, #tpu.memory_space<vmem>>) semaphore(%arg15 : memref<!tpu.dma_semaphore, #tpu.memory_space<semaphore_mem>>)
    %dma_start3A_61 = arith.constant 3 : i32
    %dma_start3A_62 = arith.constant 0 : i32
    %dma_start3A_63 = tpu.memref_slice %arg7[%dma_start3A_61, %dma_start3A_62] : memref<125x40xi32, #tpu.memory_space<vmem>> -> memref<1x40xi32, #tpu.memory_space<vmem>>
    %dma_start3A_64 = tpu.memref_squeeze %dma_start3A_63 : memref<1x40xi32, #tpu.memory_space<vmem>> -> memref<40xi32, #tpu.memory_space<vmem>>
    %dma_start3A_65 = arith.constant 0 : i32
    %dma_start3A_66 = arith.constant 0 : i32
    %dma_start3A_67 = tpu.memref_slice %arg2[%dma_start3A_65, %dma_start3A_66] : memref<10000x128xf32, #tpu.memory_space<hbm>> -> memref<10000x128xf32, #tpu.memory_space<hbm>>
    tpu.enqueue_indirect_dma source(%dma_start3A_67 : memref<10000x128xf32, #tpu.memory_space<hbm>>) target(%arg11 : memref<40x128xf32, #tpu.memory_space<vmem>>) offsets(%dma_start3A_64 : memref<40xi32, #tpu.memory_space<vmem>>) semaphore(%arg16 : memref<!tpu.dma_semaphore, #tpu.memory_space<semaphore_mem>>)
    %dma_start3A_68 = arith.constant 4 : i32
    %dma_start3A_69 = arith.constant 0 : i32
    %dma_start3A_70 = tpu.memref_slice %arg7[%dma_start3A_68, %dma_start3A_69] : memref<125x40xi32, #tpu.memory_space<vmem>> -> memref<1x40xi32, #tpu.memory_space<vmem>>
    %dma_start3A_71 = tpu.memref_squeeze %dma_start3A_70 : memref<1x40xi32, #tpu.memory_space<vmem>> -> memref<40xi32, #tpu.memory_space<vmem>>
    %dma_start3A_72 = arith.constant 0 : i32
    %dma_start3A_73 = arith.constant 0 : i32
    %dma_start3A_74 = tpu.memref_slice %arg2[%dma_start3A_72, %dma_start3A_73] : memref<10000x128xf32, #tpu.memory_space<hbm>> -> memref<10000x128xf32, #tpu.memory_space<hbm>>
    tpu.enqueue_indirect_dma source(%dma_start3A_74 : memref<10000x128xf32, #tpu.memory_space<hbm>>) target(%arg12 : memref<40x128xf32, #tpu.memory_space<vmem>>) offsets(%dma_start3A_71 : memref<40xi32, #tpu.memory_space<vmem>>) semaphore(%arg17 : memref<!tpu.dma_semaphore, #tpu.memory_space<semaphore_mem>>)
    %scan3A_75 = arith.constant 0 : i32
    %scan3A_76 = arith.constant 0 : i32
    %scan3A_77 = arith.constant 25 : i32
    %scan3A_78 = arith.addi %scan3A_76, %scan3A_77 : i32
    %scan3A_79 = arith.constant 1 : i32
    scf.for %scan3A_81 = %scan3A_76 to %scan3A_78 step %scan3A_79  : i32 {
      %mul3A_82 = arith.constant 5 : i32
      %mul3A_83 = arith.muli %mul3A_82, %scan3A_81 : i32
      %add3A_84 = arith.constant 0 : i32
      %add3A_85 = arith.addi %mul3A_83, %add3A_84 : i32
      %dma_wait3A = arith.constant 0 : i32
      %dma_wait3A_86 = tpu.memref_slice %arg7[%add3A_85, %dma_wait3A] : memref<125x40xi32, #tpu.memory_space<vmem>> -> memref<1x40xi32, #tpu.memory_space<vmem>>
      %dma_wait3A_87 = tpu.memref_squeeze %dma_wait3A_86 : memref<1x40xi32, #tpu.memory_space<vmem>> -> memref<40xi32, #tpu.memory_space<vmem>>
      %dma_wait3A_88 = arith.constant 0 : i32
      %dma_wait3A_89 = arith.constant 0 : i32
      %dma_wait3A_90 = tpu.memref_slice %arg2[%dma_wait3A_88, %dma_wait3A_89] : memref<10000x128xf32, #tpu.memory_space<hbm>> -> memref<10000x128xf32, #tpu.memory_space<hbm>>
      tpu.wait_indirect_dma semaphore(%arg13 : memref<!tpu.dma_semaphore, #tpu.memory_space<semaphore_mem>>) src(%dma_wait3A_90 : memref<10000x128xf32, #tpu.memory_space<hbm>>) dst(%arg8 : memref<40x128xf32, #tpu.memory_space<vmem>>)
      %add3A_91 = arith.constant 0 : i32
      %add3A_92 = arith.addi %mul3A_83, %add3A_91 : i32
      %mul3A_93 = arith.constant 40 : i32
      %mul3A_94 = arith.muli %add3A_92, %mul3A_93 : i32
      %dma_start3A_95 = arith.constant 0 : i32
      %dma_start3A_96 = tpu.memref_slice %arg6[%add3A, %mul3A_94, %dma_start3A_95] : memref<32x5000x128xf32, #tpu.memory_space<hbm>> -> memref<1x40x128xf32, #tpu.memory_space<hbm>>
      %dma_start3A_97 = tpu.memref_squeeze %dma_start3A_96 : memref<1x40x128xf32, #tpu.memory_space<hbm>> -> memref<40x128xf32, #tpu.memory_space<hbm>>
      %dma_start3A_98 = arith.constant 0 : i32
      %dma_start3A_99 = tpu.memref_slice %arg6[%add3A, %mul3A_94, %dma_start3A_98] : memref<32x5000x128xf32, #tpu.memory_space<hbm>> -> memref<1x40x128xf32, #tpu.memory_space<hbm>>
      %dma_start3A_100 = tpu.memref_squeeze %dma_start3A_99 : memref<1x40x128xf32, #tpu.memory_space<hbm>> -> memref<40x128xf32, #tpu.memory_space<hbm>>
      tpu.enqueue_dma source(%arg8 : memref<40x128xf32, #tpu.memory_space<vmem>>) target(%dma_start3A_100 : memref<40x128xf32, #tpu.memory_space<hbm>>) target_semaphore(%arg18 : memref<!tpu.dma_semaphore, #tpu.memory_space<semaphore_mem>>)
      %add3A_101 = arith.constant 1 : i32
      %add3A_102 = arith.addi %mul3A_83, %add3A_101 : i32
      %dma_wait3A_103 = arith.constant 0 : i32
      %dma_wait3A_104 = tpu.memref_slice %arg7[%add3A_102, %dma_wait3A_103] : memref<125x40xi32, #tpu.memory_space<vmem>> -> memref<1x40xi32, #tpu.memory_space<vmem>>
      %dma_wait3A_105 = tpu.memref_squeeze %dma_wait3A_104 : memref<1x40xi32, #tpu.memory_space<vmem>> -> memref<40xi32, #tpu.memory_space<vmem>>
      %dma_wait3A_106 = arith.constant 0 : i32
      %dma_wait3A_107 = arith.constant 0 : i32
      %dma_wait3A_108 = tpu.memref_slice %arg2[%dma_wait3A_106, %dma_wait3A_107] : memref<10000x128xf32, #tpu.memory_space<hbm>> -> memref<10000x128xf32, #tpu.memory_space<hbm>>
      tpu.wait_indirect_dma semaphore(%arg14 : memref<!tpu.dma_semaphore, #tpu.memory_space<semaphore_mem>>) src(%dma_wait3A_108 : memref<10000x128xf32, #tpu.memory_space<hbm>>) dst(%arg9 : memref<40x128xf32, #tpu.memory_space<vmem>>)
      %add3A_109 = arith.constant 1 : i32
      %add3A_110 = arith.addi %mul3A_83, %add3A_109 : i32
      %mul3A_111 = arith.constant 40 : i32
      %mul3A_112 = arith.muli %add3A_110, %mul3A_111 : i32
      %dma_start3A_113 = arith.constant 0 : i32
      %dma_start3A_114 = tpu.memref_slice %arg6[%add3A, %mul3A_112, %dma_start3A_113] : memref<32x5000x128xf32, #tpu.memory_space<hbm>> -> memref<1x40x128xf32, #tpu.memory_space<hbm>>
      %dma_start3A_115 = tpu.memref_squeeze %dma_start3A_114 : memref<1x40x128xf32, #tpu.memory_space<hbm>> -> memref<40x128xf32, #tpu.memory_space<hbm>>
      %dma_start3A_116 = arith.constant 0 : i32
      %dma_start3A_117 = tpu.memref_slice %arg6[%add3A, %mul3A_112, %dma_start3A_116] : memref<32x5000x128xf32, #tpu.memory_space<hbm>> -> memref<1x40x128xf32, #tpu.memory_space<hbm>>
      %dma_start3A_118 = tpu.memref_squeeze %dma_start3A_117 : memref<1x40x128xf32, #tpu.memory_space<hbm>> -> memref<40x128xf32, #tpu.memory_space<hbm>>
      tpu.enqueue_dma source(%arg9 : memref<40x128xf32, #tpu.memory_space<vmem>>) target(%dma_start3A_118 : memref<40x128xf32, #tpu.memory_space<hbm>>) target_semaphore(%arg19 : memref<!tpu.dma_semaphore, #tpu.memory_space<semaphore_mem>>)
      %add3A_119 = arith.constant 2 : i32
      %add3A_120 = arith.addi %mul3A_83, %add3A_119 : i32
      %dma_wait3A_121 = arith.constant 0 : i32
      %dma_wait3A_122 = tpu.memref_slice %arg7[%add3A_120, %dma_wait3A_121] : memref<125x40xi32, #tpu.memory_space<vmem>> -> memref<1x40xi32, #tpu.memory_space<vmem>>
      %dma_wait3A_123 = tpu.memref_squeeze %dma_wait3A_122 : memref<1x40xi32, #tpu.memory_space<vmem>> -> memref<40xi32, #tpu.memory_space<vmem>>
      %dma_wait3A_124 = arith.constant 0 : i32
      %dma_wait3A_125 = arith.constant 0 : i32
      %dma_wait3A_126 = tpu.memref_slice %arg2[%dma_wait3A_124, %dma_wait3A_125] : memref<10000x128xf32, #tpu.memory_space<hbm>> -> memref<10000x128xf32, #tpu.memory_space<hbm>>
      tpu.wait_indirect_dma semaphore(%arg15 : memref<!tpu.dma_semaphore, #tpu.memory_space<semaphore_mem>>) src(%dma_wait3A_126 : memref<10000x128xf32, #tpu.memory_space<hbm>>) dst(%arg10 : memref<40x128xf32, #tpu.memory_space<vmem>>)
      %add3A_127 = arith.constant 2 : i32
      %add3A_128 = arith.addi %mul3A_83, %add3A_127 : i32
      %mul3A_129 = arith.constant 40 : i32
      %mul3A_130 = arith.muli %add3A_128, %mul3A_129 : i32
      %dma_start3A_131 = arith.constant 0 : i32
      %dma_start3A_132 = tpu.memref_slice %arg6[%add3A, %mul3A_130, %dma_start3A_131] : memref<32x5000x128xf32, #tpu.memory_space<hbm>> -> memref<1x40x128xf32, #tpu.memory_space<hbm>>
      %dma_start3A_133 = tpu.memref_squeeze %dma_start3A_132 : memref<1x40x128xf32, #tpu.memory_space<hbm>> -> memref<40x128xf32, #tpu.memory_space<hbm>>
      %dma_start3A_134 = arith.constant 0 : i32
      %dma_start3A_135 = tpu.memref_slice %arg6[%add3A, %mul3A_130, %dma_start3A_134] : memref<32x5000x128xf32, #tpu.memory_space<hbm>> -> memref<1x40x128xf32, #tpu.memory_space<hbm>>
      %dma_start3A_136 = tpu.memref_squeeze %dma_start3A_135 : memref<1x40x128xf32, #tpu.memory_space<hbm>> -> memref<40x128xf32, #tpu.memory_space<hbm>>
      tpu.enqueue_dma source(%arg10 : memref<40x128xf32, #tpu.memory_space<vmem>>) target(%dma_start3A_136 : memref<40x128xf32, #tpu.memory_space<hbm>>) target_semaphore(%arg20 : memref<!tpu.dma_semaphore, #tpu.memory_space<semaphore_mem>>)
      %add3A_137 = arith.constant 3 : i32
      %add3A_138 = arith.addi %mul3A_83, %add3A_137 : i32
      %dma_wait3A_139 = arith.constant 0 : i32
      %dma_wait3A_140 = tpu.memref_slice %arg7[%add3A_138, %dma_wait3A_139] : memref<125x40xi32, #tpu.memory_space<vmem>> -> memref<1x40xi32, #tpu.memory_space<vmem>>
      %dma_wait3A_141 = tpu.memref_squeeze %dma_wait3A_140 : memref<1x40xi32, #tpu.memory_space<vmem>> -> memref<40xi32, #tpu.memory_space<vmem>>
      %dma_wait3A_142 = arith.constant 0 : i32
      %dma_wait3A_143 = arith.constant 0 : i32
      %dma_wait3A_144 = tpu.memref_slice %arg2[%dma_wait3A_142, %dma_wait3A_143] : memref<10000x128xf32, #tpu.memory_space<hbm>> -> memref<10000x128xf32, #tpu.memory_space<hbm>>
      tpu.wait_indirect_dma semaphore(%arg16 : memref<!tpu.dma_semaphore, #tpu.memory_space<semaphore_mem>>) src(%dma_wait3A_144 : memref<10000x128xf32, #tpu.memory_space<hbm>>) dst(%arg11 : memref<40x128xf32, #tpu.memory_space<vmem>>)
      %add3A_145 = arith.constant 3 : i32
      %add3A_146 = arith.addi %mul3A_83, %add3A_145 : i32
      %mul3A_147 = arith.constant 40 : i32
      %mul3A_148 = arith.muli %add3A_146, %mul3A_147 : i32
      %dma_start3A_149 = arith.constant 0 : i32
      %dma_start3A_150 = tpu.memref_slice %arg6[%add3A, %mul3A_148, %dma_start3A_149] : memref<32x5000x128xf32, #tpu.memory_space<hbm>> -> memref<1x40x128xf32, #tpu.memory_space<hbm>>
      %dma_start3A_151 = tpu.memref_squeeze %dma_start3A_150 : memref<1x40x128xf32, #tpu.memory_space<hbm>> -> memref<40x128xf32, #tpu.memory_space<hbm>>
      %dma_start3A_152 = arith.constant 0 : i32
      %dma_start3A_153 = tpu.memref_slice %arg6[%add3A, %mul3A_148, %dma_start3A_152] : memref<32x5000x128xf32, #tpu.memory_space<hbm>> -> memref<1x40x128xf32, #tpu.memory_space<hbm>>
      %dma_start3A_154 = tpu.memref_squeeze %dma_start3A_153 : memref<1x40x128xf32, #tpu.memory_space<hbm>> -> memref<40x128xf32, #tpu.memory_space<hbm>>
      tpu.enqueue_dma source(%arg11 : memref<40x128xf32, #tpu.memory_space<vmem>>) target(%dma_start3A_154 : memref<40x128xf32, #tpu.memory_space<hbm>>) target_semaphore(%arg21 : memref<!tpu.dma_semaphore, #tpu.memory_space<semaphore_mem>>)
      %add3A_155 = arith.constant 4 : i32
      %add3A_156 = arith.addi %mul3A_83, %add3A_155 : i32
      %dma_wait3A_157 = arith.constant 0 : i32
      %dma_wait3A_158 = tpu.memref_slice %arg7[%add3A_156, %dma_wait3A_157] : memref<125x40xi32, #tpu.memory_space<vmem>> -> memref<1x40xi32, #tpu.memory_space<vmem>>
      %dma_wait3A_159 = tpu.memref_squeeze %dma_wait3A_158 : memref<1x40xi32, #tpu.memory_space<vmem>> -> memref<40xi32, #tpu.memory_space<vmem>>
      %dma_wait3A_160 = arith.constant 0 : i32
      %dma_wait3A_161 = arith.constant 0 : i32
      %dma_wait3A_162 = tpu.memref_slice %arg2[%dma_wait3A_160, %dma_wait3A_161] : memref<10000x128xf32, #tpu.memory_space<hbm>> -> memref<10000x128xf32, #tpu.memory_space<hbm>>
      tpu.wait_indirect_dma semaphore(%arg17 : memref<!tpu.dma_semaphore, #tpu.memory_space<semaphore_mem>>) src(%dma_wait3A_162 : memref<10000x128xf32, #tpu.memory_space<hbm>>) dst(%arg12 : memref<40x128xf32, #tpu.memory_space<vmem>>)
      %add3A_163 = arith.constant 4 : i32
      %add3A_164 = arith.addi %mul3A_83, %add3A_163 : i32
      %mul3A_165 = arith.constant 40 : i32
      %mul3A_166 = arith.muli %add3A_164, %mul3A_165 : i32
      %dma_start3A_167 = arith.constant 0 : i32
      %dma_start3A_168 = tpu.memref_slice %arg6[%add3A, %mul3A_166, %dma_start3A_167] : memref<32x5000x128xf32, #tpu.memory_space<hbm>> -> memref<1x40x128xf32, #tpu.memory_space<hbm>>
      %dma_start3A_169 = tpu.memref_squeeze %dma_start3A_168 : memref<1x40x128xf32, #tpu.memory_space<hbm>> -> memref<40x128xf32, #tpu.memory_space<hbm>>
      %dma_start3A_170 = arith.constant 0 : i32
      %dma_start3A_171 = tpu.memref_slice %arg6[%add3A, %mul3A_166, %dma_start3A_170] : memref<32x5000x128xf32, #tpu.memory_space<hbm>> -> memref<1x40x128xf32, #tpu.memory_space<hbm>>
      %dma_start3A_172 = tpu.memref_squeeze %dma_start3A_171 : memref<1x40x128xf32, #tpu.memory_space<hbm>> -> memref<40x128xf32, #tpu.memory_space<hbm>>
      tpu.enqueue_dma source(%arg12 : memref<40x128xf32, #tpu.memory_space<vmem>>) target(%dma_start3A_172 : memref<40x128xf32, #tpu.memory_space<hbm>>) target_semaphore(%arg22 : memref<!tpu.dma_semaphore, #tpu.memory_space<semaphore_mem>>)
      %add3A_173 = arith.constant 0 : i32
      %add3A_174 = arith.addi %mul3A_83, %add3A_173 : i32
      %mul3A_175 = arith.constant 40 : i32
      %mul3A_176 = arith.muli %add3A_174, %mul3A_175 : i32
      %dma_wait3A_177 = arith.constant 0 : i32
      %dma_wait3A_178 = tpu.memref_slice %arg6[%add3A, %mul3A_176, %dma_wait3A_177] : memref<32x5000x128xf32, #tpu.memory_space<hbm>> -> memref<1x40x128xf32, #tpu.memory_space<hbm>>
      %dma_wait3A_179 = tpu.memref_squeeze %dma_wait3A_178 : memref<1x40x128xf32, #tpu.memory_space<hbm>> -> memref<40x128xf32, #tpu.memory_space<hbm>>
      %dma_wait3A_180 = arith.constant 0 : i32
      %dma_wait3A_181 = tpu.memref_slice %arg6[%add3A, %mul3A_176, %dma_wait3A_180] : memref<32x5000x128xf32, #tpu.memory_space<hbm>> -> memref<1x40x128xf32, #tpu.memory_space<hbm>>
      %dma_wait3A_182 = tpu.memref_squeeze %dma_wait3A_181 : memref<1x40x128xf32, #tpu.memory_space<hbm>> -> memref<40x128xf32, #tpu.memory_space<hbm>>
      tpu.wait_dma2 semaphore(%arg18 : memref<!tpu.dma_semaphore, #tpu.memory_space<semaphore_mem>>) src(%arg8 : memref<40x128xf32, #tpu.memory_space<vmem>>) dst(%dma_wait3A_182 : memref<40x128xf32, #tpu.memory_space<hbm>>)
      %add3A_183 = arith.constant 0 : i32
      %add3A_184 = arith.addi %mul3A_83, %add3A_183 : i32
      %add3A_185 = arith.constant 5 : i32
      %add3A_186 = arith.addi %add3A_184, %add3A_185 : i32
      %lt3A = arith.constant 125 : i32
      %lt3A_187 = arith.cmpi slt, %add3A_186, %lt3A : i32
      %convert_element_type3A = arith.extui %lt3A_187 : i1 to i32
      %cond3A = arith.constant 0 : i32
      %cond3A_188 = arith.cmpi ne, %convert_element_type3A, %cond3A : i32
      scf.if %cond3A_188 {
        %add3A_265 = arith.constant 0 : i32
        %add3A_266 = arith.addi %mul3A_83, %add3A_265 : i32
        %add3A_267 = arith.constant 5 : i32
        %add3A_268 = arith.addi %add3A_266, %add3A_267 : i32
        %dma_start3A_269 = arith.constant 0 : i32
        %dma_start3A_270 = tpu.memref_slice %arg7[%add3A_268, %dma_start3A_269] : memref<125x40xi32, #tpu.memory_space<vmem>> -> memref<1x40xi32, #tpu.memory_space<vmem>>
        %dma_start3A_271 = tpu.memref_squeeze %dma_start3A_270 : memref<1x40xi32, #tpu.memory_space<vmem>> -> memref<40xi32, #tpu.memory_space<vmem>>
        %dma_start3A_272 = arith.constant 0 : i32
        %dma_start3A_273 = arith.constant 0 : i32
        %dma_start3A_274 = tpu.memref_slice %arg2[%dma_start3A_272, %dma_start3A_273] : memref<10000x128xf32, #tpu.memory_space<hbm>> -> memref<10000x128xf32, #tpu.memory_space<hbm>>
        tpu.enqueue_indirect_dma source(%dma_start3A_274 : memref<10000x128xf32, #tpu.memory_space<hbm>>) target(%arg8 : memref<40x128xf32, #tpu.memory_space<vmem>>) offsets(%dma_start3A_271 : memref<40xi32, #tpu.memory_space<vmem>>) semaphore(%arg13 : memref<!tpu.dma_semaphore, #tpu.memory_space<semaphore_mem>>)
      } else {
      }
      %add3A_189 = arith.constant 1 : i32
      %add3A_190 = arith.addi %mul3A_83, %add3A_189 : i32
      %mul3A_191 = arith.constant 40 : i32
      %mul3A_192 = arith.muli %add3A_190, %mul3A_191 : i32
      %dma_wait3A_193 = arith.constant 0 : i32
      %dma_wait3A_194 = tpu.memref_slice %arg6[%add3A, %mul3A_192, %dma_wait3A_193] : memref<32x5000x128xf32, #tpu.memory_space<hbm>> -> memref<1x40x128xf32, #tpu.memory_space<hbm>>
      %dma_wait3A_195 = tpu.memref_squeeze %dma_wait3A_194 : memref<1x40x128xf32, #tpu.memory_space<hbm>> -> memref<40x128xf32, #tpu.memory_space<hbm>>
      %dma_wait3A_196 = arith.constant 0 : i32
      %dma_wait3A_197 = tpu.memref_slice %arg6[%add3A, %mul3A_192, %dma_wait3A_196] : memref<32x5000x128xf32, #tpu.memory_space<hbm>> -> memref<1x40x128xf32, #tpu.memory_space<hbm>>
      %dma_wait3A_198 = tpu.memref_squeeze %dma_wait3A_197 : memref<1x40x128xf32, #tpu.memory_space<hbm>> -> memref<40x128xf32, #tpu.memory_space<hbm>>
      tpu.wait_dma2 semaphore(%arg19 : memref<!tpu.dma_semaphore, #tpu.memory_space<semaphore_mem>>) src(%arg9 : memref<40x128xf32, #tpu.memory_space<vmem>>) dst(%dma_wait3A_198 : memref<40x128xf32, #tpu.memory_space<hbm>>)
      %add3A_199 = arith.constant 1 : i32
      %add3A_200 = arith.addi %mul3A_83, %add3A_199 : i32
      %add3A_201 = arith.constant 5 : i32
      %add3A_202 = arith.addi %add3A_200, %add3A_201 : i32
      %lt3A_203 = arith.constant 125 : i32
      %lt3A_204 = arith.cmpi slt, %add3A_202, %lt3A_203 : i32
      %convert_element_type3A_205 = arith.extui %lt3A_204 : i1 to i32
      %cond3A_206 = arith.constant 0 : i32
      %cond3A_207 = arith.cmpi ne, %convert_element_type3A_205, %cond3A_206 : i32
      scf.if %cond3A_207 {
        %add3A_265 = arith.constant 1 : i32
        %add3A_266 = arith.addi %mul3A_83, %add3A_265 : i32
        %add3A_267 = arith.constant 5 : i32
        %add3A_268 = arith.addi %add3A_266, %add3A_267 : i32
        %dma_start3A_269 = arith.constant 0 : i32
        %dma_start3A_270 = tpu.memref_slice %arg7[%add3A_268, %dma_start3A_269] : memref<125x40xi32, #tpu.memory_space<vmem>> -> memref<1x40xi32, #tpu.memory_space<vmem>>
        %dma_start3A_271 = tpu.memref_squeeze %dma_start3A_270 : memref<1x40xi32, #tpu.memory_space<vmem>> -> memref<40xi32, #tpu.memory_space<vmem>>
        %dma_start3A_272 = arith.constant 0 : i32
        %dma_start3A_273 = arith.constant 0 : i32
        %dma_start3A_274 = tpu.memref_slice %arg2[%dma_start3A_272, %dma_start3A_273] : memref<10000x128xf32, #tpu.memory_space<hbm>> -> memref<10000x128xf32, #tpu.memory_space<hbm>>
        tpu.enqueue_indirect_dma source(%dma_start3A_274 : memref<10000x128xf32, #tpu.memory_space<hbm>>) target(%arg9 : memref<40x128xf32, #tpu.memory_space<vmem>>) offsets(%dma_start3A_271 : memref<40xi32, #tpu.memory_space<vmem>>) semaphore(%arg14 : memref<!tpu.dma_semaphore, #tpu.memory_space<semaphore_mem>>)
      } else {
      }
      %add3A_208 = arith.constant 2 : i32
      %add3A_209 = arith.addi %mul3A_83, %add3A_208 : i32
      %mul3A_210 = arith.constant 40 : i32
      %mul3A_211 = arith.muli %add3A_209, %mul3A_210 : i32
      %dma_wait3A_212 = arith.constant 0 : i32
      %dma_wait3A_213 = tpu.memref_slice %arg6[%add3A, %mul3A_211, %dma_wait3A_212] : memref<32x5000x128xf32, #tpu.memory_space<hbm>> -> memref<1x40x128xf32, #tpu.memory_space<hbm>>
      %dma_wait3A_214 = tpu.memref_squeeze %dma_wait3A_213 : memref<1x40x128xf32, #tpu.memory_space<hbm>> -> memref<40x128xf32, #tpu.memory_space<hbm>>
      %dma_wait3A_215 = arith.constant 0 : i32
      %dma_wait3A_216 = tpu.memref_slice %arg6[%add3A, %mul3A_211, %dma_wait3A_215] : memref<32x5000x128xf32, #tpu.memory_space<hbm>> -> memref<1x40x128xf32, #tpu.memory_space<hbm>>
      %dma_wait3A_217 = tpu.memref_squeeze %dma_wait3A_216 : memref<1x40x128xf32, #tpu.memory_space<hbm>> -> memref<40x128xf32, #tpu.memory_space<hbm>>
      tpu.wait_dma2 semaphore(%arg20 : memref<!tpu.dma_semaphore, #tpu.memory_space<semaphore_mem>>) src(%arg10 : memref<40x128xf32, #tpu.memory_space<vmem>>) dst(%dma_wait3A_217 : memref<40x128xf32, #tpu.memory_space<hbm>>)
      %add3A_218 = arith.constant 2 : i32
      %add3A_219 = arith.addi %mul3A_83, %add3A_218 : i32
      %add3A_220 = arith.constant 5 : i32
      %add3A_221 = arith.addi %add3A_219, %add3A_220 : i32
      %lt3A_222 = arith.constant 125 : i32
      %lt3A_223 = arith.cmpi slt, %add3A_221, %lt3A_222 : i32
      %convert_element_type3A_224 = arith.extui %lt3A_223 : i1 to i32
      %cond3A_225 = arith.constant 0 : i32
      %cond3A_226 = arith.cmpi ne, %convert_element_type3A_224, %cond3A_225 : i32
      scf.if %cond3A_226 {
        %add3A_265 = arith.constant 2 : i32
        %add3A_266 = arith.addi %mul3A_83, %add3A_265 : i32
        %add3A_267 = arith.constant 5 : i32
        %add3A_268 = arith.addi %add3A_266, %add3A_267 : i32
        %dma_start3A_269 = arith.constant 0 : i32
        %dma_start3A_270 = tpu.memref_slice %arg7[%add3A_268, %dma_start3A_269] : memref<125x40xi32, #tpu.memory_space<vmem>> -> memref<1x40xi32, #tpu.memory_space<vmem>>
        %dma_start3A_271 = tpu.memref_squeeze %dma_start3A_270 : memref<1x40xi32, #tpu.memory_space<vmem>> -> memref<40xi32, #tpu.memory_space<vmem>>
        %dma_start3A_272 = arith.constant 0 : i32
        %dma_start3A_273 = arith.constant 0 : i32
        %dma_start3A_274 = tpu.memref_slice %arg2[%dma_start3A_272, %dma_start3A_273] : memref<10000x128xf32, #tpu.memory_space<hbm>> -> memref<10000x128xf32, #tpu.memory_space<hbm>>
        tpu.enqueue_indirect_dma source(%dma_start3A_274 : memref<10000x128xf32, #tpu.memory_space<hbm>>) target(%arg10 : memref<40x128xf32, #tpu.memory_space<vmem>>) offsets(%dma_start3A_271 : memref<40xi32, #tpu.memory_space<vmem>>) semaphore(%arg15 : memref<!tpu.dma_semaphore, #tpu.memory_space<semaphore_mem>>)
      } else {
      }
      %add3A_227 = arith.constant 3 : i32
      %add3A_228 = arith.addi %mul3A_83, %add3A_227 : i32
      %mul3A_229 = arith.constant 40 : i32
      %mul3A_230 = arith.muli %add3A_228, %mul3A_229 : i32
      %dma_wait3A_231 = arith.constant 0 : i32
      %dma_wait3A_232 = tpu.memref_slice %arg6[%add3A, %mul3A_230, %dma_wait3A_231] : memref<32x5000x128xf32, #tpu.memory_space<hbm>> -> memref<1x40x128xf32, #tpu.memory_space<hbm>>
      %dma_wait3A_233 = tpu.memref_squeeze %dma_wait3A_232 : memref<1x40x128xf32, #tpu.memory_space<hbm>> -> memref<40x128xf32, #tpu.memory_space<hbm>>
      %dma_wait3A_234 = arith.constant 0 : i32
      %dma_wait3A_235 = tpu.memref_slice %arg6[%add3A, %mul3A_230, %dma_wait3A_234] : memref<32x5000x128xf32, #tpu.memory_space<hbm>> -> memref<1x40x128xf32, #tpu.memory_space<hbm>>
      %dma_wait3A_236 = tpu.memref_squeeze %dma_wait3A_235 : memref<1x40x128xf32, #tpu.memory_space<hbm>> -> memref<40x128xf32, #tpu.memory_space<hbm>>
      tpu.wait_dma2 semaphore(%arg21 : memref<!tpu.dma_semaphore, #tpu.memory_space<semaphore_mem>>) src(%arg11 : memref<40x128xf32, #tpu.memory_space<vmem>>) dst(%dma_wait3A_236 : memref<40x128xf32, #tpu.memory_space<hbm>>)
      %add3A_237 = arith.constant 3 : i32
      %add3A_238 = arith.addi %mul3A_83, %add3A_237 : i32
      %add3A_239 = arith.constant 5 : i32
      %add3A_240 = arith.addi %add3A_238, %add3A_239 : i32
      %lt3A_241 = arith.constant 125 : i32
      %lt3A_242 = arith.cmpi slt, %add3A_240, %lt3A_241 : i32
      %convert_element_type3A_243 = arith.extui %lt3A_242 : i1 to i32
      %cond3A_244 = arith.constant 0 : i32
      %cond3A_245 = arith.cmpi ne, %convert_element_type3A_243, %cond3A_244 : i32
      scf.if %cond3A_245 {
        %add3A_265 = arith.constant 3 : i32
        %add3A_266 = arith.addi %mul3A_83, %add3A_265 : i32
        %add3A_267 = arith.constant 5 : i32
        %add3A_268 = arith.addi %add3A_266, %add3A_267 : i32
        %dma_start3A_269 = arith.constant 0 : i32
        %dma_start3A_270 = tpu.memref_slice %arg7[%add3A_268, %dma_start3A_269] : memref<125x40xi32, #tpu.memory_space<vmem>> -> memref<1x40xi32, #tpu.memory_space<vmem>>
        %dma_start3A_271 = tpu.memref_squeeze %dma_start3A_270 : memref<1x40xi32, #tpu.memory_space<vmem>> -> memref<40xi32, #tpu.memory_space<vmem>>
        %dma_start3A_272 = arith.constant 0 : i32
        %dma_start3A_273 = arith.constant 0 : i32
        %dma_start3A_274 = tpu.memref_slice %arg2[%dma_start3A_272, %dma_start3A_273] : memref<10000x128xf32, #tpu.memory_space<hbm>> -> memref<10000x128xf32, #tpu.memory_space<hbm>>
        tpu.enqueue_indirect_dma source(%dma_start3A_274 : memref<10000x128xf32, #tpu.memory_space<hbm>>) target(%arg11 : memref<40x128xf32, #tpu.memory_space<vmem>>) offsets(%dma_start3A_271 : memref<40xi32, #tpu.memory_space<vmem>>) semaphore(%arg16 : memref<!tpu.dma_semaphore, #tpu.memory_space<semaphore_mem>>)
      } else {
      }
      %add3A_246 = arith.constant 4 : i32
      %add3A_247 = arith.addi %mul3A_83, %add3A_246 : i32
      %mul3A_248 = arith.constant 40 : i32
      %mul3A_249 = arith.muli %add3A_247, %mul3A_248 : i32
      %dma_wait3A_250 = arith.constant 0 : i32
      %dma_wait3A_251 = tpu.memref_slice %arg6[%add3A, %mul3A_249, %dma_wait3A_250] : memref<32x5000x128xf32, #tpu.memory_space<hbm>> -> memref<1x40x128xf32, #tpu.memory_space<hbm>>
      %dma_wait3A_252 = tpu.memref_squeeze %dma_wait3A_251 : memref<1x40x128xf32, #tpu.memory_space<hbm>> -> memref<40x128xf32, #tpu.memory_space<hbm>>
      %dma_wait3A_253 = arith.constant 0 : i32
      %dma_wait3A_254 = tpu.memref_slice %arg6[%add3A, %mul3A_249, %dma_wait3A_253] : memref<32x5000x128xf32, #tpu.memory_space<hbm>> -> memref<1x40x128xf32, #tpu.memory_space<hbm>>
      %dma_wait3A_255 = tpu.memref_squeeze %dma_wait3A_254 : memref<1x40x128xf32, #tpu.memory_space<hbm>> -> memref<40x128xf32, #tpu.memory_space<hbm>>
      tpu.wait_dma2 semaphore(%arg22 : memref<!tpu.dma_semaphore, #tpu.memory_space<semaphore_mem>>) src(%arg12 : memref<40x128xf32, #tpu.memory_space<vmem>>) dst(%dma_wait3A_255 : memref<40x128xf32, #tpu.memory_space<hbm>>)
      %add3A_256 = arith.constant 4 : i32
      %add3A_257 = arith.addi %mul3A_83, %add3A_256 : i32
      %add3A_258 = arith.constant 5 : i32
      %add3A_259 = arith.addi %add3A_257, %add3A_258 : i32
      %lt3A_260 = arith.constant 125 : i32
      %lt3A_261 = arith.cmpi slt, %add3A_259, %lt3A_260 : i32
      %convert_element_type3A_262 = arith.extui %lt3A_261 : i1 to i32
      %cond3A_263 = arith.constant 0 : i32
      %cond3A_264 = arith.cmpi ne, %convert_element_type3A_262, %cond3A_263 : i32
      scf.if %cond3A_264 {
        %add3A_265 = arith.constant 4 : i32
        %add3A_266 = arith.addi %mul3A_83, %add3A_265 : i32
        %add3A_267 = arith.constant 5 : i32
        %add3A_268 = arith.addi %add3A_266, %add3A_267 : i32
        %dma_start3A_269 = arith.constant 0 : i32
        %dma_start3A_270 = tpu.memref_slice %arg7[%add3A_268, %dma_start3A_269] : memref<125x40xi32, #tpu.memory_space<vmem>> -> memref<1x40xi32, #tpu.memory_space<vmem>>
        %dma_start3A_271 = tpu.memref_squeeze %dma_start3A_270 : memref<1x40xi32, #tpu.memory_space<vmem>> -> memref<40xi32, #tpu.memory_space<vmem>>
        %dma_start3A_272 = arith.constant 0 : i32
        %dma_start3A_273 = arith.constant 0 : i32
        %dma_start3A_274 = tpu.memref_slice %arg2[%dma_start3A_272, %dma_start3A_273] : memref<10000x128xf32, #tpu.memory_space<hbm>> -> memref<10000x128xf32, #tpu.memory_space<hbm>>
        tpu.enqueue_indirect_dma source(%dma_start3A_274 : memref<10000x128xf32, #tpu.memory_space<hbm>>) target(%arg12 : memref<40x128xf32, #tpu.memory_space<vmem>>) offsets(%dma_start3A_271 : memref<40xi32, #tpu.memory_space<vmem>>) semaphore(%arg17 : memref<!tpu.dma_semaphore, #tpu.memory_space<semaphore_mem>>)
      } else {
      }
    }
    %scan3A_80 = arith.constant 25 : i32
    return
  }
}

#map = affine_map<(d0, d1) -> (0, 0, 0)>
#map1 = affine_map<(d0, d1) -> (0, 0)>
module attributes {stable_mosaic.version = 14 : i64} {
  func.func @_seg_scatter(%arg0: i32, %arg1: i32, %arg2: memref<32x125x40xi32, #tpu.memory_space<hbm>>, %arg3: memref<32x125x40xf32, #tpu.memory_space<hbm>>, %arg4: memref<32x5000x128xf32, #tpu.memory_space<hbm>>, %arg5: memref<2x10000xf32, #tpu.memory_space<hbm>>, %arg6: memref<2x10000x128xf32, #tpu.memory_space<hbm>>, %arg7: memref<2x10000xf32, #tpu.memory_space<hbm>>, %arg8: memref<2x10000x128xf32, #tpu.memory_space<hbm>>, %arg9: memref<125x40xi32, #tpu.memory_space<vmem>>, %arg10: memref<125x40xf32, #tpu.memory_space<vmem>>, %arg11: memref<40x128xf32, #tpu.memory_space<vmem>>, %arg12: memref<40x128xf32, #tpu.memory_space<vmem>>, %arg13: memref<10000xf32, #tpu.memory_space<vmem_shared>>, %arg14: memref<10000x128xf32, #tpu.memory_space<vmem_shared>>, %arg15: memref<!tpu.dma_semaphore, #tpu.memory_space<semaphore_mem>>, %arg16: memref<!tpu.dma_semaphore, #tpu.memory_space<semaphore_mem>>) attributes {dimension_semantics = [#tpu.dimension_semantics<core_parallel>, #tpu.dimension_semantics<subcore_parallel>], iteration_bounds = array<i64: 2, 16>, scalar_prefetch = 0 : i64, scratch_operands = 8 : i64, tpu.core_type = #tpu.core_type<sc_vector_subcore>, window_params = [{transform_indices = #map}, {transform_indices = #map}, {transform_indices = #map}, {transform_indices = #map1}, {transform_indices = #map}, {transform_indices = #map1}, {transform_indices = #map}]} {
    %mul3A = arith.constant 2 : i32
    %mul3A_0 = arith.muli %arg1, %mul3A : i32
    %add3A = arith.addi %mul3A_0, %arg0 : i32
    %eq3A = arith.constant 0 : i32
    %eq3A_1 = arith.cmpi eq, %arg1, %eq3A : i32
    %convert_element_type3A = arith.extui %eq3A_1 : i1 to i32
    %cond3A = arith.constant 0 : i32
    %cond3A_2 = arith.cmpi ne, %convert_element_type3A, %cond3A : i32
    scf.if %cond3A_2 {
      "tpu.region"() ({
        %run_scoped3A_38 = tpu.sem_alloc : memref<!tpu.dma_semaphore, #tpu.memory_space<semaphore_mem>>
        %dma_start3A_39 = arith.constant 0 : i32
        %dma_start3A_40 = tpu.memref_slice %arg5[%arg0, %dma_start3A_39] : memref<2x10000xf32, #tpu.memory_space<hbm>> -> memref<1x10000xf32, #tpu.memory_space<hbm>>
        %dma_start3A_41 = tpu.memref_squeeze %dma_start3A_40 : memref<1x10000xf32, #tpu.memory_space<hbm>> -> memref<10000xf32, #tpu.memory_space<hbm>>
        tpu.enqueue_dma source(%dma_start3A_41 : memref<10000xf32, #tpu.memory_space<hbm>>) target(%arg13 : memref<10000xf32, #tpu.memory_space<vmem_shared>>) target_semaphore(%run_scoped3A_38 : memref<!tpu.dma_semaphore, #tpu.memory_space<semaphore_mem>>)
        %dma_wait3A_42 = arith.constant 0 : i32
        %dma_wait3A_43 = tpu.memref_slice %arg5[%arg0, %dma_wait3A_42] : memref<2x10000xf32, #tpu.memory_space<hbm>> -> memref<1x10000xf32, #tpu.memory_space<hbm>>
        %dma_wait3A_44 = tpu.memref_squeeze %dma_wait3A_43 : memref<1x10000xf32, #tpu.memory_space<hbm>> -> memref<10000xf32, #tpu.memory_space<hbm>>
        tpu.wait_dma2 semaphore(%run_scoped3A_38 : memref<!tpu.dma_semaphore, #tpu.memory_space<semaphore_mem>>) src(%dma_wait3A_44 : memref<10000xf32, #tpu.memory_space<hbm>>) dst(%arg13 : memref<10000xf32, #tpu.memory_space<vmem_shared>>)
        tpu.yield
      }) : () -> ()
      "tpu.region"() ({
        %run_scoped3A_38 = tpu.sem_alloc : memref<!tpu.dma_semaphore, #tpu.memory_space<semaphore_mem>>
        %dma_start3A_39 = arith.constant 0 : i32
        %dma_start3A_40 = arith.constant 0 : i32
        %dma_start3A_41 = tpu.memref_slice %arg6[%arg0, %dma_start3A_39, %dma_start3A_40] : memref<2x10000x128xf32, #tpu.memory_space<hbm>> -> memref<1x10000x128xf32, #tpu.memory_space<hbm>>
        %dma_start3A_42 = tpu.memref_squeeze %dma_start3A_41 : memref<1x10000x128xf32, #tpu.memory_space<hbm>> -> memref<10000x128xf32, #tpu.memory_space<hbm>>
        tpu.enqueue_dma source(%dma_start3A_42 : memref<10000x128xf32, #tpu.memory_space<hbm>>) target(%arg14 : memref<10000x128xf32, #tpu.memory_space<vmem_shared>>) target_semaphore(%run_scoped3A_38 : memref<!tpu.dma_semaphore, #tpu.memory_space<semaphore_mem>>)
        %dma_wait3A_43 = arith.constant 0 : i32
        %dma_wait3A_44 = arith.constant 0 : i32
        %dma_wait3A_45 = tpu.memref_slice %arg6[%arg0, %dma_wait3A_43, %dma_wait3A_44] : memref<2x10000x128xf32, #tpu.memory_space<hbm>> -> memref<1x10000x128xf32, #tpu.memory_space<hbm>>
        %dma_wait3A_46 = tpu.memref_squeeze %dma_wait3A_45 : memref<1x10000x128xf32, #tpu.memory_space<hbm>> -> memref<10000x128xf32, #tpu.memory_space<hbm>>
        tpu.wait_dma2 semaphore(%run_scoped3A_38 : memref<!tpu.dma_semaphore, #tpu.memory_space<semaphore_mem>>) src(%dma_wait3A_46 : memref<10000x128xf32, #tpu.memory_space<hbm>>) dst(%arg14 : memref<10000x128xf32, #tpu.memory_space<vmem_shared>>)
        tpu.yield
      }) : () -> ()
    } else {
    }
    "tpu.region"() ({
      %run_scoped3A_38 = tpu.sem_alloc : memref<!tpu.dma_semaphore, #tpu.memory_space<semaphore_mem>>
      %dma_start3A_39 = arith.constant 0 : i32
      %dma_start3A_40 = arith.constant 0 : i32
      %dma_start3A_41 = tpu.memref_slice %arg2[%add3A, %dma_start3A_39, %dma_start3A_40] : memref<32x125x40xi32, #tpu.memory_space<hbm>> -> memref<1x125x40xi32, #tpu.memory_space<hbm>>
      %dma_start3A_42 = tpu.memref_squeeze %dma_start3A_41 : memref<1x125x40xi32, #tpu.memory_space<hbm>> -> memref<125x40xi32, #tpu.memory_space<hbm>>
      %dma_start3A_43 = arith.constant 0 : i32
      %dma_start3A_44 = arith.constant 0 : i32
      %dma_start3A_45 = tpu.memref_slice %arg2[%add3A, %dma_start3A_43, %dma_start3A_44] : memref<32x125x40xi32, #tpu.memory_space<hbm>> -> memref<1x125x40xi32, #tpu.memory_space<hbm>>
      %dma_start3A_46 = tpu.memref_squeeze %dma_start3A_45 : memref<1x125x40xi32, #tpu.memory_space<hbm>> -> memref<125x40xi32, #tpu.memory_space<hbm>>
      tpu.enqueue_dma source(%dma_start3A_46 : memref<125x40xi32, #tpu.memory_space<hbm>>) target(%arg9 : memref<125x40xi32, #tpu.memory_space<vmem>>) target_semaphore(%run_scoped3A_38 : memref<!tpu.dma_semaphore, #tpu.memory_space<semaphore_mem>>)
      %dma_wait3A_47 = arith.constant 0 : i32
      %dma_wait3A_48 = arith.constant 0 : i32
      %dma_wait3A_49 = tpu.memref_slice %arg2[%add3A, %dma_wait3A_47, %dma_wait3A_48] : memref<32x125x40xi32, #tpu.memory_space<hbm>> -> memref<1x125x40xi32, #tpu.memory_space<hbm>>
      %dma_wait3A_50 = tpu.memref_squeeze %dma_wait3A_49 : memref<1x125x40xi32, #tpu.memory_space<hbm>> -> memref<125x40xi32, #tpu.memory_space<hbm>>
      %dma_wait3A_51 = arith.constant 0 : i32
      %dma_wait3A_52 = arith.constant 0 : i32
      %dma_wait3A_53 = tpu.memref_slice %arg2[%add3A, %dma_wait3A_51, %dma_wait3A_52] : memref<32x125x40xi32, #tpu.memory_space<hbm>> -> memref<1x125x40xi32, #tpu.memory_space<hbm>>
      %dma_wait3A_54 = tpu.memref_squeeze %dma_wait3A_53 : memref<1x125x40xi32, #tpu.memory_space<hbm>> -> memref<125x40xi32, #tpu.memory_space<hbm>>
      tpu.wait_dma2 semaphore(%run_scoped3A_38 : memref<!tpu.dma_semaphore, #tpu.memory_space<semaphore_mem>>) src(%dma_wait3A_54 : memref<125x40xi32, #tpu.memory_space<hbm>>) dst(%arg9 : memref<125x40xi32, #tpu.memory_space<vmem>>)
      tpu.yield
    }) : () -> ()
    "tpu.region"() ({
      %run_scoped3A_38 = tpu.sem_alloc : memref<!tpu.dma_semaphore, #tpu.memory_space<semaphore_mem>>
      %dma_start3A_39 = arith.constant 0 : i32
      %dma_start3A_40 = arith.constant 0 : i32
      %dma_start3A_41 = tpu.memref_slice %arg3[%add3A, %dma_start3A_39, %dma_start3A_40] : memref<32x125x40xf32, #tpu.memory_space<hbm>> -> memref<1x125x40xf32, #tpu.memory_space<hbm>>
      %dma_start3A_42 = tpu.memref_squeeze %dma_start3A_41 : memref<1x125x40xf32, #tpu.memory_space<hbm>> -> memref<125x40xf32, #tpu.memory_space<hbm>>
      %dma_start3A_43 = arith.constant 0 : i32
      %dma_start3A_44 = arith.constant 0 : i32
      %dma_start3A_45 = tpu.memref_slice %arg3[%add3A, %dma_start3A_43, %dma_start3A_44] : memref<32x125x40xf32, #tpu.memory_space<hbm>> -> memref<1x125x40xf32, #tpu.memory_space<hbm>>
      %dma_start3A_46 = tpu.memref_squeeze %dma_start3A_45 : memref<1x125x40xf32, #tpu.memory_space<hbm>> -> memref<125x40xf32, #tpu.memory_space<hbm>>
      tpu.enqueue_dma source(%dma_start3A_46 : memref<125x40xf32, #tpu.memory_space<hbm>>) target(%arg10 : memref<125x40xf32, #tpu.memory_space<vmem>>) target_semaphore(%run_scoped3A_38 : memref<!tpu.dma_semaphore, #tpu.memory_space<semaphore_mem>>)
      %dma_wait3A_47 = arith.constant 0 : i32
      %dma_wait3A_48 = arith.constant 0 : i32
      %dma_wait3A_49 = tpu.memref_slice %arg3[%add3A, %dma_wait3A_47, %dma_wait3A_48] : memref<32x125x40xf32, #tpu.memory_space<hbm>> -> memref<1x125x40xf32, #tpu.memory_space<hbm>>
      %dma_wait3A_50 = tpu.memref_squeeze %dma_wait3A_49 : memref<1x125x40xf32, #tpu.memory_space<hbm>> -> memref<125x40xf32, #tpu.memory_space<hbm>>
      %dma_wait3A_51 = arith.constant 0 : i32
      %dma_wait3A_52 = arith.constant 0 : i32
      %dma_wait3A_53 = tpu.memref_slice %arg3[%add3A, %dma_wait3A_51, %dma_wait3A_52] : memref<32x125x40xf32, #tpu.memory_space<hbm>> -> memref<1x125x40xf32, #tpu.memory_space<hbm>>
      %dma_wait3A_54 = tpu.memref_squeeze %dma_wait3A_53 : memref<1x125x40xf32, #tpu.memory_space<hbm>> -> memref<125x40xf32, #tpu.memory_space<hbm>>
      tpu.wait_dma2 semaphore(%run_scoped3A_38 : memref<!tpu.dma_semaphore, #tpu.memory_space<semaphore_mem>>) src(%dma_wait3A_54 : memref<125x40xf32, #tpu.memory_space<hbm>>) dst(%arg10 : memref<125x40xf32, #tpu.memory_space<vmem>>)
      tpu.yield
    }) : () -> ()
    %barrier3A = arith.constant 0 : index
    tpu.barrier barrier_id(%barrier3A)
    %dma_start3A = arith.constant 0 : i32
    %dma_start3A_3 = arith.constant 0 : i32
    %dma_start3A_4 = tpu.memref_slice %arg4[%add3A, %dma_start3A, %dma_start3A_3] : memref<32x5000x128xf32, #tpu.memory_space<hbm>> -> memref<1x40x128xf32, #tpu.memory_space<hbm>>
    %dma_start3A_5 = tpu.memref_squeeze %dma_start3A_4 : memref<1x40x128xf32, #tpu.memory_space<hbm>> -> memref<40x128xf32, #tpu.memory_space<hbm>>
    %dma_start3A_6 = arith.constant 0 : i32
    %dma_start3A_7 = arith.constant 0 : i32
    %dma_start3A_8 = tpu.memref_slice %arg4[%add3A, %dma_start3A_6, %dma_start3A_7] : memref<32x5000x128xf32, #tpu.memory_space<hbm>> -> memref<1x40x128xf32, #tpu.memory_space<hbm>>
    %dma_start3A_9 = tpu.memref_squeeze %dma_start3A_8 : memref<1x40x128xf32, #tpu.memory_space<hbm>> -> memref<40x128xf32, #tpu.memory_space<hbm>>
    tpu.enqueue_dma source(%dma_start3A_9 : memref<40x128xf32, #tpu.memory_space<hbm>>) target(%arg11 : memref<40x128xf32, #tpu.memory_space<vmem>>) target_semaphore(%arg15 : memref<!tpu.dma_semaphore, #tpu.memory_space<semaphore_mem>>)
    %dma_start3A_10 = arith.constant 40 : i32
    %dma_start3A_11 = arith.constant 0 : i32
    %dma_start3A_12 = tpu.memref_slice %arg4[%add3A, %dma_start3A_10, %dma_start3A_11] : memref<32x5000x128xf32, #tpu.memory_space<hbm>> -> memref<1x40x128xf32, #tpu.memory_space<hbm>>
    %dma_start3A_13 = tpu.memref_squeeze %dma_start3A_12 : memref<1x40x128xf32, #tpu.memory_space<hbm>> -> memref<40x128xf32, #tpu.memory_space<hbm>>
    %dma_start3A_14 = arith.constant 40 : i32
    %dma_start3A_15 = arith.constant 0 : i32
    %dma_start3A_16 = tpu.memref_slice %arg4[%add3A, %dma_start3A_14, %dma_start3A_15] : memref<32x5000x128xf32, #tpu.memory_space<hbm>> -> memref<1x40x128xf32, #tpu.memory_space<hbm>>
    %dma_start3A_17 = tpu.memref_squeeze %dma_start3A_16 : memref<1x40x128xf32, #tpu.memory_space<hbm>> -> memref<40x128xf32, #tpu.memory_space<hbm>>
    tpu.enqueue_dma source(%dma_start3A_17 : memref<40x128xf32, #tpu.memory_space<hbm>>) target(%arg12 : memref<40x128xf32, #tpu.memory_space<vmem>>) target_semaphore(%arg16 : memref<!tpu.dma_semaphore, #tpu.memory_space<semaphore_mem>>)
    %scan3A = arith.constant 0 : i32
    %scan3A_18 = arith.constant 0 : i32
    %scan3A_19 = arith.constant 62 : i32
    %scan3A_20 = arith.addi %scan3A_18, %scan3A_19 : i32
    %scan3A_21 = arith.constant 1 : i32
    scf.for %scan3A_38 = %scan3A_18 to %scan3A_20 step %scan3A_21  : i32 {
      %mul3A_39 = arith.constant 2 : i32
      %mul3A_40 = arith.muli %mul3A_39, %scan3A_38 : i32
      %mul3A_41 = arith.constant 40 : i32
      %mul3A_42 = arith.muli %mul3A_40, %mul3A_41 : i32
      %dma_wait3A_43 = arith.constant 0 : i32
      %dma_wait3A_44 = tpu.memref_slice %arg4[%add3A, %mul3A_42, %dma_wait3A_43] : memref<32x5000x128xf32, #tpu.memory_space<hbm>> -> memref<1x40x128xf32, #tpu.memory_space<hbm>>
      %dma_wait3A_45 = tpu.memref_squeeze %dma_wait3A_44 : memref<1x40x128xf32, #tpu.memory_space<hbm>> -> memref<40x128xf32, #tpu.memory_space<hbm>>
      %dma_wait3A_46 = arith.constant 0 : i32
      %dma_wait3A_47 = tpu.memref_slice %arg4[%add3A, %mul3A_42, %dma_wait3A_46] : memref<32x5000x128xf32, #tpu.memory_space<hbm>> -> memref<1x40x128xf32, #tpu.memory_space<hbm>>
      %dma_wait3A_48 = tpu.memref_squeeze %dma_wait3A_47 : memref<1x40x128xf32, #tpu.memory_space<hbm>> -> memref<40x128xf32, #tpu.memory_space<hbm>>
      tpu.wait_dma2 semaphore(%arg15 : memref<!tpu.dma_semaphore, #tpu.memory_space<semaphore_mem>>) src(%dma_wait3A_48 : memref<40x128xf32, #tpu.memory_space<hbm>>) dst(%arg11 : memref<40x128xf32, #tpu.memory_space<vmem>>)
      "tpu.region"() ({
        %run_scoped3A_72 = tpu.sem_alloc : memref<!tpu.dma_semaphore, #tpu.memory_space<semaphore_mem>>
        %dma_start3A_73 = arith.constant 0 : i32
        %dma_start3A_74 = tpu.memref_slice %arg9[%mul3A_40, %dma_start3A_73] : memref<125x40xi32, #tpu.memory_space<vmem>> -> memref<1x40xi32, #tpu.memory_space<vmem>>
        %dma_start3A_75 = tpu.memref_squeeze %dma_start3A_74 : memref<1x40xi32, #tpu.memory_space<vmem>> -> memref<40xi32, #tpu.memory_space<vmem>>
        %dma_start3A_76 = arith.constant 0 : i32
        %dma_start3A_77 = arith.constant 0 : i32
        %dma_start3A_78 = tpu.memref_slice %arg14[%dma_start3A_76, %dma_start3A_77] : memref<10000x128xf32, #tpu.memory_space<vmem_shared>> -> memref<10000x128xf32, #tpu.memory_space<vmem_shared>>
        tpu.enqueue_indirect_dma source(%arg11 : memref<40x128xf32, #tpu.memory_space<vmem>>) target(%dma_start3A_78 : memref<10000x128xf32, #tpu.memory_space<vmem_shared>>) offsets(%dma_start3A_75 : memref<40xi32, #tpu.memory_space<vmem>>) semaphore(%run_scoped3A_72 : memref<!tpu.dma_semaphore, #tpu.memory_space<semaphore_mem>>) {add = true}
        %dma_wait3A_79 = arith.constant 0 : i32
        %dma_wait3A_80 = tpu.memref_slice %arg9[%mul3A_40, %dma_wait3A_79] : memref<125x40xi32, #tpu.memory_space<vmem>> -> memref<1x40xi32, #tpu.memory_space<vmem>>
        %dma_wait3A_81 = tpu.memref_squeeze %dma_wait3A_80 : memref<1x40xi32, #tpu.memory_space<vmem>> -> memref<40xi32, #tpu.memory_space<vmem>>
        %dma_wait3A_82 = arith.constant 0 : i32
        %dma_wait3A_83 = arith.constant 0 : i32
        %dma_wait3A_84 = tpu.memref_slice %arg14[%dma_wait3A_82, %dma_wait3A_83] : memref<10000x128xf32, #tpu.memory_space<vmem_shared>> -> memref<10000x128xf32, #tpu.memory_space<vmem_shared>>
        tpu.wait_indirect_dma semaphore(%run_scoped3A_72 : memref<!tpu.dma_semaphore, #tpu.memory_space<semaphore_mem>>) src(%arg11 : memref<40x128xf32, #tpu.memory_space<vmem>>) dst(%dma_wait3A_84 : memref<10000x128xf32, #tpu.memory_space<vmem_shared>>)
        tpu.yield
      }) : () -> ()
      "tpu.region"() ({
        %run_scoped3A_72 = tpu.sem_alloc : memref<!tpu.dma_semaphore, #tpu.memory_space<semaphore_mem>>
        %dma_start3A_73 = arith.constant 0 : i32
        %dma_start3A_74 = tpu.memref_slice %arg10[%mul3A_40, %dma_start3A_73] : memref<125x40xf32, #tpu.memory_space<vmem>> -> memref<1x40xf32, #tpu.memory_space<vmem>>
        %dma_start3A_75 = tpu.memref_squeeze %dma_start3A_74 : memref<1x40xf32, #tpu.memory_space<vmem>> -> memref<40xf32, #tpu.memory_space<vmem>>
        %dma_start3A_76 = arith.constant 0 : i32
        %dma_start3A_77 = tpu.memref_slice %arg9[%mul3A_40, %dma_start3A_76] : memref<125x40xi32, #tpu.memory_space<vmem>> -> memref<1x40xi32, #tpu.memory_space<vmem>>
        %dma_start3A_78 = tpu.memref_squeeze %dma_start3A_77 : memref<1x40xi32, #tpu.memory_space<vmem>> -> memref<40xi32, #tpu.memory_space<vmem>>
        %dma_start3A_79 = arith.constant 0 : i32
        %dma_start3A_80 = tpu.memref_slice %arg13[%dma_start3A_79] : memref<10000xf32, #tpu.memory_space<vmem_shared>> -> memref<10000xf32, #tpu.memory_space<vmem_shared>>
        tpu.enqueue_indirect_dma source(%dma_start3A_75 : memref<40xf32, #tpu.memory_space<vmem>>) target(%dma_start3A_80 : memref<10000xf32, #tpu.memory_space<vmem_shared>>) offsets(%dma_start3A_78 : memref<40xi32, #tpu.memory_space<vmem>>) semaphore(%run_scoped3A_72 : memref<!tpu.dma_semaphore, #tpu.memory_space<semaphore_mem>>) {add = true}
        %dma_wait3A_81 = arith.constant 0 : i32
        %dma_wait3A_82 = tpu.memref_slice %arg10[%mul3A_40, %dma_wait3A_81] : memref<125x40xf32, #tpu.memory_space<vmem>> -> memref<1x40xf32, #tpu.memory_space<vmem>>
        %dma_wait3A_83 = tpu.memref_squeeze %dma_wait3A_82 : memref<1x40xf32, #tpu.memory_space<vmem>> -> memref<40xf32, #tpu.memory_space<vmem>>
        %dma_wait3A_84 = arith.constant 0 : i32
        %dma_wait3A_85 = tpu.memref_slice %arg9[%mul3A_40, %dma_wait3A_84] : memref<125x40xi32, #tpu.memory_space<vmem>> -> memref<1x40xi32, #tpu.memory_space<vmem>>
        %dma_wait3A_86 = tpu.memref_squeeze %dma_wait3A_85 : memref<1x40xi32, #tpu.memory_space<vmem>> -> memref<40xi32, #tpu.memory_space<vmem>>
        %dma_wait3A_87 = arith.constant 0 : i32
        %dma_wait3A_88 = tpu.memref_slice %arg13[%dma_wait3A_87] : memref<10000xf32, #tpu.memory_space<vmem_shared>> -> memref<10000xf32, #tpu.memory_space<vmem_shared>>
        tpu.wait_indirect_dma semaphore(%run_scoped3A_72 : memref<!tpu.dma_semaphore, #tpu.memory_space<semaphore_mem>>) src(%dma_wait3A_83 : memref<40xf32, #tpu.memory_space<vmem>>) dst(%dma_wait3A_88 : memref<10000xf32, #tpu.memory_space<vmem_shared>>)
        tpu.yield
      }) : () -> ()
      %add3A_49 = arith.constant 2 : i32
      %add3A_50 = arith.addi %mul3A_40, %add3A_49 : i32
      %lt3A = arith.constant 125 : i32
      %lt3A_51 = arith.cmpi slt, %add3A_50, %lt3A : i32
      %convert_element_type3A_52 = arith.extui %lt3A_51 : i1 to i32
      %cond3A_53 = arith.constant 0 : i32
      %cond3A_54 = arith.cmpi ne, %convert_element_type3A_52, %cond3A_53 : i32
      scf.if %cond3A_54 {
        %add3A_72 = arith.constant 2 : i32
        %add3A_73 = arith.addi %mul3A_40, %add3A_72 : i32
        %mul3A_74 = arith.constant 40 : i32
        %mul3A_75 = arith.muli %add3A_73, %mul3A_74 : i32
        %dma_start3A_76 = arith.constant 0 : i32
        %dma_start3A_77 = tpu.memref_slice %arg4[%add3A, %mul3A_75, %dma_start3A_76] : memref<32x5000x128xf32, #tpu.memory_space<hbm>> -> memref<1x40x128xf32, #tpu.memory_space<hbm>>
        %dma_start3A_78 = tpu.memref_squeeze %dma_start3A_77 : memref<1x40x128xf32, #tpu.memory_space<hbm>> -> memref<40x128xf32, #tpu.memory_space<hbm>>
        %dma_start3A_79 = arith.constant 0 : i32
        %dma_start3A_80 = tpu.memref_slice %arg4[%add3A, %mul3A_75, %dma_start3A_79] : memref<32x5000x128xf32, #tpu.memory_space<hbm>> -> memref<1x40x128xf32, #tpu.memory_space<hbm>>
        %dma_start3A_81 = tpu.memref_squeeze %dma_start3A_80 : memref<1x40x128xf32, #tpu.memory_space<hbm>> -> memref<40x128xf32, #tpu.memory_space<hbm>>
        tpu.enqueue_dma source(%dma_start3A_81 : memref<40x128xf32, #tpu.memory_space<hbm>>) target(%arg11 : memref<40x128xf32, #tpu.memory_space<vmem>>) target_semaphore(%arg15 : memref<!tpu.dma_semaphore, #tpu.memory_space<semaphore_mem>>)
      } else {
      }
      %add3A_55 = arith.constant 1 : i32
      %add3A_56 = arith.addi %mul3A_40, %add3A_55 : i32
      %mul3A_57 = arith.constant 40 : i32
      %mul3A_58 = arith.muli %add3A_56, %mul3A_57 : i32
      %dma_wait3A_59 = arith.constant 0 : i32
      %dma_wait3A_60 = tpu.memref_slice %arg4[%add3A, %mul3A_58, %dma_wait3A_59] : memref<32x5000x128xf32, #tpu.memory_space<hbm>> -> memref<1x40x128xf32, #tpu.memory_space<hbm>>
      %dma_wait3A_61 = tpu.memref_squeeze %dma_wait3A_60 : memref<1x40x128xf32, #tpu.memory_space<hbm>> -> memref<40x128xf32, #tpu.memory_space<hbm>>
      %dma_wait3A_62 = arith.constant 0 : i32
      %dma_wait3A_63 = tpu.memref_slice %arg4[%add3A, %mul3A_58, %dma_wait3A_62] : memref<32x5000x128xf32, #tpu.memory_space<hbm>> -> memref<1x40x128xf32, #tpu.memory_space<hbm>>
      %dma_wait3A_64 = tpu.memref_squeeze %dma_wait3A_63 : memref<1x40x128xf32, #tpu.memory_space<hbm>> -> memref<40x128xf32, #tpu.memory_space<hbm>>
      tpu.wait_dma2 semaphore(%arg16 : memref<!tpu.dma_semaphore, #tpu.memory_space<semaphore_mem>>) src(%dma_wait3A_64 : memref<40x128xf32, #tpu.memory_space<hbm>>) dst(%arg12 : memref<40x128xf32, #tpu.memory_space<vmem>>)
      "tpu.region"() ({
        %run_scoped3A_72 = tpu.sem_alloc : memref<!tpu.dma_semaphore, #tpu.memory_space<semaphore_mem>>
        %dma_start3A_73 = arith.constant 0 : i32
        %dma_start3A_74 = tpu.memref_slice %arg9[%add3A_56, %dma_start3A_73] : memref<125x40xi32, #tpu.memory_space<vmem>> -> memref<1x40xi32, #tpu.memory_space<vmem>>
        %dma_start3A_75 = tpu.memref_squeeze %dma_start3A_74 : memref<1x40xi32, #tpu.memory_space<vmem>> -> memref<40xi32, #tpu.memory_space<vmem>>
        %dma_start3A_76 = arith.constant 0 : i32
        %dma_start3A_77 = arith.constant 0 : i32
        %dma_start3A_78 = tpu.memref_slice %arg14[%dma_start3A_76, %dma_start3A_77] : memref<10000x128xf32, #tpu.memory_space<vmem_shared>> -> memref<10000x128xf32, #tpu.memory_space<vmem_shared>>
        tpu.enqueue_indirect_dma source(%arg12 : memref<40x128xf32, #tpu.memory_space<vmem>>) target(%dma_start3A_78 : memref<10000x128xf32, #tpu.memory_space<vmem_shared>>) offsets(%dma_start3A_75 : memref<40xi32, #tpu.memory_space<vmem>>) semaphore(%run_scoped3A_72 : memref<!tpu.dma_semaphore, #tpu.memory_space<semaphore_mem>>) {add = true}
        %dma_wait3A_79 = arith.constant 0 : i32
        %dma_wait3A_80 = tpu.memref_slice %arg9[%add3A_56, %dma_wait3A_79] : memref<125x40xi32, #tpu.memory_space<vmem>> -> memref<1x40xi32, #tpu.memory_space<vmem>>
        %dma_wait3A_81 = tpu.memref_squeeze %dma_wait3A_80 : memref<1x40xi32, #tpu.memory_space<vmem>> -> memref<40xi32, #tpu.memory_space<vmem>>
        %dma_wait3A_82 = arith.constant 0 : i32
        %dma_wait3A_83 = arith.constant 0 : i32
        %dma_wait3A_84 = tpu.memref_slice %arg14[%dma_wait3A_82, %dma_wait3A_83] : memref<10000x128xf32, #tpu.memory_space<vmem_shared>> -> memref<10000x128xf32, #tpu.memory_space<vmem_shared>>
        tpu.wait_indirect_dma semaphore(%run_scoped3A_72 : memref<!tpu.dma_semaphore, #tpu.memory_space<semaphore_mem>>) src(%arg12 : memref<40x128xf32, #tpu.memory_space<vmem>>) dst(%dma_wait3A_84 : memref<10000x128xf32, #tpu.memory_space<vmem_shared>>)
        tpu.yield
      }) : () -> ()
      "tpu.region"() ({
        %run_scoped3A_72 = tpu.sem_alloc : memref<!tpu.dma_semaphore, #tpu.memory_space<semaphore_mem>>
        %dma_start3A_73 = arith.constant 0 : i32
        %dma_start3A_74 = tpu.memref_slice %arg10[%add3A_56, %dma_start3A_73] : memref<125x40xf32, #tpu.memory_space<vmem>> -> memref<1x40xf32, #tpu.memory_space<vmem>>
        %dma_start3A_75 = tpu.memref_squeeze %dma_start3A_74 : memref<1x40xf32, #tpu.memory_space<vmem>> -> memref<40xf32, #tpu.memory_space<vmem>>
        %dma_start3A_76 = arith.constant 0 : i32
        %dma_start3A_77 = tpu.memref_slice %arg9[%add3A_56, %dma_start3A_76] : memref<125x40xi32, #tpu.memory_space<vmem>> -> memref<1x40xi32, #tpu.memory_space<vmem>>
        %dma_start3A_78 = tpu.memref_squeeze %dma_start3A_77 : memref<1x40xi32, #tpu.memory_space<vmem>> -> memref<40xi32, #tpu.memory_space<vmem>>
        %dma_start3A_79 = arith.constant 0 : i32
        %dma_start3A_80 = tpu.memref_slice %arg13[%dma_start3A_79] : memref<10000xf32, #tpu.memory_space<vmem_shared>> -> memref<10000xf32, #tpu.memory_space<vmem_shared>>
        tpu.enqueue_indirect_dma source(%dma_start3A_75 : memref<40xf32, #tpu.memory_space<vmem>>) target(%dma_start3A_80 : memref<10000xf32, #tpu.memory_space<vmem_shared>>) offsets(%dma_start3A_78 : memref<40xi32, #tpu.memory_space<vmem>>) semaphore(%run_scoped3A_72 : memref<!tpu.dma_semaphore, #tpu.memory_space<semaphore_mem>>) {add = true}
        %dma_wait3A_81 = arith.constant 0 : i32
        %dma_wait3A_82 = tpu.memref_slice %arg10[%add3A_56, %dma_wait3A_81] : memref<125x40xf32, #tpu.memory_space<vmem>> -> memref<1x40xf32, #tpu.memory_space<vmem>>
        %dma_wait3A_83 = tpu.memref_squeeze %dma_wait3A_82 : memref<1x40xf32, #tpu.memory_space<vmem>> -> memref<40xf32, #tpu.memory_space<vmem>>
        %dma_wait3A_84 = arith.constant 0 : i32
        %dma_wait3A_85 = tpu.memref_slice %arg9[%add3A_56, %dma_wait3A_84] : memref<125x40xi32, #tpu.memory_space<vmem>> -> memref<1x40xi32, #tpu.memory_space<vmem>>
        %dma_wait3A_86 = tpu.memref_squeeze %dma_wait3A_85 : memref<1x40xi32, #tpu.memory_space<vmem>> -> memref<40xi32, #tpu.memory_space<vmem>>
        %dma_wait3A_87 = arith.constant 0 : i32
        %dma_wait3A_88 = tpu.memref_slice %arg13[%dma_wait3A_87] : memref<10000xf32, #tpu.memory_space<vmem_shared>> -> memref<10000xf32, #tpu.memory_space<vmem_shared>>
        tpu.wait_indirect_dma semaphore(%run_scoped3A_72 : memref<!tpu.dma_semaphore, #tpu.memory_space<semaphore_mem>>) src(%dma_wait3A_83 : memref<40xf32, #tpu.memory_space<vmem>>) dst(%dma_wait3A_88 : memref<10000xf32, #tpu.memory_space<vmem_shared>>)
        tpu.yield
      }) : () -> ()
      %add3A_65 = arith.constant 2 : i32
      %add3A_66 = arith.addi %add3A_56, %add3A_65 : i32
      %lt3A_67 = arith.constant 125 : i32
      %lt3A_68 = arith.cmpi slt, %add3A_66, %lt3A_67 : i32
      %convert_element_type3A_69 = arith.extui %lt3A_68 : i1 to i32
      %cond3A_70 = arith.constant 0 : i32
      %cond3A_71 = arith.cmpi ne, %convert_element_type3A_69, %cond3A_70 : i32
      scf.if %cond3A_71 {
        %add3A_72 = arith.constant 2 : i32
        %add3A_73 = arith.addi %add3A_56, %add3A_72 : i32
        %mul3A_74 = arith.constant 40 : i32
        %mul3A_75 = arith.muli %add3A_73, %mul3A_74 : i32
        %dma_start3A_76 = arith.constant 0 : i32
        %dma_start3A_77 = tpu.memref_slice %arg4[%add3A, %mul3A_75, %dma_start3A_76] : memref<32x5000x128xf32, #tpu.memory_space<hbm>> -> memref<1x40x128xf32, #tpu.memory_space<hbm>>
        %dma_start3A_78 = tpu.memref_squeeze %dma_start3A_77 : memref<1x40x128xf32, #tpu.memory_space<hbm>> -> memref<40x128xf32, #tpu.memory_space<hbm>>
        %dma_start3A_79 = arith.constant 0 : i32
        %dma_start3A_80 = tpu.memref_slice %arg4[%add3A, %mul3A_75, %dma_start3A_79] : memref<32x5000x128xf32, #tpu.memory_space<hbm>> -> memref<1x40x128xf32, #tpu.memory_space<hbm>>
        %dma_start3A_81 = tpu.memref_squeeze %dma_start3A_80 : memref<1x40x128xf32, #tpu.memory_space<hbm>> -> memref<40x128xf32, #tpu.memory_space<hbm>>
        tpu.enqueue_dma source(%dma_start3A_81 : memref<40x128xf32, #tpu.memory_space<hbm>>) target(%arg12 : memref<40x128xf32, #tpu.memory_space<vmem>>) target_semaphore(%arg16 : memref<!tpu.dma_semaphore, #tpu.memory_space<semaphore_mem>>)
      } else {
      }
    }
    %scan3A_22 = arith.constant 62 : i32
    %dma_wait3A = arith.constant 4960 : i32
    %dma_wait3A_23 = arith.constant 0 : i32
    %dma_wait3A_24 = tpu.memref_slice %arg4[%add3A, %dma_wait3A, %dma_wait3A_23] : memref<32x5000x128xf32, #tpu.memory_space<hbm>> -> memref<1x40x128xf32, #tpu.memory_space<hbm>>
    %dma_wait3A_25 = tpu.memref_squeeze %dma_wait3A_24 : memref<1x40x128xf32, #tpu.memory_space<hbm>> -> memref<40x128xf32, #tpu.memory_space<hbm>>
    %dma_wait3A_26 = arith.constant 4960 : i32
    %dma_wait3A_27 = arith.constant 0 : i32
    %dma_wait3A_28 = tpu.memref_slice %arg4[%add3A, %dma_wait3A_26, %dma_wait3A_27] : memref<32x5000x128xf32, #tpu.memory_space<hbm>> -> memref<1x40x128xf32, #tpu.memory_space<hbm>>
    %dma_wait3A_29 = tpu.memref_squeeze %dma_wait3A_28 : memref<1x40x128xf32, #tpu.memory_space<hbm>> -> memref<40x128xf32, #tpu.memory_space<hbm>>
    tpu.wait_dma2 semaphore(%arg15 : memref<!tpu.dma_semaphore, #tpu.memory_space<semaphore_mem>>) src(%dma_wait3A_29 : memref<40x128xf32, #tpu.memory_space<hbm>>) dst(%arg11 : memref<40x128xf32, #tpu.memory_space<vmem>>)
    %run_scoped3A = arith.constant 124 : i32
    "tpu.region"() ({
      %run_scoped3A_38 = tpu.sem_alloc : memref<!tpu.dma_semaphore, #tpu.memory_space<semaphore_mem>>
      %dma_start3A_39 = arith.constant 0 : i32
      %dma_start3A_40 = tpu.memref_slice %arg9[%run_scoped3A, %dma_start3A_39] : memref<125x40xi32, #tpu.memory_space<vmem>> -> memref<1x40xi32, #tpu.memory_space<vmem>>
      %dma_start3A_41 = tpu.memref_squeeze %dma_start3A_40 : memref<1x40xi32, #tpu.memory_space<vmem>> -> memref<40xi32, #tpu.memory_space<vmem>>
      %dma_start3A_42 = arith.constant 0 : i32
      %dma_start3A_43 = arith.constant 0 : i32
      %dma_start3A_44 = tpu.memref_slice %arg14[%dma_start3A_42, %dma_start3A_43] : memref<10000x128xf32, #tpu.memory_space<vmem_shared>> -> memref<10000x128xf32, #tpu.memory_space<vmem_shared>>
      tpu.enqueue_indirect_dma source(%arg11 : memref<40x128xf32, #tpu.memory_space<vmem>>) target(%dma_start3A_44 : memref<10000x128xf32, #tpu.memory_space<vmem_shared>>) offsets(%dma_start3A_41 : memref<40xi32, #tpu.memory_space<vmem>>) semaphore(%run_scoped3A_38 : memref<!tpu.dma_semaphore, #tpu.memory_space<semaphore_mem>>) {add = true}
      %dma_wait3A_45 = arith.constant 0 : i32
      %dma_wait3A_46 = tpu.memref_slice %arg9[%run_scoped3A, %dma_wait3A_45] : memref<125x40xi32, #tpu.memory_space<vmem>> -> memref<1x40xi32, #tpu.memory_space<vmem>>
      %dma_wait3A_47 = tpu.memref_squeeze %dma_wait3A_46 : memref<1x40xi32, #tpu.memory_space<vmem>> -> memref<40xi32, #tpu.memory_space<vmem>>
      %dma_wait3A_48 = arith.constant 0 : i32
      %dma_wait3A_49 = arith.constant 0 : i32
      %dma_wait3A_50 = tpu.memref_slice %arg14[%dma_wait3A_48, %dma_wait3A_49] : memref<10000x128xf32, #tpu.memory_space<vmem_shared>> -> memref<10000x128xf32, #tpu.memory_space<vmem_shared>>
      tpu.wait_indirect_dma semaphore(%run_scoped3A_38 : memref<!tpu.dma_semaphore, #tpu.memory_space<semaphore_mem>>) src(%arg11 : memref<40x128xf32, #tpu.memory_space<vmem>>) dst(%dma_wait3A_50 : memref<10000x128xf32, #tpu.memory_space<vmem_shared>>)
      tpu.yield
    }) : () -> ()
    %run_scoped3A_30 = arith.constant 124 : i32
    %run_scoped3A_31 = arith.constant 124 : i32
    "tpu.region"() ({
      %run_scoped3A_38 = tpu.sem_alloc : memref<!tpu.dma_semaphore, #tpu.memory_space<semaphore_mem>>
      %dma_start3A_39 = arith.constant 0 : i32
      %dma_start3A_40 = tpu.memref_slice %arg10[%run_scoped3A_30, %dma_start3A_39] : memref<125x40xf32, #tpu.memory_space<vmem>> -> memref<1x40xf32, #tpu.memory_space<vmem>>
      %dma_start3A_41 = tpu.memref_squeeze %dma_start3A_40 : memref<1x40xf32, #tpu.memory_space<vmem>> -> memref<40xf32, #tpu.memory_space<vmem>>
      %dma_start3A_42 = arith.constant 0 : i32
      %dma_start3A_43 = tpu.memref_slice %arg9[%run_scoped3A_31, %dma_start3A_42] : memref<125x40xi32, #tpu.memory_space<vmem>> -> memref<1x40xi32, #tpu.memory_space<vmem>>
      %dma_start3A_44 = tpu.memref_squeeze %dma_start3A_43 : memref<1x40xi32, #tpu.memory_space<vmem>> -> memref<40xi32, #tpu.memory_space<vmem>>
      %dma_start3A_45 = arith.constant 0 : i32
      %dma_start3A_46 = tpu.memref_slice %arg13[%dma_start3A_45] : memref<10000xf32, #tpu.memory_space<vmem_shared>> -> memref<10000xf32, #tpu.memory_space<vmem_shared>>
      tpu.enqueue_indirect_dma source(%dma_start3A_41 : memref<40xf32, #tpu.memory_space<vmem>>) target(%dma_start3A_46 : memref<10000xf32, #tpu.memory_space<vmem_shared>>) offsets(%dma_start3A_44 : memref<40xi32, #tpu.memory_space<vmem>>) semaphore(%run_scoped3A_38 : memref<!tpu.dma_semaphore, #tpu.memory_space<semaphore_mem>>) {add = true}
      %dma_wait3A_47 = arith.constant 0 : i32
      %dma_wait3A_48 = tpu.memref_slice %arg10[%run_scoped3A_30, %dma_wait3A_47] : memref<125x40xf32, #tpu.memory_space<vmem>> -> memref<1x40xf32, #tpu.memory_space<vmem>>
      %dma_wait3A_49 = tpu.memref_squeeze %dma_wait3A_48 : memref<1x40xf32, #tpu.memory_space<vmem>> -> memref<40xf32, #tpu.memory_space<vmem>>
      %dma_wait3A_50 = arith.constant 0 : i32
      %dma_wait3A_51 = tpu.memref_slice %arg9[%run_scoped3A_31, %dma_wait3A_50] : memref<125x40xi32, #tpu.memory_space<vmem>> -> memref<1x40xi32, #tpu.memory_space<vmem>>
      %dma_wait3A_52 = tpu.memref_squeeze %dma_wait3A_51 : memref<1x40xi32, #tpu.memory_space<vmem>> -> memref<40xi32, #tpu.memory_space<vmem>>
      %dma_wait3A_53 = arith.constant 0 : i32
      %dma_wait3A_54 = tpu.memref_slice %arg13[%dma_wait3A_53] : memref<10000xf32, #tpu.memory_space<vmem_shared>> -> memref<10000xf32, #tpu.memory_space<vmem_shared>>
      tpu.wait_indirect_dma semaphore(%run_scoped3A_38 : memref<!tpu.dma_semaphore, #tpu.memory_space<semaphore_mem>>) src(%dma_wait3A_49 : memref<40xf32, #tpu.memory_space<vmem>>) dst(%dma_wait3A_54 : memref<10000xf32, #tpu.memory_space<vmem_shared>>)
      tpu.yield
    }) : () -> ()
    %barrier3A_32 = arith.constant 0 : index
    tpu.barrier barrier_id(%barrier3A_32)
    %eq3A_33 = arith.constant 0 : i32
    %eq3A_34 = arith.cmpi eq, %arg1, %eq3A_33 : i32
    %convert_element_type3A_35 = arith.extui %eq3A_34 : i1 to i32
    %cond3A_36 = arith.constant 0 : i32
    %cond3A_37 = arith.cmpi ne, %convert_element_type3A_35, %cond3A_36 : i32
    scf.if %cond3A_37 {
      "tpu.region"() ({
        %run_scoped3A_38 = tpu.sem_alloc : memref<!tpu.dma_semaphore, #tpu.memory_space<semaphore_mem>>
        %dma_start3A_39 = arith.constant 0 : i32
        %dma_start3A_40 = tpu.memref_slice %arg7[%arg0, %dma_start3A_39] : memref<2x10000xf32, #tpu.memory_space<hbm>> -> memref<1x10000xf32, #tpu.memory_space<hbm>>
        %dma_start3A_41 = tpu.memref_squeeze %dma_start3A_40 : memref<1x10000xf32, #tpu.memory_space<hbm>> -> memref<10000xf32, #tpu.memory_space<hbm>>
        tpu.enqueue_dma source(%arg13 : memref<10000xf32, #tpu.memory_space<vmem_shared>>) target(%dma_start3A_41 : memref<10000xf32, #tpu.memory_space<hbm>>) target_semaphore(%run_scoped3A_38 : memref<!tpu.dma_semaphore, #tpu.memory_space<semaphore_mem>>)
        %dma_wait3A_42 = arith.constant 0 : i32
        %dma_wait3A_43 = tpu.memref_slice %arg7[%arg0, %dma_wait3A_42] : memref<2x10000xf32, #tpu.memory_space<hbm>> -> memref<1x10000xf32, #tpu.memory_space<hbm>>
        %dma_wait3A_44 = tpu.memref_squeeze %dma_wait3A_43 : memref<1x10000xf32, #tpu.memory_space<hbm>> -> memref<10000xf32, #tpu.memory_space<hbm>>
        tpu.wait_dma2 semaphore(%run_scoped3A_38 : memref<!tpu.dma_semaphore, #tpu.memory_space<semaphore_mem>>) src(%arg13 : memref<10000xf32, #tpu.memory_space<vmem_shared>>) dst(%dma_wait3A_44 : memref<10000xf32, #tpu.memory_space<hbm>>)
        tpu.yield
      }) : () -> ()
      "tpu.region"() ({
        %run_scoped3A_38 = tpu.sem_alloc : memref<!tpu.dma_semaphore, #tpu.memory_space<semaphore_mem>>
        %dma_start3A_39 = arith.constant 0 : i32
        %dma_start3A_40 = arith.constant 0 : i32
        %dma_start3A_41 = tpu.memref_slice %arg8[%arg0, %dma_start3A_39, %dma_start3A_40] : memref<2x10000x128xf32, #tpu.memory_space<hbm>> -> memref<1x10000x128xf32, #tpu.memory_space<hbm>>
        %dma_start3A_42 = tpu.memref_squeeze %dma_start3A_41 : memref<1x10000x128xf32, #tpu.memory_space<hbm>> -> memref<10000x128xf32, #tpu.memory_space<hbm>>
        tpu.enqueue_dma source(%arg14 : memref<10000x128xf32, #tpu.memory_space<vmem_shared>>) target(%dma_start3A_42 : memref<10000x128xf32, #tpu.memory_space<hbm>>) target_semaphore(%run_scoped3A_38 : memref<!tpu.dma_semaphore, #tpu.memory_space<semaphore_mem>>)
        %dma_wait3A_43 = arith.constant 0 : i32
        %dma_wait3A_44 = arith.constant 0 : i32
        %dma_wait3A_45 = tpu.memref_slice %arg8[%arg0, %dma_wait3A_43, %dma_wait3A_44] : memref<2x10000x128xf32, #tpu.memory_space<hbm>> -> memref<1x10000x128xf32, #tpu.memory_space<hbm>>
        %dma_wait3A_46 = tpu.memref_squeeze %dma_wait3A_45 : memref<1x10000x128xf32, #tpu.memory_space<hbm>> -> memref<10000x128xf32, #tpu.memory_space<hbm>>
        tpu.wait_dma2 semaphore(%run_scoped3A_38 : memref<!tpu.dma_semaphore, #tpu.memory_space<semaphore_mem>>) src(%arg14 : memref<10000x128xf32, #tpu.memory_space<vmem_shared>>) dst(%dma_wait3A_46 : memref<10000x128xf32, #tpu.memory_space<hbm>>)
        tpu.yield
      }) : () -> ()
    } else {
    }
    return
  }
}

module attributes {stable_mosaic.version = 14 : i64} {
  func.func @_edge_body(%arg0: i32, %arg1: memref<1x5000x128xf32, #tpu.memory_space<vmem>>, %arg2: memref<1x5000x128xf32, #tpu.memory_space<vmem>>, %arg3: memref<1x1x5000x128xf32, #tpu.memory_space<vmem>>, %arg4: memref<128x384xf32, #tpu.memory_space<vmem>>, %arg5: memref<128x256xf32, #tpu.memory_space<vmem>>, %arg6: memref<128x128xf32, #tpu.memory_space<vmem>>, %arg7: memref<1x128xf32, #tpu.memory_space<vmem>>, %arg8: memref<128x128xf32, #tpu.memory_space<vmem>>, %arg9: memref<1x128xf32, #tpu.memory_space<vmem>>, %arg10: memref<1x1x5000xf32, #tpu.memory_space<vmem>>, %arg11: memref<1x5000x128xf32, #tpu.memory_space<vmem>>, %arg12: memref<1x1x5000x128xf32, #tpu.memory_space<vmem>>) attributes {dimension_semantics = [#tpu.dimension_semantics<arbitrary>], iteration_bounds = array<i64: 32>, scalar_prefetch = 0 : i64, scratch_operands = 0 : i64, tpu.core_type = #tpu.core_type<tc>, window_params = [{transform_indices = @transform_0, window_bounds = array<i64: 1, 5000, 128>}, {transform_indices = @transform_1, window_bounds = array<i64: 1, 5000, 128>}, {transform_indices = @transform_2, window_bounds = array<i64: 1, 1, 5000, 128>}, {pipeline_mode = #tpu.pipeline_mode<synchronous>, transform_indices = @transform_3, window_bounds = array<i64: 128, 384>}, {pipeline_mode = #tpu.pipeline_mode<synchronous>, transform_indices = @transform_4, window_bounds = array<i64: 128, 256>}, {pipeline_mode = #tpu.pipeline_mode<synchronous>, transform_indices = @transform_5, window_bounds = array<i64: 128, 128>}, {pipeline_mode = #tpu.pipeline_mode<synchronous>, transform_indices = @transform_6, window_bounds = array<i64: 1, 128>}, {pipeline_mode = #tpu.pipeline_mode<synchronous>, transform_indices = @transform_7, window_bounds = array<i64: 128, 128>}, {pipeline_mode = #tpu.pipeline_mode<synchronous>, transform_indices = @transform_8, window_bounds = array<i64: 1, 128>}, {transform_indices = @transform_9, window_bounds = array<i64: 1, 1, 5000>}, {transform_indices = @transform_10, window_bounds = array<i64: 1, 5000, 128>}, {transform_indices = @transform_11, window_bounds = array<i64: 1, 1, 5000, 128>}]} {
    %get3A = arith.constant 0 : index
    %get3A_0 = arith.constant 0 : index
    %get3A_1 = arith.constant 0 : index
    %get3A_2 = vector.load %arg1[%get3A, %get3A_0, %get3A_1] : memref<1x5000x128xf32, #tpu.memory_space<vmem>>, vector<1x5000x128xf32>
    %get3A_3 = vector.shape_cast %get3A_2 : vector<1x5000x128xf32> to vector<5000x128xf32>
    %get3A_4 = arith.constant 0 : index
    %get3A_5 = arith.constant 0 : index
    %get3A_6 = arith.constant 0 : index
    %get3A_7 = vector.load %arg2[%get3A_4, %get3A_5, %get3A_6] : memref<1x5000x128xf32, #tpu.memory_space<vmem>>, vector<1x5000x128xf32>
    %get3A_8 = vector.shape_cast %get3A_7 : vector<1x5000x128xf32> to vector<5000x128xf32>
    %get3A_9 = arith.constant 0 : index
    %get3A_10 = arith.constant 0 : index
    %get3A_11 = arith.constant 0 : index
    %get3A_12 = arith.constant 0 : index
    %get3A_13 = vector.load %arg3[%get3A_9, %get3A_10, %get3A_11, %get3A_12] : memref<1x1x5000x128xf32, #tpu.memory_space<vmem>>, vector<1x1x5000x128xf32>
    %get3A_14 = vector.shape_cast %get3A_13 : vector<1x1x5000x128xf32> to vector<5000x128xf32>
    %get3A_15 = arith.constant 0 : index
    %get3A_16 = arith.constant 0 : index
    %get3A_17 = vector.load %arg4[%get3A_15, %get3A_16] : memref<128x384xf32, #tpu.memory_space<vmem>>, vector<128x384xf32>
    %dot_general3A = arith.constant dense<0.000000e+00> : vector<5000x384xf32>
    %dot_general3A_18 = tpu.matmul %get3A_3, %get3A_17, %dot_general3A {dimension_numbers = #tpu.dot_dimension_numbers<[1], [0], [0], [1], [0, 0, 1, 1], [], []>, transpose_lhs_hint = false} : vector<5000x128xf32>, vector<128x384xf32>, vector<5000x384xf32> -> vector<5000x384xf32>
    %get3A_19 = arith.constant 0 : index
    %get3A_20 = arith.constant 0 : index
    %get3A_21 = vector.load %arg5[%get3A_19, %get3A_20] : memref<128x256xf32, #tpu.memory_space<vmem>>, vector<128x256xf32>
    %dot_general3A_22 = arith.constant dense<0.000000e+00> : vector<5000x256xf32>
    %dot_general3A_23 = tpu.matmul %get3A_8, %get3A_21, %dot_general3A_22 {dimension_numbers = #tpu.dot_dimension_numbers<[1], [0], [0], [1], [0, 0, 1, 1], [], []>, transpose_lhs_hint = false} : vector<5000x128xf32>, vector<128x256xf32>, vector<5000x256xf32> -> vector<5000x256xf32>
    %slice3A = vector.extract_strided_slice %dot_general3A_18 {offsets = [0, 0], sizes = [5000, 128], strides = [1, 1]} : vector<5000x384xf32> to vector<5000x128xf32>
    %add3A = arith.addf %slice3A, %get3A_14 : vector<5000x128xf32>
    %slice3A_24 = vector.extract_strided_slice %dot_general3A_18 {offsets = [0, 128], sizes = [5000, 128], strides = [1, 1]} : vector<5000x384xf32> to vector<5000x128xf32>
    %add3A_25 = arith.addf %slice3A_24, %get3A_14 : vector<5000x128xf32>
    %slice3A_26 = vector.extract_strided_slice %dot_general3A_23 {offsets = [0, 0], sizes = [5000, 128], strides = [1, 1]} : vector<5000x256xf32> to vector<5000x128xf32>
    %broadcast_in_dim3A = arith.constant 0.0883883461 : f32
    %broadcast_in_dim3A_27 = vector.broadcast %broadcast_in_dim3A : f32 to vector<128x128xf32>
    %mul3A = arith.mulf %slice3A_26, %add3A : vector<5000x128xf32>
    %dot_general3A_28 = arith.constant dense<0.000000e+00> : vector<5000x128xf32>
    %dot_general3A_29 = tpu.matmul %mul3A, %broadcast_in_dim3A_27, %dot_general3A_28 {dimension_numbers = #tpu.dot_dimension_numbers<[1], [0], [0], [1], [0, 0, 1, 1], [], []>, transpose_lhs_hint = false} : vector<5000x128xf32>, vector<128x128xf32>, vector<5000x128xf32> -> vector<5000x128xf32>
    %exp3A = math.exp %dot_general3A_29 : vector<5000x128xf32>
    %slice3A_30 = vector.extract_strided_slice %exp3A {offsets = [0, 0], sizes = [5000, 1], strides = [1, 1]} : vector<5000x128xf32> to vector<5000x1xf32>
    %squeeze3A = vector.shape_cast %slice3A_30 : vector<5000x1xf32> to vector<5000xf32>
    %swap3A = arith.constant 0 : index
    %swap3A_31 = arith.constant 0 : index
    %swap3A_32 = arith.constant 0 : index
    %swap3A_33 = vector.load %arg10[%swap3A, %swap3A_31, %swap3A_32] : memref<1x1x5000xf32, #tpu.memory_space<vmem>>, vector<1x1x5000xf32>
    %swap3A_34 = vector.shape_cast %swap3A_33 : vector<1x1x5000xf32> to vector<5000xf32>
    %swap3A_35 = vector.shape_cast %squeeze3A : vector<5000xf32> to vector<1x1x5000xf32>
    tpu.vector_store %arg10[%swap3A, %swap3A_31, %swap3A_32], %swap3A_35 {strides = array<i32>} : memref<1x1x5000xf32, #tpu.memory_space<vmem>>, vector<1x1x5000xf32>,
    %mul3A_36 = arith.mulf %add3A_25, %exp3A : vector<5000x128xf32>
    %swap3A_37 = arith.constant 0 : index
    %swap3A_38 = arith.constant 0 : index
    %swap3A_39 = arith.constant 0 : index
    %swap3A_40 = vector.load %arg11[%swap3A_37, %swap3A_38, %swap3A_39] : memref<1x5000x128xf32, #tpu.memory_space<vmem>>, vector<1x5000x128xf32>
    %swap3A_41 = vector.shape_cast %swap3A_40 : vector<1x5000x128xf32> to vector<5000x128xf32>
    %swap3A_42 = vector.shape_cast %mul3A_36 : vector<5000x128xf32> to vector<1x5000x128xf32>
    tpu.vector_store %arg11[%swap3A_37, %swap3A_38, %swap3A_39], %swap3A_42 {strides = array<i32>} : memref<1x5000x128xf32, #tpu.memory_space<vmem>>, vector<1x5000x128xf32>,
    %slice3A_43 = vector.extract_strided_slice %dot_general3A_18 {offsets = [0, 256], sizes = [5000, 128], strides = [1, 1]} : vector<5000x384xf32> to vector<5000x128xf32>
    %get3A_44 = arith.constant 0 : index
    %get3A_45 = arith.constant 0 : index
    %get3A_46 = vector.load %arg6[%get3A_44, %get3A_45] : memref<128x128xf32, #tpu.memory_space<vmem>>, vector<128x128xf32>
    %dot_general3A_47 = arith.constant dense<0.000000e+00> : vector<5000x128xf32>
    %dot_general3A_48 = tpu.matmul %get3A_14, %get3A_46, %dot_general3A_47 {dimension_numbers = #tpu.dot_dimension_numbers<[1], [0], [0], [1], [0, 0, 1, 1], [], []>, transpose_lhs_hint = false} : vector<5000x128xf32>, vector<128x128xf32>, vector<5000x128xf32> -> vector<5000x128xf32>
    %add3A_49 = arith.addf %slice3A_43, %dot_general3A_48 : vector<5000x128xf32>
    %slice3A_50 = vector.extract_strided_slice %dot_general3A_23 {offsets = [0, 128], sizes = [5000, 128], strides = [1, 1]} : vector<5000x256xf32> to vector<5000x128xf32>
    %add3A_51 = arith.addf %add3A_49, %slice3A_50 : vector<5000x128xf32>
    %get3A_52 = arith.constant 0 : index
    %get3A_53 = arith.constant 0 : index
    %get3A_54 = vector.load %arg7[%get3A_52, %get3A_53] : memref<1x128xf32, #tpu.memory_space<vmem>>, vector<1x128xf32>
    %add3A_55 = vector.broadcast %get3A_54 : vector<1x128xf32> to vector<5000x128xf32>
    %add3A_56 = arith.addf %add3A_51, %add3A_55 : vector<5000x128xf32>
    %max3A = arith.constant 0.000000e+00 : f32
    %max3A_57 = vector.broadcast %max3A : f32 to vector<5000x128xf32>
    %max3A_58 = arith.maximumf %add3A_56, %max3A_57 : vector<5000x128xf32>
    %get3A_59 = arith.constant 0 : index
    %get3A_60 = arith.constant 0 : index
    %get3A_61 = vector.load %arg8[%get3A_59, %get3A_60] : memref<128x128xf32, #tpu.memory_space<vmem>>, vector<128x128xf32>
    %dot_general3A_62 = arith.constant dense<0.000000e+00> : vector<5000x128xf32>
    %dot_general3A_63 = tpu.matmul %max3A_58, %get3A_61, %dot_general3A_62 {dimension_numbers = #tpu.dot_dimension_numbers<[1], [0], [0], [1], [0, 0, 1, 1], [], []>, transpose_lhs_hint = false} : vector<5000x128xf32>, vector<128x128xf32>, vector<5000x128xf32> -> vector<5000x128xf32>
    %get3A_64 = arith.constant 0 : index
    %get3A_65 = arith.constant 0 : index
    %get3A_66 = vector.load %arg9[%get3A_64, %get3A_65] : memref<1x128xf32, #tpu.memory_space<vmem>>, vector<1x128xf32>
    %add3A_67 = vector.broadcast %get3A_66 : vector<1x128xf32> to vector<5000x128xf32>
    %add3A_68 = arith.addf %dot_general3A_63, %add3A_67 : vector<5000x128xf32>
    %swap3A_69 = arith.constant 0 : index
    %swap3A_70 = arith.constant 0 : index
    %swap3A_71 = arith.constant 0 : index
    %swap3A_72 = arith.constant 0 : index
    %swap3A_73 = vector.load %arg12[%swap3A_69, %swap3A_70, %swap3A_71, %swap3A_72] : memref<1x1x5000x128xf32, #tpu.memory_space<vmem>>, vector<1x1x5000x128xf32>
    %swap3A_74 = vector.shape_cast %swap3A_73 : vector<1x1x5000x128xf32> to vector<5000x128xf32>
    %swap3A_75 = vector.shape_cast %add3A_68 : vector<5000x128xf32> to vector<1x1x5000x128xf32>
    tpu.vector_store %arg12[%swap3A_69, %swap3A_70, %swap3A_71, %swap3A_72], %swap3A_75 {strides = array<i32>} : memref<1x1x5000x128xf32, #tpu.memory_space<vmem>>, vector<1x1x5000x128xf32>,
    return
  }
  func.func @transform_0(%arg0: i32) -> (i32, i32, i32) {
    %c0_i32 = arith.constant 0 : i32
    %c0_i32_0 = arith.constant 0 : i32
    %c0_i32_1 = arith.constant 0 : i32
    return %arg0, %c0_i32, %c0_i32_0 : i32, i32, i32
  }
  func.func @transform_1(%arg0: i32) -> (i32, i32, i32) {
    %c0_i32 = arith.constant 0 : i32
    %c0_i32_0 = arith.constant 0 : i32
    %c0_i32_1 = arith.constant 0 : i32
    return %arg0, %c0_i32, %c0_i32_0 : i32, i32, i32
  }
  func.func @transform_2(%arg0: i32) -> (i32, i32, i32, i32) {
    %c0_i32 = arith.constant 0 : i32
    %c0_i32_0 = arith.constant 0 : i32
    %c0_i32_1 = arith.constant 0 : i32
    %c0_i32_2 = arith.constant 0 : i32
    return %arg0, %c0_i32, %c0_i32_0, %c0_i32_1 : i32, i32, i32, i32
  }
  func.func @transform_3(%arg0: i32) -> (i32, i32) {
    %c0_i32 = arith.constant 0 : i32
    %c0_i32_0 = arith.constant 0 : i32
    %c0_i32_1 = arith.constant 0 : i32
    return %c0_i32, %c0_i32_0 : i32, i32
  }
  func.func @transform_4(%arg0: i32) -> (i32, i32) {
    %c0_i32 = arith.constant 0 : i32
    %c0_i32_0 = arith.constant 0 : i32
    %c0_i32_1 = arith.constant 0 : i32
    return %c0_i32, %c0_i32_0 : i32, i32
  }
  func.func @transform_5(%arg0: i32) -> (i32, i32) {
    %c0_i32 = arith.constant 0 : i32
    %c0_i32_0 = arith.constant 0 : i32
    %c0_i32_1 = arith.constant 0 : i32
    return %c0_i32, %c0_i32_0 : i32, i32
  }
  func.func @transform_6(%arg0: i32) -> (i32, i32) {
    %c0_i32 = arith.constant 0 : i32
    %c0_i32_0 = arith.constant 0 : i32
    %c0_i32_1 = arith.constant 0 : i32
    return %c0_i32, %c0_i32_0 : i32, i32
  }
  func.func @transform_7(%arg0: i32) -> (i32, i32) {
    %c0_i32 = arith.constant 0 : i32
    %c0_i32_0 = arith.constant 0 : i32
    %c0_i32_1 = arith.constant 0 : i32
    return %c0_i32, %c0_i32_0 : i32, i32
  }
  func.func @transform_8(%arg0: i32) -> (i32, i32) {
    %c0_i32 = arith.constant 0 : i32
    %c0_i32_0 = arith.constant 0 : i32
    %c0_i32_1 = arith.constant 0 : i32
    return %c0_i32, %c0_i32_0 : i32, i32
  }
  func.func @transform_9(%arg0: i32) -> (i32, i32, i32) {
    %c0_i32 = arith.constant 0 : i32
    %c0_i32_0 = arith.constant 0 : i32
    %c0_i32_1 = arith.constant 0 : i32
    return %arg0, %c0_i32, %c0_i32_0 : i32, i32, i32
  }
  func.func @transform_10(%arg0: i32) -> (i32, i32, i32) {
    %c0_i32 = arith.constant 0 : i32
    %c0_i32_0 = arith.constant 0 : i32
    %c0_i32_1 = arith.constant 0 : i32
    return %arg0, %c0_i32, %c0_i32_0 : i32, i32, i32
  }
  func.func @transform_11(%arg0: i32) -> (i32, i32, i32, i32) {
    %c0_i32 = arith.constant 0 : i32
    %c0_i32_0 = arith.constant 0 : i32
    %c0_i32_1 = arith.constant 0 : i32
    %c0_i32_2 = arith.constant 0 : i32
    return %arg0, %c0_i32, %c0_i32_0, %c0_i32_1 : i32, i32, i32, i32
  }
}

module attributes {stable_mosaic.version = 14 : i64} {
  func.func @_edge_body(%arg0: i32, %arg1: memref<1x5000x128xf32, #tpu.memory_space<vmem>>, %arg2: memref<1x5000x128xf32, #tpu.memory_space<vmem>>, %arg3: memref<1x1x5000x128xf32, #tpu.memory_space<vmem>>, %arg4: memref<128x384xf32, #tpu.memory_space<vmem>>, %arg5: memref<128x256xf32, #tpu.memory_space<vmem>>, %arg6: memref<128x128xf32, #tpu.memory_space<vmem>>, %arg7: memref<1x128xf32, #tpu.memory_space<vmem>>, %arg8: memref<128x128xf32, #tpu.memory_space<vmem>>, %arg9: memref<1x128xf32, #tpu.memory_space<vmem>>, %arg10: memref<32x2x5000x128xf32, #tpu.memory_space<any>>, %arg11: memref<1x1x5000xf32, #tpu.memory_space<vmem>>, %arg12: memref<1x5000x128xf32, #tpu.memory_space<vmem>>, %arg13: memref<1x1x5000x128xf32, #tpu.memory_space<vmem>>) attributes {dimension_semantics = [#tpu.dimension_semantics<arbitrary>], iteration_bounds = array<i64: 32>, scalar_prefetch = 0 : i64, scratch_operands = 0 : i64, tpu.core_type = #tpu.core_type<tc>, window_params = [{transform_indices = @transform_0, window_bounds = array<i64: 1, 5000, 128>}, {transform_indices = @transform_1, window_bounds = array<i64: 1, 5000, 128>}, {transform_indices = @transform_2, window_bounds = array<i64: 1, 1, 5000, 128>}, {pipeline_mode = #tpu.pipeline_mode<synchronous>, transform_indices = @transform_3, window_bounds = array<i64: 128, 384>}, {pipeline_mode = #tpu.pipeline_mode<synchronous>, transform_indices = @transform_4, window_bounds = array<i64: 128, 256>}, {pipeline_mode = #tpu.pipeline_mode<synchronous>, transform_indices = @transform_5, window_bounds = array<i64: 128, 128>}, {pipeline_mode = #tpu.pipeline_mode<synchronous>, transform_indices = @transform_6, window_bounds = array<i64: 1, 128>}, {pipeline_mode = #tpu.pipeline_mode<synchronous>, transform_indices = @transform_7, window_bounds = array<i64: 128, 128>}, {pipeline_mode = #tpu.pipeline_mode<synchronous>, transform_indices = @transform_8, window_bounds = array<i64: 1, 128>}, {}, {transform_indices = @transform_10, window_bounds = array<i64: 1, 1, 5000>}, {transform_indices = @transform_11, window_bounds = array<i64: 1, 5000, 128>}, {transform_indices = @transform_12, window_bounds = array<i64: 1, 1, 5000, 128>}]} {
    %get3A = arith.constant 0 : index
    %get3A_0 = arith.constant 0 : index
    %get3A_1 = arith.constant 0 : index
    %get3A_2 = vector.load %arg1[%get3A, %get3A_0, %get3A_1] : memref<1x5000x128xf32, #tpu.memory_space<vmem>>, vector<1x5000x128xf32>
    %get3A_3 = vector.shape_cast %get3A_2 : vector<1x5000x128xf32> to vector<5000x128xf32>
    %get3A_4 = arith.constant 0 : index
    %get3A_5 = arith.constant 0 : index
    %get3A_6 = arith.constant 0 : index
    %get3A_7 = vector.load %arg2[%get3A_4, %get3A_5, %get3A_6] : memref<1x5000x128xf32, #tpu.memory_space<vmem>>, vector<1x5000x128xf32>
    %get3A_8 = vector.shape_cast %get3A_7 : vector<1x5000x128xf32> to vector<5000x128xf32>
    %get3A_9 = arith.constant 0 : index
    %get3A_10 = arith.constant 0 : index
    %get3A_11 = arith.constant 0 : index
    %get3A_12 = arith.constant 0 : index
    %get3A_13 = vector.load %arg3[%get3A_9, %get3A_10, %get3A_11, %get3A_12] : memref<1x1x5000x128xf32, #tpu.memory_space<vmem>>, vector<1x1x5000x128xf32>
    %get3A_14 = vector.shape_cast %get3A_13 : vector<1x1x5000x128xf32> to vector<5000x128xf32>
    %get3A_15 = arith.constant 0 : index
    %get3A_16 = arith.constant 0 : index
    %get3A_17 = vector.load %arg4[%get3A_15, %get3A_16] : memref<128x384xf32, #tpu.memory_space<vmem>>, vector<128x384xf32>
    %dot_general3A = arith.constant dense<0.000000e+00> : vector<5000x384xf32>
    %dot_general3A_18 = tpu.matmul %get3A_3, %get3A_17, %dot_general3A {dimension_numbers = #tpu.dot_dimension_numbers<[1], [0], [0], [1], [0, 0, 1, 1], [], []>, transpose_lhs_hint = false} : vector<5000x128xf32>, vector<128x384xf32>, vector<5000x384xf32> -> vector<5000x384xf32>
    %get3A_19 = arith.constant 0 : index
    %get3A_20 = arith.constant 0 : index
    %get3A_21 = vector.load %arg5[%get3A_19, %get3A_20] : memref<128x256xf32, #tpu.memory_space<vmem>>, vector<128x256xf32>
    %dot_general3A_22 = arith.constant dense<0.000000e+00> : vector<5000x256xf32>
    %dot_general3A_23 = tpu.matmul %get3A_8, %get3A_21, %dot_general3A_22 {dimension_numbers = #tpu.dot_dimension_numbers<[1], [0], [0], [1], [0, 0, 1, 1], [], []>, transpose_lhs_hint = false} : vector<5000x128xf32>, vector<128x256xf32>, vector<5000x256xf32> -> vector<5000x256xf32>
    %slice3A = vector.extract_strided_slice %dot_general3A_18 {offsets = [0, 0], sizes = [5000, 128], strides = [1, 1]} : vector<5000x384xf32> to vector<5000x128xf32>
    %add3A = arith.addf %slice3A, %get3A_14 : vector<5000x128xf32>
    %slice3A_24 = vector.extract_strided_slice %dot_general3A_18 {offsets = [0, 128], sizes = [5000, 128], strides = [1, 1]} : vector<5000x384xf32> to vector<5000x128xf32>
    %add3A_25 = arith.addf %slice3A_24, %get3A_14 : vector<5000x128xf32>
    %slice3A_26 = vector.extract_strided_slice %dot_general3A_23 {offsets = [0, 0], sizes = [5000, 128], strides = [1, 1]} : vector<5000x256xf32> to vector<5000x128xf32>
    %broadcast_in_dim3A = arith.constant 0.0883883461 : f32
    %broadcast_in_dim3A_27 = vector.broadcast %broadcast_in_dim3A : f32 to vector<128x128xf32>
    %mul3A = arith.mulf %slice3A_26, %add3A : vector<5000x128xf32>
    %dot_general3A_28 = arith.constant dense<0.000000e+00> : vector<5000x128xf32>
    %dot_general3A_29 = tpu.matmul %mul3A, %broadcast_in_dim3A_27, %dot_general3A_28 {dimension_numbers = #tpu.dot_dimension_numbers<[1], [0], [0], [1], [0, 0, 1, 1], [], []>, transpose_lhs_hint = false} : vector<5000x128xf32>, vector<128x128xf32>, vector<5000x128xf32> -> vector<5000x128xf32>
    %exp3A = math.exp %dot_general3A_29 : vector<5000x128xf32>
    %slice3A_30 = vector.extract_strided_slice %exp3A {offsets = [0, 0], sizes = [5000, 1], strides = [1, 1]} : vector<5000x128xf32> to vector<5000x1xf32>
    %squeeze3A = vector.shape_cast %slice3A_30 : vector<5000x1xf32> to vector<5000xf32>
    %swap3A = arith.constant 0 : index
    %swap3A_31 = arith.constant 0 : index
    %swap3A_32 = arith.constant 0 : index
    %swap3A_33 = vector.load %arg11[%swap3A, %swap3A_31, %swap3A_32] : memref<1x1x5000xf32, #tpu.memory_space<vmem>>, vector<1x1x5000xf32>
    %swap3A_34 = vector.shape_cast %swap3A_33 : vector<1x1x5000xf32> to vector<5000xf32>
    %swap3A_35 = vector.shape_cast %squeeze3A : vector<5000xf32> to vector<1x1x5000xf32>
    tpu.vector_store %arg11[%swap3A, %swap3A_31, %swap3A_32], %swap3A_35 {strides = array<i32>} : memref<1x1x5000xf32, #tpu.memory_space<vmem>>, vector<1x1x5000xf32>,
    %mul3A_36 = arith.mulf %add3A_25, %exp3A : vector<5000x128xf32>
    %swap3A_37 = arith.constant 0 : index
    %swap3A_38 = arith.constant 0 : index
    %swap3A_39 = arith.constant 0 : index
    %swap3A_40 = vector.load %arg12[%swap3A_37, %swap3A_38, %swap3A_39] : memref<1x5000x128xf32, #tpu.memory_space<vmem>>, vector<1x5000x128xf32>
    %swap3A_41 = vector.shape_cast %swap3A_40 : vector<1x5000x128xf32> to vector<5000x128xf32>
    %swap3A_42 = vector.shape_cast %mul3A_36 : vector<5000x128xf32> to vector<1x5000x128xf32>
    tpu.vector_store %arg12[%swap3A_37, %swap3A_38, %swap3A_39], %swap3A_42 {strides = array<i32>} : memref<1x5000x128xf32, #tpu.memory_space<vmem>>, vector<1x5000x128xf32>,
    %slice3A_43 = vector.extract_strided_slice %dot_general3A_18 {offsets = [0, 256], sizes = [5000, 128], strides = [1, 1]} : vector<5000x384xf32> to vector<5000x128xf32>
    %get3A_44 = arith.constant 0 : index
    %get3A_45 = arith.constant 0 : index
    %get3A_46 = vector.load %arg6[%get3A_44, %get3A_45] : memref<128x128xf32, #tpu.memory_space<vmem>>, vector<128x128xf32>
    %dot_general3A_47 = arith.constant dense<0.000000e+00> : vector<5000x128xf32>
    %dot_general3A_48 = tpu.matmul %get3A_14, %get3A_46, %dot_general3A_47 {dimension_numbers = #tpu.dot_dimension_numbers<[1], [0], [0], [1], [0, 0, 1, 1], [], []>, transpose_lhs_hint = false} : vector<5000x128xf32>, vector<128x128xf32>, vector<5000x128xf32> -> vector<5000x128xf32>
    %add3A_49 = arith.addf %slice3A_43, %dot_general3A_48 : vector<5000x128xf32>
    %slice3A_50 = vector.extract_strided_slice %dot_general3A_23 {offsets = [0, 128], sizes = [5000, 128], strides = [1, 1]} : vector<5000x256xf32> to vector<5000x128xf32>
    %add3A_51 = arith.addf %add3A_49, %slice3A_50 : vector<5000x128xf32>
    %get3A_52 = arith.constant 0 : index
    %get3A_53 = arith.constant 0 : index
    %get3A_54 = vector.load %arg7[%get3A_52, %get3A_53] : memref<1x128xf32, #tpu.memory_space<vmem>>, vector<1x128xf32>
    %add3A_55 = vector.broadcast %get3A_54 : vector<1x128xf32> to vector<5000x128xf32>
    %add3A_56 = arith.addf %add3A_51, %add3A_55 : vector<5000x128xf32>
    %max3A = arith.constant 0.000000e+00 : f32
    %max3A_57 = vector.broadcast %max3A : f32 to vector<5000x128xf32>
    %max3A_58 = arith.maximumf %add3A_56, %max3A_57 : vector<5000x128xf32>
    %get3A_59 = arith.constant 0 : index
    %get3A_60 = arith.constant 0 : index
    %get3A_61 = vector.load %arg8[%get3A_59, %get3A_60] : memref<128x128xf32, #tpu.memory_space<vmem>>, vector<128x128xf32>
    %dot_general3A_62 = arith.constant dense<0.000000e+00> : vector<5000x128xf32>
    %dot_general3A_63 = tpu.matmul %max3A_58, %get3A_61, %dot_general3A_62 {dimension_numbers = #tpu.dot_dimension_numbers<[1], [0], [0], [1], [0, 0, 1, 1], [], []>, transpose_lhs_hint = false} : vector<5000x128xf32>, vector<128x128xf32>, vector<5000x128xf32> -> vector<5000x128xf32>
    %get3A_64 = arith.constant 0 : index
    %get3A_65 = arith.constant 0 : index
    %get3A_66 = vector.load %arg9[%get3A_64, %get3A_65] : memref<1x128xf32, #tpu.memory_space<vmem>>, vector<1x128xf32>
    %add3A_67 = vector.broadcast %get3A_66 : vector<1x128xf32> to vector<5000x128xf32>
    %add3A_68 = arith.addf %dot_general3A_63, %add3A_67 : vector<5000x128xf32>
    %swap3A_69 = arith.constant 0 : index
    %swap3A_70 = arith.constant 0 : index
    %swap3A_71 = arith.constant 0 : index
    %swap3A_72 = arith.constant 0 : index
    %swap3A_73 = vector.load %arg13[%swap3A_69, %swap3A_70, %swap3A_71, %swap3A_72] : memref<1x1x5000x128xf32, #tpu.memory_space<vmem>>, vector<1x1x5000x128xf32>
    %swap3A_74 = vector.shape_cast %swap3A_73 : vector<1x1x5000x128xf32> to vector<5000x128xf32>
    %swap3A_75 = vector.shape_cast %add3A_68 : vector<5000x128xf32> to vector<1x1x5000x128xf32>
    tpu.vector_store %arg13[%swap3A_69, %swap3A_70, %swap3A_71, %swap3A_72], %swap3A_75 {strides = array<i32>} : memref<1x1x5000x128xf32, #tpu.memory_space<vmem>>, vector<1x1x5000x128xf32>,
    return
  }
  func.func @transform_0(%arg0: i32) -> (i32, i32, i32) {
    %c0_i32 = arith.constant 0 : i32
    %c0_i32_0 = arith.constant 0 : i32
    %c0_i32_1 = arith.constant 0 : i32
    return %arg0, %c0_i32, %c0_i32_0 : i32, i32, i32
  }
  func.func @transform_1(%arg0: i32) -> (i32, i32, i32) {
    %c0_i32 = arith.constant 0 : i32
    %c0_i32_0 = arith.constant 0 : i32
    %c0_i32_1 = arith.constant 0 : i32
    return %arg0, %c0_i32, %c0_i32_0 : i32, i32, i32
  }
  func.func @transform_2(%arg0: i32) -> (i32, i32, i32, i32) {
    %c1_i32 = arith.constant 1 : i32
    %c0_i32 = arith.constant 0 : i32
    %c0_i32_0 = arith.constant 0 : i32
    %c0_i32_1 = arith.constant 0 : i32
    return %arg0, %c1_i32, %c0_i32, %c0_i32_0 : i32, i32, i32, i32
  }
  func.func @transform_3(%arg0: i32) -> (i32, i32) {
    %c0_i32 = arith.constant 0 : i32
    %c0_i32_0 = arith.constant 0 : i32
    %c0_i32_1 = arith.constant 0 : i32
    return %c0_i32, %c0_i32_0 : i32, i32
  }
  func.func @transform_4(%arg0: i32) -> (i32, i32) {
    %c0_i32 = arith.constant 0 : i32
    %c0_i32_0 = arith.constant 0 : i32
    %c0_i32_1 = arith.constant 0 : i32
    return %c0_i32, %c0_i32_0 : i32, i32
  }
  func.func @transform_5(%arg0: i32) -> (i32, i32) {
    %c0_i32 = arith.constant 0 : i32
    %c0_i32_0 = arith.constant 0 : i32
    %c0_i32_1 = arith.constant 0 : i32
    return %c0_i32, %c0_i32_0 : i32, i32
  }
  func.func @transform_6(%arg0: i32) -> (i32, i32) {
    %c0_i32 = arith.constant 0 : i32
    %c0_i32_0 = arith.constant 0 : i32
    %c0_i32_1 = arith.constant 0 : i32
    return %c0_i32, %c0_i32_0 : i32, i32
  }
  func.func @transform_7(%arg0: i32) -> (i32, i32) {
    %c0_i32 = arith.constant 0 : i32
    %c0_i32_0 = arith.constant 0 : i32
    %c0_i32_1 = arith.constant 0 : i32
    return %c0_i32, %c0_i32_0 : i32, i32
  }
  func.func @transform_8(%arg0: i32) -> (i32, i32) {
    %c0_i32 = arith.constant 0 : i32
    %c0_i32_0 = arith.constant 0 : i32
    %c0_i32_1 = arith.constant 0 : i32
    return %c0_i32, %c0_i32_0 : i32, i32
  }
  func.func @transform_10(%arg0: i32) -> (i32, i32, i32) {
    %c0_i32 = arith.constant 0 : i32
    %c0_i32_0 = arith.constant 0 : i32
    %c0_i32_1 = arith.constant 0 : i32
    return %arg0, %c0_i32, %c0_i32_0 : i32, i32, i32
  }
  func.func @transform_11(%arg0: i32) -> (i32, i32, i32) {
    %c0_i32 = arith.constant 0 : i32
    %c0_i32_0 = arith.constant 0 : i32
    %c0_i32_1 = arith.constant 0 : i32
    return %arg0, %c0_i32, %c0_i32_0 : i32, i32, i32
  }
  func.func @transform_12(%arg0: i32) -> (i32, i32, i32, i32) {
    %c1_i32 = arith.constant 1 : i32
    %c0_i32 = arith.constant 0 : i32
    %c0_i32_0 = arith.constant 0 : i32
    %c0_i32_1 = arith.constant 0 : i32
    return %arg0, %c1_i32, %c0_i32, %c0_i32_0 : i32, i32, i32, i32
  }
}

module attributes {stable_mosaic.version = 14 : i64} {
  func.func @_final_body(%arg0: i32, %arg1: memref<2000x128xf32, #tpu.memory_space<vmem>>, %arg2: memref<2x2000x128xf32, #tpu.memory_space<vmem>>, %arg3: memref<2x1x1x2000xf32, #tpu.memory_space<vmem>>, %arg4: memref<128x128xf32, #tpu.memory_space<vmem>>, %arg5: memref<1x128xf32, #tpu.memory_space<vmem>>, %arg6: memref<1x128xf32, #tpu.memory_space<vmem>>, %arg7: memref<2000x128xf32, #tpu.memory_space<vmem>>) attributes {dimension_semantics = [#tpu.dimension_semantics<arbitrary>], iteration_bounds = array<i64: 5>, scalar_prefetch = 0 : i64, scratch_operands = 0 : i64, tpu.core_type = #tpu.core_type<tc>, window_params = [{transform_indices = @transform_0, window_bounds = array<i64: 2000, 128>}, {transform_indices = @transform_1, window_bounds = array<i64: 2, 2000, 128>}, {transform_indices = @transform_2, window_bounds = array<i64: 2, 1, 1, 2000>}, {pipeline_mode = #tpu.pipeline_mode<synchronous>, transform_indices = @transform_3, window_bounds = array<i64: 128, 128>}, {pipeline_mode = #tpu.pipeline_mode<synchronous>, transform_indices = @transform_4, window_bounds = array<i64: 1, 128>}, {pipeline_mode = #tpu.pipeline_mode<synchronous>, transform_indices = @transform_5, window_bounds = array<i64: 1, 128>}, {transform_indices = @transform_6, window_bounds = array<i64: 2000, 128>}]} {
    %get3A = arith.constant 0 : index
    %get3A_0 = arith.constant 0 : index
    %get3A_1 = arith.constant 0 : index
    %get3A_2 = arith.constant 0 : index
    %get3A_3 = vector.load %arg3[%get3A, %get3A_0, %get3A_1, %get3A_2] : memref<2x1x1x2000xf32, #tpu.memory_space<vmem>>, vector<1x1x1x2000xf32>
    %get3A_4 = vector.shape_cast %get3A_3 : vector<1x1x1x2000xf32> to vector<2000xf32>
    %get3A_5 = arith.constant 1 : index
    %get3A_6 = arith.constant 0 : index
    %get3A_7 = arith.constant 0 : index
    %get3A_8 = arith.constant 0 : index
    %get3A_9 = vector.load %arg3[%get3A_5, %get3A_6, %get3A_7, %get3A_8] : memref<2x1x1x2000xf32, #tpu.memory_space<vmem>>, vector<1x1x1x2000xf32>
    %get3A_10 = vector.shape_cast %get3A_9 : vector<1x1x1x2000xf32> to vector<2000xf32>
    %add3A = arith.addf %get3A_4, %get3A_10 : vector<2000xf32>
    %max3A = arith.constant 1.000000e-30 : f32
    %max3A_11 = vector.broadcast %max3A : f32 to vector<2000xf32>
    %max3A_12 = arith.maximumf %add3A, %max3A_11 : vector<2000xf32>
    %div3A = arith.constant 1.000000e+00 : f32
    %div3A_13 = vector.broadcast %div3A : f32 to vector<2000xf32>
    %div3A_14 = arith.divf %div3A_13, %max3A_12 : vector<2000xf32>
    %get3A_15 = arith.constant 0 : index
    %get3A_16 = arith.constant 0 : index
    %get3A_17 = arith.constant 0 : index
    %get3A_18 = vector.load %arg2[%get3A_15, %get3A_16, %get3A_17] : memref<2x2000x128xf32, #tpu.memory_space<vmem>>, vector<1x2000x128xf32>
    %get3A_19 = vector.shape_cast %get3A_18 : vector<1x2000x128xf32> to vector<2000x128xf32>
    %get3A_20 = arith.constant 1 : index
    %get3A_21 = arith.constant 0 : index
    %get3A_22 = arith.constant 0 : index
    %get3A_23 = vector.load %arg2[%get3A_20, %get3A_21, %get3A_22] : memref<2x2000x128xf32, #tpu.memory_space<vmem>>, vector<1x2000x128xf32>
    %get3A_24 = vector.shape_cast %get3A_23 : vector<1x2000x128xf32> to vector<2000x128xf32>
    %add3A_25 = arith.addf %get3A_19, %get3A_24 : vector<2000x128xf32>
    %broadcast_in_dim3A = vector.shape_cast %div3A_14 : vector<2000xf32> to vector<2000x1xf32>
    %mul3A = vector.broadcast %broadcast_in_dim3A : vector<2000x1xf32> to vector<2000x128xf32>
    %mul3A_26 = arith.mulf %add3A_25, %mul3A : vector<2000x128xf32>
    %get3A_27 = arith.constant 0 : index
    %get3A_28 = arith.constant 0 : index
    %get3A_29 = vector.load %arg1[%get3A_27, %get3A_28] : memref<2000x128xf32, #tpu.memory_space<vmem>>, vector<2000x128xf32>
    %get3A_30 = arith.constant 0 : index
    %get3A_31 = arith.constant 0 : index
    %get3A_32 = vector.load %arg4[%get3A_30, %get3A_31] : memref<128x128xf32, #tpu.memory_space<vmem>>, vector<128x128xf32>
    %dot_general3A = arith.constant dense<0.000000e+00> : vector<2000x128xf32>
    %dot_general3A_33 = tpu.matmul %mul3A_26, %get3A_32, %dot_general3A {dimension_numbers = #tpu.dot_dimension_numbers<[1], [0], [0], [1], [0, 0, 1, 1], [], []>, transpose_lhs_hint = false} : vector<2000x128xf32>, vector<128x128xf32>, vector<2000x128xf32> -> vector<2000x128xf32>
    %add3A_34 = arith.addf %get3A_29, %dot_general3A_33 : vector<2000x128xf32>
    %reduce_sum3A = arith.constant dense<0.000000e+00> : vector<2000xf32>
    %reduce_sum3A_35 = vector.multi_reduction <add>, %add3A_34, %reduce_sum3A [1] : vector<2000x128xf32> to vector<2000xf32>
    %broadcast_in_dim3A_36 = vector.shape_cast %reduce_sum3A_35 : vector<2000xf32> to vector<2000x1xf32>
    %div3A_37 = arith.constant 1.280000e+02 : f32
    %div3A_38 = vector.broadcast %div3A_37 : f32 to vector<2000x1xf32>
    %div3A_39 = arith.divf %broadcast_in_dim3A_36, %div3A_38 : vector<2000x1xf32>
    %sub3A = vector.broadcast %div3A_39 : vector<2000x1xf32> to vector<2000x128xf32>
    %sub3A_40 = arith.subf %add3A_34, %sub3A : vector<2000x128xf32>
    %mul3A_41 = arith.mulf %sub3A_40, %sub3A_40 : vector<2000x128xf32>
    %reduce_sum3A_42 = arith.constant dense<0.000000e+00> : vector<2000xf32>
    %reduce_sum3A_43 = vector.multi_reduction <add>, %mul3A_41, %reduce_sum3A_42 [1] : vector<2000x128xf32> to vector<2000xf32>
    %broadcast_in_dim3A_44 = vector.shape_cast %reduce_sum3A_43 : vector<2000xf32> to vector<2000x1xf32>
    %div3A_45 = arith.constant 1.280000e+02 : f32
    %div3A_46 = vector.broadcast %div3A_45 : f32 to vector<2000x1xf32>
    %div3A_47 = arith.divf %broadcast_in_dim3A_44, %div3A_46 : vector<2000x1xf32>
    %add3A_48 = arith.constant 9.99999974E-6 : f32
    %add3A_49 = vector.broadcast %add3A_48 : f32 to vector<2000x1xf32>
    %add3A_50 = arith.addf %div3A_47, %add3A_49 : vector<2000x1xf32>
    %rsqrt3A = math.rsqrt %add3A_50 : vector<2000x1xf32>
    %mul3A_51 = vector.broadcast %rsqrt3A : vector<2000x1xf32> to vector<2000x128xf32>
    %mul3A_52 = arith.mulf %sub3A_40, %mul3A_51 : vector<2000x128xf32>
    %get3A_53 = arith.constant 0 : index
    %get3A_54 = arith.constant 0 : index
    %get3A_55 = vector.load %arg5[%get3A_53, %get3A_54] : memref<1x128xf32, #tpu.memory_space<vmem>>, vector<1x128xf32>
    %mul3A_56 = vector.broadcast %get3A_55 : vector<1x128xf32> to vector<2000x128xf32>
    %mul3A_57 = arith.mulf %mul3A_52, %mul3A_56 : vector<2000x128xf32>
    %get3A_58 = arith.constant 0 : index
    %get3A_59 = arith.constant 0 : index
    %get3A_60 = vector.load %arg6[%get3A_58, %get3A_59] : memref<1x128xf32, #tpu.memory_space<vmem>>, vector<1x128xf32>
    %add3A_61 = vector.broadcast %get3A_60 : vector<1x128xf32> to vector<2000x128xf32>
    %add3A_62 = arith.addf %mul3A_57, %add3A_61 : vector<2000x128xf32>
    %swap3A = arith.constant 0 : index
    %swap3A_63 = arith.constant 0 : index
    %swap3A_64 = vector.load %arg7[%swap3A, %swap3A_63] : memref<2000x128xf32, #tpu.memory_space<vmem>>, vector<2000x128xf32>
    tpu.vector_store %arg7[%swap3A, %swap3A_63], %add3A_62 {strides = array<i32>} : memref<2000x128xf32, #tpu.memory_space<vmem>>, vector<2000x128xf32>,
    return
  }
  func.func @transform_0(%arg0: i32) -> (i32, i32) {
    %c0_i32 = arith.constant 0 : i32
    %c0_i32_0 = arith.constant 0 : i32
    return %arg0, %c0_i32 : i32, i32
  }
  func.func @transform_1(%arg0: i32) -> (i32, i32, i32) {
    %c0_i32 = arith.constant 0 : i32
    %c0_i32_0 = arith.constant 0 : i32
    %c0_i32_1 = arith.constant 0 : i32
    return %c0_i32, %arg0, %c0_i32_0 : i32, i32, i32
  }
  func.func @transform_2(%arg0: i32) -> (i32, i32, i32, i32) {
    %c0_i32 = arith.constant 0 : i32
    %c0_i32_0 = arith.constant 0 : i32
    %c0_i32_1 = arith.constant 0 : i32
    %c0_i32_2 = arith.constant 0 : i32
    return %c0_i32, %arg0, %c0_i32_0, %c0_i32_1 : i32, i32, i32, i32
  }
  func.func @transform_3(%arg0: i32) -> (i32, i32) {
    %c0_i32 = arith.constant 0 : i32
    %c0_i32_0 = arith.constant 0 : i32
    %c0_i32_1 = arith.constant 0 : i32
    return %c0_i32, %c0_i32_0 : i32, i32
  }
  func.func @transform_4(%arg0: i32) -> (i32, i32) {
    %c0_i32 = arith.constant 0 : i32
    %c0_i32_0 = arith.constant 0 : i32
    %c0_i32_1 = arith.constant 0 : i32
    return %c0_i32, %c0_i32_0 : i32, i32
  }
  func.func @transform_5(%arg0: i32) -> (i32, i32) {
    %c0_i32 = arith.constant 0 : i32
    %c0_i32_0 = arith.constant 0 : i32
    %c0_i32_1 = arith.constant 0 : i32
    return %c0_i32, %c0_i32_0 : i32, i32
  }
  func.func @transform_6(%arg0: i32) -> (i32, i32) {
    %c0_i32 = arith.constant 0 : i32
    %c0_i32_0 = arith.constant 0 : i32
    return %arg0, %c0_i32 : i32, i32
  }
}

</mosaic_0001>

<sc_bundles>
// kernel: kernel.12.cloned.1.call-start
scs
__scs_entry_jumppad:
0x0: {  	(pc) =	sbr.rel $0x88, $3  }
0x1: {  	(tag) =	ssettag $0x0;
	lr =	simm.s32 $0x1  }
0x2: {  	[smem:$0x3F94] =	sst lr;
	_ =	strace $0xD0000000  }
0x3: {  	_ = 	snop  }
0x4: {  	_ = 	snop  }
0x5: {  	_ = 	snop  }
0x6: {  	_ = 	snop  }
0x7: {  	_ = 	snop  }
__scs_overlays_trampoline_lowered:
0x8: {  	[smem:$0x3FA3] =	sst s0  }
0x9: {  	[smem:$0x3FA4] =	sst s1  }
0xa: {  	[smem:$0x3FA5] =	sst s2  }
0xb: {  	[smem:$0x3FA6] =	sst s3  }
0xc: {  	[smem:$0x3FA7] =	sst s4  }
0xd: {  	[smem:$0x3FA8] =	sst s5  }
0xe: {  	[smem:$0x3FA9] =	sst s6  }
0xf: {  	[smem:$0x3FAA] =	sst s7  }
0x10: {  	[smem:$0x3FAB] =	sst s8  }
0x11: {  	[smem:$0x3FAC] =	sst s9;
	s0 =	simm.s32 @!p0 $0x0  }
0x12: {  	s1 =	sld [smem:$0x3F92];
	s0 =	simm.s32 @p0 $0x1  }
0x13: {  	[smem:$0x3FAD] =	sst s0;
	s0 =	simm.s32 @!p1 $0x0  }
0x14: {  	s2 =	sld [smem:$0x3F91];
	s0 =	simm.s32 @p1 $0x1  }
0x15: {  	[smem:$0x3FAE] =	sst s0;
	s0 =	simm.s32 @!p2 $0x0  }
0x16: {  	s3 =	sld [smem:$0x3FDB];
	s0 =	simm.s32 @p2 $0x1  }
0x17: {  	s4 =	simm.s32 $0x1BF5;
	[smem:$0x3FB0] =	sst s0  }
0x18: {  	s0 =	sld [smem:$0x3F93];
	_ =	swait.ge [sflag:s4], $0x0  }
0x19: {  	s7 =	sld [smem:$0x3F94]  }
0x1a: {  	s8 =	sadd.s32 $0xFFFFE003, lr  }
0x1b: {  	s9 =	sadd.s32 $0xFFFFFEF7, lr;
	s5 =	simm.s32 $0xFFFFFFFF;
	p2 =	slt.u32 s8, $0xFFFFF086  }
0x1c: {  	p1 =	slt.u32 s9, $0xF7A;
	s5 =	simm.s32 @!p2 $0x0  }
0x1d: {  	s5 =	simm.s32 @p1 $0x1;
	p0 =	seq.s32 s7, s2  }
0x1e: {  	s7 =	smul.u32 @!p0 $0xF7A, s2;
	p2 =	seq.s32 @!p0 s5, $0x0  }
0x1f: {  	s9 =	smul.u32 $0xF7A, s1;
	s8 =	simm.s32 @!p0 $0x1BF5;
	p2 =	por !p2, p0  }
0x20: {  	[sflag:s8] =	ssyncset.s32 @!p0 $0xFFFFF086;
	s6 =	sadd.s32 @!p0 s3, s7;
	s7 =	simm.s32 @!p0 $0x108  }
0x21: {  	s3 =	sadd.s32 s3, s9;
	s6 =	sadd.s32 @!p0 $0x88, s6;
	s7 =	simm.s32 @p2 $0x1082  }
0x22: {  	[simem:s7], [sflag:s8] =	dma.local @!p0 [hbm:s6], $0xF7A  }
0x23: {  	s9 =	sor.u32 $0xD0000000, s2;
	s6 =	simm.s32 $0x108;
	_ =	swait.ge @!p0 [sflag:s8], $0x0  }
0x24: {  	s3 =	sadd.s32 $0x88, s3;
	s6 =	simm.s32 @!p1 $0x1082;
	[sflag:s4] =	ssyncset.s32 $0xFFFFF086  }
0x25: {  	[simem:s6], [sflag:s4] =	dma.local [hbm:s3], $0xF7A  }
0x26: {  	[smem:$0x3F94] =	sst s1;
	(tag) =	ssettag s2;
	_ =	strace s9  }
0x27: {  	s1 =	sld [smem:$0x3FA4]  }
0x28: {  	s2 =	sld [smem:$0x3FA5]  }
0x29: {  	s4 =	sld [smem:$0x3FA7]  }
0x2a: {  	p0 =	seq.s32 s5, $0x0;
	s5 =	sld [smem:$0x3FA8]  }
0x2b: {  	s6 =	sld [smem:$0x3FA9]  }
0x2c: {  	s7 =	sld [smem:$0x3FAA]  }
0x2d: {  	s3 =	simm.s32 $0x108;
	s8 =	sld [smem:$0x3FAB]  }
0x2e: {  	s3 =	simm.s32 @!p0 $0x1082;
	s9 =	sld [smem:$0x3FAC]  }
0x2f: {  	lr =	sadd.s32 s0, s3;
	s0 =	sld [smem:$0x3FA3]  }
0x30: {  	s3 =	sld [smem:$0x3FA6]  }
0x31: {  	[smem:$0x3FAF] =	sst s10  }
0x32: {  	s10 =	sld [smem:$0x3FAD];
	_ =	sdelay $0x3  }
0x33: {  	p0 =	seq.s32 s10, $0x1;
	s10 =	sld [smem:$0x3FAF];
	_ =	sdelay $0x3  }
0x34: {  	[smem:$0x3FAF] =	sst s10  }
0x35: {  	s10 =	sld [smem:$0x3FAE];
	_ =	sdelay $0x3  }
0x36: {  	p1 =	seq.s32 s10, $0x1;
	s10 =	sld [smem:$0x3FAF];
	_ =	sdelay $0x3  }
0x37: {  	[smem:$0x3FAF] =	sst s10  }
0x38: {  	s10 =	sld [smem:$0x3FB0]  }
0x39: {  	_ = 	snop;
	(pc) =	sbr.ind lr, $3  }
0x3a: {  	_ = 	snop  }
0x3b: {  	_ = 	snop  }
0x3c: {  	p2 =	seq.s32 s10, $0x1;
	s10 =	sld [smem:$0x3FAF]  }
0x3d: {  	_ =	shalt  }
0x3e: {  	_ =	shalt  }
0x3f: {  	_ =	shalt  }
0x40: {  	_ =	shalt  }
0x41: {  	_ =	shalt  }
0x42: {  	_ =	shalt  }
0x43: {  	_ =	shalt  }
0x44: {  	_ =	shalt  }
0x45: {  	_ =	shalt  }
0x46: {  	_ =	shalt  }
0x47: {  	_ =	shalt  }
0x48: {  	_ =	shalt  }
0x49: {  	_ =	shalt  }
0x4a: {  	_ =	shalt  }
0x4b: {  	_ =	shalt  }
0x4c: {  	_ =	shalt  }
0x4d: {  	_ =	shalt  }
0x4e: {  	_ =	shalt  }
0x4f: {  	_ =	shalt  }
0x50: {  	_ =	shalt  }
0x51: {  	_ =	shalt  }
0x52: {  	_ =	shalt  }
0x53: {  	_ =	shalt  }
0x54: {  	_ =	shalt  }
0x55: {  	_ =	shalt  }
0x56: {  	_ =	shalt  }
0x57: {  	_ =	shalt  }
0x58: {  	_ =	shalt  }
0x59: {  	_ =	shalt  }
0x5a: {  	_ =	shalt  }
0x5b: {  	_ =	shalt  }
0x5c: {  	_ =	shalt  }
0x5d: {  	_ =	shalt  }
0x5e: {  	_ =	shalt  }
0x5f: {  	_ =	shalt  }
0x60: {  	_ =	shalt  }
0x61: {  	_ =	shalt  }
0x62: {  	_ =	shalt  }
0x63: {  	_ =	shalt  }
0x64: {  	_ =	shalt  }
0x65: {  	_ =	shalt  }
0x66: {  	_ =	shalt  }
0x67: {  	_ =	shalt  }
0x68: {  	_ =	shalt  }
0x69: {  	_ =	shalt  }
0x6a: {  	_ =	shalt  }
0x6b: {  	_ =	shalt  }
0x6c: {  	_ =	shalt  }
0x6d: {  	_ =	shalt  }
0x6e: {  	_ =	shalt  }
0x6f: {  	_ =	shalt  }
0x70: {  	_ =	shalt  }
0x71: {  	_ =	shalt  }
0x72: {  	_ =	shalt  }
0x73: {  	_ =	shalt  }
0x74: {  	_ =	shalt  }
0x75: {  	_ =	shalt  }
0x76: {  	_ =	shalt  }
0x77: {  	_ =	shalt  }
0x78: {  	_ =	shalt  }
0x79: {  	_ =	shalt  }
0x7a: {  	_ =	shalt  }
0x7b: {  	_ =	shalt  }
0x7c: {  	_ =	shalt  }
0x7d: {  	_ =	shalt  }
0x7e: {  	_ =	shalt  }
0x7f: {  	_ =	shalt  }
0x80: {  	_ =	shalt  }
0x81: {  	_ =	shalt  }
0x82: {  	_ =	shalt  }
0x83: {  	_ =	shalt  }
0x84: {  	_ =	shalt  }
0x85: {  	_ =	shalt  }
0x86: {  	_ =	shalt  }
0x87: {  	_ =	shalt  }
.Lfunc_end0:
.L_simem_size_0:
called_computation.1_lowered:
.L_overlay_start_0:
0x88: {  	s2 =	sld [smem:$0x3FD9]  }
0x89: {  	s3 =	sld [smem:$0x3FFE];
	_ =	sdelay $0x1  }
0x8a: {  	s1 =	srdreg.scid  }
0x8b: {  	s0 =	sand.u32 $0x1, s1  }
0x8c: {  	s15 =	sshll.u32 s0, $0xA;
	s2 =	sadd.s32 s3, s2  }
0x8d: {  	s2 =	sadd.s32 s2, s15  }
0x8e: {  	[smem:$0x3FBB] =	sst s2  }
0x8f: {  	_ = 	snop  }
0x90: {  	s2 =	sld [smem:$0x3FD0];
	_ =	sdelay $0x2  }
0x91: {  	s16 =	simm.s32 $0xB;
	s4 =	simm.s32 $0x10  }
0x92: {  	[smem:s4], [sflag:s16] =	dma.local [hbm:s2], $0x1  }
0x93: {  	_ =	swait.eq [sflag:s16], $0x1  }
0x94: {  	[sflag:s16] =	ssyncset.done $0x0  }
0x95: {  	[sflag:s16] =	ssyncadd.s32 $0xFFFFFFFF  }
0x96: {  	s17 =	sld [smem:$0x10];
	(tm) =	ssettm $0x1  }
0x97: {  	s18 =	sld [smem:$0x3FFB];
	_ =	sdelay $0x3  }
0x98: {  	_ =	strace s18  }
0x99: {  	s2 =	sld [smem:$0x3FFC];
	_ =	sdelay $0x3  }
0x9a: {  	_ =	strace s2  }
0x9b: {  	s2 =	sld [smem:$0x3FFD];
	_ =	sdelay $0x3  }
0x9c: {  	_ =	strace s2  }
0x9d: {  	_ =	strace $0x8FFFFFFF  }
0x9e: {  	s19 =	sld [smem:$0x3FDB];
	_ =	sdelay $0x1  }
0x9f: {  	s20 =	simm.s32 $_scs_section_size  }
0xa0: {  	s5 =	simm.s32 $_size__tile_overlayer_lowered;
	s6 =	simm.s32 $_tile_overlayer_lowered  }
0xa1: {  	s7 =	simm.s32 $0x1BFF;
	s21 =	sshll.u32 s6, $0x1;
	s4 =	sadd.s32 s20, s19  }
0xa2: {  	s22 =	simm.s32 $0x0;
	s5 =	sshll.u32 s5, $0x1;
	s6 =	sadd.s32 s21, s4  }
0xa3: {  	[timem:s22], [sflag:s7] =	dma.local [hbm:s6], s5  }
0xa4: {  	_ =	swait.ge [sflag:s7], s5  }
0xa5: {  	s5 =	ssub.s32 $0x0, s5;
	[sflag:s7] =	ssyncset.done $0x0  }
0xa6: {  	[sflag:s7] =	ssyncadd.s32 s5;
	_ =	sdelay $0x1  }
0xa7: {  	s23 =	simm.s32 $0x1B8B  }
0xa8: {  	_ =	swait.ge [sflag:s23], $0x1  }
0xa9: {  	[sflag:s23] =	ssyncset.done $0x0  }
0xaa: {  	[sflag:s23] =	ssyncadd.s32 $0xFFFFFFFF  }
0xab: {  	s5 =	sld [smem:$0x0]  }
0xac: {  	s6 =	sand.u32 $0xFFFFFFFE, s1  }
0xad: {  	p0 =	sne.s32 s1, s6  }
0xae: {  	s6 =	sshll.u32 @p0 s6, $0xE  }
0xaf: {  	s6 =	sadd.s32 @p0 $0x11B8D, s6;
	s7 =	sshll.u32 @p0 s5, $0x11  }
0xb0: {  	s6 =	sor.u32 @p0 s7, s6  }
0xb1: {  	[sflag:s6] =	ssyncadd.remote.s32 @p0 $0x1;
	_ =	sdelay $0x1  }
0xb2: {  	s6 =	simm.s32 @p0 $0x1B8D  }
0xb3: {  	_ =	swait.eq @p0 [sflag:s6], $0x1  }
0xb4: {  	[sflag:s6] =	ssyncadd.s32 @p0 $0xFFFFFFFF  }
0xb5: {  	s7 =	sshll.u32 @!p0 s1, $0xE  }
0xb6: {  	s7 =	sor.u32 @!p0 $0x4000, s7;
	s6 =	simm.s32 @!p0 $0x1B8D  }
0xb7: {  	s5 =	sshll.u32 @!p0 s5, $0x11;
	s7 =	sadd.s32 @!p0 $0x11B8D, s7;
	_ =	swait.eq @!p0 [sflag:s6], $0x1  }
0xb8: {  	s5 =	sor.u32 @!p0 s5, s7;
	[sflag:s6] =	ssyncadd.s32 @!p0 $0xFFFFFFFF  }
0xb9: {  	s25 =	simm.s32 $0x1B8E;
	s24 =	sld [smem:$0x3FFE];
	[sflag:s5] =	ssyncadd.remote.s32 @!p0 $0x1  }
0xba: {  	s26 =	simm.s32 $execute0_lowered;
	[smem:$0x3FD2] =	sst s25  }
0xbb: {  	s6 =	sshll.u32 s26, $0x1;
	_ =	strace $0x8000004C;
	[dreg:$0x1] =	wrdreg $0xFFFFFFFF  }
0xbc: {  	s28 =	simm.s32 $_size_execute0_lowered;
	s4 =	sadd.s32 s4, s6;
	[dreg:$0x0] =	wrdreg $0x0  }
0xbd: {  	s6 =	sshll.u32 s28, $0x1;
	[dreg:$0x2] =	wrdreg s4  }
0xbe: {  	[dreg:$0x3] =	wrdreg s6  }
0xbf: {  	[dreg:$0x4] =	wrdreg $0xC0  }
0xc0: {  	_ =	task [dreg:s22], $0x5FFFF  }
0xc1: {  	[dreg:$0x1] =	wrdreg $0xFFFFFFFF  }
0xc2: {  	[dreg:$0x0] =	wrdreg $0x60  }
0xc3: {  	[dreg:$0x2] =	wrdreg s17  }
0xc4: {  	[dreg:$0x3] =	wrdreg s24  }
0xc5: {  	[dreg:$0x4] =	wrdreg $0xAA780  }
0xc6: {  	[dreg:$0x5] =	wrdreg $0xA8000  }
0xc7: {  	[dreg:$0x6] =	wrdreg $0xA  }
0xc8: {  	_ =	task.clear_ibuf [dreg:s22], $0x7FFFF;
	_ =	strace $0x9000004C  }
0xc9: {  	s29 =	simm.s32 $0xA;
	_ =	strace $0x8000004E  }
0xca: {  	_ =	swait.ge [sflag:s29], $0x1  }
0xcb: {  	[sflag:s29] =	ssyncadd.s32 $0xFFFFFFFF  }
0xcc: {  	_ =	strace $0x9000004E  }
0xcd: {  	_ =	sfence  }
0xce: {  	s30 =	sld [smem:$0x0];
	_ =	sdelay $0x2  }
0xcf: {  	s31 =	sshll.u32 s1, $0xD;
	s1 =	sshrl.u32 s1, $0x2  }
0xd0: {  	s4 =	sand.u32 $0x4000, s31;
	s1 =	sadd.s32 s1, s30  }
0xd1: {  	s0 =	sor.u32 s4, s0;
	s1 =	sshll.u32 s1, $0x11  }
0xd2: {  	s0 =	sor.u32 s1, s0  }
0xd3: {  	s0 =	sadd.s32 $0x8F2B, s0  }
0xd4: {  	[sflag:s0] =	ssyncadd.remote.s32 $0x1  }
0xd5: {  	_ =	sfence.sel $0xFFFF  }
0xd6: {  	[dreg:$0x0] =	wrdreg $0xFFFFFFFF;
	(pc) =	sbr.abs _section_cstart, $3  }
0xd7: {  	[dreg:$0x1] =	wrdreg $0xFFFFFFFF  }
0xd8: {  	_ =	task.clear_ibuf [dreg:s22], $0x2FFFF;
	_ =	strace $0x9FFFFFFF  }
0xd9: {  	(tm) =	ssettm $0x7FFFFFFF  }
tec
execute0_lowered:
.L_overlay_start_1:
0x0: {  	(tag) =	ssettag $0x1  }
0x1: {  	s0 =	rddreg [dreg:$0x0]  }
0x2: {  	s5 =	rddreg [dreg:$0x1]  }
0x3: {  	s1 =	rddreg [dreg:$0x2]  }
0x4: {  	s2 =	rddreg [dreg:$0x3]  }
0x5: {  	s4 =	srdreg.scid;
	s15 =	stileid.u32  }
0x6: {  	s3 =	simm.s32 $0x0;
	s19 =	simm.s32 $0x3;
	s29 =	simm.s32 $0x3D80  }
0x7: {  	s31 =	simm.s32 $0x3E00;
	s7 =	sand.u32 $0x1, s4;
	[smem:$0x7FF] =	sst s3  }
0x8: {  	s20 =	sshll.u32 s15, $0x1;
	s4 =	sadd.s32 $0x9E7200, s5;
	s16 =	smul.u32 $0x138800, s15  }
0x9: {  	p0 =	sne.s32 s15, $0x0;
	s6 =	sor.u32 s7, s20;
	_ =	strace $0x8000004D  }
0xa: {  	s10 =	sshll.u32 s7, $0x4;
	s11 =	smul.u32 $0x27100, s7;
	s21 =	ssub.s32 $0x2, s7  }
0xb: {  	s26 =	smul.u32 $0x9C400, s7;
	s17 =	sshrl.u32 @!p0 s2, $0x3;
	s18 =	sshrl.u32 @!p0 s1, $0x3  }
0xc: {  	s20 =	simm.s32 $0x0;
	s8 =	sshll.u32 s6, $0xB;
	s12 =	sadd.s32 s10, s5  }
0xd: {  	s22 =	sshrl.u32 s21, $0x1;
	s13 =	smul.u32 $0x9C400, s6;
	s9 =	sadd.s32 s8, s5  }
0xe: {  	s5 =	sadd.s32 s11, s5;
	s14 =	ssub.s32 s21, s22;
	s23 =	sadd.s32 $0x81400, s12  }
0xf: {  	s0 =	sadd.s32 s0, s8;
	s11 =	sadd.s32 $0x81E00, s12;
	s28 =	sadd.s32 s26, s16  }
0x10: {  	s21 =	simm.s32 $0x8000;
	s22 =	simm.s32 $0x9400;
	s26 =	simm.s32 $0x3D00  }
0x11: {  	[dreg:$0x5] =	wrdreg s23;
	s24 =	sadd.s32 $0x33200, s5;
	s25 =	sshrl.u32 s13, $0x3  }
0x12: {  	[dreg:$0x7] =	wrdreg s0;
	s8 =	sadd.s32 $0x23200, s9;
	s12 =	sadd.s32 $0x82800, s5  }
0x13: {  	s13 =	smax.u32 s14, $0x1;
	s30 =	sadd.s32 $0x3C00, s28;
	s16 =	sadd.s32 $0x2800, s28  }
0x14: {  	s23 =	simm.s32 $0x1;
	[dreg:$0x6] =	wrdreg s24;
	s9 =	sadd.s32 s4, s25  }
0x15: {  	s5 =	sshrl.u32 s30, $0x3;
	s24 =	simm.s32 $0x28;
	s25 =	simm.s32 $0x2  }
0x16: {  	s10 =	sadd.s32 $0x280, s9;
	s14 =	sadd.s32 $0x13600, s9;
	s5 =	sadd.s32 s5, s4  }
.LBB2_1:
0x17: {  	s0 =	simm.s32 @!p0 $0x1;
	s15 =	simm.s32 @!p0 $0x10  }
0x18: {  	s28 =	simm.s32 @!p0 $0x20;
	s30 =	simm.s32 @!p0 $0x1C03;
	s6 =	rddreg [dreg:$0x5]  }
0x19: {  	[spmem:s17@s15], [sflag:s30] =	dma.strided @!p0 [hbm:s6@s28], $0x4F0, s0, $0x10   }
0x1a: {  	s0 =	simm.s32 @!p0 $0x3  }
0x1b: {  	_ =	swait.ge @!p0 [sflag:s0], $0x4F0  }
0x1c: {  	[sflag:s0] =	ssyncset.done @!p0 $0x0  }
0x1d: {  	s6 =	rddreg [dreg:$0x6];
	[sflag:s0] =	ssyncadd.s32 @!p0 $0xFFFFFB10  }
0x1e: {  	[spmem:s18], [sflag:s30] =	dma.local @!p0 [hbm:s6], $0x27100  }
0x1f: {  	_ =	swait.ge @!p0 [sflag:s0], $0x27100  }
0x20: {  	[sflag:s0] =	ssyncset.done @!p0 $0x0  }
0x21: {  	s7 =	rddreg [dreg:$0x7];
	[sflag:s0] =	ssyncadd.s32 @!p0 $0xFFFD8F00  }
0x22: {  	[tilespmem:s3], [sflag:$0x3] =	stream.linear.gather [hbm4b:s7+s3], $0x3E80, $0x38;
	[tilespmem:$0x1E2F8] =	vst v63  }
0x23: {  	_ =	swait.ge [sflag:s19], $0x3E80  }
0x24: {  	[sflag:s19] =	ssyncset.done $0x0  }
0x25: {  	s15 =	simm.s32 $0x4000;
	[sflag:s19] =	ssyncadd.s32 $0xFFFFC180  }
0x26: {  	[tilespmem:s15], [sflag:$0x3] =	stream.linear.gather [hbm4b:s8+s3], $0x3E80, $0x38;
	[tilespmem:$0x1E2F8] =	vst v63  }
0x27: {  	_ =	swait.ge [sflag:s19], $0x3E80  }
0x28: {  	[sflag:s19] =	ssyncset.done $0x0  }
0x29: {  	[sflag:s19] =	ssyncadd.s32 $0xFFFFC180  }
0x2a: {  	[bflag:$0x0] =	sbarrier.arrive $0xFFFF  }
0x2b: {  	[tilespmem:s21], [sflag:$0x1] =	stream.linear.gather [hbm4b:s9+s3], $0x1400, $0x38;
	[tilespmem:$0x1E2F8] =	vst v63  }
0x2c: {  	_ = 	snop  }
0x2d: {  	[tilespmem:s22], [sflag:$0x2] =	stream.linear.gather [hbm4b:s10+s3], $0x1400, $0x38;
	[tilespmem:$0x1E2F8] =	vst v63  }
0x2e: {  	_ =	swait.ge [sflag:s23], $0x1400  }
0x2f: {  	[sflag:s23] =	ssyncset.done $0x0  }
0x30: {  	s6 =	simm.s32 $0x0;
	[sflag:s23] =	ssyncadd.s32 $0xFFFFEC00  }
0x31: {  	[spmem:s1] =	stream.indirect.scatter.add.f32 [tilespmem:s21], [sflag:$0x3], $0x80, s6, s24, $0xb8;
	[tilespmem:$0x1E2F8] =	vst v63  }
0x32: {  	_ =	swait.ge [sflag:s19], $0x1400  }
0x33: {  	[sflag:s19] =	ssyncset.done $0x0  }
0x34: {  	s7 =	simm.s32 $0x4000;
	[sflag:s19] =	ssyncadd.s32 $0xFFFFEC00  }
0x35: {  	[spmem:s2] =	stream.indirect.scatter.add.f32 [tilespmem:s7], [sflag:$0x3], $0x1, s6, s24, $0xb8;
	[tilespmem:$0x1E2F8] =	vst v63  }
0x36: {  	_ =	swait.ge [sflag:s19], $0x28  }
0x37: {  	s15 =	sshrl.u32 s16, $0x3;
	[sflag:s19] =	ssyncset.done $0x0  }
0x38: {  	s0 =	sadd.s32 s4, s15;
	[sflag:s19] =	ssyncadd.s32 $0xFFFFFFD8  }
0x39: {  	[tilespmem:s21], [sflag:$0x1] =	stream.linear.gather [hbm4b:s0+s3], $0x1400, $0x38;
	[tilespmem:$0x1E2F8] =	vst v63  }
0x3a: {  	_ =	swait.ge [sflag:s25], $0x1400  }
0x3b: {  	[sflag:s25] =	ssyncset.done $0x0  }
0x3c: {  	s6 =	simm.s32 $0x80;
	[sflag:s25] =	ssyncadd.s32 $0xFFFFEC00  }
0x3d: {  	[spmem:s1] =	stream.indirect.scatter.add.f32 [tilespmem:s22], [sflag:$0x3], $0x80, s6, s24, $0xb8;
	[tilespmem:$0x1E2F8] =	vst v63  }
0x3e: {  	_ =	swait.ge [sflag:s19], $0x1400  }
0x3f: {  	[sflag:s19] =	ssyncset.done $0x0  }
0x40: {  	s7 =	simm.s32 $0x4080;
	[sflag:s19] =	ssyncadd.s32 $0xFFFFEC00  }
0x41: {  	[spmem:s2] =	stream.indirect.scatter.add.f32 [tilespmem:s7], [sflag:$0x3], $0x1, s6, s24, $0xb8;
	[tilespmem:$0x1E2F8] =	vst v63  }
0x42: {  	_ =	swait.ge [sflag:s19], $0x28  }
0x43: {  	s28 =	simm.s32 $0x400;
	s30 =	sadd.s32 $0x500, s5;
	[sflag:s19] =	ssyncset.done $0x0  }
0x44: {  	s15 =	smov.u32 s5;
	s0 =	sadd.s32 $0x2800, s16;
	[sflag:s19] =	ssyncadd.s32 $0xFFFFFFD8  }
.LBB2_2:
0x45: {  	[tilespmem:s22], [sflag:$0x2] =	stream.linear.gather [hbm4b:s15+s3], $0x1400, $0x38;
	[tilespmem:$0x1E2F8] =	vst v63  }
0x46: {  	s6 =	smov.u32 s28;
	s15 =	smov.u32 s30  }
0x47: {  	p1 =	sne.s32 s28, $0xF000;
	s28 =	sadd.s32 $0x400, s28;
	_ =	swait.ge [sflag:s23], $0x1400  }
0x48: {  	[sflag:s23] =	ssyncset.done $0x0  }
0x49: {  	s6 =	sshra.s32 s6, $0x2;
	[sflag:s23] =	ssyncadd.s32 $0xFFFFEC00  }
0x4a: {  	[spmem:s1] =	stream.indirect.scatter.add.f32 [tilespmem:s21], [sflag:$0x3], $0x80, s6, s24, $0xb8;
	[tilespmem:$0x1E2F8] =	vst v63  }
0x4b: {  	_ =	swait.ge [sflag:s19], $0x1400  }
0x4c: {  	[sflag:s19] =	ssyncset.done $0x0  }
0x4d: {  	s7 =	sadd.s32 $0x4000, s6;
	[sflag:s19] =	ssyncadd.s32 $0xFFFFEC00  }
0x4e: {  	[spmem:s2] =	stream.indirect.scatter.add.f32 [tilespmem:s7], [sflag:$0x3], $0x1, s6, s24, $0xb8;
	[tilespmem:$0x1E2F8] =	vst v63  }
0x4f: {  	_ =	swait.ge [sflag:s19], $0x28  }
0x50: {  	s7 =	sshrl.u32 s0, $0x3;
	[sflag:s19] =	ssyncset.done $0x0  }
0x51: {  	s7 =	sadd.s32 s4, s7;
	[sflag:s19] =	ssyncadd.s32 $0xFFFFFFD8  }
0x52: {  	[tilespmem:s21], [sflag:$0x1] =	stream.linear.gather [hbm4b:s7+s3], $0x1400, $0x38;
	[tilespmem:$0x1E2F8] =	vst v63  }
0x53: {  	_ =	swait.ge [sflag:s25], $0x1400  }
0x54: {  	[sflag:s25] =	ssyncset.done $0x0  }
0x55: {  	s7 =	sadd.s32 $0x80, s6;
	[sflag:s25] =	ssyncadd.s32 $0xFFFFEC00  }
0x56: {  	[spmem:s1] =	stream.indirect.scatter.add.f32 [tilespmem:s22], [sflag:$0x3], $0x80, s7, s24, $0xb8;
	[tilespmem:$0x1E2F8] =	vst v63  }
0x57: {  	_ =	swait.ge [sflag:s19], $0x1400  }
0x58: {  	[sflag:s19] =	ssyncset.done $0x0  }
.Ltmp0:
0x59: {  	s6 =	sadd.s32 $0x4080, s6;
	[sflag:s19] =	ssyncadd.s32 $0xFFFFEC00;
	(pc) =	sbr.rel @p1 .LBB2_2-.Ltmp0, $4  }
0x5a: {  	[spmem:s2] =	stream.indirect.scatter.add.f32 [tilespmem:s6], [sflag:$0x3], $0x1, s7, s24, $0xb8;
	[tilespmem:$0x1E2F8] =	vst v63  }
0x5b: {  	_ =	swait.ge [sflag:s19], $0x28  }
0x5c: {  	[sflag:s19] =	ssyncset.done $0x0  }
0x5d: {  	s30 =	sadd.s32 $0x500, s30;
	s0 =	sadd.s32 $0x2800, s0;
	[sflag:s19] =	ssyncadd.s32 $0xFFFFFFD8  }
0x5e: {  	[tilespmem:s22], [sflag:$0x2] =	stream.linear.gather [hbm4b:s15+s3], $0x1400, $0x38;
	[tilespmem:$0x1E2F8] =	vst v63  }
0x5f: {  	_ =	swait.ge [sflag:s23], $0x1400  }
0x60: {  	[sflag:s23] =	ssyncset.done $0x0  }
0x61: {  	[sflag:s23] =	ssyncadd.s32 $0xFFFFEC00  }
0x62: {  	[spmem:s1] =	stream.indirect.scatter.add.f32 [tilespmem:s21], [sflag:$0x3], $0x80, s26, s24, $0xb8;
	[tilespmem:$0x1E2F8] =	vst v63  }
0x63: {  	_ =	swait.ge [sflag:s19], $0x1400  }
0x64: {  	[sflag:s19] =	ssyncset.done $0x0  }
0x65: {  	s0 =	simm.s32 $0x7D00;
	[sflag:s19] =	ssyncadd.s32 $0xFFFFEC00  }
0x66: {  	[spmem:s2] =	stream.indirect.scatter.add.f32 [tilespmem:s0], [sflag:$0x3], $0x1, s26, s24, $0xb8;
	[tilespmem:$0x1E2F8] =	vst v63  }
0x67: {  	_ =	swait.ge [sflag:s19], $0x28  }
0x68: {  	[sflag:s19] =	ssyncset.done $0x0  }
0x69: {  	[sflag:s19] =	ssyncadd.s32 $0xFFFFFFD8  }
0x6a: {  	[tilespmem:s21], [sflag:$0x1] =	stream.linear.gather [hbm4b:s14+s3], $0x1400, $0x38;
	[tilespmem:$0x1E2F8] =	vst v63  }
0x6b: {  	_ =	swait.ge [sflag:s25], $0x1400  }
0x6c: {  	[sflag:s25] =	ssyncset.done $0x0  }
0x6d: {  	[sflag:s25] =	ssyncadd.s32 $0xFFFFEC00  }
0x6e: {  	[spmem:s1] =	stream.indirect.scatter.add.f32 [tilespmem:s22], [sflag:$0x3], $0x80, s29, s24, $0xb8;
	[tilespmem:$0x1E2F8] =	vst v63  }
0x6f: {  	_ =	swait.ge [sflag:s19], $0x1400  }
0x70: {  	[sflag:s19] =	ssyncset.done $0x0  }
0x71: {  	s28 =	simm.s32 $0x7D80;
	[sflag:s19] =	ssyncadd.s32 $0xFFFFEC00  }
0x72: {  	[spmem:s2] =	stream.indirect.scatter.add.f32 [tilespmem:s28], [sflag:$0x3], $0x1, s29, s24, $0xb8;
	[tilespmem:$0x1E2F8] =	vst v63  }
0x73: {  	_ =	swait.ge [sflag:s19], $0x28  }
0x74: {  	[sflag:s19] =	ssyncset.done $0x0  }
0x75: {  	[sflag:s19] =	ssyncadd.s32 $0xFFFFFFD8  }
0x76: {  	_ =	swait.ge [sflag:s23], $0x1400  }
0x77: {  	[sflag:s23] =	ssyncset.done $0x0  }
0x78: {  	[sflag:s23] =	ssyncadd.s32 $0xFFFFEC00  }
0x79: {  	[spmem:s1] =	stream.indirect.scatter.add.f32 [tilespmem:s21], [sflag:$0x3], $0x80, s31, s24, $0xb8;
	[tilespmem:$0x1E2F8] =	vst v63  }
0x7a: {  	_ =	swait.ge [sflag:s19], $0x1400  }
0x7b: {  	[sflag:s19] =	ssyncset.done $0x0  }
0x7c: {  	s30 =	simm.s32 $0x7E00;
	[sflag:s19] =	ssyncadd.s32 $0xFFFFEC00  }
0x7d: {  	[spmem:s2] =	stream.indirect.scatter.add.f32 [tilespmem:s30], [sflag:$0x3], $0x1, s31, s24, $0xb8;
	[tilespmem:$0x1E2F8] =	vst v63  }
0x7e: {  	_ =	swait.ge [sflag:s19], $0x28  }
0x7f: {  	[sflag:s19] =	ssyncset.done $0x0  }
0x80: {  	s6 =	simm.s32 @!p0 $0x20;
	s7 =	simm.s32 @!p0 $0x10;
	[sflag:s19] =	ssyncadd.s32 $0xFFFFFFD8  }
0x81: {  	s15 =	simm.s32 @!p0 $0x1C03;
	s0 =	simm.s32 @!p0 $0x1;
	[bflag:$0x0] =	sbarrier.arrive $0xFFFF  }
0x82: {  	[hbm:s11@s6], [sflag:s15] =	dma.strided @!p0 [spmem:s17@s7], $0x4F0, s0, $0x10   }
0x83: {  	s0 =	simm.s32 @!p0 $0x3  }
0x84: {  	s20 =	sadd.s32 $0x1, s20;
	_ =	swait.ge @!p0 [sflag:s0], $0x4F0  }
0x85: {  	p1 =	sne.s32 s20, s13;
	[sflag:s0] =	ssyncset.done @!p0 $0x0  }
.Ltmp1:
0x86: {  	[sflag:s0] =	ssyncadd.s32 @!p0 $0xFFFFFB10;
	(pc) =	sbr.rel @p1 .LBB2_1-.Ltmp1, $4  }
0x87: {  	[hbm:s12], [sflag:s15] =	dma.local @!p0 [spmem:s18], $0x27100  }
0x88: {  	_ =	swait.ge @!p0 [sflag:s0], $0x27100  }
0x89: {  	[sflag:s0] =	ssyncset.done @!p0 $0x0  }
0x8a: {  	[sflag:s0] =	ssyncadd.s32 @!p0 $0xFFFD8F00  }
0x8b: {  	_ =	sfence.sel $0x180000  }
0x8c: {  	[bflag:$0x0] =	sbarrier.arrive $0xFFFF  }
0x8d: {  	_ =	strace $0x9000004D  }
0x8e: {  	[bflag:$0x2] =	sbarrier.arrive $0xFFFF  }
0x8f: {  	s0 =	rddreg [dreg:$0x4]  }
0x90: {  	s0 =	sadd.s32 @!p0 $0x100000, s0  }
0x91: {  	[sflag:s0] =	ssyncadd.tile.s32 @!p0 $0x1;
	_ =	shalt  }
.Lfunc_end2:
_tile_overlayer_lowered:
.L_overlay_start_2:
0x92: {  	(tag) =	ssettag $0x2  }
0x93: {  	s0 =	rddreg [dreg:$0x0];
	s2 =	stileid.u32  }
0x94: {  	s1 =	rddreg [dreg:$0x1];
	p0 =	sne.s32 s2, $0x0  }
0x95: {  	s3 =	rddreg [dreg:$0x2];
	[bflag:$0x3] =	sbarrier.arrive $0xFFFF;
	s2 =	simm.s32 @!p0 $0x1C03  }
0x96: {  	[timem:s3], [sflag:s2] =	dma.local @!p0 [hbm:s0], s1  }
0x97: {  	s0 =	simm.s32 @!p0 $0x3  }
0x98: {  	_ =	swait.ge @!p0 [sflag:s0], s1  }
0x99: {  	s1 =	ssub.s32 @!p0 $0x0, s1;
	[sflag:s0] =	ssyncset.done @!p0 $0x0  }
0x9a: {  	[sflag:s0] =	ssyncadd.s32 @!p0 s1  }
0x9b: {  	[bflag:$0x3] =	sbarrier.arrive $0xFFFF  }
0x9c: {  	_ =	shalt  }

// kernel: kernel.15.cloned.1.call-start
scs
__scs_entry_jumppad:
0x0: {  	(pc) =	sbr.rel $0x88, $3  }
0x1: {  	(tag) =	ssettag $0x0;
	lr =	simm.s32 $0x1  }
0x2: {  	[smem:$0x3F94] =	sst lr;
	_ =	strace $0xD0000000  }
0x3: {  	_ = 	snop  }
0x4: {  	_ = 	snop  }
0x5: {  	_ = 	snop  }
0x6: {  	_ = 	snop  }
0x7: {  	_ = 	snop  }
__scs_overlays_trampoline_lowered:
0x8: {  	[smem:$0x3FA3] =	sst s0  }
0x9: {  	[smem:$0x3FA4] =	sst s1  }
0xa: {  	[smem:$0x3FA5] =	sst s2  }
0xb: {  	[smem:$0x3FA6] =	sst s3  }
0xc: {  	[smem:$0x3FA7] =	sst s4  }
0xd: {  	[smem:$0x3FA8] =	sst s5  }
0xe: {  	[smem:$0x3FA9] =	sst s6  }
0xf: {  	[smem:$0x3FAA] =	sst s7  }
0x10: {  	[smem:$0x3FAB] =	sst s8  }
0x11: {  	[smem:$0x3FAC] =	sst s9;
	s0 =	simm.s32 @!p0 $0x0  }
0x12: {  	s1 =	sld [smem:$0x3F92];
	s0 =	simm.s32 @p0 $0x1  }
0x13: {  	[smem:$0x3FAD] =	sst s0;
	s0 =	simm.s32 @!p1 $0x0  }
0x14: {  	s2 =	sld [smem:$0x3F91];
	s0 =	simm.s32 @p1 $0x1  }
0x15: {  	[smem:$0x3FAE] =	sst s0;
	s0 =	simm.s32 @!p2 $0x0  }
0x16: {  	s3 =	sld [smem:$0x3FDB];
	s0 =	simm.s32 @p2 $0x1  }
0x17: {  	s4 =	simm.s32 $0x1BF5;
	[smem:$0x3FB0] =	sst s0  }
0x18: {  	s0 =	sld [smem:$0x3F93];
	_ =	swait.ge [sflag:s4], $0x0  }
0x19: {  	s7 =	sld [smem:$0x3F94]  }
0x1a: {  	s8 =	sadd.s32 $0xFFFFE003, lr  }
0x1b: {  	s9 =	sadd.s32 $0xFFFFFEF7, lr;
	s5 =	simm.s32 $0xFFFFFFFF;
	p2 =	slt.u32 s8, $0xFFFFF086  }
0x1c: {  	p1 =	slt.u32 s9, $0xF7A;
	s5 =	simm.s32 @!p2 $0x0  }
0x1d: {  	s5 =	simm.s32 @p1 $0x1;
	p0 =	seq.s32 s7, s2  }
0x1e: {  	s7 =	smul.u32 @!p0 $0xF7A, s2;
	p2 =	seq.s32 @!p0 s5, $0x0  }
0x1f: {  	s9 =	smul.u32 $0xF7A, s1;
	s8 =	simm.s32 @!p0 $0x1BF5;
	p2 =	por !p2, p0  }
0x20: {  	[sflag:s8] =	ssyncset.s32 @!p0 $0xFFFFF086;
	s6 =	sadd.s32 @!p0 s3, s7;
	s7 =	simm.s32 @!p0 $0x108  }
0x21: {  	s3 =	sadd.s32 s3, s9;
	s6 =	sadd.s32 @!p0 $0x88, s6;
	s7 =	simm.s32 @p2 $0x1082  }
0x22: {  	[simem:s7], [sflag:s8] =	dma.local @!p0 [hbm:s6], $0xF7A  }
0x23: {  	s9 =	sor.u32 $0xD0000000, s2;
	s6 =	simm.s32 $0x108;
	_ =	swait.ge @!p0 [sflag:s8], $0x0  }
0x24: {  	s3 =	sadd.s32 $0x88, s3;
	s6 =	simm.s32 @!p1 $0x1082;
	[sflag:s4] =	ssyncset.s32 $0xFFFFF086  }
0x25: {  	[simem:s6], [sflag:s4] =	dma.local [hbm:s3], $0xF7A  }
0x26: {  	[smem:$0x3F94] =	sst s1;
	(tag) =	ssettag s2;
	_ =	strace s9  }
0x27: {  	s1 =	sld [smem:$0x3FA4]  }
0x28: {  	s2 =	sld [smem:$0x3FA5]  }
0x29: {  	s4 =	sld [smem:$0x3FA7]  }
0x2a: {  	p0 =	seq.s32 s5, $0x0;
	s5 =	sld [smem:$0x3FA8]  }
0x2b: {  	s6 =	sld [smem:$0x3FA9]  }
0x2c: {  	s7 =	sld [smem:$0x3FAA]  }
0x2d: {  	s3 =	simm.s32 $0x108;
	s8 =	sld [smem:$0x3FAB]  }
0x2e: {  	s3 =	simm.s32 @!p0 $0x1082;
	s9 =	sld [smem:$0x3FAC]  }
0x2f: {  	lr =	sadd.s32 s0, s3;
	s0 =	sld [smem:$0x3FA3]  }
0x30: {  	s3 =	sld [smem:$0x3FA6]  }
0x31: {  	[smem:$0x3FAF] =	sst s10  }
0x32: {  	s10 =	sld [smem:$0x3FAD];
	_ =	sdelay $0x3  }
0x33: {  	p0 =	seq.s32 s10, $0x1;
	s10 =	sld [smem:$0x3FAF];
	_ =	sdelay $0x3  }
0x34: {  	[smem:$0x3FAF] =	sst s10  }
0x35: {  	s10 =	sld [smem:$0x3FAE];
	_ =	sdelay $0x3  }
0x36: {  	p1 =	seq.s32 s10, $0x1;
	s10 =	sld [smem:$0x3FAF];
	_ =	sdelay $0x3  }
0x37: {  	[smem:$0x3FAF] =	sst s10  }
0x38: {  	s10 =	sld [smem:$0x3FB0]  }
0x39: {  	_ = 	snop;
	(pc) =	sbr.ind lr, $3  }
0x3a: {  	_ = 	snop  }
0x3b: {  	_ = 	snop  }
0x3c: {  	p2 =	seq.s32 s10, $0x1;
	s10 =	sld [smem:$0x3FAF]  }
0x3d: {  	_ =	shalt  }
0x3e: {  	_ =	shalt  }
0x3f: {  	_ =	shalt  }
0x40: {  	_ =	shalt  }
0x41: {  	_ =	shalt  }
0x42: {  	_ =	shalt  }
0x43: {  	_ =	shalt  }
0x44: {  	_ =	shalt  }
0x45: {  	_ =	shalt  }
0x46: {  	_ =	shalt  }
0x47: {  	_ =	shalt  }
0x48: {  	_ =	shalt  }
0x49: {  	_ =	shalt  }
0x4a: {  	_ =	shalt  }
0x4b: {  	_ =	shalt  }
0x4c: {  	_ =	shalt  }
0x4d: {  	_ =	shalt  }
0x4e: {  	_ =	shalt  }
0x4f: {  	_ =	shalt  }
0x50: {  	_ =	shalt  }
0x51: {  	_ =	shalt  }
0x52: {  	_ =	shalt  }
0x53: {  	_ =	shalt  }
0x54: {  	_ =	shalt  }
0x55: {  	_ =	shalt  }
0x56: {  	_ =	shalt  }
0x57: {  	_ =	shalt  }
0x58: {  	_ =	shalt  }
0x59: {  	_ =	shalt  }
0x5a: {  	_ =	shalt  }
0x5b: {  	_ =	shalt  }
0x5c: {  	_ =	shalt  }
0x5d: {  	_ =	shalt  }
0x5e: {  	_ =	shalt  }
0x5f: {  	_ =	shalt  }
0x60: {  	_ =	shalt  }
0x61: {  	_ =	shalt  }
0x62: {  	_ =	shalt  }
0x63: {  	_ =	shalt  }
0x64: {  	_ =	shalt  }
0x65: {  	_ =	shalt  }
0x66: {  	_ =	shalt  }
0x67: {  	_ =	shalt  }
0x68: {  	_ =	shalt  }
0x69: {  	_ =	shalt  }
0x6a: {  	_ =	shalt  }
0x6b: {  	_ =	shalt  }
0x6c: {  	_ =	shalt  }
0x6d: {  	_ =	shalt  }
0x6e: {  	_ =	shalt  }
0x6f: {  	_ =	shalt  }
0x70: {  	_ =	shalt  }
0x71: {  	_ =	shalt  }
0x72: {  	_ =	shalt  }
0x73: {  	_ =	shalt  }
0x74: {  	_ =	shalt  }
0x75: {  	_ =	shalt  }
0x76: {  	_ =	shalt  }
0x77: {  	_ =	shalt  }
0x78: {  	_ =	shalt  }
0x79: {  	_ =	shalt  }
0x7a: {  	_ =	shalt  }
0x7b: {  	_ =	shalt  }
0x7c: {  	_ =	shalt  }
0x7d: {  	_ =	shalt  }
0x7e: {  	_ =	shalt  }
0x7f: {  	_ =	shalt  }
0x80: {  	_ =	shalt  }
0x81: {  	_ =	shalt  }
0x82: {  	_ =	shalt  }
0x83: {  	_ =	shalt  }
0x84: {  	_ =	shalt  }
0x85: {  	_ =	shalt  }
0x86: {  	_ =	shalt  }
0x87: {  	_ =	shalt  }
.Lfunc_end0:
.L_simem_size_0:
called_computation.2_lowered:
.L_overlay_start_0:
0x88: {  	s2 =	sld [smem:$0x3FD9]  }
0x89: {  	s3 =	sld [smem:$0x3FFE];
	_ =	sdelay $0x1  }
0x8a: {  	s1 =	srdreg.scid  }
0x8b: {  	s0 =	sand.u32 $0x1, s1  }
0x8c: {  	s17 =	sshll.u32 s0, $0xA;
	s2 =	sadd.s32 s3, s2  }
0x8d: {  	s2 =	sadd.s32 s2, s17  }
0x8e: {  	[smem:$0x3FBB] =	sst s2  }
0x8f: {  	_ = 	snop  }
0x90: {  	s18 =	sld [smem:$0x3FC9];
	(tm) =	ssettm $0x1  }
0x91: {  	s19 =	sld [smem:$0x3FFB];
	_ =	sdelay $0x3  }
0x92: {  	_ =	strace s19  }
0x93: {  	s2 =	sld [smem:$0x3FFC];
	_ =	sdelay $0x3  }
0x94: {  	_ =	strace s2  }
0x95: {  	s2 =	sld [smem:$0x3FFD];
	_ =	sdelay $0x3  }
0x96: {  	_ =	strace s2  }
0x97: {  	_ =	strace $0x8FFFFFFF  }
0x98: {  	s20 =	sld [smem:$0x3FDB];
	_ =	sdelay $0x1  }
0x99: {  	s4 =	simm.s32 $_scs_section_size  }
0x9a: {  	s5 =	simm.s32 $_size__tile_overlayer_lowered;
	s6 =	simm.s32 $_tile_overlayer_lowered  }
0x9b: {  	s7 =	simm.s32 $0x1BFF;
	s21 =	sshll.u32 s6, $0x1;
	s4 =	sadd.s32 s4, s20  }
0x9c: {  	s22 =	simm.s32 $0x0;
	s5 =	sshll.u32 s5, $0x1;
	s6 =	sadd.s32 s21, s4  }
0x9d: {  	[timem:s22], [sflag:s7] =	dma.local [hbm:s6], s5  }
0x9e: {  	_ =	swait.ge [sflag:s7], s5  }
0x9f: {  	s5 =	ssub.s32 $0x0, s5;
	[sflag:s7] =	ssyncset.done $0x0  }
0xa0: {  	[sflag:s7] =	ssyncadd.s32 s5;
	_ =	sdelay $0x1  }
0xa1: {  	s23 =	simm.s32 $0x1B8B  }
0xa2: {  	_ =	swait.ge [sflag:s23], $0x1  }
0xa3: {  	[sflag:s23] =	ssyncset.done $0x0  }
0xa4: {  	[sflag:s23] =	ssyncadd.s32 $0xFFFFFFFF  }
0xa5: {  	s5 =	sld [smem:$0x0]  }
0xa6: {  	s6 =	sand.u32 $0xFFFFFFFE, s1  }
0xa7: {  	p0 =	sne.s32 s1, s6  }
0xa8: {  	s6 =	sshll.u32 @p0 s6, $0xE  }
0xa9: {  	s6 =	sadd.s32 @p0 $0x11B8D, s6;
	s7 =	sshll.u32 @p0 s5, $0x11  }
0xaa: {  	s6 =	sor.u32 @p0 s7, s6  }
0xab: {  	[sflag:s6] =	ssyncadd.remote.s32 @p0 $0x1;
	_ =	sdelay $0x1  }
0xac: {  	s6 =	simm.s32 @p0 $0x1B8D  }
0xad: {  	_ =	swait.eq @p0 [sflag:s6], $0x1  }
0xae: {  	[sflag:s6] =	ssyncadd.s32 @p0 $0xFFFFFFFF  }
0xaf: {  	s7 =	sshll.u32 @!p0 s1, $0xE  }
0xb0: {  	s7 =	sor.u32 @!p0 $0x4000, s7;
	s6 =	simm.s32 @!p0 $0x1B8D  }
0xb1: {  	s5 =	sshll.u32 @!p0 s5, $0x11;
	s7 =	sadd.s32 @!p0 $0x11B8D, s7;
	_ =	swait.eq @!p0 [sflag:s6], $0x1  }
0xb2: {  	s5 =	sor.u32 @!p0 s5, s7;
	[sflag:s6] =	ssyncadd.s32 @!p0 $0xFFFFFFFF  }
0xb3: {  	s25 =	simm.s32 $0x1B8E;
	s24 =	sld [smem:$0x3FFE];
	[sflag:s5] =	ssyncadd.remote.s32 @!p0 $0x1  }
0xb4: {  	s26 =	simm.s32 $execute0_lowered;
	[smem:$0x3FD2] =	sst s25  }
0xb5: {  	s6 =	sshll.u32 s26, $0x1;
	_ =	strace $0x80000049;
	[dreg:$0x1] =	wrdreg $0xFFFFFFFF  }
0xb6: {  	s28 =	simm.s32 $_size_execute0_lowered;
	s4 =	sadd.s32 s4, s6;
	[dreg:$0x0] =	wrdreg $0x0  }
0xb7: {  	s6 =	sshll.u32 s28, $0x1;
	[dreg:$0x2] =	wrdreg s4  }
0xb8: {  	[dreg:$0x3] =	wrdreg s6  }
0xb9: {  	[dreg:$0x4] =	wrdreg $0xC0  }
0xba: {  	_ =	task [dreg:s22], $0x5FFFF  }
0xbb: {  	[dreg:$0x1] =	wrdreg $0xFFFFFFFF  }
0xbc: {  	[dreg:$0x0] =	wrdreg $0x60  }
0xbd: {  	[dreg:$0x2] =	wrdreg s18  }
0xbe: {  	[dreg:$0x3] =	wrdreg s24  }
0xbf: {  	[dreg:$0x4] =	wrdreg $0x9  }
0xc0: {  	_ =	task.clear_ibuf [dreg:s22], $0x5FFFF;
	_ =	strace $0x90000049  }
0xc1: {  	s29 =	simm.s32 $0x9;
	_ =	strace $0x8000004B  }
0xc2: {  	_ =	swait.ge [sflag:s29], $0x1  }
0xc3: {  	[sflag:s29] =	ssyncadd.s32 $0xFFFFFFFF  }
0xc4: {  	_ =	strace $0x9000004B  }
0xc5: {  	_ =	sfence  }
0xc6: {  	s30 =	sld [smem:$0x0];
	_ =	sdelay $0x2  }
0xc7: {  	s31 =	sshll.u32 s1, $0xD;
	s1 =	sshrl.u32 s1, $0x2  }
0xc8: {  	s4 =	sand.u32 $0x4000, s31;
	s1 =	sadd.s32 s1, s30  }
0xc9: {  	s0 =	sor.u32 s4, s0;
	s1 =	sshll.u32 s1, $0x11  }
0xca: {  	s0 =	sor.u32 s1, s0  }
0xcb: {  	s0 =	sadd.s32 $0x8F2B, s0  }
0xcc: {  	[sflag:s0] =	ssyncadd.remote.s32 $0x1  }
0xcd: {  	_ =	sfence.sel $0xFFFF  }
0xce: {  	[dreg:$0x0] =	wrdreg $0xFFFFFFFF;
	(pc) =	sbr.abs _section_cstart, $3  }
0xcf: {  	[dreg:$0x1] =	wrdreg $0xFFFFFFFF  }
0xd0: {  	_ =	task.clear_ibuf [dreg:s22], $0x2FFFF;
	_ =	strace $0x9FFFFFFF  }
0xd1: {  	(tm) =	ssettm $0x7FFFFFFF  }
tec
execute0_lowered:
.L_overlay_start_1:
0x0: {  	(tag) =	ssettag $0x1  }
0x1: {  	s1 =	rddreg [dreg:$0x0]  }
0x2: {  	s0 =	rddreg [dreg:$0x1]  }
0x3: {  	s3 =	simm.s32 $0x0;
	s2 =	srdreg.scid;
	s6 =	stileid.u32  }
0x4: {  	s28 =	simm.s32 $0x9000;
	s29 =	simm.s32 $0x1;
	s30 =	simm.s32 $0x2  }
0x5: {  	s31 =	simm.s32 $0x3;
	[smem:$0x7FF] =	sst s3;
	s4 =	sshll.u32 s6, $0xC  }
0x6: {  	s2 =	sand.u32 $0x1, s2;
	s6 =	smul.u32 $0x138800, s6;
	s7 =	sadd.s32 $0x505200, s0  }
0x7: {  	s5 =	sshll.u32 s2, $0xB;
	s15 =	smul.u32 $0x9C400, s2;
	s2 =	ssub.s32 $0x2, s2  }
0x8: {  	_ =	strace $0x8000004A;
	s4 =	sor.u32 s5, s4;
	s8 =	sshrl.u32 s2, $0x1  }
0x9: {  	s4 =	sadd.s32 s4, s0;
	s0 =	sadd.s32 $0x776200, s0;
	s5 =	sadd.s32 s15, s6  }
0xa: {  	s2 =	ssub.s32 s2, s8;
	s16 =	sadd.s32 $0x3200, s4;
	s17 =	sadd.s32 $0x5000, s5  }
0xb: {  	s4 =	sadd.s32 $0x13200, s4;
	s19 =	sadd.s32 $0x3C00, s5;
	s2 =	smax.u32 s2, $0x1  }
0xc: {  	s22 =	sadd.s32 $0x2800, s5;
	s23 =	sadd.s32 $0x1400, s5;
	[dreg:$0x3] =	wrdreg s16  }
0xd: {  	s5 =	sshrl.u32 s5, $0x3;
	[dreg:$0x4] =	wrdreg s4;
	s18 =	sshrl.u32 s17, $0x3  }
0xe: {  	[dreg:$0x5] =	wrdreg s2;
	s21 =	sshrl.u32 s19, $0x3;
	s8 =	sshrl.u32 s23, $0x3  }
0xf: {  	s17 =	simm.s32 $0xB;
	s19 =	simm.s32 $0x4000;
	s20 =	sadd.s32 s18, s7  }
0x10: {  	s23 =	simm.s32 $0x6800;
	s6 =	sadd.s32 s21, s7;
	[dreg:$0x6] =	wrdreg s20  }
0x11: {  	s24 =	sadd.s32 s8, s7;
	s4 =	sadd.s32 s18, s0;
	[dreg:$0x7] =	wrdreg s6  }
0x12: {  	s2 =	sadd.s32 s21, s0;
	s26 =	sadd.s32 s8, s0;
	[dreg:$0x9] =	wrdreg s24  }
0x13: {  	s18 =	simm.s32 $0x28;
	s21 =	simm.s32 $0x5400;
	[dreg:$0xb] =	wrdreg s4  }
0x14: {  	s8 =	simm.s32 $0xA;
	s6 =	sshrl.u32 s22, $0x3;
	[dreg:$0xc] =	wrdreg s2  }
0x15: {  	[dreg:$0xe] =	wrdreg s26;
	s22 =	simm.s32 $0x100;
	s24 =	simm.s32 $0x180  }
0x16: {  	s26 =	simm.s32 $0x200;
	s2 =	simm.s32 $0x5;
	s9 =	sadd.s32 s6, s7  }
.Ltmp0:
0x17: {  	s7 =	sadd.s32 s5, s7;
	[dreg:$0x8] =	wrdreg s9;
	(pc) =	sbr.rel .LBB2_1-.Ltmp0, $4  }
0x18: {  	s4 =	simm.s32 $0x6;
	s25 =	sadd.s32 s6, s0;
	[dreg:$0xa] =	wrdreg s7  }
0x19: {  	s0 =	sadd.s32 s5, s0;
	s5 =	simm.s32 $0x7;
	[dreg:$0xd] =	wrdreg s25  }
0x1a: {  	s6 =	simm.s32 $0x8;
	[dreg:$0xf] =	wrdreg s0;
	s25 =	simm.s32 $0x7C00  }
0x1b: {  	s0 =	simm.s32 $0x4;
	s7 =	simm.s32 $0x9;
	s9 =	simm.s32 $0x0  }
.LBB2_7:
0x1c: {  	_ =	swait.ge [sflag:s5], $0x1400  }
0x1d: {  	[sflag:s5] =	ssyncset.done $0x0  }
0x1e: {  	[sflag:s5] =	ssyncadd.s32 $0xFFFFEC00  }
0x1f: {  	_ =	swait.ge [sflag:s6], $0x1400  }
0x20: {  	[sflag:s6] =	ssyncset.done $0x0  }
0x21: {  	[sflag:s6] =	ssyncadd.s32 $0xFFFFEC00  }
0x22: {  	_ =	swait.ge [sflag:s7], $0x1400  }
0x23: {  	[sflag:s7] =	ssyncset.done $0x0  }
0x24: {  	[sflag:s7] =	ssyncadd.s32 $0xFFFFEC00  }
0x25: {  	_ =	swait.ge [sflag:s8], $0x1400  }
0x26: {  	s9 =	sadd.s32 $0x1, s9;
	s10 =	rddreg [dreg:$0x5]  }
0x27: {  	p0 =	sne.s32 s9, s10  }
.Ltmp1:
0x28: {  	_ = 	snop;
	(pc) =	sbr.rel @!p0 .LBB2_8-.Ltmp1, $3  }
0x29: {  	_ =	sdelay $0x1  }
0x2a: {  	[sflag:s8] =	ssyncset.done $0x0  }
0x2b: {  	[sflag:s8] =	ssyncadd.s32 $0xFFFFEC00  }
.LBB2_1:
0x2c: {  	s10 =	rddreg [dreg:$0x3]  }
0x2d: {  	[tilespmem:s3], [sflag:$0xB] =	stream.linear.gather [hbm4b:s10+s3], $0x3E80, $0x38;
	[tilespmem:$0xA400] =	vst v63  }
0x2e: {  	_ =	swait.ge [sflag:s17], $0x3E80  }
0x2f: {  	[sflag:s17] =	ssyncset.done $0x0  }
0x30: {  	s10 =	rddreg [dreg:$0xa];
	[sflag:s17] =	ssyncadd.s32 $0xFFFFC180  }
0x31: {  	[tilespmem:s19], [sflag:$0x1] =	stream.indirect.gather [hbm4b:s1+s18], $0x80, s3, s18, $0xb8;
	[tilespmem:$0xA400] =	vst v63  }
0x32: {  	s20 =	simm.s32 $0x80;
	s11 =	rddreg [dreg:$0x9]  }
0x33: {  	[tilespmem:s21], [sflag:$0x2] =	stream.indirect.gather [hbm4b:s1+s18], $0x80, s20, s18, $0xb8;
	[tilespmem:$0xA400] =	vst v63  }
0x34: {  	s12 =	rddreg [dreg:$0x8]  }
0x35: {  	[tilespmem:s23], [sflag:$0x3] =	stream.indirect.gather [hbm4b:s1+s18], $0x80, s22, s18, $0xb8;
	[tilespmem:$0xA400] =	vst v63  }
0x36: {  	s13 =	rddreg [dreg:$0x7]  }
0x37: {  	[tilespmem:s25], [sflag:$0x4] =	stream.indirect.gather [hbm4b:s1+s18], $0x80, s24, s18, $0xb8;
	[tilespmem:$0xA400] =	vst v63  }
0x38: {  	s14 =	rddreg [dreg:$0x6];
	s20 =	simm.s32 $0x0  }
0x39: {  	[tilespmem:s28], [sflag:$0x5] =	stream.indirect.gather [hbm4b:s1+s18], $0x80, s26, s18, $0xb8;
	[tilespmem:$0xA400] =	vst v63  }
.LBB2_2:
0x3a: {  	_ =	swait.ge [sflag:s29], $0x1400  }
0x3b: {  	[sflag:s29] =	ssyncset.done $0x0  }
0x3c: {  	[sflag:s29] =	ssyncadd.s32 $0xFFFFEC00  }
0x3d: {  	[hbm4b:s10+s3] =	stream.linear.scatter [tilespmem:s19], [sflag:$0x6], $0x1400, $0x38;
	[tilespmem:$0xA400] =	vst v63  }
0x3e: {  	_ =	swait.ge [sflag:s30], $0x1400  }
0x3f: {  	[sflag:s30] =	ssyncset.done $0x0  }
0x40: {  	[sflag:s30] =	ssyncadd.s32 $0xFFFFEC00  }
0x41: {  	[hbm4b:s11+s3] =	stream.linear.scatter [tilespmem:s21], [sflag:$0x7], $0x1400, $0x38;
	[tilespmem:$0xA400] =	vst v63  }
0x42: {  	_ =	swait.ge [sflag:s31], $0x1400  }
0x43: {  	[sflag:s31] =	ssyncset.done $0x0  }
0x44: {  	[sflag:s31] =	ssyncadd.s32 $0xFFFFEC00  }
0x45: {  	[hbm4b:s12+s3] =	stream.linear.scatter [tilespmem:s23], [sflag:$0x8], $0x1400, $0x38;
	[tilespmem:$0xA400] =	vst v63  }
0x46: {  	_ =	swait.ge [sflag:s0], $0x1400  }
0x47: {  	[sflag:s0] =	ssyncset.done $0x0  }
0x48: {  	[sflag:s0] =	ssyncadd.s32 $0xFFFFEC00  }
0x49: {  	[hbm4b:s13+s3] =	stream.linear.scatter [tilespmem:s25], [sflag:$0x9], $0x1400, $0x38;
	[tilespmem:$0xA400] =	vst v63  }
0x4a: {  	_ =	swait.ge [sflag:s2], $0x1400  }
0x4b: {  	p0 =	seq.s32 s20, $0xF000;
	[sflag:s2] =	ssyncset.done $0x0  }
.Ltmp2:
0x4c: {  	[sflag:s2] =	ssyncadd.s32 $0xFFFFEC00;
	(pc) =	sbr.rel @p0 .LBB2_4-.Ltmp2, $4  }
0x4d: {  	[hbm4b:s14+s3] =	stream.linear.scatter [tilespmem:s28], [sflag:$0xA], $0x1400, $0x38;
	[tilespmem:$0xA400] =	vst v63  }
0x4e: {  	_ =	swait.ge [sflag:s4], $0x1400  }
0x4f: {  	[sflag:s4] =	ssyncset.done $0x0  }
0x50: {  	[sflag:s4] =	ssyncadd.s32 $0xFFFFEC00  }
0x51: {  	s15 =	sshra.s32 s20, $0x2  }
0x52: {  	s16 =	sadd.s32 $0x280, s15  }
0x53: {  	[tilespmem:s19], [sflag:$0x1] =	stream.indirect.gather [hbm4b:s1+s18], $0x80, s16, s18, $0xb8;
	[tilespmem:$0xA400] =	vst v63  }
0x54: {  	_ =	swait.ge [sflag:s5], $0x1400  }
0x55: {  	[sflag:s5] =	ssyncset.done $0x0  }
0x56: {  	s16 =	sadd.s32 $0x300, s15;
	[sflag:s5] =	ssyncadd.s32 $0xFFFFEC00  }
0x57: {  	[tilespmem:s21], [sflag:$0x2] =	stream.indirect.gather [hbm4b:s1+s18], $0x80, s16, s18, $0xb8;
	[tilespmem:$0xA400] =	vst v63  }
0x58: {  	_ =	swait.ge [sflag:s6], $0x1400  }
0x59: {  	[sflag:s6] =	ssyncset.done $0x0  }
0x5a: {  	s16 =	sadd.s32 $0x380, s15;
	[sflag:s6] =	ssyncadd.s32 $0xFFFFEC00  }
0x5b: {  	[tilespmem:s23], [sflag:$0x3] =	stream.indirect.gather [hbm4b:s1+s18], $0x80, s16, s18, $0xb8;
	[tilespmem:$0xA400] =	vst v63  }
0x5c: {  	_ =	swait.ge [sflag:s7], $0x1400  }
0x5d: {  	[sflag:s7] =	ssyncset.done $0x0  }
0x5e: {  	s16 =	sadd.s32 $0x400, s15;
	[sflag:s7] =	ssyncadd.s32 $0xFFFFEC00  }
0x5f: {  	[tilespmem:s25], [sflag:$0x4] =	stream.indirect.gather [hbm4b:s1+s18], $0x80, s16, s18, $0xb8;
	[tilespmem:$0xA400] =	vst v63  }
.Ltmp3:
0x60: {  	s20 =	sadd.s32 $0xA00, s20;
	(pc) =	sbr.rel .LBB2_2-.Ltmp3, $4  }
0x61: {  	s14 =	sadd.s32 $0xC80, s14;
	s13 =	sadd.s32 $0xC80, s13;
	_ =	swait.ge [sflag:s8], $0x1400  }
0x62: {  	s12 =	sadd.s32 $0xC80, s12;
	s11 =	sadd.s32 $0xC80, s11;
	[sflag:s8] =	ssyncset.done $0x0  }
0x63: {  	s10 =	sadd.s32 $0xC80, s10;
	s15 =	sadd.s32 $0x480, s15;
	[sflag:s8] =	ssyncadd.s32 $0xFFFFEC00  }
0x64: {  	[tilespmem:s28], [sflag:$0x5] =	stream.indirect.gather [hbm4b:s1+s18], $0x80, s15, s18, $0xb8;
	[tilespmem:$0xA400] =	vst v63  }
.LBB2_4:
0x65: {  	_ =	swait.ge [sflag:s5], $0x1400  }
0x66: {  	[sflag:s5] =	ssyncset.done $0x0  }
0x67: {  	[sflag:s5] =	ssyncadd.s32 $0xFFFFEC00  }
0x68: {  	_ =	swait.ge [sflag:s6], $0x1400  }
0x69: {  	[sflag:s6] =	ssyncset.done $0x0  }
0x6a: {  	[sflag:s6] =	ssyncadd.s32 $0xFFFFEC00  }
0x6b: {  	_ =	swait.ge [sflag:s7], $0x1400  }
0x6c: {  	[sflag:s7] =	ssyncset.done $0x0  }
0x6d: {  	[sflag:s7] =	ssyncadd.s32 $0xFFFFEC00  }
0x6e: {  	_ =	swait.ge [sflag:s8], $0x1400  }
0x6f: {  	[sflag:s8] =	ssyncset.done $0x0  }
0x70: {  	s10 =	simm.s32 $0x0;
	s11 =	rddreg [dreg:$0x4];
	[sflag:s8] =	ssyncadd.s32 $0xFFFFEC00  }
0x71: {  	[tilespmem:s10], [sflag:$0xB] =	stream.linear.gather [hbm4b:s11+s10], $0x3E80, $0x38;
	[tilespmem:$0xA400] =	vst v63  }
0x72: {  	_ =	swait.ge [sflag:s17], $0x3E80  }
0x73: {  	[sflag:s17] =	ssyncset.done $0x0  }
0x74: {  	s11 =	rddreg [dreg:$0xf];
	[sflag:s17] =	ssyncadd.s32 $0xFFFFC180  }
0x75: {  	[tilespmem:s19], [sflag:$0x1] =	stream.indirect.gather [hbm4b:s1+s18], $0x80, s10, s18, $0xb8;
	[tilespmem:$0xA400] =	vst v63  }
0x76: {  	s20 =	simm.s32 $0x80;
	s12 =	rddreg [dreg:$0xe]  }
0x77: {  	[tilespmem:s21], [sflag:$0x2] =	stream.indirect.gather [hbm4b:s1+s18], $0x80, s20, s18, $0xb8;
	[tilespmem:$0xA400] =	vst v63  }
0x78: {  	s13 =	rddreg [dreg:$0xd]  }
0x79: {  	[tilespmem:s23], [sflag:$0x3] =	stream.indirect.gather [hbm4b:s1+s18], $0x80, s22, s18, $0xb8;
	[tilespmem:$0xA400] =	vst v63  }
0x7a: {  	s14 =	rddreg [dreg:$0xc]  }
0x7b: {  	[tilespmem:s25], [sflag:$0x4] =	stream.indirect.gather [hbm4b:s1+s18], $0x80, s24, s18, $0xb8;
	[tilespmem:$0xA400] =	vst v63  }
0x7c: {  	s20 =	rddreg [dreg:$0xb]  }
0x7d: {  	[tilespmem:s28], [sflag:$0x5] =	stream.indirect.gather [hbm4b:s1+s18], $0x80, s26, s18, $0xb8;
	[tilespmem:$0xA400] =	vst v63  }
.LBB2_5:
0x7e: {  	_ =	swait.ge [sflag:s29], $0x1400  }
0x7f: {  	[sflag:s29] =	ssyncset.done $0x0  }
0x80: {  	[sflag:s29] =	ssyncadd.s32 $0xFFFFEC00  }
0x81: {  	[hbm4b:s11+s3] =	stream.linear.scatter [tilespmem:s19], [sflag:$0x6], $0x1400, $0x38;
	[tilespmem:$0xA400] =	vst v63  }
0x82: {  	_ =	swait.ge [sflag:s30], $0x1400  }
0x83: {  	[sflag:s30] =	ssyncset.done $0x0  }
0x84: {  	[sflag:s30] =	ssyncadd.s32 $0xFFFFEC00  }
0x85: {  	[hbm4b:s12+s3] =	stream.linear.scatter [tilespmem:s21], [sflag:$0x7], $0x1400, $0x38;
	[tilespmem:$0xA400] =	vst v63  }
0x86: {  	_ =	swait.ge [sflag:s31], $0x1400  }
0x87: {  	[sflag:s31] =	ssyncset.done $0x0  }
0x88: {  	[sflag:s31] =	ssyncadd.s32 $0xFFFFEC00  }
0x89: {  	[hbm4b:s13+s3] =	stream.linear.scatter [tilespmem:s23], [sflag:$0x8], $0x1400, $0x38;
	[tilespmem:$0xA400] =	vst v63  }
0x8a: {  	_ =	swait.ge [sflag:s0], $0x1400  }
0x8b: {  	[sflag:s0] =	ssyncset.done $0x0  }
0x8c: {  	[sflag:s0] =	ssyncadd.s32 $0xFFFFEC00  }
0x8d: {  	[hbm4b:s14+s3] =	stream.linear.scatter [tilespmem:s25], [sflag:$0x9], $0x1400, $0x38;
	[tilespmem:$0xA400] =	vst v63  }
0x8e: {  	_ =	swait.ge [sflag:s2], $0x1400  }
0x8f: {  	p0 =	seq.s32 s10, $0xF000;
	[sflag:s2] =	ssyncset.done $0x0  }
.Ltmp4:
0x90: {  	[sflag:s2] =	ssyncadd.s32 $0xFFFFEC00;
	(pc) =	sbr.rel @p0 .LBB2_7-.Ltmp4, $4  }
0x91: {  	[hbm4b:s20+s3] =	stream.linear.scatter [tilespmem:s28], [sflag:$0xA], $0x1400, $0x38;
	[tilespmem:$0xA400] =	vst v63  }
0x92: {  	_ =	swait.ge [sflag:s4], $0x1400  }
0x93: {  	[sflag:s4] =	ssyncset.done $0x0  }
0x94: {  	[sflag:s4] =	ssyncadd.s32 $0xFFFFEC00  }
0x95: {  	s15 =	sshra.s32 s10, $0x2  }
0x96: {  	s16 =	sadd.s32 $0x280, s15  }
0x97: {  	[tilespmem:s19], [sflag:$0x1] =	stream.indirect.gather [hbm4b:s1+s18], $0x80, s16, s18, $0xb8;
	[tilespmem:$0xA400] =	vst v63  }
0x98: {  	_ =	swait.ge [sflag:s5], $0x1400  }
0x99: {  	[sflag:s5] =	ssyncset.done $0x0  }
0x9a: {  	s16 =	sadd.s32 $0x300, s15;
	[sflag:s5] =	ssyncadd.s32 $0xFFFFEC00  }
0x9b: {  	[tilespmem:s21], [sflag:$0x2] =	stream.indirect.gather [hbm4b:s1+s18], $0x80, s16, s18, $0xb8;
	[tilespmem:$0xA400] =	vst v63  }
0x9c: {  	_ =	swait.ge [sflag:s6], $0x1400  }
0x9d: {  	[sflag:s6] =	ssyncset.done $0x0  }
0x9e: {  	s16 =	sadd.s32 $0x380, s15;
	[sflag:s6] =	ssyncadd.s32 $0xFFFFEC00  }
0x9f: {  	[tilespmem:s23], [sflag:$0x3] =	stream.indirect.gather [hbm4b:s1+s18], $0x80, s16, s18, $0xb8;
	[tilespmem:$0xA400] =	vst v63  }
0xa0: {  	_ =	swait.ge [sflag:s7], $0x1400  }
0xa1: {  	[sflag:s7] =	ssyncset.done $0x0  }
0xa2: {  	s16 =	sadd.s32 $0x400, s15;
	[sflag:s7] =	ssyncadd.s32 $0xFFFFEC00  }
0xa3: {  	[tilespmem:s25], [sflag:$0x4] =	stream.indirect.gather [hbm4b:s1+s18], $0x80, s16, s18, $0xb8;
	[tilespmem:$0xA400] =	vst v63  }
.Ltmp5:
0xa4: {  	s10 =	sadd.s32 $0xA00, s10;
	(pc) =	sbr.rel .LBB2_5-.Ltmp5, $4  }
0xa5: {  	s20 =	sadd.s32 $0xC80, s20;
	s14 =	sadd.s32 $0xC80, s14;
	_ =	swait.ge [sflag:s8], $0x1400  }
0xa6: {  	s13 =	sadd.s32 $0xC80, s13;
	s12 =	sadd.s32 $0xC80, s12;
	[sflag:s8] =	ssyncset.done $0x0  }
0xa7: {  	s11 =	sadd.s32 $0xC80, s11;
	s15 =	sadd.s32 $0x480, s15;
	[sflag:s8] =	ssyncadd.s32 $0xFFFFEC00  }
0xa8: {  	[tilespmem:s28], [sflag:$0x5] =	stream.indirect.gather [hbm4b:s1+s18], $0x80, s15, s18, $0xb8;
	[tilespmem:$0xA400] =	vst v63  }
.LBB2_8:
0xa9: {  	_ =	sfence.sel $0x180000  }
0xaa: {  	[bflag:$0x0] =	sbarrier.arrive $0xFFFF  }
0xab: {  	_ =	strace $0x9000004A  }
0xac: {  	s0 =	stileid.u32;
	[bflag:$0x2] =	sbarrier.arrive $0xFFFF  }
0xad: {  	p0 =	sne.s32 s0, $0x0;
	s0 =	rddreg [dreg:$0x2]  }
0xae: {  	s0 =	sadd.s32 @!p0 $0x100000, s0  }
0xaf: {  	[sflag:s0] =	ssyncadd.tile.s32 @!p0 $0x1;
	_ =	shalt  }
.Lfunc_end2:
_tile_overlayer_lowered:
.L_overlay_start_2:
0xb0: {  	(tag) =	ssettag $0x2  }
0xb1: {  	s0 =	rddreg [dreg:$0x0];
	s2 =	stileid.u32  }
0xb2: {  	s1 =	rddreg [dreg:$0x1];
	p0 =	sne.s32 s2, $0x0  }
0xb3: {  	s3 =	rddreg [dreg:$0x2];
	[bflag:$0x3] =	sbarrier.arrive $0xFFFF;
	s2 =	simm.s32 @!p0 $0x1C0B  }
0xb4: {  	[timem:s3], [sflag:s2] =	dma.local @!p0 [hbm:s0], s1  }
0xb5: {  	s0 =	simm.s32 @!p0 $0xB  }
0xb6: {  	_ =	swait.ge @!p0 [sflag:s0], s1  }
0xb7: {  	s1 =	ssub.s32 @!p0 $0x0, s1;
	[sflag:s0] =	ssyncset.done @!p0 $0x0  }
0xb8: {  	[sflag:s0] =	ssyncadd.s32 @!p0 s1  }
0xb9: {  	[bflag:$0x3] =	sbarrier.arrive $0xFFFF  }
0xba: {  	_ =	shalt  }

// kernel: kernel.18.cloned.1.call-start
scs
__scs_entry_jumppad:
0x0: {  	(pc) =	sbr.rel $0x88, $3  }
0x1: {  	(tag) =	ssettag $0x0;
	lr =	simm.s32 $0x1  }
0x2: {  	[smem:$0x3F94] =	sst lr;
	_ =	strace $0xD0000000  }
0x3: {  	_ = 	snop  }
0x4: {  	_ = 	snop  }
0x5: {  	_ = 	snop  }
0x6: {  	_ = 	snop  }
0x7: {  	_ = 	snop  }
__scs_overlays_trampoline_lowered:
0x8: {  	[smem:$0x3FA3] =	sst s0  }
0x9: {  	[smem:$0x3FA4] =	sst s1  }
0xa: {  	[smem:$0x3FA5] =	sst s2  }
0xb: {  	[smem:$0x3FA6] =	sst s3  }
0xc: {  	[smem:$0x3FA7] =	sst s4  }
0xd: {  	[smem:$0x3FA8] =	sst s5  }
0xe: {  	[smem:$0x3FA9] =	sst s6  }
0xf: {  	[smem:$0x3FAA] =	sst s7  }
0x10: {  	[smem:$0x3FAB] =	sst s8  }
0x11: {  	[smem:$0x3FAC] =	sst s9;
	s0 =	simm.s32 @!p0 $0x0  }
0x12: {  	s1 =	sld [smem:$0x3F92];
	s0 =	simm.s32 @p0 $0x1  }
0x13: {  	[smem:$0x3FAD] =	sst s0;
	s0 =	simm.s32 @!p1 $0x0  }
0x14: {  	s2 =	sld [smem:$0x3F91];
	s0 =	simm.s32 @p1 $0x1  }
0x15: {  	[smem:$0x3FAE] =	sst s0;
	s0 =	simm.s32 @!p2 $0x0  }
0x16: {  	s3 =	sld [smem:$0x3FDB];
	s0 =	simm.s32 @p2 $0x1  }
0x17: {  	s4 =	simm.s32 $0x1BF5;
	[smem:$0x3FB0] =	sst s0  }
0x18: {  	s0 =	sld [smem:$0x3F93];
	_ =	swait.ge [sflag:s4], $0x0  }
0x19: {  	s7 =	sld [smem:$0x3F94]  }
0x1a: {  	s8 =	sadd.s32 $0xFFFFE003, lr  }
0x1b: {  	s9 =	sadd.s32 $0xFFFFFEF7, lr;
	s5 =	simm.s32 $0xFFFFFFFF;
	p2 =	slt.u32 s8, $0xFFFFF086  }
0x1c: {  	p1 =	slt.u32 s9, $0xF7A;
	s5 =	simm.s32 @!p2 $0x0  }
0x1d: {  	s5 =	simm.s32 @p1 $0x1;
	p0 =	seq.s32 s7, s2  }
0x1e: {  	s7 =	smul.u32 @!p0 $0xF7A, s2;
	p2 =	seq.s32 @!p0 s5, $0x0  }
0x1f: {  	s9 =	smul.u32 $0xF7A, s1;
	s8 =	simm.s32 @!p0 $0x1BF5;
	p2 =	por !p2, p0  }
0x20: {  	[sflag:s8] =	ssyncset.s32 @!p0 $0xFFFFF086;
	s6 =	sadd.s32 @!p0 s3, s7;
	s7 =	simm.s32 @!p0 $0x108  }
0x21: {  	s3 =	sadd.s32 s3, s9;
	s6 =	sadd.s32 @!p0 $0x88, s6;
	s7 =	simm.s32 @p2 $0x1082  }
0x22: {  	[simem:s7], [sflag:s8] =	dma.local @!p0 [hbm:s6], $0xF7A  }
0x23: {  	s9 =	sor.u32 $0xD0000000, s2;
	s6 =	simm.s32 $0x108;
	_ =	swait.ge @!p0 [sflag:s8], $0x0  }
0x24: {  	s3 =	sadd.s32 $0x88, s3;
	s6 =	simm.s32 @!p1 $0x1082;
	[sflag:s4] =	ssyncset.s32 $0xFFFFF086  }
0x25: {  	[simem:s6], [sflag:s4] =	dma.local [hbm:s3], $0xF7A  }
0x26: {  	[smem:$0x3F94] =	sst s1;
	(tag) =	ssettag s2;
	_ =	strace s9  }
0x27: {  	s1 =	sld [smem:$0x3FA4]  }
0x28: {  	s2 =	sld [smem:$0x3FA5]  }
0x29: {  	s4 =	sld [smem:$0x3FA7]  }
0x2a: {  	p0 =	seq.s32 s5, $0x0;
	s5 =	sld [smem:$0x3FA8]  }
0x2b: {  	s6 =	sld [smem:$0x3FA9]  }
0x2c: {  	s7 =	sld [smem:$0x3FAA]  }
0x2d: {  	s3 =	simm.s32 $0x108;
	s8 =	sld [smem:$0x3FAB]  }
0x2e: {  	s3 =	simm.s32 @!p0 $0x1082;
	s9 =	sld [smem:$0x3FAC]  }
0x2f: {  	lr =	sadd.s32 s0, s3;
	s0 =	sld [smem:$0x3FA3]  }
0x30: {  	s3 =	sld [smem:$0x3FA6]  }
0x31: {  	[smem:$0x3FAF] =	sst s10  }
0x32: {  	s10 =	sld [smem:$0x3FAD];
	_ =	sdelay $0x3  }
0x33: {  	p0 =	seq.s32 s10, $0x1;
	s10 =	sld [smem:$0x3FAF];
	_ =	sdelay $0x3  }
0x34: {  	[smem:$0x3FAF] =	sst s10  }
0x35: {  	s10 =	sld [smem:$0x3FAE];
	_ =	sdelay $0x3  }
0x36: {  	p1 =	seq.s32 s10, $0x1;
	s10 =	sld [smem:$0x3FAF];
	_ =	sdelay $0x3  }
0x37: {  	[smem:$0x3FAF] =	sst s10  }
0x38: {  	s10 =	sld [smem:$0x3FB0]  }
0x39: {  	_ = 	snop;
	(pc) =	sbr.ind lr, $3  }
0x3a: {  	_ = 	snop  }
0x3b: {  	_ = 	snop  }
0x3c: {  	p2 =	seq.s32 s10, $0x1;
	s10 =	sld [smem:$0x3FAF]  }
0x3d: {  	_ =	shalt  }
0x3e: {  	_ =	shalt  }
0x3f: {  	_ =	shalt  }
0x40: {  	_ =	shalt  }
0x41: {  	_ =	shalt  }
0x42: {  	_ =	shalt  }
0x43: {  	_ =	shalt  }
0x44: {  	_ =	shalt  }
0x45: {  	_ =	shalt  }
0x46: {  	_ =	shalt  }
0x47: {  	_ =	shalt  }
0x48: {  	_ =	shalt  }
0x49: {  	_ =	shalt  }
0x4a: {  	_ =	shalt  }
0x4b: {  	_ =	shalt  }
0x4c: {  	_ =	shalt  }
0x4d: {  	_ =	shalt  }
0x4e: {  	_ =	shalt  }
0x4f: {  	_ =	shalt  }
0x50: {  	_ =	shalt  }
0x51: {  	_ =	shalt  }
0x52: {  	_ =	shalt  }
0x53: {  	_ =	shalt  }
0x54: {  	_ =	shalt  }
0x55: {  	_ =	shalt  }
0x56: {  	_ =	shalt  }
0x57: {  	_ =	shalt  }
0x58: {  	_ =	shalt  }
0x59: {  	_ =	shalt  }
0x5a: {  	_ =	shalt  }
0x5b: {  	_ =	shalt  }
0x5c: {  	_ =	shalt  }
0x5d: {  	_ =	shalt  }
0x5e: {  	_ =	shalt  }
0x5f: {  	_ =	shalt  }
0x60: {  	_ =	shalt  }
0x61: {  	_ =	shalt  }
0x62: {  	_ =	shalt  }
0x63: {  	_ =	shalt  }
0x64: {  	_ =	shalt  }
0x65: {  	_ =	shalt  }
0x66: {  	_ =	shalt  }
0x67: {  	_ =	shalt  }
0x68: {  	_ =	shalt  }
0x69: {  	_ =	shalt  }
0x6a: {  	_ =	shalt  }
0x6b: {  	_ =	shalt  }
0x6c: {  	_ =	shalt  }
0x6d: {  	_ =	shalt  }
0x6e: {  	_ =	shalt  }
0x6f: {  	_ =	shalt  }
0x70: {  	_ =	shalt  }
0x71: {  	_ =	shalt  }
0x72: {  	_ =	shalt  }
0x73: {  	_ =	shalt  }
0x74: {  	_ =	shalt  }
0x75: {  	_ =	shalt  }
0x76: {  	_ =	shalt  }
0x77: {  	_ =	shalt  }
0x78: {  	_ =	shalt  }
0x79: {  	_ =	shalt  }
0x7a: {  	_ =	shalt  }
0x7b: {  	_ =	shalt  }
0x7c: {  	_ =	shalt  }
0x7d: {  	_ =	shalt  }
0x7e: {  	_ =	shalt  }
0x7f: {  	_ =	shalt  }
0x80: {  	_ =	shalt  }
0x81: {  	_ =	shalt  }
0x82: {  	_ =	shalt  }
0x83: {  	_ =	shalt  }
0x84: {  	_ =	shalt  }
0x85: {  	_ =	shalt  }
0x86: {  	_ =	shalt  }
0x87: {  	_ =	shalt  }
.Lfunc_end0:
.L_simem_size_0:
called_computation.3_lowered:
.L_overlay_start_0:
0x88: {  	s2 =	sld [smem:$0x3FD9]  }
0x89: {  	s3 =	sld [smem:$0x3FFE];
	_ =	sdelay $0x1  }
0x8a: {  	s1 =	srdreg.scid  }
0x8b: {  	s0 =	sand.u32 $0x1, s1  }
0x8c: {  	s14 =	sshll.u32 s0, $0xA;
	s2 =	sadd.s32 s3, s2  }
0x8d: {  	s2 =	sadd.s32 s2, s14  }
0x8e: {  	[smem:$0x3FBB] =	sst s2  }
0x8f: {  	_ = 	snop  }
0x90: {  	s2 =	sld [smem:$0x3FD0];
	_ =	sdelay $0x2  }
0x91: {  	s15 =	simm.s32 $0xB;
	s4 =	simm.s32 $0x10  }
0x92: {  	[smem:s4], [sflag:s15] =	dma.local [hbm:s2], $0x1  }
0x93: {  	_ =	swait.eq [sflag:s15], $0x1  }
0x94: {  	[sflag:s15] =	ssyncset.done $0x0  }
0x95: {  	[sflag:s15] =	ssyncadd.s32 $0xFFFFFFFF  }
0x96: {  	s16 =	sld [smem:$0x10];
	(tm) =	ssettm $0x1  }
0x97: {  	s17 =	sld [smem:$0x3FFB];
	_ =	sdelay $0x3  }
0x98: {  	_ =	strace s17  }
0x99: {  	s3 =	sld [smem:$0x3FFC];
	_ =	sdelay $0x3  }
0x9a: {  	_ =	strace s3  }
0x9b: {  	s3 =	sld [smem:$0x3FFD];
	_ =	sdelay $0x3  }
0x9c: {  	_ =	strace s3  }
0x9d: {  	_ =	strace $0x8FFFFFFF  }
0x9e: {  	s18 =	sld [smem:$0x3FDB];
	_ =	sdelay $0x1  }
0x9f: {  	s19 =	simm.s32 $_scs_section_size  }
0xa0: {  	s5 =	simm.s32 $_size__tile_overlayer_lowered;
	s6 =	simm.s32 $_tile_overlayer_lowered  }
0xa1: {  	s22 =	simm.s32 $0x1BFF;
	s21 =	sshll.u32 s6, $0x1;
	s3 =	sadd.s32 s19, s18  }
0xa2: {  	s7 =	simm.s32 $0x0;
	s20 =	sshll.u32 s5, $0x1;
	s5 =	sadd.s32 s21, s3  }
0xa3: {  	[timem:s7], [sflag:s22] =	dma.local [hbm:s5], s20  }
0xa4: {  	_ =	swait.ge [sflag:s22], s20  }
0xa5: {  	s4 =	ssub.s32 $0x0, s20;
	[sflag:s22] =	ssyncset.done $0x0  }
0xa6: {  	[sflag:s22] =	ssyncadd.s32 s4;
	_ =	sdelay $0x1  }
0xa7: {  	s23 =	simm.s32 $0x1B8B  }
0xa8: {  	_ =	swait.ge [sflag:s23], $0x1  }
0xa9: {  	[sflag:s23] =	ssyncset.done $0x0  }
0xaa: {  	s25 =	simm.s32 $0x1B8E;
	s24 =	sld [smem:$0x3FFE];
	[sflag:s23] =	ssyncadd.s32 $0xFFFFFFFF  }
0xab: {  	s26 =	simm.s32 $execute0_lowered;
	[smem:$0x3FD2] =	sst s25  }
0xac: {  	s5 =	sshll.u32 s26, $0x1;
	_ =	strace $0x8000004F;
	[dreg:$0x1] =	wrdreg $0xFFFFFFFF  }
0xad: {  	s28 =	simm.s32 $_size_execute0_lowered;
	s3 =	sadd.s32 s3, s5;
	[dreg:$0x0] =	wrdreg $0x0  }
0xae: {  	s5 =	sshll.u32 s28, $0x1;
	[dreg:$0x2] =	wrdreg s3  }
0xaf: {  	[dreg:$0x3] =	wrdreg s5  }
0xb0: {  	[dreg:$0x4] =	wrdreg $0xC0  }
0xb1: {  	_ =	task [dreg:s7], $0x5FFFF  }
0xb2: {  	[dreg:$0x1] =	wrdreg $0xFFFFFFFF  }
0xb3: {  	[dreg:$0x0] =	wrdreg $0x60  }
0xb4: {  	[dreg:$0x2] =	wrdreg s24  }
0xb5: {  	[dreg:$0x3] =	wrdreg s16  }
0xb6: {  	[dreg:$0x4] =	wrdreg $0xAA780  }
0xb7: {  	[dreg:$0x5] =	wrdreg $0xA8000  }
0xb8: {  	[dreg:$0x6] =	wrdreg $0x9  }
0xb9: {  	_ =	task.clear_ibuf [dreg:s7], $0x7FFFF;
	_ =	strace $0x9000004F  }
0xba: {  	s29 =	simm.s32 $0x9;
	_ =	strace $0x80000051  }
0xbb: {  	_ =	swait.ge [sflag:s29], $0x1  }
0xbc: {  	[sflag:s29] =	ssyncadd.s32 $0xFFFFFFFF  }
0xbd: {  	_ =	strace $0x90000051  }
0xbe: {  	_ =	sfence  }
0xbf: {  	s30 =	sld [smem:$0x0];
	_ =	sdelay $0x2  }
0xc0: {  	s31 =	sshll.u32 s1, $0xD;
	s1 =	sshrl.u32 s1, $0x2  }
0xc1: {  	s3 =	sand.u32 $0x4000, s31;
	s1 =	sadd.s32 s1, s30  }
0xc2: {  	s0 =	sor.u32 s3, s0;
	s1 =	sshll.u32 s1, $0x11  }
0xc3: {  	s0 =	sor.u32 s1, s0  }
0xc4: {  	s0 =	sadd.s32 $0x8F2B, s0  }
0xc5: {  	[sflag:s0] =	ssyncadd.remote.s32 $0x1  }
0xc6: {  	_ =	sfence.sel $0xFFFF  }
0xc7: {  	[dreg:$0x0] =	wrdreg $0xFFFFFFFF;
	(pc) =	sbr.abs _section_cstart, $3  }
0xc8: {  	[dreg:$0x1] =	wrdreg $0xFFFFFFFF  }
0xc9: {  	_ =	task.clear_ibuf [dreg:s7], $0x2FFFF;
	_ =	strace $0x9FFFFFFF  }
0xca: {  	(tm) =	ssettm $0x7FFFFFFF  }
0xcb: {  	_ =	shalt  }
tec
execute0_lowered:
.L_overlay_start_1:
0x0: {  	(tag) =	ssettag $0x1  }
0x1: {  	s0 =	rddreg [dreg:$0x0]  }
0x2: {  	s5 =	rddreg [dreg:$0x1]  }
0x3: {  	s1 =	rddreg [dreg:$0x2]  }
0x4: {  	s2 =	rddreg [dreg:$0x3]  }
0x5: {  	s4 =	srdreg.scid;
	s15 =	stileid.u32  }
0x6: {  	s3 =	simm.s32 $0x0;
	s19 =	simm.s32 $0x3;
	s29 =	simm.s32 $0x3D80  }
0x7: {  	s31 =	simm.s32 $0x3E00;
	s7 =	sand.u32 $0x1, s4;
	s20 =	sshll.u32 s15, $0x1  }
0x8: {  	[smem:$0x7FF] =	sst s3;
	s23 =	smul.u32 $0x138800, s15;
	p0 =	sne.s32 s15, $0x0  }
0x9: {  	s6 =	sor.u32 s7, s20;
	_ =	strace $0x80000050;
	s9 =	smul.u32 $0x27100, s7  }
0xa: {  	s11 =	sshll.u32 s7, $0x4;
	s12 =	ssub.s32 $0x2, s7;
	s26 =	smul.u32 $0x9C400, s7  }
0xb: {  	s17 =	sshrl.u32 @!p0 s2, $0x3;
	s18 =	sshrl.u32 @!p0 s1, $0x3;
	s20 =	simm.s32 $0x0  }
0xc: {  	s4 =	sshll.u32 s6, $0xB;
	s10 =	sadd.s32 s11, s0;
	s21 =	sshrl.u32 s12, $0x1  }
0xd: {  	s13 =	smul.u32 $0x9C400, s6;
	s11 =	sadd.s32 s5, s11;
	s8 =	sadd.s32 s4, s0  }
0xe: {  	s4 =	sadd.s32 $0xD0A00, s0;
	s0 =	sadd.s32 s9, s0;
	s14 =	ssub.s32 s12, s21  }
0xf: {  	s22 =	sadd.s32 $0x81E00, s10;
	s16 =	sadd.s32 s26, s23;
	s21 =	simm.s32 $0x8000  }
0x10: {  	s23 =	simm.s32 $0x1;
	s26 =	simm.s32 $0x3D00;
	[dreg:$0x5] =	wrdreg s22  }
0x11: {  	s24 =	sadd.s32 $0x82800, s0;
	s25 =	sshrl.u32 s13, $0x3;
	s28 =	sadd.s32 $0x13200, s8  }
0x12: {  	s8 =	sadd.s32 $0x3200, s8;
	s12 =	sadd.s32 $0x23200, s0;
	s13 =	smax.u32 s14, $0x1  }
0x13: {  	s30 =	sadd.s32 $0x3C00, s16;
	s16 =	sadd.s32 $0x2800, s16;
	[dreg:$0x6] =	wrdreg s24  }
0x14: {  	s22 =	simm.s32 $0x9400;
	[dreg:$0x7] =	wrdreg s28;
	s9 =	sadd.s32 s4, s25  }
0x15: {  	s0 =	sshrl.u32 s30, $0x3;
	s24 =	simm.s32 $0x28;
	s25 =	simm.s32 $0x2  }
0x16: {  	s10 =	sadd.s32 $0x280, s9;
	s14 =	sadd.s32 $0x13600, s9;
	s5 =	sadd.s32 s0, s4  }
.LBB2_1:
0x17: {  	s0 =	simm.s32 @!p0 $0x1;
	s15 =	simm.s32 @!p0 $0x10  }
0x18: {  	s28 =	simm.s32 @!p0 $0x20;
	s30 =	simm.s32 @!p0 $0x1C03;
	s6 =	rddreg [dreg:$0x5]  }
0x19: {  	[spmem:s17@s15], [sflag:s30] =	dma.strided @!p0 [hbm:s6@s28], $0x4F0, s0, $0x10   }
0x1a: {  	s0 =	simm.s32 @!p0 $0x3  }
0x1b: {  	_ =	swait.ge @!p0 [sflag:s0], $0x4F0  }
0x1c: {  	[sflag:s0] =	ssyncset.done @!p0 $0x0  }
0x1d: {  	s6 =	rddreg [dreg:$0x6];
	[sflag:s0] =	ssyncadd.s32 @!p0 $0xFFFFFB10  }
0x1e: {  	[spmem:s18], [sflag:s30] =	dma.local @!p0 [hbm:s6], $0x27100  }
0x1f: {  	_ =	swait.ge @!p0 [sflag:s0], $0x27100  }
0x20: {  	[sflag:s0] =	ssyncset.done @!p0 $0x0  }
0x21: {  	s7 =	rddreg [dreg:$0x7];
	[sflag:s0] =	ssyncadd.s32 @!p0 $0xFFFD8F00  }
0x22: {  	[tilespmem:s3], [sflag:$0x3] =	stream.linear.gather [hbm4b:s7+s3], $0x3E80, $0x38;
	[tilespmem:$0x1E2F8] =	vst v63  }
0x23: {  	_ =	swait.ge [sflag:s19], $0x3E80  }
0x24: {  	[sflag:s19] =	ssyncset.done $0x0  }
0x25: {  	s15 =	simm.s32 $0x4000;
	[sflag:s19] =	ssyncadd.s32 $0xFFFFC180  }
0x26: {  	[tilespmem:s15], [sflag:$0x3] =	stream.linear.gather [hbm4b:s8+s3], $0x3E80, $0x38;
	[tilespmem:$0x1E2F8] =	vst v63  }
0x27: {  	_ =	swait.ge [sflag:s19], $0x3E80  }
0x28: {  	[sflag:s19] =	ssyncset.done $0x0  }
0x29: {  	[sflag:s19] =	ssyncadd.s32 $0xFFFFC180  }
0x2a: {  	[bflag:$0x0] =	sbarrier.arrive $0xFFFF  }
0x2b: {  	[tilespmem:s21], [sflag:$0x1] =	stream.linear.gather [hbm4b:s9+s3], $0x1400, $0x38;
	[tilespmem:$0x1E2F8] =	vst v63  }
0x2c: {  	_ = 	snop  }
0x2d: {  	[tilespmem:s22], [sflag:$0x2] =	stream.linear.gather [hbm4b:s10+s3], $0x1400, $0x38;
	[tilespmem:$0x1E2F8] =	vst v63  }
0x2e: {  	_ =	swait.ge [sflag:s23], $0x1400  }
0x2f: {  	[sflag:s23] =	ssyncset.done $0x0  }
0x30: {  	s6 =	simm.s32 $0x0;
	[sflag:s23] =	ssyncadd.s32 $0xFFFFEC00  }
0x31: {  	[spmem:s1] =	stream.indirect.scatter.add.f32 [tilespmem:s21], [sflag:$0x3], $0x80, s6, s24, $0xb8;
	[tilespmem:$0x1E2F8] =	vst v63  }
0x32: {  	_ =	swait.ge [sflag:s19], $0x1400  }
0x33: {  	[sflag:s19] =	ssyncset.done $0x0  }
0x34: {  	s7 =	simm.s32 $0x4000;
	[sflag:s19] =	ssyncadd.s32 $0xFFFFEC00  }
0x35: {  	[spmem:s2] =	stream.indirect.scatter.add.f32 [tilespmem:s7], [sflag:$0x3], $0x1, s6, s24, $0xb8;
	[tilespmem:$0x1E2F8] =	vst v63  }
0x36: {  	_ =	swait.ge [sflag:s19], $0x28  }
0x37: {  	s15 =	sshrl.u32 s16, $0x3;
	[sflag:s19] =	ssyncset.done $0x0  }
0x38: {  	s0 =	sadd.s32 s4, s15;
	[sflag:s19] =	ssyncadd.s32 $0xFFFFFFD8  }
0x39: {  	[tilespmem:s21], [sflag:$0x1] =	stream.linear.gather [hbm4b:s0+s3], $0x1400, $0x38;
	[tilespmem:$0x1E2F8] =	vst v63  }
0x3a: {  	_ =	swait.ge [sflag:s25], $0x1400  }
0x3b: {  	[sflag:s25] =	ssyncset.done $0x0  }
0x3c: {  	s6 =	simm.s32 $0x80;
	[sflag:s25] =	ssyncadd.s32 $0xFFFFEC00  }
0x3d: {  	[spmem:s1] =	stream.indirect.scatter.add.f32 [tilespmem:s22], [sflag:$0x3], $0x80, s6, s24, $0xb8;
	[tilespmem:$0x1E2F8] =	vst v63  }
0x3e: {  	_ =	swait.ge [sflag:s19], $0x1400  }
0x3f: {  	[sflag:s19] =	ssyncset.done $0x0  }
0x40: {  	s7 =	simm.s32 $0x4080;
	[sflag:s19] =	ssyncadd.s32 $0xFFFFEC00  }
0x41: {  	[spmem:s2] =	stream.indirect.scatter.add.f32 [tilespmem:s7], [sflag:$0x3], $0x1, s6, s24, $0xb8;
	[tilespmem:$0x1E2F8] =	vst v63  }
0x42: {  	_ =	swait.ge [sflag:s19], $0x28  }
0x43: {  	s28 =	simm.s32 $0x400;
	s30 =	sadd.s32 $0x500, s5;
	[sflag:s19] =	ssyncset.done $0x0  }
0x44: {  	s15 =	smov.u32 s5;
	s0 =	sadd.s32 $0x2800, s16;
	[sflag:s19] =	ssyncadd.s32 $0xFFFFFFD8  }
.LBB2_2:
0x45: {  	[tilespmem:s22], [sflag:$0x2] =	stream.linear.gather [hbm4b:s15+s3], $0x1400, $0x38;
	[tilespmem:$0x1E2F8] =	vst v63  }
0x46: {  	s6 =	smov.u32 s28;
	s15 =	smov.u32 s30  }
0x47: {  	p1 =	sne.s32 s28, $0xF000;
	s28 =	sadd.s32 $0x400, s28;
	_ =	swait.ge [sflag:s23], $0x1400  }
0x48: {  	[sflag:s23] =	ssyncset.done $0x0  }
0x49: {  	s6 =	sshra.s32 s6, $0x2;
	[sflag:s23] =	ssyncadd.s32 $0xFFFFEC00  }
0x4a: {  	[spmem:s1] =	stream.indirect.scatter.add.f32 [tilespmem:s21], [sflag:$0x3], $0x80, s6, s24, $0xb8;
	[tilespmem:$0x1E2F8] =	vst v63  }
0x4b: {  	_ =	swait.ge [sflag:s19], $0x1400  }
0x4c: {  	[sflag:s19] =	ssyncset.done $0x0  }
0x4d: {  	s7 =	sadd.s32 $0x4000, s6;
	[sflag:s19] =	ssyncadd.s32 $0xFFFFEC00  }
0x4e: {  	[spmem:s2] =	stream.indirect.scatter.add.f32 [tilespmem:s7], [sflag:$0x3], $0x1, s6, s24, $0xb8;
	[tilespmem:$0x1E2F8] =	vst v63  }
0x4f: {  	_ =	swait.ge [sflag:s19], $0x28  }
0x50: {  	s7 =	sshrl.u32 s0, $0x3;
	[sflag:s19] =	ssyncset.done $0x0  }
0x51: {  	s7 =	sadd.s32 s4, s7;
	[sflag:s19] =	ssyncadd.s32 $0xFFFFFFD8  }
0x52: {  	[tilespmem:s21], [sflag:$0x1] =	stream.linear.gather [hbm4b:s7+s3], $0x1400, $0x38;
	[tilespmem:$0x1E2F8] =	vst v63  }
0x53: {  	_ =	swait.ge [sflag:s25], $0x1400  }
0x54: {  	[sflag:s25] =	ssyncset.done $0x0  }
0x55: {  	s7 =	sadd.s32 $0x80, s6;
	[sflag:s25] =	ssyncadd.s32 $0xFFFFEC00  }
0x56: {  	[spmem:s1] =	stream.indirect.scatter.add.f32 [tilespmem:s22], [sflag:$0x3], $0x80, s7, s24, $0xb8;
	[tilespmem:$0x1E2F8] =	vst v63  }
0x57: {  	_ =	swait.ge [sflag:s19], $0x1400  }
0x58: {  	[sflag:s19] =	ssyncset.done $0x0  }
.Ltmp0:
0x59: {  	s6 =	sadd.s32 $0x4080, s6;
	[sflag:s19] =	ssyncadd.s32 $0xFFFFEC00;
	(pc) =	sbr.rel @p1 .LBB2_2-.Ltmp0, $4  }
0x5a: {  	[spmem:s2] =	stream.indirect.scatter.add.f32 [tilespmem:s6], [sflag:$0x3], $0x1, s7, s24, $0xb8;
	[tilespmem:$0x1E2F8] =	vst v63  }
0x5b: {  	_ =	swait.ge [sflag:s19], $0x28  }
0x5c: {  	[sflag:s19] =	ssyncset.done $0x0  }
0x5d: {  	s30 =	sadd.s32 $0x500, s30;
	s0 =	sadd.s32 $0x2800, s0;
	[sflag:s19] =	ssyncadd.s32 $0xFFFFFFD8  }
0x5e: {  	[tilespmem:s22], [sflag:$0x2] =	stream.linear.gather [hbm4b:s15+s3], $0x1400, $0x38;
	[tilespmem:$0x1E2F8] =	vst v63  }
0x5f: {  	_ =	swait.ge [sflag:s23], $0x1400  }
0x60: {  	[sflag:s23] =	ssyncset.done $0x0  }
0x61: {  	[sflag:s23] =	ssyncadd.s32 $0xFFFFEC00  }
0x62: {  	[spmem:s1] =	stream.indirect.scatter.add.f32 [tilespmem:s21], [sflag:$0x3], $0x80, s26, s24, $0xb8;
	[tilespmem:$0x1E2F8] =	vst v63  }
0x63: {  	_ =	swait.ge [sflag:s19], $0x1400  }
0x64: {  	[sflag:s19] =	ssyncset.done $0x0  }
0x65: {  	s0 =	simm.s32 $0x7D00;
	[sflag:s19] =	ssyncadd.s32 $0xFFFFEC00  }
0x66: {  	[spmem:s2] =	stream.indirect.scatter.add.f32 [tilespmem:s0], [sflag:$0x3], $0x1, s26, s24, $0xb8;
	[tilespmem:$0x1E2F8] =	vst v63  }
0x67: {  	_ =	swait.ge [sflag:s19], $0x28  }
0x68: {  	[sflag:s19] =	ssyncset.done $0x0  }
0x69: {  	[sflag:s19] =	ssyncadd.s32 $0xFFFFFFD8  }
0x6a: {  	[tilespmem:s21], [sflag:$0x1] =	stream.linear.gather [hbm4b:s14+s3], $0x1400, $0x38;
	[tilespmem:$0x1E2F8] =	vst v63  }
0x6b: {  	_ =	swait.ge [sflag:s25], $0x1400  }
0x6c: {  	[sflag:s25] =	ssyncset.done $0x0  }
0x6d: {  	[sflag:s25] =	ssyncadd.s32 $0xFFFFEC00  }
0x6e: {  	[spmem:s1] =	stream.indirect.scatter.add.f32 [tilespmem:s22], [sflag:$0x3], $0x80, s29, s24, $0xb8;
	[tilespmem:$0x1E2F8] =	vst v63  }
0x6f: {  	_ =	swait.ge [sflag:s19], $0x1400  }
0x70: {  	[sflag:s19] =	ssyncset.done $0x0  }
0x71: {  	s28 =	simm.s32 $0x7D80;
	[sflag:s19] =	ssyncadd.s32 $0xFFFFEC00  }
0x72: {  	[spmem:s2] =	stream.indirect.scatter.add.f32 [tilespmem:s28], [sflag:$0x3], $0x1, s29, s24, $0xb8;
	[tilespmem:$0x1E2F8] =	vst v63  }
0x73: {  	_ =	swait.ge [sflag:s19], $0x28  }
0x74: {  	[sflag:s19] =	ssyncset.done $0x0  }
0x75: {  	[sflag:s19] =	ssyncadd.s32 $0xFFFFFFD8  }
0x76: {  	_ =	swait.ge [sflag:s23], $0x1400  }
0x77: {  	[sflag:s23] =	ssyncset.done $0x0  }
0x78: {  	[sflag:s23] =	ssyncadd.s32 $0xFFFFEC00  }
0x79: {  	[spmem:s1] =	stream.indirect.scatter.add.f32 [tilespmem:s21], [sflag:$0x3], $0x80, s31, s24, $0xb8;
	[tilespmem:$0x1E2F8] =	vst v63  }
0x7a: {  	_ =	swait.ge [sflag:s19], $0x1400  }
0x7b: {  	[sflag:s19] =	ssyncset.done $0x0  }
0x7c: {  	s30 =	simm.s32 $0x7E00;
	[sflag:s19] =	ssyncadd.s32 $0xFFFFEC00  }
0x7d: {  	[spmem:s2] =	stream.indirect.scatter.add.f32 [tilespmem:s30], [sflag:$0x3], $0x1, s31, s24, $0xb8;
	[tilespmem:$0x1E2F8] =	vst v63  }
0x7e: {  	_ =	swait.ge [sflag:s19], $0x28  }
0x7f: {  	[sflag:s19] =	ssyncset.done $0x0  }
0x80: {  	s6 =	simm.s32 @!p0 $0x20;
	s7 =	simm.s32 @!p0 $0x10;
	[sflag:s19] =	ssyncadd.s32 $0xFFFFFFD8  }
0x81: {  	s15 =	simm.s32 @!p0 $0x1C03;
	s0 =	simm.s32 @!p0 $0x1;
	[bflag:$0x0] =	sbarrier.arrive $0xFFFF  }
0x82: {  	[hbm:s11@s6], [sflag:s15] =	dma.strided @!p0 [spmem:s17@s7], $0x4F0, s0, $0x10   }
0x83: {  	s0 =	simm.s32 @!p0 $0x3  }
0x84: {  	s20 =	sadd.s32 $0x1, s20;
	_ =	swait.ge @!p0 [sflag:s0], $0x4F0  }
0x85: {  	p1 =	sne.s32 s20, s13;
	[sflag:s0] =	ssyncset.done @!p0 $0x0  }
.Ltmp1:
0x86: {  	[sflag:s0] =	ssyncadd.s32 @!p0 $0xFFFFFB10;
	(pc) =	sbr.rel @p1 .LBB2_1-.Ltmp1, $4  }
0x87: {  	[hbm:s12], [sflag:s15] =	dma.local @!p0 [spmem:s18], $0x27100  }
0x88: {  	_ =	swait.ge @!p0 [sflag:s0], $0x27100  }
0x89: {  	[sflag:s0] =	ssyncset.done @!p0 $0x0  }
0x8a: {  	[sflag:s0] =	ssyncadd.s32 @!p0 $0xFFFD8F00  }
0x8b: {  	_ =	sfence.sel $0x180000  }
0x8c: {  	[bflag:$0x0] =	sbarrier.arrive $0xFFFF  }
0x8d: {  	_ =	strace $0x90000050  }
0x8e: {  	[bflag:$0x2] =	sbarrier.arrive $0xFFFF  }
0x8f: {  	s0 =	rddreg [dreg:$0x4]  }
0x90: {  	s0 =	sadd.s32 @!p0 $0x100000, s0  }
0x91: {  	[sflag:s0] =	ssyncadd.tile.s32 @!p0 $0x1;
	_ =	shalt  }
.Lfunc_end2:
_tile_overlayer_lowered:
.L_overlay_start_2:
0x92: {  	(tag) =	ssettag $0x2  }
0x93: {  	s0 =	rddreg [dreg:$0x0];
	s2 =	stileid.u32  }
0x94: {  	s1 =	rddreg [dreg:$0x1];
	p0 =	sne.s32 s2, $0x0  }
0x95: {  	s3 =	rddreg [dreg:$0x2];
	[bflag:$0x3] =	sbarrier.arrive $0xFFFF;
	s2 =	simm.s32 @!p0 $0x1C03  }
0x96: {  	[timem:s3], [sflag:s2] =	dma.local @!p0 [hbm:s0], s1  }
0x97: {  	s0 =	simm.s32 @!p0 $0x3  }
0x98: {  	_ =	swait.ge @!p0 [sflag:s0], s1  }
0x99: {  	s1 =	ssub.s32 @!p0 $0x0, s1;
	[sflag:s0] =	ssyncset.done @!p0 $0x0  }
0x9a: {  	[sflag:s0] =	ssyncadd.s32 @!p0 s1  }
0x9b: {  	[bflag:$0x3] =	sbarrier.arrive $0xFFFF  }
0x9c: {  	_ =	shalt  }

// kernel: kernel.9.cloned.1.call-start
scs
__scs_entry_jumppad:
0x0: {  	(pc) =	sbr.rel $0x88, $3  }
0x1: {  	(tag) =	ssettag $0x0;
	lr =	simm.s32 $0x1  }
0x2: {  	[smem:$0x3F94] =	sst lr;
	_ =	strace $0xD0000000  }
0x3: {  	_ = 	snop  }
0x4: {  	_ = 	snop  }
0x5: {  	_ = 	snop  }
0x6: {  	_ = 	snop  }
0x7: {  	_ = 	snop  }
__scs_overlays_trampoline_lowered:
0x8: {  	[smem:$0x3FA3] =	sst s0  }
0x9: {  	[smem:$0x3FA4] =	sst s1  }
0xa: {  	[smem:$0x3FA5] =	sst s2  }
0xb: {  	[smem:$0x3FA6] =	sst s3  }
0xc: {  	[smem:$0x3FA7] =	sst s4  }
0xd: {  	[smem:$0x3FA8] =	sst s5  }
0xe: {  	[smem:$0x3FA9] =	sst s6  }
0xf: {  	[smem:$0x3FAA] =	sst s7  }
0x10: {  	[smem:$0x3FAB] =	sst s8  }
0x11: {  	[smem:$0x3FAC] =	sst s9;
	s0 =	simm.s32 @!p0 $0x0  }
0x12: {  	s1 =	sld [smem:$0x3F92];
	s0 =	simm.s32 @p0 $0x1  }
0x13: {  	[smem:$0x3FAD] =	sst s0;
	s0 =	simm.s32 @!p1 $0x0  }
0x14: {  	s2 =	sld [smem:$0x3F91];
	s0 =	simm.s32 @p1 $0x1  }
0x15: {  	[smem:$0x3FAE] =	sst s0;
	s0 =	simm.s32 @!p2 $0x0  }
0x16: {  	s3 =	sld [smem:$0x3FDB];
	s0 =	simm.s32 @p2 $0x1  }
0x17: {  	s4 =	simm.s32 $0x1BF5;
	[smem:$0x3FB0] =	sst s0  }
0x18: {  	s0 =	sld [smem:$0x3F93];
	_ =	swait.ge [sflag:s4], $0x0  }
0x19: {  	s7 =	sld [smem:$0x3F94]  }
0x1a: {  	s8 =	sadd.s32 $0xFFFFE003, lr  }
0x1b: {  	s9 =	sadd.s32 $0xFFFFFEF7, lr;
	s5 =	simm.s32 $0xFFFFFFFF;
	p2 =	slt.u32 s8, $0xFFFFF086  }
0x1c: {  	p1 =	slt.u32 s9, $0xF7A;
	s5 =	simm.s32 @!p2 $0x0  }
0x1d: {  	s5 =	simm.s32 @p1 $0x1;
	p0 =	seq.s32 s7, s2  }
0x1e: {  	s7 =	smul.u32 @!p0 $0xF7A, s2;
	p2 =	seq.s32 @!p0 s5, $0x0  }
0x1f: {  	s9 =	smul.u32 $0xF7A, s1;
	s8 =	simm.s32 @!p0 $0x1BF5;
	p2 =	por !p2, p0  }
0x20: {  	[sflag:s8] =	ssyncset.s32 @!p0 $0xFFFFF086;
	s6 =	sadd.s32 @!p0 s3, s7;
	s7 =	simm.s32 @!p0 $0x108  }
0x21: {  	s3 =	sadd.s32 s3, s9;
	s6 =	sadd.s32 @!p0 $0x88, s6;
	s7 =	simm.s32 @p2 $0x1082  }
0x22: {  	[simem:s7], [sflag:s8] =	dma.local @!p0 [hbm:s6], $0xF7A  }
0x23: {  	s9 =	sor.u32 $0xD0000000, s2;
	s6 =	simm.s32 $0x108;
	_ =	swait.ge @!p0 [sflag:s8], $0x0  }
0x24: {  	s3 =	sadd.s32 $0x88, s3;
	s6 =	simm.s32 @!p1 $0x1082;
	[sflag:s4] =	ssyncset.s32 $0xFFFFF086  }
0x25: {  	[simem:s6], [sflag:s4] =	dma.local [hbm:s3], $0xF7A  }
0x26: {  	[smem:$0x3F94] =	sst s1;
	(tag) =	ssettag s2;
	_ =	strace s9  }
0x27: {  	s1 =	sld [smem:$0x3FA4]  }
0x28: {  	s2 =	sld [smem:$0x3FA5]  }
0x29: {  	s4 =	sld [smem:$0x3FA7]  }
0x2a: {  	p0 =	seq.s32 s5, $0x0;
	s5 =	sld [smem:$0x3FA8]  }
0x2b: {  	s6 =	sld [smem:$0x3FA9]  }
0x2c: {  	s7 =	sld [smem:$0x3FAA]  }
0x2d: {  	s3 =	simm.s32 $0x108;
	s8 =	sld [smem:$0x3FAB]  }
0x2e: {  	s3 =	simm.s32 @!p0 $0x1082;
	s9 =	sld [smem:$0x3FAC]  }
0x2f: {  	lr =	sadd.s32 s0, s3;
	s0 =	sld [smem:$0x3FA3]  }
0x30: {  	s3 =	sld [smem:$0x3FA6]  }
0x31: {  	[smem:$0x3FAF] =	sst s10  }
0x32: {  	s10 =	sld [smem:$0x3FAD];
	_ =	sdelay $0x3  }
0x33: {  	p0 =	seq.s32 s10, $0x1;
	s10 =	sld [smem:$0x3FAF];
	_ =	sdelay $0x3  }
0x34: {  	[smem:$0x3FAF] =	sst s10  }
0x35: {  	s10 =	sld [smem:$0x3FAE];
	_ =	sdelay $0x3  }
0x36: {  	p1 =	seq.s32 s10, $0x1;
	s10 =	sld [smem:$0x3FAF];
	_ =	sdelay $0x3  }
0x37: {  	[smem:$0x3FAF] =	sst s10  }
0x38: {  	s10 =	sld [smem:$0x3FB0]  }
0x39: {  	_ = 	snop;
	(pc) =	sbr.ind lr, $3  }
0x3a: {  	_ = 	snop  }
0x3b: {  	_ = 	snop  }
0x3c: {  	p2 =	seq.s32 s10, $0x1;
	s10 =	sld [smem:$0x3FAF]  }
0x3d: {  	_ =	shalt  }
0x3e: {  	_ =	shalt  }
0x3f: {  	_ =	shalt  }
0x40: {  	_ =	shalt  }
0x41: {  	_ =	shalt  }
0x42: {  	_ =	shalt  }
0x43: {  	_ =	shalt  }
0x44: {  	_ =	shalt  }
0x45: {  	_ =	shalt  }
0x46: {  	_ =	shalt  }
0x47: {  	_ =	shalt  }
0x48: {  	_ =	shalt  }
0x49: {  	_ =	shalt  }
0x4a: {  	_ =	shalt  }
0x4b: {  	_ =	shalt  }
0x4c: {  	_ =	shalt  }
0x4d: {  	_ =	shalt  }
0x4e: {  	_ =	shalt  }
0x4f: {  	_ =	shalt  }
0x50: {  	_ =	shalt  }
0x51: {  	_ =	shalt  }
0x52: {  	_ =	shalt  }
0x53: {  	_ =	shalt  }
0x54: {  	_ =	shalt  }
0x55: {  	_ =	shalt  }
0x56: {  	_ =	shalt  }
0x57: {  	_ =	shalt  }
0x58: {  	_ =	shalt  }
0x59: {  	_ =	shalt  }
0x5a: {  	_ =	shalt  }
0x5b: {  	_ =	shalt  }
0x5c: {  	_ =	shalt  }
0x5d: {  	_ =	shalt  }
0x5e: {  	_ =	shalt  }
0x5f: {  	_ =	shalt  }
0x60: {  	_ =	shalt  }
0x61: {  	_ =	shalt  }
0x62: {  	_ =	shalt  }
0x63: {  	_ =	shalt  }
0x64: {  	_ =	shalt  }
0x65: {  	_ =	shalt  }
0x66: {  	_ =	shalt  }
0x67: {  	_ =	shalt  }
0x68: {  	_ =	shalt  }
0x69: {  	_ =	shalt  }
0x6a: {  	_ =	shalt  }
0x6b: {  	_ =	shalt  }
0x6c: {  	_ =	shalt  }
0x6d: {  	_ =	shalt  }
0x6e: {  	_ =	shalt  }
0x6f: {  	_ =	shalt  }
0x70: {  	_ =	shalt  }
0x71: {  	_ =	shalt  }
0x72: {  	_ =	shalt  }
0x73: {  	_ =	shalt  }
0x74: {  	_ =	shalt  }
0x75: {  	_ =	shalt  }
0x76: {  	_ =	shalt  }
0x77: {  	_ =	shalt  }
0x78: {  	_ =	shalt  }
0x79: {  	_ =	shalt  }
0x7a: {  	_ =	shalt  }
0x7b: {  	_ =	shalt  }
0x7c: {  	_ =	shalt  }
0x7d: {  	_ =	shalt  }
0x7e: {  	_ =	shalt  }
0x7f: {  	_ =	shalt  }
0x80: {  	_ =	shalt  }
0x81: {  	_ =	shalt  }
0x82: {  	_ =	shalt  }
0x83: {  	_ =	shalt  }
0x84: {  	_ =	shalt  }
0x85: {  	_ =	shalt  }
0x86: {  	_ =	shalt  }
0x87: {  	_ =	shalt  }
.Lfunc_end0:
.L_simem_size_0:
called_computation_lowered:
.L_overlay_start_0:
0x88: {  	s2 =	sld [smem:$0x3FD9]  }
0x89: {  	s3 =	sld [smem:$0x3FFE];
	_ =	sdelay $0x1  }
0x8a: {  	s1 =	srdreg.scid  }
0x8b: {  	s0 =	sand.u32 $0x1, s1  }
0x8c: {  	s14 =	sshll.u32 s0, $0xA;
	s2 =	sadd.s32 s3, s2  }
0x8d: {  	s2 =	sadd.s32 s2, s14  }
0x8e: {  	[smem:$0x3FBB] =	sst s2  }
0x8f: {  	_ = 	snop  }
0x90: {  	s2 =	sld [smem:$0x3FD0];
	_ =	sdelay $0x2  }
0x91: {  	s4 =	simm.s32 $0xB;
	s5 =	simm.s32 $0x10;
	s15 =	sld [smem:$0x3FC9]  }
0x92: {  	[smem:s5], [sflag:s4] =	dma.local [hbm:s2], $0x1  }
0x93: {  	_ =	swait.eq [sflag:s4], $0x1  }
0x94: {  	[sflag:s4] =	ssyncset.done $0x0  }
0x95: {  	s16 =	sld [smem:$0x10];
	[sflag:s4] =	ssyncadd.s32 $0xFFFFFFFF  }
0x96: {  	s17 =	sld [smem:$0x11];
	(tm) =	ssettm $0x1  }
0x97: {  	s18 =	sld [smem:$0x3FFB];
	_ =	sdelay $0x3  }
0x98: {  	_ =	strace s18  }
0x99: {  	s5 =	sld [smem:$0x3FFC];
	_ =	sdelay $0x3  }
0x9a: {  	_ =	strace s5  }
0x9b: {  	s5 =	sld [smem:$0x3FFD];
	_ =	sdelay $0x3  }
0x9c: {  	_ =	strace s5  }
0x9d: {  	_ =	strace $0x8FFFFFFF  }
0x9e: {  	s19 =	sld [smem:$0x3FDB];
	_ =	sdelay $0x1  }
0x9f: {  	s6 =	simm.s32 $_scs_section_size  }
0xa0: {  	s7 =	simm.s32 $_size__tile_overlayer_lowered;
	s8 =	simm.s32 $_tile_overlayer_lowered  }
0xa1: {  	s22 =	simm.s32 $0x1BFF;
	s21 =	sshll.u32 s8, $0x1;
	s5 =	sadd.s32 s6, s19  }
0xa2: {  	s9 =	simm.s32 $0x0;
	s20 =	sshll.u32 s7, $0x1;
	s7 =	sadd.s32 s21, s5  }
0xa3: {  	[timem:s9], [sflag:s22] =	dma.local [hbm:s7], s20  }
0xa4: {  	_ =	swait.ge [sflag:s22], s20  }
0xa5: {  	s6 =	ssub.s32 $0x0, s20;
	[sflag:s22] =	ssyncset.done $0x0  }
0xa6: {  	[sflag:s22] =	ssyncadd.s32 s6;
	_ =	sdelay $0x1  }
0xa7: {  	s23 =	simm.s32 $0x1B8B  }
0xa8: {  	_ =	swait.ge [sflag:s23], $0x1  }
0xa9: {  	[sflag:s23] =	ssyncset.done $0x0  }
0xaa: {  	s25 =	simm.s32 $0x1B8E;
	s24 =	sld [smem:$0x3FFE];
	[sflag:s23] =	ssyncadd.s32 $0xFFFFFFFF  }
0xab: {  	s26 =	simm.s32 $execute0_lowered;
	[smem:$0x3FD2] =	sst s25  }
0xac: {  	s7 =	sshll.u32 s26, $0x1;
	_ =	strace $0x80000046;
	[dreg:$0x1] =	wrdreg $0xFFFFFFFF  }
0xad: {  	s28 =	simm.s32 $_size_execute0_lowered;
	s5 =	sadd.s32 s5, s7;
	[dreg:$0x0] =	wrdreg $0x0  }
0xae: {  	s7 =	sshll.u32 s28, $0x1;
	[dreg:$0x2] =	wrdreg s5  }
0xaf: {  	[dreg:$0x3] =	wrdreg s7  }
0xb0: {  	[dreg:$0x4] =	wrdreg $0xC0  }
0xb1: {  	_ =	task [dreg:s9], $0x5FFFF  }
0xb2: {  	[dreg:$0x1] =	wrdreg $0xFFFFFFFF  }
0xb3: {  	[dreg:$0x0] =	wrdreg $0x60  }
0xb4: {  	[dreg:$0x2] =	wrdreg s15  }
0xb5: {  	[dreg:$0x3] =	wrdreg s17  }
0xb6: {  	[dreg:$0x4] =	wrdreg s16  }
0xb7: {  	[dreg:$0x5] =	wrdreg s24  }
0xb8: {  	[dreg:$0x6] =	wrdreg $0xA  }
0xb9: {  	_ =	task.clear_ibuf [dreg:s9], $0x7FFFF;
	_ =	strace $0x90000046  }
0xba: {  	s29 =	simm.s32 $0xA;
	_ =	strace $0x80000048  }
0xbb: {  	_ =	swait.ge [sflag:s29], $0x1  }
0xbc: {  	[sflag:s29] =	ssyncadd.s32 $0xFFFFFFFF  }
0xbd: {  	_ =	strace $0x90000048  }
0xbe: {  	_ =	sfence  }
0xbf: {  	s30 =	sld [smem:$0x0];
	_ =	sdelay $0x2  }
0xc0: {  	s31 =	sshll.u32 s1, $0xD;
	s1 =	sshrl.u32 s1, $0x2  }
0xc1: {  	s3 =	sand.u32 $0x4000, s31;
	s1 =	sadd.s32 s1, s30  }
0xc2: {  	s0 =	sor.u32 s3, s0;
	s1 =	sshll.u32 s1, $0x11  }
0xc3: {  	s0 =	sor.u32 s1, s0  }
0xc4: {  	s0 =	sadd.s32 $0x8F2B, s0  }
0xc5: {  	[sflag:s0] =	ssyncadd.remote.s32 $0x1  }
0xc6: {  	_ =	sfence.sel $0xFFFF  }
0xc7: {  	[dreg:$0x0] =	wrdreg $0xFFFFFFFF;
	(pc) =	sbr.abs _section_cstart, $3  }
0xc8: {  	[dreg:$0x1] =	wrdreg $0xFFFFFFFF  }
0xc9: {  	_ =	task.clear_ibuf [dreg:s9], $0x2FFFF;
	_ =	strace $0x9FFFFFFF  }
0xca: {  	(tm) =	ssettm $0x7FFFFFFF  }
0xcb: {  	_ =	shalt  }
tec
execute0_lowered:
.L_overlay_start_1:
0x0: {  	(tag) =	ssettag $0x1  }
0x1: {  	s1 =	rddreg [dreg:$0x0]  }
0x2: {  	s0 =	rddreg [dreg:$0x1]  }
0x3: {  	s2 =	rddreg [dreg:$0x2]  }
0x4: {  	s4 =	rddreg [dreg:$0x3];
	s3 =	simm.s32 $0x0;
	s5 =	srdreg.scid  }
0x5: {  	s10 =	stileid.u32;
	s28 =	simm.s32 $0x9000;
	s29 =	simm.s32 $0x1  }
0x6: {  	s30 =	simm.s32 $0x2;
	s31 =	simm.s32 $0x3;
	[smem:$0x7FF] =	sst s3  }
0x7: {  	s5 =	sand.u32 $0x1, s5;
	s6 =	smul.u32 $0x138800, s10;
	s7 =	sadd.s32 $0x23200, s4  }
0x8: {  	s4 =	sadd.s32 $0x294200, s4;
	s10 =	sshll.u32 s10, $0xC;
	s8 =	smul.u32 $0x9C400, s5  }
0x9: {  	_ =	strace $0x80000047;
	s9 =	ssub.s32 $0x2, s5;
	s5 =	sshll.u32 s5, $0xB  }
0xa: {  	s11 =	sshrl.u32 s9, $0x1;
	s5 =	sor.u32 s5, s10;
	s6 =	sadd.s32 s8, s6  }
0xb: {  	s13 =	ssub.s32 s9, s11;
	s0 =	sadd.s32 s0, s5;
	s2 =	sadd.s32 s2, s5  }
0xc: {  	s9 =	simm.s32 $0x0;
	[dreg:$0x5] =	wrdreg s0;
	s14 =	sadd.s32 $0x5000, s6  }
0xd: {  	[dreg:$0x6] =	wrdreg s2;
	s15 =	sadd.s32 $0x3C00, s6;
	s16 =	smax.u32 s13, $0x1  }
0xe: {  	s19 =	sadd.s32 $0x2800, s6;
	s20 =	sadd.s32 $0x1400, s6;
	s6 =	sshrl.u32 s6, $0x3  }
0xf: {  	s0 =	sshrl.u32 s14, $0x3;
	[dreg:$0x7] =	wrdreg s16;
	s26 =	sadd.s32 s6, s4  }
0x10: {  	s2 =	sshrl.u32 s15, $0x3;
	s17 =	sadd.s32 s0, s7;
	[dreg:$0x11] =	wrdreg s26  }
0x11: {  	s5 =	sshrl.u32 s19, $0x3;
	s18 =	sadd.s32 s2, s7;
	[dreg:$0x8] =	wrdreg s17  }
0x12: {  	s8 =	sshrl.u32 s20, $0x3;
	s21 =	sadd.s32 s5, s7;
	[dreg:$0x9] =	wrdreg s18  }
0x13: {  	s19 =	simm.s32 $0x4000;
	s22 =	sadd.s32 s8, s7;
	[dreg:$0xa] =	wrdreg s21  }
0x14: {  	s7 =	sadd.s32 s6, s7;
	s0 =	sadd.s32 s0, s4;
	[dreg:$0xb] =	wrdreg s22  }
0x15: {  	s23 =	sadd.s32 s2, s4;
	s24 =	sadd.s32 s5, s4;
	[dreg:$0xc] =	wrdreg s7  }
0x16: {  	s25 =	sadd.s32 s8, s4;
	s26 =	simm.s32 $0x200;
	[dreg:$0xd] =	wrdreg s0  }
0x17: {  	s2 =	simm.s32 $0x5;
	s4 =	simm.s32 $0x6;
	[dreg:$0xe] =	wrdreg s23  }
.Ltmp0:
0x18: {  	s5 =	simm.s32 $0x7;
	[dreg:$0xf] =	wrdreg s24;
	(pc) =	sbr.rel .LBB2_1-.Ltmp0, $4  }
0x19: {  	s6 =	simm.s32 $0x8;
	s8 =	simm.s32 $0xA;
	[dreg:$0x10] =	wrdreg s25  }
0x1a: {  	s17 =	simm.s32 $0xB;
	s18 =	simm.s32 $0x28;
	s21 =	simm.s32 $0x5400  }
0x1b: {  	s22 =	simm.s32 $0x100;
	s23 =	simm.s32 $0x6800;
	s24 =	simm.s32 $0x180  }
0x1c: {  	s25 =	simm.s32 $0x7C00;
	s0 =	simm.s32 $0x4;
	s7 =	simm.s32 $0x9  }
.LBB2_7:
0x1d: {  	_ =	swait.ge [sflag:s5], $0x1400  }
0x1e: {  	[sflag:s5] =	ssyncset.done $0x0  }
0x1f: {  	[sflag:s5] =	ssyncadd.s32 $0xFFFFEC00  }
0x20: {  	_ =	swait.ge [sflag:s6], $0x1400  }
0x21: {  	[sflag:s6] =	ssyncset.done $0x0  }
0x22: {  	[sflag:s6] =	ssyncadd.s32 $0xFFFFEC00  }
0x23: {  	_ =	swait.ge [sflag:s7], $0x1400  }
0x24: {  	[sflag:s7] =	ssyncset.done $0x0  }
0x25: {  	[sflag:s7] =	ssyncadd.s32 $0xFFFFEC00  }
0x26: {  	_ =	swait.ge [sflag:s8], $0x1400  }
0x27: {  	s9 =	sadd.s32 $0x1, s9;
	s10 =	rddreg [dreg:$0x7]  }
0x28: {  	p0 =	sne.s32 s9, s10  }
.Ltmp1:
0x29: {  	_ = 	snop;
	(pc) =	sbr.rel @!p0 .LBB2_8-.Ltmp1, $3  }
0x2a: {  	_ =	sdelay $0x1  }
0x2b: {  	[sflag:s8] =	ssyncset.done $0x0  }
0x2c: {  	[sflag:s8] =	ssyncadd.s32 $0xFFFFEC00  }
.LBB2_1:
0x2d: {  	s10 =	rddreg [dreg:$0x5]  }
0x2e: {  	[tilespmem:s3], [sflag:$0xB] =	stream.linear.gather [hbm4b:s10+s3], $0x3E80, $0x38;
	[tilespmem:$0xA400] =	vst v63  }
0x2f: {  	_ =	swait.ge [sflag:s17], $0x3E80  }
0x30: {  	[sflag:s17] =	ssyncset.done $0x0  }
0x31: {  	s10 =	rddreg [dreg:$0xc];
	[sflag:s17] =	ssyncadd.s32 $0xFFFFC180  }
0x32: {  	[tilespmem:s19], [sflag:$0x1] =	stream.indirect.gather [hbm4b:s1+s18], $0x80, s3, s18, $0xb8;
	[tilespmem:$0xA400] =	vst v63  }
0x33: {  	s20 =	simm.s32 $0x80;
	s11 =	rddreg [dreg:$0xb]  }
0x34: {  	[tilespmem:s21], [sflag:$0x2] =	stream.indirect.gather [hbm4b:s1+s18], $0x80, s20, s18, $0xb8;
	[tilespmem:$0xA400] =	vst v63  }
0x35: {  	s12 =	rddreg [dreg:$0xa]  }
0x36: {  	[tilespmem:s23], [sflag:$0x3] =	stream.indirect.gather [hbm4b:s1+s18], $0x80, s22, s18, $0xb8;
	[tilespmem:$0xA400] =	vst v63  }
0x37: {  	s13 =	rddreg [dreg:$0x9]  }
0x38: {  	[tilespmem:s25], [sflag:$0x4] =	stream.indirect.gather [hbm4b:s1+s18], $0x80, s24, s18, $0xb8;
	[tilespmem:$0xA400] =	vst v63  }
0x39: {  	s14 =	rddreg [dreg:$0x8];
	s20 =	simm.s32 $0x0  }
0x3a: {  	[tilespmem:s28], [sflag:$0x5] =	stream.indirect.gather [hbm4b:s1+s18], $0x80, s26, s18, $0xb8;
	[tilespmem:$0xA400] =	vst v63  }
.LBB2_2:
0x3b: {  	_ =	swait.ge [sflag:s29], $0x1400  }
0x3c: {  	[sflag:s29] =	ssyncset.done $0x0  }
0x3d: {  	[sflag:s29] =	ssyncadd.s32 $0xFFFFEC00  }
0x3e: {  	[hbm4b:s10+s3] =	stream.linear.scatter [tilespmem:s19], [sflag:$0x6], $0x1400, $0x38;
	[tilespmem:$0xA400] =	vst v63  }
0x3f: {  	_ =	swait.ge [sflag:s30], $0x1400  }
0x40: {  	[sflag:s30] =	ssyncset.done $0x0  }
0x41: {  	[sflag:s30] =	ssyncadd.s32 $0xFFFFEC00  }
0x42: {  	[hbm4b:s11+s3] =	stream.linear.scatter [tilespmem:s21], [sflag:$0x7], $0x1400, $0x38;
	[tilespmem:$0xA400] =	vst v63  }
0x43: {  	_ =	swait.ge [sflag:s31], $0x1400  }
0x44: {  	[sflag:s31] =	ssyncset.done $0x0  }
0x45: {  	[sflag:s31] =	ssyncadd.s32 $0xFFFFEC00  }
0x46: {  	[hbm4b:s12+s3] =	stream.linear.scatter [tilespmem:s23], [sflag:$0x8], $0x1400, $0x38;
	[tilespmem:$0xA400] =	vst v63  }
0x47: {  	_ =	swait.ge [sflag:s0], $0x1400  }
0x48: {  	[sflag:s0] =	ssyncset.done $0x0  }
0x49: {  	[sflag:s0] =	ssyncadd.s32 $0xFFFFEC00  }
0x4a: {  	[hbm4b:s13+s3] =	stream.linear.scatter [tilespmem:s25], [sflag:$0x9], $0x1400, $0x38;
	[tilespmem:$0xA400] =	vst v63  }
0x4b: {  	_ =	swait.ge [sflag:s2], $0x1400  }
0x4c: {  	p0 =	seq.s32 s20, $0xF000;
	[sflag:s2] =	ssyncset.done $0x0  }
.Ltmp2:
0x4d: {  	[sflag:s2] =	ssyncadd.s32 $0xFFFFEC00;
	(pc) =	sbr.rel @p0 .LBB2_4-.Ltmp2, $4  }
0x4e: {  	[hbm4b:s14+s3] =	stream.linear.scatter [tilespmem:s28], [sflag:$0xA], $0x1400, $0x38;
	[tilespmem:$0xA400] =	vst v63  }
0x4f: {  	_ =	swait.ge [sflag:s4], $0x1400  }
0x50: {  	[sflag:s4] =	ssyncset.done $0x0  }
0x51: {  	[sflag:s4] =	ssyncadd.s32 $0xFFFFEC00  }
0x52: {  	s15 =	sshra.s32 s20, $0x2  }
0x53: {  	s16 =	sadd.s32 $0x280, s15  }
0x54: {  	[tilespmem:s19], [sflag:$0x1] =	stream.indirect.gather [hbm4b:s1+s18], $0x80, s16, s18, $0xb8;
	[tilespmem:$0xA400] =	vst v63  }
0x55: {  	_ =	swait.ge [sflag:s5], $0x1400  }
0x56: {  	[sflag:s5] =	ssyncset.done $0x0  }
0x57: {  	s16 =	sadd.s32 $0x300, s15;
	[sflag:s5] =	ssyncadd.s32 $0xFFFFEC00  }
0x58: {  	[tilespmem:s21], [sflag:$0x2] =	stream.indirect.gather [hbm4b:s1+s18], $0x80, s16, s18, $0xb8;
	[tilespmem:$0xA400] =	vst v63  }
0x59: {  	_ =	swait.ge [sflag:s6], $0x1400  }
0x5a: {  	[sflag:s6] =	ssyncset.done $0x0  }
0x5b: {  	s16 =	sadd.s32 $0x380, s15;
	[sflag:s6] =	ssyncadd.s32 $0xFFFFEC00  }
0x5c: {  	[tilespmem:s23], [sflag:$0x3] =	stream.indirect.gather [hbm4b:s1+s18], $0x80, s16, s18, $0xb8;
	[tilespmem:$0xA400] =	vst v63  }
0x5d: {  	_ =	swait.ge [sflag:s7], $0x1400  }
0x5e: {  	[sflag:s7] =	ssyncset.done $0x0  }
0x5f: {  	s16 =	sadd.s32 $0x400, s15;
	[sflag:s7] =	ssyncadd.s32 $0xFFFFEC00  }
0x60: {  	[tilespmem:s25], [sflag:$0x4] =	stream.indirect.gather [hbm4b:s1+s18], $0x80, s16, s18, $0xb8;
	[tilespmem:$0xA400] =	vst v63  }
.Ltmp3:
0x61: {  	s20 =	sadd.s32 $0xA00, s20;
	(pc) =	sbr.rel .LBB2_2-.Ltmp3, $4  }
0x62: {  	s14 =	sadd.s32 $0xC80, s14;
	s13 =	sadd.s32 $0xC80, s13;
	_ =	swait.ge [sflag:s8], $0x1400  }
0x63: {  	s12 =	sadd.s32 $0xC80, s12;
	s11 =	sadd.s32 $0xC80, s11;
	[sflag:s8] =	ssyncset.done $0x0  }
0x64: {  	s10 =	sadd.s32 $0xC80, s10;
	s15 =	sadd.s32 $0x480, s15;
	[sflag:s8] =	ssyncadd.s32 $0xFFFFEC00  }
0x65: {  	[tilespmem:s28], [sflag:$0x5] =	stream.indirect.gather [hbm4b:s1+s18], $0x80, s15, s18, $0xb8;
	[tilespmem:$0xA400] =	vst v63  }
.LBB2_4:
0x66: {  	_ =	swait.ge [sflag:s5], $0x1400  }
0x67: {  	[sflag:s5] =	ssyncset.done $0x0  }
0x68: {  	[sflag:s5] =	ssyncadd.s32 $0xFFFFEC00  }
0x69: {  	_ =	swait.ge [sflag:s6], $0x1400  }
0x6a: {  	[sflag:s6] =	ssyncset.done $0x0  }
0x6b: {  	[sflag:s6] =	ssyncadd.s32 $0xFFFFEC00  }
0x6c: {  	_ =	swait.ge [sflag:s7], $0x1400  }
0x6d: {  	[sflag:s7] =	ssyncset.done $0x0  }
0x6e: {  	[sflag:s7] =	ssyncadd.s32 $0xFFFFEC00  }
0x6f: {  	_ =	swait.ge [sflag:s8], $0x1400  }
0x70: {  	[sflag:s8] =	ssyncset.done $0x0  }
0x71: {  	s10 =	simm.s32 $0x0;
	s11 =	rddreg [dreg:$0x6];
	[sflag:s8] =	ssyncadd.s32 $0xFFFFEC00  }
0x72: {  	[tilespmem:s10], [sflag:$0xB] =	stream.linear.gather [hbm4b:s11+s10], $0x3E80, $0x38;
	[tilespmem:$0xA400] =	vst v63  }
0x73: {  	_ =	swait.ge [sflag:s17], $0x3E80  }
0x74: {  	[sflag:s17] =	ssyncset.done $0x0  }
0x75: {  	s11 =	rddreg [dreg:$0x11];
	[sflag:s17] =	ssyncadd.s32 $0xFFFFC180  }
0x76: {  	[tilespmem:s19], [sflag:$0x1] =	stream.indirect.gather [hbm4b:s1+s18], $0x80, s10, s18, $0xb8;
	[tilespmem:$0xA400] =	vst v63  }
0x77: {  	s20 =	simm.s32 $0x80;
	s12 =	rddreg [dreg:$0x10]  }
0x78: {  	[tilespmem:s21], [sflag:$0x2] =	stream.indirect.gather [hbm4b:s1+s18], $0x80, s20, s18, $0xb8;
	[tilespmem:$0xA400] =	vst v63  }
0x79: {  	s13 =	rddreg [dreg:$0xf]  }
0x7a: {  	[tilespmem:s23], [sflag:$0x3] =	stream.indirect.gather [hbm4b:s1+s18], $0x80, s22, s18, $0xb8;
	[tilespmem:$0xA400] =	vst v63  }
0x7b: {  	s14 =	rddreg [dreg:$0xe]  }
0x7c: {  	[tilespmem:s25], [sflag:$0x4] =	stream.indirect.gather [hbm4b:s1+s18], $0x80, s24, s18, $0xb8;
	[tilespmem:$0xA400] =	vst v63  }
0x7d: {  	s20 =	rddreg [dreg:$0xd]  }
0x7e: {  	[tilespmem:s28], [sflag:$0x5] =	stream.indirect.gather [hbm4b:s1+s18], $0x80, s26, s18, $0xb8;
	[tilespmem:$0xA400] =	vst v63  }
.LBB2_5:
0x7f: {  	_ =	swait.ge [sflag:s29], $0x1400  }
0x80: {  	[sflag:s29] =	ssyncset.done $0x0  }
0x81: {  	[sflag:s29] =	ssyncadd.s32 $0xFFFFEC00  }
0x82: {  	[hbm4b:s11+s3] =	stream.linear.scatter [tilespmem:s19], [sflag:$0x6], $0x1400, $0x38;
	[tilespmem:$0xA400] =	vst v63  }
0x83: {  	_ =	swait.ge [sflag:s30], $0x1400  }
0x84: {  	[sflag:s30] =	ssyncset.done $0x0  }
0x85: {  	[sflag:s30] =	ssyncadd.s32 $0xFFFFEC00  }
0x86: {  	[hbm4b:s12+s3] =	stream.linear.scatter [tilespmem:s21], [sflag:$0x7], $0x1400, $0x38;
	[tilespmem:$0xA400] =	vst v63  }
0x87: {  	_ =	swait.ge [sflag:s31], $0x1400  }
0x88: {  	[sflag:s31] =	ssyncset.done $0x0  }
0x89: {  	[sflag:s31] =	ssyncadd.s32 $0xFFFFEC00  }
0x8a: {  	[hbm4b:s13+s3] =	stream.linear.scatter [tilespmem:s23], [sflag:$0x8], $0x1400, $0x38;
	[tilespmem:$0xA400] =	vst v63  }
0x8b: {  	_ =	swait.ge [sflag:s0], $0x1400  }
0x8c: {  	[sflag:s0] =	ssyncset.done $0x0  }
0x8d: {  	[sflag:s0] =	ssyncadd.s32 $0xFFFFEC00  }
0x8e: {  	[hbm4b:s14+s3] =	stream.linear.scatter [tilespmem:s25], [sflag:$0x9], $0x1400, $0x38;
	[tilespmem:$0xA400] =	vst v63  }
0x8f: {  	_ =	swait.ge [sflag:s2], $0x1400  }
0x90: {  	p0 =	seq.s32 s10, $0xF000;
	[sflag:s2] =	ssyncset.done $0x0  }
.Ltmp4:
0x91: {  	[sflag:s2] =	ssyncadd.s32 $0xFFFFEC00;
	(pc) =	sbr.rel @p0 .LBB2_7-.Ltmp4, $4  }
0x92: {  	[hbm4b:s20+s3] =	stream.linear.scatter [tilespmem:s28], [sflag:$0xA], $0x1400, $0x38;
	[tilespmem:$0xA400] =	vst v63  }
0x93: {  	_ =	swait.ge [sflag:s4], $0x1400  }
0x94: {  	[sflag:s4] =	ssyncset.done $0x0  }
0x95: {  	[sflag:s4] =	ssyncadd.s32 $0xFFFFEC00  }
0x96: {  	s15 =	sshra.s32 s10, $0x2  }
0x97: {  	s16 =	sadd.s32 $0x280, s15  }
0x98: {  	[tilespmem:s19], [sflag:$0x1] =	stream.indirect.gather [hbm4b:s1+s18], $0x80, s16, s18, $0xb8;
	[tilespmem:$0xA400] =	vst v63  }
0x99: {  	_ =	swait.ge [sflag:s5], $0x1400  }
0x9a: {  	[sflag:s5] =	ssyncset.done $0x0  }
0x9b: {  	s16 =	sadd.s32 $0x300, s15;
	[sflag:s5] =	ssyncadd.s32 $0xFFFFEC00  }
0x9c: {  	[tilespmem:s21], [sflag:$0x2] =	stream.indirect.gather [hbm4b:s1+s18], $0x80, s16, s18, $0xb8;
	[tilespmem:$0xA400] =	vst v63  }
0x9d: {  	_ =	swait.ge [sflag:s6], $0x1400  }
0x9e: {  	[sflag:s6] =	ssyncset.done $0x0  }
0x9f: {  	s16 =	sadd.s32 $0x380, s15;
	[sflag:s6] =	ssyncadd.s32 $0xFFFFEC00  }
0xa0: {  	[tilespmem:s23], [sflag:$0x3] =	stream.indirect.gather [hbm4b:s1+s18], $0x80, s16, s18, $0xb8;
	[tilespmem:$0xA400] =	vst v63  }
0xa1: {  	_ =	swait.ge [sflag:s7], $0x1400  }
0xa2: {  	[sflag:s7] =	ssyncset.done $0x0  }
0xa3: {  	s16 =	sadd.s32 $0x400, s15;
	[sflag:s7] =	ssyncadd.s32 $0xFFFFEC00  }
0xa4: {  	[tilespmem:s25], [sflag:$0x4] =	stream.indirect.gather [hbm4b:s1+s18], $0x80, s16, s18, $0xb8;
	[tilespmem:$0xA400] =	vst v63  }
.Ltmp5:
0xa5: {  	s10 =	sadd.s32 $0xA00, s10;
	(pc) =	sbr.rel .LBB2_5-.Ltmp5, $4  }
0xa6: {  	s20 =	sadd.s32 $0xC80, s20;
	s14 =	sadd.s32 $0xC80, s14;
	_ =	swait.ge [sflag:s8], $0x1400  }
0xa7: {  	s13 =	sadd.s32 $0xC80, s13;
	s12 =	sadd.s32 $0xC80, s12;
	[sflag:s8] =	ssyncset.done $0x0  }
0xa8: {  	s11 =	sadd.s32 $0xC80, s11;
	s15 =	sadd.s32 $0x480, s15;
	[sflag:s8] =	ssyncadd.s32 $0xFFFFEC00  }
0xa9: {  	[tilespmem:s28], [sflag:$0x5] =	stream.indirect.gather [hbm4b:s1+s18], $0x80, s15, s18, $0xb8;
	[tilespmem:$0xA400] =	vst v63  }
.LBB2_8:
0xaa: {  	_ =	sfence.sel $0x180000  }
0xab: {  	[bflag:$0x0] =	sbarrier.arrive $0xFFFF  }
0xac: {  	_ =	strace $0x90000047  }
0xad: {  	s0 =	stileid.u32;
	[bflag:$0x2] =	sbarrier.arrive $0xFFFF  }
0xae: {  	p0 =	sne.s32 s0, $0x0;
	s0 =	rddreg [dreg:$0x4]  }
0xaf: {  	s0 =	sadd.s32 @!p0 $0x100000, s0  }
0xb0: {  	[sflag:s0] =	ssyncadd.tile.s32 @!p0 $0x1;
	_ =	shalt  }
.Lfunc_end2:
_tile_overlayer_lowered:
.L_overlay_start_2:
0xb1: {  	(tag) =	ssettag $0x2  }
0xb2: {  	s0 =	rddreg [dreg:$0x0];
	s2 =	stileid.u32  }
0xb3: {  	s1 =	rddreg [dreg:$0x1];
	p0 =	sne.s32 s2, $0x0  }
0xb4: {  	s3 =	rddreg [dreg:$0x2];
	[bflag:$0x3] =	sbarrier.arrive $0xFFFF;
	s2 =	simm.s32 @!p0 $0x1C0B  }
0xb5: {  	[timem:s3], [sflag:s2] =	dma.local @!p0 [hbm:s0], s1  }
0xb6: {  	s0 =	simm.s32 @!p0 $0xB  }
0xb7: {  	_ =	swait.ge @!p0 [sflag:s0], s1  }
0xb8: {  	s1 =	ssub.s32 @!p0 $0x0, s1;
	[sflag:s0] =	ssyncset.done @!p0 $0x0  }
0xb9: {  	[sflag:s0] =	ssyncadd.s32 @!p0 s1  }
0xba: {  	[bflag:$0x3] =	sbarrier.arrive $0xFFFF  }
0xbb: {  	_ =	shalt  }

</sc_bundles>
